<compile_context>
chip_gen: v7x
topology: tpu7x:2x2x1
jax: 0.10.2.dev20260603
libtpu: 0.0.44.dev20260713+nightly
codegen_flags: <defaults>
</compile_context>

<pallas_src>
import jax
import jax.numpy as jnp
from jax import lax
from jax.experimental import pallas as pl
from jax.experimental.pallas import tpu as pltpu
from jax.experimental.pallas import tpu_sc as plsc

B, N, C, NPOINT, K = 16, 2048, 256, 512, 32
CNT_TOT = float(B * NPOINT * K)
EPS = 1e-5


def _lrelu(v):
    return jnp.where(v >= 0, v, 0.1 * v)


def _bn_coeffs(acc, g, bt):
    mean = acc[0:1] / CNT_TOT
    var = acc[1:2] / CNT_TOT - mean * mean
    scale = g * jax.lax.rsqrt(var + EPS)
    off = bt - mean * scale
    return scale, off



def _fps_body(x_ref, y_ref, z_ref, cent_ref, nx_ref, ny_ref, nz_ref):
    x = x_ref[...]
    y = y_ref[...]
    z = z_ref[...]
    iota = jax.lax.broadcasted_iota(jnp.int32, (B, N), 1)

    def step(i, carry):
        distance, farthest = carry
        cent_ref[pl.ds(i, 1), :] = farthest.reshape(1, B)
        mask = iota == farthest
        zero = jnp.zeros_like(x)
        cx = jnp.sum(jnp.where(mask, x, zero), axis=1, keepdims=True)
        cy = jnp.sum(jnp.where(mask, y, zero), axis=1, keepdims=True)
        cz = jnp.sum(jnp.where(mask, z, zero), axis=1, keepdims=True)
        nx_ref[pl.ds(i, 1), :] = cx.reshape(1, B)
        ny_ref[pl.ds(i, 1), :] = cy.reshape(1, B)
        nz_ref[pl.ds(i, 1), :] = cz.reshape(1, B)
        dx = x - cx
        dy = y - cy
        dz = z - cz
        dist = dx * dx + dy * dy + dz * dz
        distance = jnp.minimum(distance, dist)
        m = jnp.max(distance, axis=1, keepdims=True)
        far = jnp.min(jnp.where(distance == m, iota, N), axis=1, keepdims=True)
        return distance, far

    init = (jnp.full((B, N), 1e10, dtype=jnp.float32),
            jnp.zeros((B, 1), dtype=jnp.int32))
    jax.lax.fori_loop(0, NPOINT, step, init)


def _fps(xyz):
    xt = xyz.transpose(2, 0, 1)
    out_shapes = (
        jax.ShapeDtypeStruct((NPOINT, B), jnp.int32),
        jax.ShapeDtypeStruct((NPOINT, B), jnp.float32),
        jax.ShapeDtypeStruct((NPOINT, B), jnp.float32),
        jax.ShapeDtypeStruct((NPOINT, B), jnp.float32),
    )
    cent_t, nx, ny, nz = pl.pallas_call(_fps_body, out_shape=out_shapes)(
        xt[0], xt[1], xt[2])
    centroids = cent_t.T
    new_xyz = jnp.stack([nx.T, ny.T, nz.T], axis=-1)
    return centroids, new_xyz



_NW = 32
_HSLICE = (B * NPOINT * K) // _NW


def _hist_body(idx_hbm, out_hbm, idx_v, tab_v):
    wid = lax.axis_index("s") * 2 + lax.axis_index("c")
    base = wid * _HSLICE
    pltpu.sync_copy(idx_hbm.at[pl.ds(base, _HSLICE)], idx_v)
    zeros16 = jnp.zeros((16,), jnp.float32)
    ones16 = jnp.ones((16,), jnp.float32)

    def zbody(i, _):
        tab_v[pl.ds(i * 16, 16)] = zeros16
        return 0

    lax.fori_loop(0, N // 16, zbody, 0)

    def body(i, _):
        v = idx_v[pl.ds(i * 16, 16)]
        plsc.addupdate_scatter(tab_v, [v], ones16)
        return 0

    lax.fori_loop(0, _HSLICE // 16, body, 0)
    pltpu.sync_copy(tab_v, out_hbm.at[wid])


def _hist_sc(idx_flat):
    mesh = plsc.VectorSubcoreMesh(core_axis_name="c", subcore_axis_name="s",
                                  num_cores=2, num_subcores=16)
    fn = pl.kernel(
        _hist_body,
        out_type=jax.ShapeDtypeStruct((_NW, N), jnp.float32),
        mesh=mesh,
        scratch_types=[
            pltpu.VMEM((_HSLICE,), jnp.int32),
            pltpu.VMEM((N,), jnp.float32),
        ],
        compiler_params=pltpu.CompilerParams(needs_layout_passes=False),
    )
    part = fn(idx_flat)
    return part.reshape(B, 2, N)



_FINF = 3.4e38


def _topk_body(p_ref, q_ref, xx_ref, qq_ref, idx_ref, d_ref):
    mm = jax.lax.dot_general(p_ref[0], q_ref[0], (((1,), (0,)), ((), ())),
                             preferred_element_type=jnp.float32)
    d_ref[...] = (-2.0 * mm + qq_ref[0]) + xx_ref[0]
    iota_f = jax.lax.broadcasted_iota(jnp.int32, (N, NPOINT), 0).astype(
        jnp.float32)

    def step(j, _):
        d = d_ref[...]
        m = jnp.min(d, axis=0, keepdims=True)
        cand = jnp.where(d == m, iota_f, _FINF)
        sel = jnp.min(cand, axis=0, keepdims=True)
        idx_ref[0, pl.ds(j, 1), :] = sel.astype(jnp.int32)
        d_ref[...] = jnp.where(iota_f == sel, _FINF, d)
        return 0

    jax.lax.fori_loop(0, K, step, 0, unroll=4)


def _topk(xyz, new_xyz_t):
    xx = jnp.sum(xyz ** 2, -1)[:, :, None]
    qq = jnp.sum(new_xyz_t.transpose(0, 2, 1) ** 2, -1)[:, None, :]
    idx_t = pl.pallas_call(
        _topk_body,
        grid=(B,),
        in_specs=[pl.BlockSpec((1, N, 3), lambda b: (b, 0, 0)),
                  pl.BlockSpec((1, 3, NPOINT), lambda b: (b, 0, 0)),
                  pl.BlockSpec((1, N, 1), lambda b: (b, 0, 0)),
                  pl.BlockSpec((1, 1, NPOINT), lambda b: (b, 0, 0))],
        out_specs=pl.BlockSpec((1, K, NPOINT), lambda b: (b, 0, 0)),
        out_shape=jax.ShapeDtypeStruct((B, K, NPOINT), jnp.int32),
        scratch_shapes=[pltpu.VMEM((N, NPOINT), jnp.float32)],
    )(xyz, new_xyz_t, xx, qq)
    return idx_t.transpose(0, 2, 1)



_GPW = (B * NPOINT) // _NW
_GCH = 4
_NCH = _GPW // _GCH
_ROWS_CH = _GCH * K


def _gmax_body(x2_hbm, idx_hbm, out_hbm, idx_v, rows_a, rows_b, outc_v,
               sem_a, sem_b):
    wid = lax.axis_index("s") * 2 + lax.axis_index("c")
    ibase = wid * _GPW * K
    pltpu.sync_copy(idx_hbm.at[pl.ds(ibase, _GPW * K)], idx_v)
    badd = jnp.full((16,), (wid // 2) * N, dtype=jnp.int32)

    def addb(i, _):
        idx_v[pl.ds(i * 16, 16)] = idx_v[pl.ds(i * 16, 16)] + badd
        return 0

    lax.fori_loop(0, (_GPW * K) // 16, addb, 0)

    def fire(c, rows_v, sem):
        pltpu.async_copy(
            x2_hbm.at[idx_v.at[pl.ds(c * _ROWS_CH, _ROWS_CH)]], rows_v, sem)

    def wait(rows_v, sem):
        pltpu.make_async_copy(
            x2_hbm.at[idx_v.at[pl.ds(0, _ROWS_CH)]], rows_v, sem).wait()

    fire(0, rows_a, sem_a)
    fire(1, rows_b, sem_b)

    def process(c, rows_v):
        for g in range(_GCH):
            accs = [rows_v[g * K, pl.ds(h * 16, 16)] for h in range(16)]

            def rbody(r, accs):
                return tuple(
                    jnp.maximum(a, rows_v[g * K + r, pl.ds(h * 16, 16)])
                    for h, a in enumerate(accs))

            accs = lax.fori_loop(1, K, rbody, tuple(accs))
            for h in range(16):
                outc_v[g, pl.ds(h * 16, 16)] = accs[h]
        pltpu.sync_copy(outc_v,
                        out_hbm.at[pl.ds(wid * _GPW + c * _GCH, _GCH)])

    def pair(p, _):
        c0 = 2 * p
        wait(rows_a, sem_a)
        process(c0, rows_a)

        @pl.when(c0 + 2 < _NCH)
        def _():
            fire(c0 + 2, rows_a, sem_a)

        wait(rows_b, sem_b)
        process(c0 + 1, rows_b)

        @pl.when(c0 + 3 < _NCH)
        def _():
            fire(c0 + 3, rows_b, sem_b)

        return 0

    lax.fori_loop(0, _NCH // 2, pair, 0)


def _gmax_sc(x2_flat, idx_flat):
    mesh = plsc.VectorSubcoreMesh(core_axis_name="c", subcore_axis_name="s",
                                  num_cores=2, num_subcores=16)
    fn = pl.kernel(
        _gmax_body,
        out_type=jax.ShapeDtypeStruct((B * NPOINT, C), jnp.float32),
        mesh=mesh,
        scratch_types=[
            pltpu.VMEM((_GPW * K,), jnp.int32),
            pltpu.VMEM((_ROWS_CH, C), jnp.float32),
            pltpu.VMEM((_ROWS_CH, C), jnp.float32),
            pltpu.VMEM((_GCH, C), jnp.float32),
            pltpu.SemaphoreType.DMA,
            pltpu.SemaphoreType.DMA,
        ],
        compiler_params=pltpu.CompilerParams(needs_layout_passes=False),
    )
    return fn(x2_flat, idx_flat)



def _acc_update(acc_ref, cnt_ref, y):
    cnt = cnt_ref[0]
    c1 = cnt[0:1] + cnt[1:2]
    ws = jnp.dot(c1, y, preferred_element_type=jnp.float32)
    wsq = jnp.dot(c1, y * y, preferred_element_type=jnp.float32)

    @pl.when(pl.program_id(0) == 0)
    def _():
        acc_ref[...] = jnp.zeros_like(acc_ref)

    acc_ref[...] += jnp.concatenate([ws, wsq], axis=0)


def _s1_body(f_ref, cnt_ref, w_ref, b_ref, y_ref, acc_ref):
    y = jnp.dot(f_ref[0], w_ref[...], preferred_element_type=jnp.float32)
    y = y + b_ref[...]
    y_ref[0] = y
    _acc_update(acc_ref, cnt_ref, y)


def _smid_body(yp_ref, cnt_ref, st_ref, g_ref, bt_ref, w_ref, b_ref,
               y_ref, acc_ref):
    scale, off = _bn_coeffs(st_ref[...], g_ref[...], bt_ref[...])
    x = _lrelu(yp_ref[0] * scale + off)
    y = jnp.dot(x, w_ref[...], preferred_element_type=jnp.float32)
    y = y + b_ref[...]
    y_ref[0] = y
    _acc_update(acc_ref, cnt_ref, y)


def _s4_body(y3_ref, y1_ref, cnt_ref, st3_ref, st1_ref, g3_ref, bt3_ref,
             g1_ref, bt1_ref, w_ref, b_ref, x1_ref, y_ref, acc_ref):
    scale3, off3 = _bn_coeffs(st3_ref[...], g3_ref[...], bt3_ref[...])
    scale1, off1 = _bn_coeffs(st1_ref[...], g1_ref[...], bt1_ref[...])
    h2 = y3_ref[0] * scale3 + off3
    xt = _lrelu(y1_ref[0] * scale1 + off1)
    x1 = _lrelu(h2 + xt)
    x1_ref[0] = x1
    y = jnp.dot(x1, w_ref[...], preferred_element_type=jnp.float32)
    y = y + b_ref[...]
    y_ref[0] = y
    _acc_update(acc_ref, cnt_ref, y)


def _s6_body(y5_ref, x1_ref, st5_ref, g5_ref, bt5_ref, x2_ref):
    scale5, off5 = _bn_coeffs(st5_ref[...], g5_ref[...], bt5_ref[...])
    x2_ref[0] = _lrelu(y5_ref[0] * scale5 + off5 + x1_ref[0])


_ROWS = pl.BlockSpec((1, N, C), lambda b: (b, 0, 0))
_CNT = pl.BlockSpec((1, 2, N), lambda b: (b, 0, 0))
_MAT = pl.BlockSpec((C, C), lambda b: (0, 0))
_VEC = pl.BlockSpec((1, C), lambda b: (0, 0))
_ACC = pl.BlockSpec((2, C), lambda b: (0, 0))

_ROWS_SHAPE = jax.ShapeDtypeStruct((B, N, C), jnp.float32)
_ACC_SHAPE = jax.ShapeDtypeStruct((2, C), jnp.float32)


def _stage1(f, cnt2, wt, bvec):
    return pl.pallas_call(
        _s1_body,
        grid=(B,),
        in_specs=[_ROWS, _CNT, _MAT, _VEC],
        out_specs=(_ROWS, _ACC),
        out_shape=(_ROWS_SHAPE, _ACC_SHAPE),
    )(f, cnt2, wt, bvec)


def _stage_mid(yp, cnt2, st, g, bt, wt, bvec):
    return pl.pallas_call(
        _smid_body,
        grid=(B,),
        in_specs=[_ROWS, _CNT, _ACC, _VEC, _VEC, _MAT, _VEC],
        out_specs=(_ROWS, _ACC),
        out_shape=(_ROWS_SHAPE, _ACC_SHAPE),
    )(yp, cnt2, st, g, bt, wt, bvec)


def _stage4(y3, y1, cnt2, st3, st1, g3, bt3, g1, bt1, wt, bvec):
    return pl.pallas_call(
        _s4_body,
        grid=(B,),
        in_specs=[_ROWS, _ROWS, _CNT, _ACC, _ACC, _VEC, _VEC, _VEC, _VEC,
                  _MAT, _VEC],
        out_specs=(_ROWS, _ROWS, _ACC),
        out_shape=(_ROWS_SHAPE, _ROWS_SHAPE, _ACC_SHAPE),
    )(y3, y1, cnt2, st3, st1, g3, bt3, g1, bt1, wt, bvec)


def _stage6(y5, x1, st5, g5, bt5):
    return pl.pallas_call(
        _s6_body,
        grid=(B,),
        in_specs=[_ROWS, _ROWS, _ACC, _VEC, _VEC],
        out_specs=_ROWS,
        out_shape=_ROWS_SHAPE,
    )(y5, x1, st5, g5, bt5)



def kernel(xyz, features, params):
    centroids, new_xyz = _fps(xyz)

    new_xyz_t = new_xyz.transpose(0, 2, 1)
    idx = _topk(xyz, new_xyz_t)

    cnt2 = _hist_sc(idx.reshape(-1).astype(jnp.int32))

    p = params
    v = lambda nm: p[nm].reshape(1, C)
    wT = lambda nm: p[nm].T

    y1, a1 = _stage1(features, cnt2, wT('W_t'), v('b_t'))
    y2, a2 = _stage_mid(y1, cnt2, a1, v('g_t'), v('bt_t'),
                        wT('W_r1a'), v('b_r1a'))
    y3, a3 = _stage_mid(y2, cnt2, a2, v('g_r1a'), v('bt_r1a'),
                        wT('W_r1b'), v('b_r1b'))
    x1, y4, a4 = _stage4(y3, y1, cnt2, a3, a1, v('g_r1b'), v('bt_r1b'),
                         v('g_t'), v('bt_t'), wT('W_r2a'), v('b_r2a'))
    y5, a5 = _stage_mid(y4, cnt2, a4, v('g_r2a'), v('bt_r2a'),
                        wT('W_r2b'), v('b_r2b'))
    x2 = _stage6(y5, x1, a5, v('g_r2b'), v('bt_r2b'))

    gm = _gmax_sc(x2.reshape(B * N, C), idx.reshape(-1).astype(jnp.int32))
    sub_features = gm.reshape(B, NPOINT, C).transpose(0, 2, 1)

    return (new_xyz_t, sub_features)

# --- scband reference (transcript-rebuilt; emitter-appended) ---
"""Pipeline reference for scband-sgpool-35811437314383 (READ-ONLY COPY).

The authoritative reference and input builder live on the scoring server;
editing this copy changes nothing except your own understanding.
"""

import jax, jax.numpy as jnp
import numpy as np

B, N, C, NPOINT, K = 16, 2048, 256, 512, 32


def fps(xyz, npoint):
    Bv, Nv, _ = xyz.shape
    distance = jnp.full((Bv, Nv), 1e10, dtype=xyz.dtype)
    farthest = jnp.zeros((Bv,), dtype=jnp.int32)
    centroids = jnp.zeros((Bv, npoint), dtype=jnp.int32)
    bidx = jnp.arange(Bv)

    def body(i, state):
        centroids, distance, farthest = state
        centroids = centroids.at[:, i].set(farthest)
        centroid = xyz[bidx, farthest][:, None, :]
        dist = jnp.sum((xyz - centroid) ** 2, -1)
        distance = jnp.minimum(distance, dist)
        farthest = jnp.argmax(distance, -1).astype(jnp.int32)
        return (centroids, distance, farthest)

    centroids, _, _ = jax.lax.fori_loop(0, npoint, body, (centroids, distance, farthest))
    return centroids


def index_points(points, idx):
    return jax.vmap(lambda p, i: p[i])(points, idx)


def square_distance(src, dst):
    dist = -2.0 * jnp.matmul(src, dst.transpose(0, 2, 1))
    dist = dist + jnp.sum(src ** 2, -1)[:, :, None]
    dist = dist + jnp.sum(dst ** 2, -1)[:, None, :]
    return dist


def conv1d(x, W, b):
    return jnp.einsum('mck,oc->mok', x, W) + b[None, :, None]


def bn(x, g, bt):
    mean = jnp.mean(x, axis=(0, 2), keepdims=True)
    var = jnp.var(x, axis=(0, 2), keepdims=True)
    return g[None, :, None] * (x - mean) / jnp.sqrt(var + 1e-5) + bt[None, :, None]


def lrelu(x):
    return jnp.where(x >= 0, x, 0.1 * x)


def setup_inputs(seed: int = 0):
    key = jax.random.key(seed)
    ks = jax.random.split(key, 8)
    xyz = jax.random.uniform(ks[0], (B, N, 3), dtype=jnp.float32)
    features = jax.random.normal(ks[1], (B, N, C), dtype=jnp.float32)
    params = {}
    names = ['t', 'r1a', 'r1b', 'r2a', 'r2b']
    for i, nm in enumerate(names):
        params['W_' + nm] = jax.random.normal(jax.random.fold_in(ks[2], i), (C, C), dtype=jnp.float32) * 0.05
        params['b_' + nm] = jnp.zeros((C,), dtype=jnp.float32)
        params['g_' + nm] = jnp.ones((C,), dtype=jnp.float32)
        params['bt_' + nm] = jnp.zeros((C,), dtype=jnp.float32)
    return {"xyz": xyz, "features": features, "params": params}


def _forward(xyz, features, params):
    Bv = xyz.shape[0]
    cent = fps(xyz, NPOINT)
    new_xyz = index_points(xyz, cent)
    dists = square_distance(new_xyz, xyz)
    idx = jnp.argsort(dists, axis=-1)[:, :, :K]
    grouped = index_points(features, idx)
    x = grouped.transpose(0, 1, 3, 2).reshape(-1, C, K)

    def cbr(x, nm, act=True):
        y = bn(conv1d(x, params['W_' + nm], params['b_' + nm]), params['g_' + nm], params['bt_' + nm])
        return lrelu(y) if act else y

    x = cbr(x, 't')
    for nm1, nm2 in [('r1a', 'r1b'), ('r2a', 'r2b')]:
        h = cbr(x, nm1)
        h = cbr(h, nm2, act=False)
        x = lrelu(h + x)
    x = x.reshape(Bv, NPOINT, C, K).transpose(0, 2, 1, 3)
    sub_features = jnp.max(x, axis=-1)
    return (new_xyz.transpose(0, 2, 1), sub_features)


def reference(xyz, features, params):
    return _forward(xyz, features, params)

if __name__ == "__main__":
    import jax
    _d = setup_inputs()
    print(jax.jit(kernel)(*tuple(_d.values())))

</pallas_src>

<mosaic_0001>
#map = affine_map<(d0, d1) -> (0)>
#map1 = affine_map<(d0, d1) -> (0, 0)>
module attributes {stable_mosaic.version = 14 : i64} {
  func.func @_hist_body(%arg0: i32, %arg1: i32, %arg2: memref<262144xi32, #tpu.memory_space<hbm>>, %arg3: memref<32x2048xf32, #tpu.memory_space<hbm>>, %arg4: memref<8192xi32, #tpu.memory_space<vmem>>, %arg5: memref<2048xf32, #tpu.memory_space<vmem>>) attributes {dimension_semantics = [#tpu.dimension_semantics<core_parallel>, #tpu.dimension_semantics<subcore_parallel>], iteration_bounds = array<i64: 2, 16>, scalar_prefetch = 0 : i64, scratch_operands = 2 : i64, tpu.core_type = #tpu.core_type<sc_vector_subcore>, window_params = [{transform_indices = #map}, {transform_indices = #map1}]} {
    %mul3A = arith.constant 2 : i32
    %mul3A_0 = arith.muli %arg1, %mul3A : i32
    %add3A = arith.addi %mul3A_0, %arg0 : i32
    %mul3A_1 = arith.constant 8192 : i32
    %mul3A_2 = arith.muli %add3A, %mul3A_1 : i32
    "tpu.region"() ({
      %run_scoped3A = tpu.sem_alloc : memref<!tpu.dma_semaphore, #tpu.memory_space<semaphore_mem>>
      %dma_start3A = tpu.memref_slice %arg2[%mul3A_2] : memref<262144xi32, #tpu.memory_space<hbm>> -> memref<8192xi32, #tpu.memory_space<hbm>>
      %dma_start3A_19 = tpu.memref_slice %arg2[%mul3A_2] : memref<262144xi32, #tpu.memory_space<hbm>> -> memref<8192xi32, #tpu.memory_space<hbm>>
      tpu.enqueue_dma source(%dma_start3A_19 : memref<8192xi32, #tpu.memory_space<hbm>>) target(%arg4 : memref<8192xi32, #tpu.memory_space<vmem>>) target_semaphore(%run_scoped3A : memref<!tpu.dma_semaphore, #tpu.memory_space<semaphore_mem>>)
      %dma_wait3A = tpu.memref_slice %arg2[%mul3A_2] : memref<262144xi32, #tpu.memory_space<hbm>> -> memref<8192xi32, #tpu.memory_space<hbm>>
      %dma_wait3A_20 = tpu.memref_slice %arg2[%mul3A_2] : memref<262144xi32, #tpu.memory_space<hbm>> -> memref<8192xi32, #tpu.memory_space<hbm>>
      tpu.wait_dma2 semaphore(%run_scoped3A : memref<!tpu.dma_semaphore, #tpu.memory_space<semaphore_mem>>) src(%dma_wait3A_20 : memref<8192xi32, #tpu.memory_space<hbm>>) dst(%arg4 : memref<8192xi32, #tpu.memory_space<vmem>>)
      tpu.yield
    }) : () -> ()
    %broadcast_in_dim3A = arith.constant 0.000000e+00 : f32
    %broadcast_in_dim3A_3 = vector.broadcast %broadcast_in_dim3A : f32 to vector<16xf32>
    %broadcast_in_dim3A_4 = arith.constant 1.000000e+00 : f32
    %broadcast_in_dim3A_5 = vector.broadcast %broadcast_in_dim3A_4 : f32 to vector<16xf32>
    %scan3A = arith.constant 0 : i32
    %scan3A_6 = arith.constant 0 : i32
    %scan3A_7 = arith.constant 128 : i32
    %scan3A_8 = arith.addi %scan3A_6, %scan3A_7 : i32
    %scan3A_9 = arith.constant 1 : i32
    %scan3A_10 = scf.for %scan3A_19 = %scan3A_6 to %scan3A_8 step %scan3A_9 iter_args(%scan3A_20 = %scan3A) -> (i32)  : i32 {
      %mul3A_21 = arith.constant 16 : i32
      %mul3A_22 = arith.muli %scan3A_19, %mul3A_21 : i32
      %swap3A = arith.index_cast %mul3A_22 : i32 to index
      %swap3A_23 = tpu.vector_load %arg5[%swap3A] {strides = array<i32>} : memref<2048xf32, #tpu.memory_space<vmem>>, vector<16xf32>,
      tpu.vector_store %arg5[%swap3A], %broadcast_in_dim3A_3 {strides = array<i32>} : memref<2048xf32, #tpu.memory_space<vmem>>, vector<16xf32>,
      %scan3A_24 = arith.constant 0 : i32
      scf.yield %scan3A_24 : i32
    }
    %scan3A_11 = arith.constant 128 : i32
    %scan3A_12 = arith.constant 0 : i32
    %scan3A_13 = arith.constant 0 : i32
    %scan3A_14 = arith.constant 512 : i32
    %scan3A_15 = arith.addi %scan3A_13, %scan3A_14 : i32
    %scan3A_16 = arith.constant 1 : i32
    %scan3A_17 = scf.for %scan3A_19 = %scan3A_13 to %scan3A_15 step %scan3A_16 iter_args(%scan3A_20 = %scan3A_12) -> (i32)  : i32 {
      %mul3A_21 = arith.constant 16 : i32
      %mul3A_22 = arith.muli %scan3A_19, %mul3A_21 : i32
      %get3A = arith.index_cast %mul3A_22 : i32 to index
      %get3A_23 = tpu.vector_load %arg4[%get3A] {strides = array<i32>} : memref<8192xi32, #tpu.memory_space<vmem>>, vector<16xi32>,
      tpu.vector_store_idx %arg5[%get3A_23], %broadcast_in_dim3A_5 {add = true} : memref<2048xf32, #tpu.memory_space<vmem>>[vector<16xi32>], vector<16xf32>,
      %scan3A_24 = arith.constant 0 : i32
      scf.yield %scan3A_24 : i32
    }
    %scan3A_18 = arith.constant 512 : i32
    "tpu.region"() ({
      %run_scoped3A = tpu.sem_alloc : memref<!tpu.dma_semaphore, #tpu.memory_space<semaphore_mem>>
      %dma_start3A = arith.constant 0 : i32
      %dma_start3A_19 = tpu.memref_slice %arg3[%add3A, %dma_start3A] : memref<32x2048xf32, #tpu.memory_space<hbm>> -> memref<1x2048xf32, #tpu.memory_space<hbm>>
      %dma_start3A_20 = tpu.memref_squeeze %dma_start3A_19 : memref<1x2048xf32, #tpu.memory_space<hbm>> -> memref<2048xf32, #tpu.memory_space<hbm>>
      %dma_start3A_21 = arith.constant 0 : i32
      %dma_start3A_22 = tpu.memref_slice %arg3[%add3A, %dma_start3A_21] : memref<32x2048xf32, #tpu.memory_space<hbm>> -> memref<1x2048xf32, #tpu.memory_space<hbm>>
      %dma_start3A_23 = tpu.memref_squeeze %dma_start3A_22 : memref<1x2048xf32, #tpu.memory_space<hbm>> -> memref<2048xf32, #tpu.memory_space<hbm>>
      tpu.enqueue_dma source(%arg5 : memref<2048xf32, #tpu.memory_space<vmem>>) target(%dma_start3A_23 : memref<2048xf32, #tpu.memory_space<hbm>>) target_semaphore(%run_scoped3A : memref<!tpu.dma_semaphore, #tpu.memory_space<semaphore_mem>>)
      %dma_wait3A = arith.constant 0 : i32
      %dma_wait3A_24 = tpu.memref_slice %arg3[%add3A, %dma_wait3A] : memref<32x2048xf32, #tpu.memory_space<hbm>> -> memref<1x2048xf32, #tpu.memory_space<hbm>>
      %dma_wait3A_25 = tpu.memref_squeeze %dma_wait3A_24 : memref<1x2048xf32, #tpu.memory_space<hbm>> -> memref<2048xf32, #tpu.memory_space<hbm>>
      %dma_wait3A_26 = arith.constant 0 : i32
      %dma_wait3A_27 = tpu.memref_slice %arg3[%add3A, %dma_wait3A_26] : memref<32x2048xf32, #tpu.memory_space<hbm>> -> memref<1x2048xf32, #tpu.memory_space<hbm>>
      %dma_wait3A_28 = tpu.memref_squeeze %dma_wait3A_27 : memref<1x2048xf32, #tpu.memory_space<hbm>> -> memref<2048xf32, #tpu.memory_space<hbm>>
      tpu.wait_dma2 semaphore(%run_scoped3A : memref<!tpu.dma_semaphore, #tpu.memory_space<semaphore_mem>>) src(%arg5 : memref<2048xf32, #tpu.memory_space<vmem>>) dst(%dma_wait3A_28 : memref<2048xf32, #tpu.memory_space<hbm>>)
      tpu.yield
    }) : () -> ()
    return
  }
}

#map = affine_map<(d0, d1) -> (0, 0)>
#map1 = affine_map<(d0, d1) -> (0)>
module attributes {stable_mosaic.version = 14 : i64} {
  func.func @_gmax_body(%arg0: i32, %arg1: i32, %arg2: memref<32768x256xf32, #tpu.memory_space<hbm>>, %arg3: memref<262144xi32, #tpu.memory_space<hbm>>, %arg4: memref<8192x256xf32, #tpu.memory_space<hbm>>, %arg5: memref<8192xi32, #tpu.memory_space<vmem>>, %arg6: memref<128x256xf32, #tpu.memory_space<vmem>>, %arg7: memref<128x256xf32, #tpu.memory_space<vmem>>, %arg8: memref<4x256xf32, #tpu.memory_space<vmem>>, %arg9: memref<!tpu.dma_semaphore, #tpu.memory_space<semaphore_mem>>, %arg10: memref<!tpu.dma_semaphore, #tpu.memory_space<semaphore_mem>>) attributes {dimension_semantics = [#tpu.dimension_semantics<core_parallel>, #tpu.dimension_semantics<subcore_parallel>], iteration_bounds = array<i64: 2, 16>, scalar_prefetch = 0 : i64, scratch_operands = 6 : i64, tpu.core_type = #tpu.core_type<sc_vector_subcore>, window_params = [{transform_indices = #map}, {transform_indices = #map1}, {transform_indices = #map}]} {
    %mul3A = arith.constant 2 : i32
    %mul3A_0 = arith.muli %arg1, %mul3A : i32
    %add3A = arith.addi %mul3A_0, %arg0 : i32
    %mul3A_1 = arith.constant 256 : i32
    %mul3A_2 = arith.muli %add3A, %mul3A_1 : i32
    %mul3A_3 = arith.constant 32 : i32
    %mul3A_4 = arith.muli %mul3A_2, %mul3A_3 : i32
    "tpu.region"() ({
      %run_scoped3A = tpu.sem_alloc : memref<!tpu.dma_semaphore, #tpu.memory_space<semaphore_mem>>
      %dma_start3A_45 = tpu.memref_slice %arg3[%mul3A_4] : memref<262144xi32, #tpu.memory_space<hbm>> -> memref<8192xi32, #tpu.memory_space<hbm>>
      %dma_start3A_46 = tpu.memref_slice %arg3[%mul3A_4] : memref<262144xi32, #tpu.memory_space<hbm>> -> memref<8192xi32, #tpu.memory_space<hbm>>
      tpu.enqueue_dma source(%dma_start3A_46 : memref<8192xi32, #tpu.memory_space<hbm>>) target(%arg5 : memref<8192xi32, #tpu.memory_space<vmem>>) target_semaphore(%run_scoped3A : memref<!tpu.dma_semaphore, #tpu.memory_space<semaphore_mem>>)
      %dma_wait3A = tpu.memref_slice %arg3[%mul3A_4] : memref<262144xi32, #tpu.memory_space<hbm>> -> memref<8192xi32, #tpu.memory_space<hbm>>
      %dma_wait3A_47 = tpu.memref_slice %arg3[%mul3A_4] : memref<262144xi32, #tpu.memory_space<hbm>> -> memref<8192xi32, #tpu.memory_space<hbm>>
      tpu.wait_dma2 semaphore(%run_scoped3A : memref<!tpu.dma_semaphore, #tpu.memory_space<semaphore_mem>>) src(%dma_wait3A_47 : memref<8192xi32, #tpu.memory_space<hbm>>) dst(%arg5 : memref<8192xi32, #tpu.memory_space<vmem>>)
      tpu.yield
    }) : () -> ()
    %jit3A = arith.constant 2 : i32
    %div3A = arith.divsi %add3A, %jit3A : i32
    %sign3A = arith.constant 0 : i32
    %sign3A_5 = arith.cmpi sgt, %add3A, %sign3A : i32
    %sign3A_6 = arith.extui %sign3A_5 : i1 to i32
    %sign3A_7 = arith.constant 0 : i32
    %sign3A_8 = arith.cmpi slt, %add3A, %sign3A_7 : i32
    %sign3A_9 = arith.extui %sign3A_8 : i1 to i32
    %sign3A_10 = arith.subi %sign3A_6, %sign3A_9 : i32
    %sign3A_11 = arith.constant 0 : i32
    %sign3A_12 = arith.cmpi sgt, %jit3A, %sign3A_11 : i32
    %sign3A_13 = arith.extui %sign3A_12 : i1 to i32
    %sign3A_14 = arith.constant 0 : i32
    %sign3A_15 = arith.cmpi slt, %jit3A, %sign3A_14 : i32
    %sign3A_16 = arith.extui %sign3A_15 : i1 to i32
    %sign3A_17 = arith.subi %sign3A_13, %sign3A_16 : i32
    %ne3A = arith.cmpi ne, %sign3A_10, %sign3A_17 : i32
    %rem3A = arith.remsi %add3A, %jit3A : i32
    %ne3A_18 = arith.constant 0 : i32
    %ne3A_19 = arith.cmpi ne, %rem3A, %ne3A_18 : i32
    %and3A = arith.andi %ne3A, %ne3A_19 : i1
    %sub3A = arith.constant 1 : i32
    %sub3A_20 = arith.subi %div3A, %sub3A : i32
    %select_n3A = arith.select %and3A, %sub3A_20, %div3A : i32
    %mul3A_21 = arith.constant 2048 : i32
    %mul3A_22 = arith.muli %select_n3A, %mul3A_21 : i32
    %broadcast_in_dim3A = vector.broadcast %mul3A_22 : i32 to vector<16xi32>
    %scan3A = arith.constant 0 : i32
    %scan3A_23 = arith.constant 0 : i32
    %scan3A_24 = arith.constant 512 : i32
    %scan3A_25 = arith.addi %scan3A_23, %scan3A_24 : i32
    %scan3A_26 = arith.constant 1 : i32
    %scan3A_27 = scf.for %scan3A_45 = %scan3A_23 to %scan3A_25 step %scan3A_26 iter_args(%scan3A_46 = %scan3A) -> (i32)  : i32 {
      %mul3A_47 = arith.constant 16 : i32
      %mul3A_48 = arith.muli %scan3A_45, %mul3A_47 : i32
      %get3A = arith.index_cast %mul3A_48 : i32 to index
      %get3A_49 = tpu.vector_load %arg5[%get3A] {strides = array<i32>} : memref<8192xi32, #tpu.memory_space<vmem>>, vector<16xi32>,
      %add3A_50 = arith.addi %get3A_49, %broadcast_in_dim3A : vector<16xi32>
      %mul3A_51 = arith.constant 16 : i32
      %mul3A_52 = arith.muli %scan3A_45, %mul3A_51 : i32
      %swap3A = arith.index_cast %mul3A_52 : i32 to index
      %swap3A_53 = tpu.vector_load %arg5[%swap3A] {strides = array<i32>} : memref<8192xi32, #tpu.memory_space<vmem>>, vector<16xi32>,
      tpu.vector_store %arg5[%swap3A], %add3A_50 {strides = array<i32>} : memref<8192xi32, #tpu.memory_space<vmem>>, vector<16xi32>,
      %scan3A_54 = arith.constant 0 : i32
      scf.yield %scan3A_54 : i32
    }
    %scan3A_28 = arith.constant 512 : i32
    %dma_start3A = arith.constant 0 : i32
    %dma_start3A_29 = tpu.memref_slice %arg5[%dma_start3A] : memref<8192xi32, #tpu.memory_space<vmem>> -> memref<128xi32, #tpu.memory_space<vmem>>
    %dma_start3A_30 = arith.constant 0 : i32
    %dma_start3A_31 = arith.constant 0 : i32
    %dma_start3A_32 = tpu.memref_slice %arg2[%dma_start3A_30, %dma_start3A_31] : memref<32768x256xf32, #tpu.memory_space<hbm>> -> memref<32768x256xf32, #tpu.memory_space<hbm>>
    tpu.enqueue_indirect_dma source(%dma_start3A_32 : memref<32768x256xf32, #tpu.memory_space<hbm>>) target(%arg6 : memref<128x256xf32, #tpu.memory_space<vmem>>) offsets(%dma_start3A_29 : memref<128xi32, #tpu.memory_space<vmem>>) semaphore(%arg9 : memref<!tpu.dma_semaphore, #tpu.memory_space<semaphore_mem>>)
    %dma_start3A_33 = arith.constant 128 : i32
    %dma_start3A_34 = tpu.memref_slice %arg5[%dma_start3A_33] : memref<8192xi32, #tpu.memory_space<vmem>> -> memref<128xi32, #tpu.memory_space<vmem>>
    %dma_start3A_35 = arith.constant 0 : i32
    %dma_start3A_36 = arith.constant 0 : i32
    %dma_start3A_37 = tpu.memref_slice %arg2[%dma_start3A_35, %dma_start3A_36] : memref<32768x256xf32, #tpu.memory_space<hbm>> -> memref<32768x256xf32, #tpu.memory_space<hbm>>
    tpu.enqueue_indirect_dma source(%dma_start3A_37 : memref<32768x256xf32, #tpu.memory_space<hbm>>) target(%arg7 : memref<128x256xf32, #tpu.memory_space<vmem>>) offsets(%dma_start3A_34 : memref<128xi32, #tpu.memory_space<vmem>>) semaphore(%arg10 : memref<!tpu.dma_semaphore, #tpu.memory_space<semaphore_mem>>)
    %scan3A_38 = arith.constant 0 : i32
    %scan3A_39 = arith.constant 0 : i32
    %scan3A_40 = arith.constant 32 : i32
    %scan3A_41 = arith.addi %scan3A_39, %scan3A_40 : i32
    %scan3A_42 = arith.constant 1 : i32
    %scan3A_43 = scf.for %scan3A_45 = %scan3A_39 to %scan3A_41 step %scan3A_42 iter_args(%scan3A_46 = %scan3A_38) -> (i32)  : i32 {
      %mul3A_47 = arith.constant 2 : i32
      %mul3A_48 = arith.muli %mul3A_47, %scan3A_45 : i32
      %dma_wait3A = arith.constant 0 : i32
      %dma_wait3A_49 = tpu.memref_slice %arg5[%dma_wait3A] : memref<8192xi32, #tpu.memory_space<vmem>> -> memref<128xi32, #tpu.memory_space<vmem>>
      %dma_wait3A_50 = arith.constant 0 : i32
      %dma_wait3A_51 = arith.constant 0 : i32
      %dma_wait3A_52 = tpu.memref_slice %arg2[%dma_wait3A_50, %dma_wait3A_51] : memref<32768x256xf32, #tpu.memory_space<hbm>> -> memref<32768x256xf32, #tpu.memory_space<hbm>>
      tpu.wait_indirect_dma semaphore(%arg9 : memref<!tpu.dma_semaphore, #tpu.memory_space<semaphore_mem>>) src(%dma_wait3A_52 : memref<32768x256xf32, #tpu.memory_space<hbm>>) dst(%arg6 : memref<128x256xf32, #tpu.memory_space<vmem>>)
      %get3A = arith.constant 0 : i32
      %get3A_53 = arith.index_cast %get3A : i32 to index
      %get3A_54 = arith.constant 0 : index
      %get3A_55 = tpu.vector_load %arg6[%get3A_53, %get3A_54] {strides = array<i32>} : memref<128x256xf32, #tpu.memory_space<vmem>>, vector<16xf32>,
      %get3A_56 = arith.constant 0 : i32
      %get3A_57 = arith.index_cast %get3A_56 : i32 to index
      %get3A_58 = arith.constant 16 : index
      %get3A_59 = tpu.vector_load %arg6[%get3A_57, %get3A_58] {strides = array<i32>} : memref<128x256xf32, #tpu.memory_space<vmem>>, vector<16xf32>,
      %get3A_60 = arith.constant 0 : i32
      %get3A_61 = arith.index_cast %get3A_60 : i32 to index
      %get3A_62 = arith.constant 32 : index
      %get3A_63 = tpu.vector_load %arg6[%get3A_61, %get3A_62] {strides = array<i32>} : memref<128x256xf32, #tpu.memory_space<vmem>>, vector<16xf32>,
      %get3A_64 = arith.constant 0 : i32
      %get3A_65 = arith.index_cast %get3A_64 : i32 to index
      %get3A_66 = arith.constant 48 : index
      %get3A_67 = tpu.vector_load %arg6[%get3A_65, %get3A_66] {strides = array<i32>} : memref<128x256xf32, #tpu.memory_space<vmem>>, vector<16xf32>,
      %get3A_68 = arith.constant 0 : i32
      %get3A_69 = arith.index_cast %get3A_68 : i32 to index
      %get3A_70 = arith.constant 64 : index
      %get3A_71 = tpu.vector_load %arg6[%get3A_69, %get3A_70] {strides = array<i32>} : memref<128x256xf32, #tpu.memory_space<vmem>>, vector<16xf32>,
      %get3A_72 = arith.constant 0 : i32
      %get3A_73 = arith.index_cast %get3A_72 : i32 to index
      %get3A_74 = arith.constant 80 : index
      %get3A_75 = tpu.vector_load %arg6[%get3A_73, %get3A_74] {strides = array<i32>} : memref<128x256xf32, #tpu.memory_space<vmem>>, vector<16xf32>,
      %get3A_76 = arith.constant 0 : i32
      %get3A_77 = arith.index_cast %get3A_76 : i32 to index
      %get3A_78 = arith.constant 96 : index
      %get3A_79 = tpu.vector_load %arg6[%get3A_77, %get3A_78] {strides = array<i32>} : memref<128x256xf32, #tpu.memory_space<vmem>>, vector<16xf32>,
      %get3A_80 = arith.constant 0 : i32
      %get3A_81 = arith.index_cast %get3A_80 : i32 to index
      %get3A_82 = arith.constant 112 : index
      %get3A_83 = tpu.vector_load %arg6[%get3A_81, %get3A_82] {strides = array<i32>} : memref<128x256xf32, #tpu.memory_space<vmem>>, vector<16xf32>,
      %get3A_84 = arith.constant 0 : i32
      %get3A_85 = arith.index_cast %get3A_84 : i32 to index
      %get3A_86 = arith.constant 128 : index
      %get3A_87 = tpu.vector_load %arg6[%get3A_85, %get3A_86] {strides = array<i32>} : memref<128x256xf32, #tpu.memory_space<vmem>>, vector<16xf32>,
      %get3A_88 = arith.constant 0 : i32
      %get3A_89 = arith.index_cast %get3A_88 : i32 to index
      %get3A_90 = arith.constant 144 : index
      %get3A_91 = tpu.vector_load %arg6[%get3A_89, %get3A_90] {strides = array<i32>} : memref<128x256xf32, #tpu.memory_space<vmem>>, vector<16xf32>,
      %get3A_92 = arith.constant 0 : i32
      %get3A_93 = arith.index_cast %get3A_92 : i32 to index
      %get3A_94 = arith.constant 160 : index
      %get3A_95 = tpu.vector_load %arg6[%get3A_93, %get3A_94] {strides = array<i32>} : memref<128x256xf32, #tpu.memory_space<vmem>>, vector<16xf32>,
      %get3A_96 = arith.constant 0 : i32
      %get3A_97 = arith.index_cast %get3A_96 : i32 to index
      %get3A_98 = arith.constant 176 : index
      %get3A_99 = tpu.vector_load %arg6[%get3A_97, %get3A_98] {strides = array<i32>} : memref<128x256xf32, #tpu.memory_space<vmem>>, vector<16xf32>,
      %get3A_100 = arith.constant 0 : i32
      %get3A_101 = arith.index_cast %get3A_100 : i32 to index
      %get3A_102 = arith.constant 192 : index
      %get3A_103 = tpu.vector_load %arg6[%get3A_101, %get3A_102] {strides = array<i32>} : memref<128x256xf32, #tpu.memory_space<vmem>>, vector<16xf32>,
      %get3A_104 = arith.constant 0 : i32
      %get3A_105 = arith.index_cast %get3A_104 : i32 to index
      %get3A_106 = arith.constant 208 : index
      %get3A_107 = tpu.vector_load %arg6[%get3A_105, %get3A_106] {strides = array<i32>} : memref<128x256xf32, #tpu.memory_space<vmem>>, vector<16xf32>,
      %get3A_108 = arith.constant 0 : i32
      %get3A_109 = arith.index_cast %get3A_108 : i32 to index
      %get3A_110 = arith.constant 224 : index
      %get3A_111 = tpu.vector_load %arg6[%get3A_109, %get3A_110] {strides = array<i32>} : memref<128x256xf32, #tpu.memory_space<vmem>>, vector<16xf32>,
      %get3A_112 = arith.constant 0 : i32
      %get3A_113 = arith.index_cast %get3A_112 : i32 to index
      %get3A_114 = arith.constant 240 : index
      %get3A_115 = tpu.vector_load %arg6[%get3A_113, %get3A_114] {strides = array<i32>} : memref<128x256xf32, #tpu.memory_space<vmem>>, vector<16xf32>,
      %scan3A_116 = arith.constant 1 : i32
      %scan3A_117 = arith.constant 31 : i32
      %scan3A_118 = arith.addi %scan3A_116, %scan3A_117 : i32
      %scan3A_119 = arith.constant 1 : i32
      %scan3A_120:16 = scf.for %scan3A_1152 = %scan3A_116 to %scan3A_118 step %scan3A_119 iter_args(%scan3A_1153 = %get3A_55, %scan3A_1154 = %get3A_59, %scan3A_1155 = %get3A_63, %scan3A_1156 = %get3A_67, %scan3A_1157 = %get3A_71, %scan3A_1158 = %get3A_75, %scan3A_1159 = %get3A_79, %scan3A_1160 = %get3A_83, %scan3A_1161 = %get3A_87, %scan3A_1162 = %get3A_91, %scan3A_1163 = %get3A_95, %scan3A_1164 = %get3A_99, %scan3A_1165 = %get3A_103, %scan3A_1166 = %get3A_107, %scan3A_1167 = %get3A_111, %scan3A_1168 = %get3A_115) -> (vector<16xf32>, vector<16xf32>, vector<16xf32>, vector<16xf32>, vector<16xf32>, vector<16xf32>, vector<16xf32>, vector<16xf32>, vector<16xf32>, vector<16xf32>, vector<16xf32>, vector<16xf32>, vector<16xf32>, vector<16xf32>, vector<16xf32>, vector<16xf32>)  : i32 {
        %add3A_1169 = arith.constant 0 : i32
        %add3A_1170 = arith.addi %add3A_1169, %scan3A_1152 : i32
        %get3A_1171 = arith.index_cast %add3A_1170 : i32 to index
        %get3A_1172 = arith.constant 0 : index
        %get3A_1173 = tpu.vector_load %arg6[%get3A_1171, %get3A_1172] {strides = array<i32>} : memref<128x256xf32, #tpu.memory_space<vmem>>, vector<16xf32>,
        %max3A = arith.maximumf %scan3A_1153, %get3A_1173 : vector<16xf32>
        %add3A_1174 = arith.constant 0 : i32
        %add3A_1175 = arith.addi %add3A_1174, %scan3A_1152 : i32
        %get3A_1176 = arith.index_cast %add3A_1175 : i32 to index
        %get3A_1177 = arith.constant 16 : index
        %get3A_1178 = tpu.vector_load %arg6[%get3A_1176, %get3A_1177] {strides = array<i32>} : memref<128x256xf32, #tpu.memory_space<vmem>>, vector<16xf32>,
        %max3A_1179 = arith.maximumf %scan3A_1154, %get3A_1178 : vector<16xf32>
        %add3A_1180 = arith.constant 0 : i32
        %add3A_1181 = arith.addi %add3A_1180, %scan3A_1152 : i32
        %get3A_1182 = arith.index_cast %add3A_1181 : i32 to index
        %get3A_1183 = arith.constant 32 : index
        %get3A_1184 = tpu.vector_load %arg6[%get3A_1182, %get3A_1183] {strides = array<i32>} : memref<128x256xf32, #tpu.memory_space<vmem>>, vector<16xf32>,
        %max3A_1185 = arith.maximumf %scan3A_1155, %get3A_1184 : vector<16xf32>
        %add3A_1186 = arith.constant 0 : i32
        %add3A_1187 = arith.addi %add3A_1186, %scan3A_1152 : i32
        %get3A_1188 = arith.index_cast %add3A_1187 : i32 to index
        %get3A_1189 = arith.constant 48 : index
        %get3A_1190 = tpu.vector_load %arg6[%get3A_1188, %get3A_1189] {strides = array<i32>} : memref<128x256xf32, #tpu.memory_space<vmem>>, vector<16xf32>,
        %max3A_1191 = arith.maximumf %scan3A_1156, %get3A_1190 : vector<16xf32>
        %add3A_1192 = arith.constant 0 : i32
        %add3A_1193 = arith.addi %add3A_1192, %scan3A_1152 : i32
        %get3A_1194 = arith.index_cast %add3A_1193 : i32 to index
        %get3A_1195 = arith.constant 64 : index
        %get3A_1196 = tpu.vector_load %arg6[%get3A_1194, %get3A_1195] {strides = array<i32>} : memref<128x256xf32, #tpu.memory_space<vmem>>, vector<16xf32>,
        %max3A_1197 = arith.maximumf %scan3A_1157, %get3A_1196 : vector<16xf32>
        %add3A_1198 = arith.constant 0 : i32
        %add3A_1199 = arith.addi %add3A_1198, %scan3A_1152 : i32
        %get3A_1200 = arith.index_cast %add3A_1199 : i32 to index
        %get3A_1201 = arith.constant 80 : index
        %get3A_1202 = tpu.vector_load %arg6[%get3A_1200, %get3A_1201] {strides = array<i32>} : memref<128x256xf32, #tpu.memory_space<vmem>>, vector<16xf32>,
        %max3A_1203 = arith.maximumf %scan3A_1158, %get3A_1202 : vector<16xf32>
        %add3A_1204 = arith.constant 0 : i32
        %add3A_1205 = arith.addi %add3A_1204, %scan3A_1152 : i32
        %get3A_1206 = arith.index_cast %add3A_1205 : i32 to index
        %get3A_1207 = arith.constant 96 : index
        %get3A_1208 = tpu.vector_load %arg6[%get3A_1206, %get3A_1207] {strides = array<i32>} : memref<128x256xf32, #tpu.memory_space<vmem>>, vector<16xf32>,
        %max3A_1209 = arith.maximumf %scan3A_1159, %get3A_1208 : vector<16xf32>
        %add3A_1210 = arith.constant 0 : i32
        %add3A_1211 = arith.addi %add3A_1210, %scan3A_1152 : i32
        %get3A_1212 = arith.index_cast %add3A_1211 : i32 to index
        %get3A_1213 = arith.constant 112 : index
        %get3A_1214 = tpu.vector_load %arg6[%get3A_1212, %get3A_1213] {strides = array<i32>} : memref<128x256xf32, #tpu.memory_space<vmem>>, vector<16xf32>,
        %max3A_1215 = arith.maximumf %scan3A_1160, %get3A_1214 : vector<16xf32>
        %add3A_1216 = arith.constant 0 : i32
        %add3A_1217 = arith.addi %add3A_1216, %scan3A_1152 : i32
        %get3A_1218 = arith.index_cast %add3A_1217 : i32 to index
        %get3A_1219 = arith.constant 128 : index
        %get3A_1220 = tpu.vector_load %arg6[%get3A_1218, %get3A_1219] {strides = array<i32>} : memref<128x256xf32, #tpu.memory_space<vmem>>, vector<16xf32>,
        %max3A_1221 = arith.maximumf %scan3A_1161, %get3A_1220 : vector<16xf32>
        %add3A_1222 = arith.constant 0 : i32
        %add3A_1223 = arith.addi %add3A_1222, %scan3A_1152 : i32
        %get3A_1224 = arith.index_cast %add3A_1223 : i32 to index
        %get3A_1225 = arith.constant 144 : index
        %get3A_1226 = tpu.vector_load %arg6[%get3A_1224, %get3A_1225] {strides = array<i32>} : memref<128x256xf32, #tpu.memory_space<vmem>>, vector<16xf32>,
        %max3A_1227 = arith.maximumf %scan3A_1162, %get3A_1226 : vector<16xf32>
        %add3A_1228 = arith.constant 0 : i32
        %add3A_1229 = arith.addi %add3A_1228, %scan3A_1152 : i32
        %get3A_1230 = arith.index_cast %add3A_1229 : i32 to index
        %get3A_1231 = arith.constant 160 : index
        %get3A_1232 = tpu.vector_load %arg6[%get3A_1230, %get3A_1231] {strides = array<i32>} : memref<128x256xf32, #tpu.memory_space<vmem>>, vector<16xf32>,
        %max3A_1233 = arith.maximumf %scan3A_1163, %get3A_1232 : vector<16xf32>
        %add3A_1234 = arith.constant 0 : i32
        %add3A_1235 = arith.addi %add3A_1234, %scan3A_1152 : i32
        %get3A_1236 = arith.index_cast %add3A_1235 : i32 to index
        %get3A_1237 = arith.constant 176 : index
        %get3A_1238 = tpu.vector_load %arg6[%get3A_1236, %get3A_1237] {strides = array<i32>} : memref<128x256xf32, #tpu.memory_space<vmem>>, vector<16xf32>,
        %max3A_1239 = arith.maximumf %scan3A_1164, %get3A_1238 : vector<16xf32>
        %add3A_1240 = arith.constant 0 : i32
        %add3A_1241 = arith.addi %add3A_1240, %scan3A_1152 : i32
        %get3A_1242 = arith.index_cast %add3A_1241 : i32 to index
        %get3A_1243 = arith.constant 192 : index
        %get3A_1244 = tpu.vector_load %arg6[%get3A_1242, %get3A_1243] {strides = array<i32>} : memref<128x256xf32, #tpu.memory_space<vmem>>, vector<16xf32>,
        %max3A_1245 = arith.maximumf %scan3A_1165, %get3A_1244 : vector<16xf32>
        %add3A_1246 = arith.constant 0 : i32
        %add3A_1247 = arith.addi %add3A_1246, %scan3A_1152 : i32
        %get3A_1248 = arith.index_cast %add3A_1247 : i32 to index
        %get3A_1249 = arith.constant 208 : index
        %get3A_1250 = tpu.vector_load %arg6[%get3A_1248, %get3A_1249] {strides = array<i32>} : memref<128x256xf32, #tpu.memory_space<vmem>>, vector<16xf32>,
        %max3A_1251 = arith.maximumf %scan3A_1166, %get3A_1250 : vector<16xf32>
        %add3A_1252 = arith.constant 0 : i32
        %add3A_1253 = arith.addi %add3A_1252, %scan3A_1152 : i32
        %get3A_1254 = arith.index_cast %add3A_1253 : i32 to index
        %get3A_1255 = arith.constant 224 : index
        %get3A_1256 = tpu.vector_load %arg6[%get3A_1254, %get3A_1255] {strides = array<i32>} : memref<128x256xf32, #tpu.memory_space<vmem>>, vector<16xf32>,
        %max3A_1257 = arith.maximumf %scan3A_1167, %get3A_1256 : vector<16xf32>
        %add3A_1258 = arith.constant 0 : i32
        %add3A_1259 = arith.addi %add3A_1258, %scan3A_1152 : i32
        %get3A_1260 = arith.index_cast %add3A_1259 : i32 to index
        %get3A_1261 = arith.constant 240 : index
        %get3A_1262 = tpu.vector_load %arg6[%get3A_1260, %get3A_1261] {strides = array<i32>} : memref<128x256xf32, #tpu.memory_space<vmem>>, vector<16xf32>,
        %max3A_1263 = arith.maximumf %scan3A_1168, %get3A_1262 : vector<16xf32>
        scf.yield %max3A, %max3A_1179, %max3A_1185, %max3A_1191, %max3A_1197, %max3A_1203, %max3A_1209, %max3A_1215, %max3A_1221, %max3A_1227, %max3A_1233, %max3A_1239, %max3A_1245, %max3A_1251, %max3A_1257, %max3A_1263 : vector<16xf32>, vector<16xf32>, vector<16xf32>, vector<16xf32>, vector<16xf32>, vector<16xf32>, vector<16xf32>, vector<16xf32>, vector<16xf32>, vector<16xf32>, vector<16xf32>, vector<16xf32>, vector<16xf32>, vector<16xf32>, vector<16xf32>, vector<16xf32>
      }
      %scan3A_121 = arith.constant 31 : i32
      %swap3A = arith.constant 0 : i32
      %swap3A_122 = arith.index_cast %swap3A : i32 to index
      %swap3A_123 = arith.constant 0 : index
      %swap3A_124 = tpu.vector_load %arg8[%swap3A_122, %swap3A_123] {strides = array<i32>} : memref<4x256xf32, #tpu.memory_space<vmem>>, vector<16xf32>,
      tpu.vector_store %arg8[%swap3A_122, %swap3A_123], %scan3A_120#0 {strides = array<i32>} : memref<4x256xf32, #tpu.memory_space<vmem>>, vector<16xf32>,
      %swap3A_125 = arith.constant 0 : i32
      %swap3A_126 = arith.index_cast %swap3A_125 : i32 to index
      %swap3A_127 = arith.constant 16 : index
      %swap3A_128 = tpu.vector_load %arg8[%swap3A_126, %swap3A_127] {strides = array<i32>} : memref<4x256xf32, #tpu.memory_space<vmem>>, vector<16xf32>,
      tpu.vector_store %arg8[%swap3A_126, %swap3A_127], %scan3A_120#1 {strides = array<i32>} : memref<4x256xf32, #tpu.memory_space<vmem>>, vector<16xf32>,
      %swap3A_129 = arith.constant 0 : i32
      %swap3A_130 = arith.index_cast %swap3A_129 : i32 to index
      %swap3A_131 = arith.constant 32 : index
      %swap3A_132 = tpu.vector_load %arg8[%swap3A_130, %swap3A_131] {strides = array<i32>} : memref<4x256xf32, #tpu.memory_space<vmem>>, vector<16xf32>,
      tpu.vector_store %arg8[%swap3A_130, %swap3A_131], %scan3A_120#2 {strides = array<i32>} : memref<4x256xf32, #tpu.memory_space<vmem>>, vector<16xf32>,
      %swap3A_133 = arith.constant 0 : i32
      %swap3A_134 = arith.index_cast %swap3A_133 : i32 to index
      %swap3A_135 = arith.constant 48 : index
      %swap3A_136 = tpu.vector_load %arg8[%swap3A_134, %swap3A_135] {strides = array<i32>} : memref<4x256xf32, #tpu.memory_space<vmem>>, vector<16xf32>,
      tpu.vector_store %arg8[%swap3A_134, %swap3A_135], %scan3A_120#3 {strides = array<i32>} : memref<4x256xf32, #tpu.memory_space<vmem>>, vector<16xf32>,
      %swap3A_137 = arith.constant 0 : i32
      %swap3A_138 = arith.index_cast %swap3A_137 : i32 to index
      %swap3A_139 = arith.constant 64 : index
      %swap3A_140 = tpu.vector_load %arg8[%swap3A_138, %swap3A_139] {strides = array<i32>} : memref<4x256xf32, #tpu.memory_space<vmem>>, vector<16xf32>,
      tpu.vector_store %arg8[%swap3A_138, %swap3A_139], %scan3A_120#4 {strides = array<i32>} : memref<4x256xf32, #tpu.memory_space<vmem>>, vector<16xf32>,
      %swap3A_141 = arith.constant 0 : i32
      %swap3A_142 = arith.index_cast %swap3A_141 : i32 to index
      %swap3A_143 = arith.constant 80 : index
      %swap3A_144 = tpu.vector_load %arg8[%swap3A_142, %swap3A_143] {strides = array<i32>} : memref<4x256xf32, #tpu.memory_space<vmem>>, vector<16xf32>,
      tpu.vector_store %arg8[%swap3A_142, %swap3A_143], %scan3A_120#5 {strides = array<i32>} : memref<4x256xf32, #tpu.memory_space<vmem>>, vector<16xf32>,
      %swap3A_145 = arith.constant 0 : i32
      %swap3A_146 = arith.index_cast %swap3A_145 : i32 to index
      %swap3A_147 = arith.constant 96 : index
      %swap3A_148 = tpu.vector_load %arg8[%swap3A_146, %swap3A_147] {strides = array<i32>} : memref<4x256xf32, #tpu.memory_space<vmem>>, vector<16xf32>,
      tpu.vector_store %arg8[%swap3A_146, %swap3A_147], %scan3A_120#6 {strides = array<i32>} : memref<4x256xf32, #tpu.memory_space<vmem>>, vector<16xf32>,
      %swap3A_149 = arith.constant 0 : i32
      %swap3A_150 = arith.index_cast %swap3A_149 : i32 to index
      %swap3A_151 = arith.constant 112 : index
      %swap3A_152 = tpu.vector_load %arg8[%swap3A_150, %swap3A_151] {strides = array<i32>} : memref<4x256xf32, #tpu.memory_space<vmem>>, vector<16xf32>,
      tpu.vector_store %arg8[%swap3A_150, %swap3A_151], %scan3A_120#7 {strides = array<i32>} : memref<4x256xf32, #tpu.memory_space<vmem>>, vector<16xf32>,
      %swap3A_153 = arith.constant 0 : i32
      %swap3A_154 = arith.index_cast %swap3A_153 : i32 to index
      %swap3A_155 = arith.constant 128 : index
      %swap3A_156 = tpu.vector_load %arg8[%swap3A_154, %swap3A_155] {strides = array<i32>} : memref<4x256xf32, #tpu.memory_space<vmem>>, vector<16xf32>,
      tpu.vector_store %arg8[%swap3A_154, %swap3A_155], %scan3A_120#8 {strides = array<i32>} : memref<4x256xf32, #tpu.memory_space<vmem>>, vector<16xf32>,
      %swap3A_157 = arith.constant 0 : i32
      %swap3A_158 = arith.index_cast %swap3A_157 : i32 to index
      %swap3A_159 = arith.constant 144 : index
      %swap3A_160 = tpu.vector_load %arg8[%swap3A_158, %swap3A_159] {strides = array<i32>} : memref<4x256xf32, #tpu.memory_space<vmem>>, vector<16xf32>,
      tpu.vector_store %arg8[%swap3A_158, %swap3A_159], %scan3A_120#9 {strides = array<i32>} : memref<4x256xf32, #tpu.memory_space<vmem>>, vector<16xf32>,
      %swap3A_161 = arith.constant 0 : i32
      %swap3A_162 = arith.index_cast %swap3A_161 : i32 to index
      %swap3A_163 = arith.constant 160 : index
      %swap3A_164 = tpu.vector_load %arg8[%swap3A_162, %swap3A_163] {strides = array<i32>} : memref<4x256xf32, #tpu.memory_space<vmem>>, vector<16xf32>,
      tpu.vector_store %arg8[%swap3A_162, %swap3A_163], %scan3A_120#10 {strides = array<i32>} : memref<4x256xf32, #tpu.memory_space<vmem>>, vector<16xf32>,
      %swap3A_165 = arith.constant 0 : i32
      %swap3A_166 = arith.index_cast %swap3A_165 : i32 to index
      %swap3A_167 = arith.constant 176 : index
      %swap3A_168 = tpu.vector_load %arg8[%swap3A_166, %swap3A_167] {strides = array<i32>} : memref<4x256xf32, #tpu.memory_space<vmem>>, vector<16xf32>,
      tpu.vector_store %arg8[%swap3A_166, %swap3A_167], %scan3A_120#11 {strides = array<i32>} : memref<4x256xf32, #tpu.memory_space<vmem>>, vector<16xf32>,
      %swap3A_169 = arith.constant 0 : i32
      %swap3A_170 = arith.index_cast %swap3A_169 : i32 to index
      %swap3A_171 = arith.constant 192 : index
      %swap3A_172 = tpu.vector_load %arg8[%swap3A_170, %swap3A_171] {strides = array<i32>} : memref<4x256xf32, #tpu.memory_space<vmem>>, vector<16xf32>,
      tpu.vector_store %arg8[%swap3A_170, %swap3A_171], %scan3A_120#12 {strides = array<i32>} : memref<4x256xf32, #tpu.memory_space<vmem>>, vector<16xf32>,
      %swap3A_173 = arith.constant 0 : i32
      %swap3A_174 = arith.index_cast %swap3A_173 : i32 to index
      %swap3A_175 = arith.constant 208 : index
      %swap3A_176 = tpu.vector_load %arg8[%swap3A_174, %swap3A_175] {strides = array<i32>} : memref<4x256xf32, #tpu.memory_space<vmem>>, vector<16xf32>,
      tpu.vector_store %arg8[%swap3A_174, %swap3A_175], %scan3A_120#13 {strides = array<i32>} : memref<4x256xf32, #tpu.memory_space<vmem>>, vector<16xf32>,
      %swap3A_177 = arith.constant 0 : i32
      %swap3A_178 = arith.index_cast %swap3A_177 : i32 to index
      %swap3A_179 = arith.constant 224 : index
      %swap3A_180 = tpu.vector_load %arg8[%swap3A_178, %swap3A_179] {strides = array<i32>} : memref<4x256xf32, #tpu.memory_space<vmem>>, vector<16xf32>,
      tpu.vector_store %arg8[%swap3A_178, %swap3A_179], %scan3A_120#14 {strides = array<i32>} : memref<4x256xf32, #tpu.memory_space<vmem>>, vector<16xf32>,
      %swap3A_181 = arith.constant 0 : i32
      %swap3A_182 = arith.index_cast %swap3A_181 : i32 to index
      %swap3A_183 = arith.constant 240 : index
      %swap3A_184 = tpu.vector_load %arg8[%swap3A_182, %swap3A_183] {strides = array<i32>} : memref<4x256xf32, #tpu.memory_space<vmem>>, vector<16xf32>,
      tpu.vector_store %arg8[%swap3A_182, %swap3A_183], %scan3A_120#15 {strides = array<i32>} : memref<4x256xf32, #tpu.memory_space<vmem>>, vector<16xf32>,
      %get3A_185 = arith.constant 32 : i32
      %get3A_186 = arith.index_cast %get3A_185 : i32 to index
      %get3A_187 = arith.constant 0 : index
      %get3A_188 = tpu.vector_load %arg6[%get3A_186, %get3A_187] {strides = array<i32>} : memref<128x256xf32, #tpu.memory_space<vmem>>, vector<16xf32>,
      %get3A_189 = arith.constant 32 : i32
      %get3A_190 = arith.index_cast %get3A_189 : i32 to index
      %get3A_191 = arith.constant 16 : index
      %get3A_192 = tpu.vector_load %arg6[%get3A_190, %get3A_191] {strides = array<i32>} : memref<128x256xf32, #tpu.memory_space<vmem>>, vector<16xf32>,
      %get3A_193 = arith.constant 32 : i32
      %get3A_194 = arith.index_cast %get3A_193 : i32 to index
      %get3A_195 = arith.constant 32 : index
      %get3A_196 = tpu.vector_load %arg6[%get3A_194, %get3A_195] {strides = array<i32>} : memref<128x256xf32, #tpu.memory_space<vmem>>, vector<16xf32>,
      %get3A_197 = arith.constant 32 : i32
      %get3A_198 = arith.index_cast %get3A_197 : i32 to index
      %get3A_199 = arith.constant 48 : index
      %get3A_200 = tpu.vector_load %arg6[%get3A_198, %get3A_199] {strides = array<i32>} : memref<128x256xf32, #tpu.memory_space<vmem>>, vector<16xf32>,
      %get3A_201 = arith.constant 32 : i32
      %get3A_202 = arith.index_cast %get3A_201 : i32 to index
      %get3A_203 = arith.constant 64 : index
      %get3A_204 = tpu.vector_load %arg6[%get3A_202, %get3A_203] {strides = array<i32>} : memref<128x256xf32, #tpu.memory_space<vmem>>, vector<16xf32>,
      %get3A_205 = arith.constant 32 : i32
      %get3A_206 = arith.index_cast %get3A_205 : i32 to index
      %get3A_207 = arith.constant 80 : index
      %get3A_208 = tpu.vector_load %arg6[%get3A_206, %get3A_207] {strides = array<i32>} : memref<128x256xf32, #tpu.memory_space<vmem>>, vector<16xf32>,
      %get3A_209 = arith.constant 32 : i32
      %get3A_210 = arith.index_cast %get3A_209 : i32 to index
      %get3A_211 = arith.constant 96 : index
      %get3A_212 = tpu.vector_load %arg6[%get3A_210, %get3A_211] {strides = array<i32>} : memref<128x256xf32, #tpu.memory_space<vmem>>, vector<16xf32>,
      %get3A_213 = arith.constant 32 : i32
      %get3A_214 = arith.index_cast %get3A_213 : i32 to index
      %get3A_215 = arith.constant 112 : index
      %get3A_216 = tpu.vector_load %arg6[%get3A_214, %get3A_215] {strides = array<i32>} : memref<128x256xf32, #tpu.memory_space<vmem>>, vector<16xf32>,
      %get3A_217 = arith.constant 32 : i32
      %get3A_218 = arith.index_cast %get3A_217 : i32 to index
      %get3A_219 = arith.constant 128 : index
      %get3A_220 = tpu.vector_load %arg6[%get3A_218, %get3A_219] {strides = array<i32>} : memref<128x256xf32, #tpu.memory_space<vmem>>, vector<16xf32>,
      %get3A_221 = arith.constant 32 : i32
      %get3A_222 = arith.index_cast %get3A_221 : i32 to index
      %get3A_223 = arith.constant 144 : index
      %get3A_224 = tpu.vector_load %arg6[%get3A_222, %get3A_223] {strides = array<i32>} : memref<128x256xf32, #tpu.memory_space<vmem>>, vector<16xf32>,
      %get3A_225 = arith.constant 32 : i32
      %get3A_226 = arith.index_cast %get3A_225 : i32 to index
      %get3A_227 = arith.constant 160 : index
      %get3A_228 = tpu.vector_load %arg6[%get3A_226, %get3A_227] {strides = array<i32>} : memref<128x256xf32, #tpu.memory_space<vmem>>, vector<16xf32>,
      %get3A_229 = arith.constant 32 : i32
      %get3A_230 = arith.index_cast %get3A_229 : i32 to index
      %get3A_231 = arith.constant 176 : index
      %get3A_232 = tpu.vector_load %arg6[%get3A_230, %get3A_231] {strides = array<i32>} : memref<128x256xf32, #tpu.memory_space<vmem>>, vector<16xf32>,
      %get3A_233 = arith.constant 32 : i32
      %get3A_234 = arith.index_cast %get3A_233 : i32 to index
      %get3A_235 = arith.constant 192 : index
      %get3A_236 = tpu.vector_load %arg6[%get3A_234, %get3A_235] {strides = array<i32>} : memref<128x256xf32, #tpu.memory_space<vmem>>, vector<16xf32>,
      %get3A_237 = arith.constant 32 : i32
      %get3A_238 = arith.index_cast %get3A_237 : i32 to index
      %get3A_239 = arith.constant 208 : index
      %get3A_240 = tpu.vector_load %arg6[%get3A_238, %get3A_239] {strides = array<i32>} : memref<128x256xf32, #tpu.memory_space<vmem>>, vector<16xf32>,
      %get3A_241 = arith.constant 32 : i32
      %get3A_242 = arith.index_cast %get3A_241 : i32 to index
      %get3A_243 = arith.constant 224 : index
      %get3A_244 = tpu.vector_load %arg6[%get3A_242, %get3A_243] {strides = array<i32>} : memref<128x256xf32, #tpu.memory_space<vmem>>, vector<16xf32>,
      %get3A_245 = arith.constant 32 : i32
      %get3A_246 = arith.index_cast %get3A_245 : i32 to index
      %get3A_247 = arith.constant 240 : index
      %get3A_248 = tpu.vector_load %arg6[%get3A_246, %get3A_247] {strides = array<i32>} : memref<128x256xf32, #tpu.memory_space<vmem>>, vector<16xf32>,
      %scan3A_249 = arith.constant 1 : i32
      %scan3A_250 = arith.constant 31 : i32
      %scan3A_251 = arith.addi %scan3A_249, %scan3A_250 : i32
      %scan3A_252 = arith.constant 1 : i32
      %scan3A_253:16 = scf.for %scan3A_1152 = %scan3A_249 to %scan3A_251 step %scan3A_252 iter_args(%scan3A_1153 = %get3A_188, %scan3A_1154 = %get3A_192, %scan3A_1155 = %get3A_196, %scan3A_1156 = %get3A_200, %scan3A_1157 = %get3A_204, %scan3A_1158 = %get3A_208, %scan3A_1159 = %get3A_212, %scan3A_1160 = %get3A_216, %scan3A_1161 = %get3A_220, %scan3A_1162 = %get3A_224, %scan3A_1163 = %get3A_228, %scan3A_1164 = %get3A_232, %scan3A_1165 = %get3A_236, %scan3A_1166 = %get3A_240, %scan3A_1167 = %get3A_244, %scan3A_1168 = %get3A_248) -> (vector<16xf32>, vector<16xf32>, vector<16xf32>, vector<16xf32>, vector<16xf32>, vector<16xf32>, vector<16xf32>, vector<16xf32>, vector<16xf32>, vector<16xf32>, vector<16xf32>, vector<16xf32>, vector<16xf32>, vector<16xf32>, vector<16xf32>, vector<16xf32>)  : i32 {
        %add3A_1169 = arith.constant 32 : i32
        %add3A_1170 = arith.addi %add3A_1169, %scan3A_1152 : i32
        %get3A_1171 = arith.index_cast %add3A_1170 : i32 to index
        %get3A_1172 = arith.constant 0 : index
        %get3A_1173 = tpu.vector_load %arg6[%get3A_1171, %get3A_1172] {strides = array<i32>} : memref<128x256xf32, #tpu.memory_space<vmem>>, vector<16xf32>,
        %max3A = arith.maximumf %scan3A_1153, %get3A_1173 : vector<16xf32>
        %add3A_1174 = arith.constant 32 : i32
        %add3A_1175 = arith.addi %add3A_1174, %scan3A_1152 : i32
        %get3A_1176 = arith.index_cast %add3A_1175 : i32 to index
        %get3A_1177 = arith.constant 16 : index
        %get3A_1178 = tpu.vector_load %arg6[%get3A_1176, %get3A_1177] {strides = array<i32>} : memref<128x256xf32, #tpu.memory_space<vmem>>, vector<16xf32>,
        %max3A_1179 = arith.maximumf %scan3A_1154, %get3A_1178 : vector<16xf32>
        %add3A_1180 = arith.constant 32 : i32
        %add3A_1181 = arith.addi %add3A_1180, %scan3A_1152 : i32
        %get3A_1182 = arith.index_cast %add3A_1181 : i32 to index
        %get3A_1183 = arith.constant 32 : index
        %get3A_1184 = tpu.vector_load %arg6[%get3A_1182, %get3A_1183] {strides = array<i32>} : memref<128x256xf32, #tpu.memory_space<vmem>>, vector<16xf32>,
        %max3A_1185 = arith.maximumf %scan3A_1155, %get3A_1184 : vector<16xf32>
        %add3A_1186 = arith.constant 32 : i32
        %add3A_1187 = arith.addi %add3A_1186, %scan3A_1152 : i32
        %get3A_1188 = arith.index_cast %add3A_1187 : i32 to index
        %get3A_1189 = arith.constant 48 : index
        %get3A_1190 = tpu.vector_load %arg6[%get3A_1188, %get3A_1189] {strides = array<i32>} : memref<128x256xf32, #tpu.memory_space<vmem>>, vector<16xf32>,
        %max3A_1191 = arith.maximumf %scan3A_1156, %get3A_1190 : vector<16xf32>
        %add3A_1192 = arith.constant 32 : i32
        %add3A_1193 = arith.addi %add3A_1192, %scan3A_1152 : i32
        %get3A_1194 = arith.index_cast %add3A_1193 : i32 to index
        %get3A_1195 = arith.constant 64 : index
        %get3A_1196 = tpu.vector_load %arg6[%get3A_1194, %get3A_1195] {strides = array<i32>} : memref<128x256xf32, #tpu.memory_space<vmem>>, vector<16xf32>,
        %max3A_1197 = arith.maximumf %scan3A_1157, %get3A_1196 : vector<16xf32>
        %add3A_1198 = arith.constant 32 : i32
        %add3A_1199 = arith.addi %add3A_1198, %scan3A_1152 : i32
        %get3A_1200 = arith.index_cast %add3A_1199 : i32 to index
        %get3A_1201 = arith.constant 80 : index
        %get3A_1202 = tpu.vector_load %arg6[%get3A_1200, %get3A_1201] {strides = array<i32>} : memref<128x256xf32, #tpu.memory_space<vmem>>, vector<16xf32>,
        %max3A_1203 = arith.maximumf %scan3A_1158, %get3A_1202 : vector<16xf32>
        %add3A_1204 = arith.constant 32 : i32
        %add3A_1205 = arith.addi %add3A_1204, %scan3A_1152 : i32
        %get3A_1206 = arith.index_cast %add3A_1205 : i32 to index
        %get3A_1207 = arith.constant 96 : index
        %get3A_1208 = tpu.vector_load %arg6[%get3A_1206, %get3A_1207] {strides = array<i32>} : memref<128x256xf32, #tpu.memory_space<vmem>>, vector<16xf32>,
        %max3A_1209 = arith.maximumf %scan3A_1159, %get3A_1208 : vector<16xf32>
        %add3A_1210 = arith.constant 32 : i32
        %add3A_1211 = arith.addi %add3A_1210, %scan3A_1152 : i32
        %get3A_1212 = arith.index_cast %add3A_1211 : i32 to index
        %get3A_1213 = arith.constant 112 : index
        %get3A_1214 = tpu.vector_load %arg6[%get3A_1212, %get3A_1213] {strides = array<i32>} : memref<128x256xf32, #tpu.memory_space<vmem>>, vector<16xf32>,
        %max3A_1215 = arith.maximumf %scan3A_1160, %get3A_1214 : vector<16xf32>
        %add3A_1216 = arith.constant 32 : i32
        %add3A_1217 = arith.addi %add3A_1216, %scan3A_1152 : i32
        %get3A_1218 = arith.index_cast %add3A_1217 : i32 to index
        %get3A_1219 = arith.constant 128 : index
        %get3A_1220 = tpu.vector_load %arg6[%get3A_1218, %get3A_1219] {strides = array<i32>} : memref<128x256xf32, #tpu.memory_space<vmem>>, vector<16xf32>,
        %max3A_1221 = arith.maximumf %scan3A_1161, %get3A_1220 : vector<16xf32>
        %add3A_1222 = arith.constant 32 : i32
        %add3A_1223 = arith.addi %add3A_1222, %scan3A_1152 : i32
        %get3A_1224 = arith.index_cast %add3A_1223 : i32 to index
        %get3A_1225 = arith.constant 144 : index
        %get3A_1226 = tpu.vector_load %arg6[%get3A_1224, %get3A_1225] {strides = array<i32>} : memref<128x256xf32, #tpu.memory_space<vmem>>, vector<16xf32>,
        %max3A_1227 = arith.maximumf %scan3A_1162, %get3A_1226 : vector<16xf32>
        %add3A_1228 = arith.constant 32 : i32
        %add3A_1229 = arith.addi %add3A_1228, %scan3A_1152 : i32
        %get3A_1230 = arith.index_cast %add3A_1229 : i32 to index
        %get3A_1231 = arith.constant 160 : index
        %get3A_1232 = tpu.vector_load %arg6[%get3A_1230, %get3A_1231] {strides = array<i32>} : memref<128x256xf32, #tpu.memory_space<vmem>>, vector<16xf32>,
        %max3A_1233 = arith.maximumf %scan3A_1163, %get3A_1232 : vector<16xf32>
        %add3A_1234 = arith.constant 32 : i32
        %add3A_1235 = arith.addi %add3A_1234, %scan3A_1152 : i32
        %get3A_1236 = arith.index_cast %add3A_1235 : i32 to index
        %get3A_1237 = arith.constant 176 : index
        %get3A_1238 = tpu.vector_load %arg6[%get3A_1236, %get3A_1237] {strides = array<i32>} : memref<128x256xf32, #tpu.memory_space<vmem>>, vector<16xf32>,
        %max3A_1239 = arith.maximumf %scan3A_1164, %get3A_1238 : vector<16xf32>
        %add3A_1240 = arith.constant 32 : i32
        %add3A_1241 = arith.addi %add3A_1240, %scan3A_1152 : i32
        %get3A_1242 = arith.index_cast %add3A_1241 : i32 to index
        %get3A_1243 = arith.constant 192 : index
        %get3A_1244 = tpu.vector_load %arg6[%get3A_1242, %get3A_1243] {strides = array<i32>} : memref<128x256xf32, #tpu.memory_space<vmem>>, vector<16xf32>,
        %max3A_1245 = arith.maximumf %scan3A_1165, %get3A_1244 : vector<16xf32>
        %add3A_1246 = arith.constant 32 : i32
        %add3A_1247 = arith.addi %add3A_1246, %scan3A_1152 : i32
        %get3A_1248 = arith.index_cast %add3A_1247 : i32 to index
        %get3A_1249 = arith.constant 208 : index
        %get3A_1250 = tpu.vector_load %arg6[%get3A_1248, %get3A_1249] {strides = array<i32>} : memref<128x256xf32, #tpu.memory_space<vmem>>, vector<16xf32>,
        %max3A_1251 = arith.maximumf %scan3A_1166, %get3A_1250 : vector<16xf32>
        %add3A_1252 = arith.constant 32 : i32
        %add3A_1253 = arith.addi %add3A_1252, %scan3A_1152 : i32
        %get3A_1254 = arith.index_cast %add3A_1253 : i32 to index
        %get3A_1255 = arith.constant 224 : index
        %get3A_1256 = tpu.vector_load %arg6[%get3A_1254, %get3A_1255] {strides = array<i32>} : memref<128x256xf32, #tpu.memory_space<vmem>>, vector<16xf32>,
        %max3A_1257 = arith.maximumf %scan3A_1167, %get3A_1256 : vector<16xf32>
        %add3A_1258 = arith.constant 32 : i32
        %add3A_1259 = arith.addi %add3A_1258, %scan3A_1152 : i32
        %get3A_1260 = arith.index_cast %add3A_1259 : i32 to index
        %get3A_1261 = arith.constant 240 : index
        %get3A_1262 = tpu.vector_load %arg6[%get3A_1260, %get3A_1261] {strides = array<i32>} : memref<128x256xf32, #tpu.memory_space<vmem>>, vector<16xf32>,
        %max3A_1263 = arith.maximumf %scan3A_1168, %get3A_1262 : vector<16xf32>
        scf.yield %max3A, %max3A_1179, %max3A_1185, %max3A_1191, %max3A_1197, %max3A_1203, %max3A_1209, %max3A_1215, %max3A_1221, %max3A_1227, %max3A_1233, %max3A_1239, %max3A_1245, %max3A_1251, %max3A_1257, %max3A_1263 : vector<16xf32>, vector<16xf32>, vector<16xf32>, vector<16xf32>, vector<16xf32>, vector<16xf32>, vector<16xf32>, vector<16xf32>, vector<16xf32>, vector<16xf32>, vector<16xf32>, vector<16xf32>, vector<16xf32>, vector<16xf32>, vector<16xf32>, vector<16xf32>
      }
      %scan3A_254 = arith.constant 31 : i32
      %swap3A_255 = arith.constant 1 : i32
      %swap3A_256 = arith.index_cast %swap3A_255 : i32 to index
      %swap3A_257 = arith.constant 0 : index
      %swap3A_258 = tpu.vector_load %arg8[%swap3A_256, %swap3A_257] {strides = array<i32>} : memref<4x256xf32, #tpu.memory_space<vmem>>, vector<16xf32>,
      tpu.vector_store %arg8[%swap3A_256, %swap3A_257], %scan3A_253#0 {strides = array<i32>} : memref<4x256xf32, #tpu.memory_space<vmem>>, vector<16xf32>,
      %swap3A_259 = arith.constant 1 : i32
      %swap3A_260 = arith.index_cast %swap3A_259 : i32 to index
      %swap3A_261 = arith.constant 16 : index
      %swap3A_262 = tpu.vector_load %arg8[%swap3A_260, %swap3A_261] {strides = array<i32>} : memref<4x256xf32, #tpu.memory_space<vmem>>, vector<16xf32>,
      tpu.vector_store %arg8[%swap3A_260, %swap3A_261], %scan3A_253#1 {strides = array<i32>} : memref<4x256xf32, #tpu.memory_space<vmem>>, vector<16xf32>,
      %swap3A_263 = arith.constant 1 : i32
      %swap3A_264 = arith.index_cast %swap3A_263 : i32 to index
      %swap3A_265 = arith.constant 32 : index
      %swap3A_266 = tpu.vector_load %arg8[%swap3A_264, %swap3A_265] {strides = array<i32>} : memref<4x256xf32, #tpu.memory_space<vmem>>, vector<16xf32>,
      tpu.vector_store %arg8[%swap3A_264, %swap3A_265], %scan3A_253#2 {strides = array<i32>} : memref<4x256xf32, #tpu.memory_space<vmem>>, vector<16xf32>,
      %swap3A_267 = arith.constant 1 : i32
      %swap3A_268 = arith.index_cast %swap3A_267 : i32 to index
      %swap3A_269 = arith.constant 48 : index
      %swap3A_270 = tpu.vector_load %arg8[%swap3A_268, %swap3A_269] {strides = array<i32>} : memref<4x256xf32, #tpu.memory_space<vmem>>, vector<16xf32>,
      tpu.vector_store %arg8[%swap3A_268, %swap3A_269], %scan3A_253#3 {strides = array<i32>} : memref<4x256xf32, #tpu.memory_space<vmem>>, vector<16xf32>,
      %swap3A_271 = arith.constant 1 : i32
      %swap3A_272 = arith.index_cast %swap3A_271 : i32 to index
      %swap3A_273 = arith.constant 64 : index
      %swap3A_274 = tpu.vector_load %arg8[%swap3A_272, %swap3A_273] {strides = array<i32>} : memref<4x256xf32, #tpu.memory_space<vmem>>, vector<16xf32>,
      tpu.vector_store %arg8[%swap3A_272, %swap3A_273], %scan3A_253#4 {strides = array<i32>} : memref<4x256xf32, #tpu.memory_space<vmem>>, vector<16xf32>,
      %swap3A_275 = arith.constant 1 : i32
      %swap3A_276 = arith.index_cast %swap3A_275 : i32 to index
      %swap3A_277 = arith.constant 80 : index
      %swap3A_278 = tpu.vector_load %arg8[%swap3A_276, %swap3A_277] {strides = array<i32>} : memref<4x256xf32, #tpu.memory_space<vmem>>, vector<16xf32>,
      tpu.vector_store %arg8[%swap3A_276, %swap3A_277], %scan3A_253#5 {strides = array<i32>} : memref<4x256xf32, #tpu.memory_space<vmem>>, vector<16xf32>,
      %swap3A_279 = arith.constant 1 : i32
      %swap3A_280 = arith.index_cast %swap3A_279 : i32 to index
      %swap3A_281 = arith.constant 96 : index
      %swap3A_282 = tpu.vector_load %arg8[%swap3A_280, %swap3A_281] {strides = array<i32>} : memref<4x256xf32, #tpu.memory_space<vmem>>, vector<16xf32>,
      tpu.vector_store %arg8[%swap3A_280, %swap3A_281], %scan3A_253#6 {strides = array<i32>} : memref<4x256xf32, #tpu.memory_space<vmem>>, vector<16xf32>,
      %swap3A_283 = arith.constant 1 : i32
      %swap3A_284 = arith.index_cast %swap3A_283 : i32 to index
      %swap3A_285 = arith.constant 112 : index
      %swap3A_286 = tpu.vector_load %arg8[%swap3A_284, %swap3A_285] {strides = array<i32>} : memref<4x256xf32, #tpu.memory_space<vmem>>, vector<16xf32>,
      tpu.vector_store %arg8[%swap3A_284, %swap3A_285], %scan3A_253#7 {strides = array<i32>} : memref<4x256xf32, #tpu.memory_space<vmem>>, vector<16xf32>,
      %swap3A_287 = arith.constant 1 : i32
      %swap3A_288 = arith.index_cast %swap3A_287 : i32 to index
      %swap3A_289 = arith.constant 128 : index
      %swap3A_290 = tpu.vector_load %arg8[%swap3A_288, %swap3A_289] {strides = array<i32>} : memref<4x256xf32, #tpu.memory_space<vmem>>, vector<16xf32>,
      tpu.vector_store %arg8[%swap3A_288, %swap3A_289], %scan3A_253#8 {strides = array<i32>} : memref<4x256xf32, #tpu.memory_space<vmem>>, vector<16xf32>,
      %swap3A_291 = arith.constant 1 : i32
      %swap3A_292 = arith.index_cast %swap3A_291 : i32 to index
      %swap3A_293 = arith.constant 144 : index
      %swap3A_294 = tpu.vector_load %arg8[%swap3A_292, %swap3A_293] {strides = array<i32>} : memref<4x256xf32, #tpu.memory_space<vmem>>, vector<16xf32>,
      tpu.vector_store %arg8[%swap3A_292, %swap3A_293], %scan3A_253#9 {strides = array<i32>} : memref<4x256xf32, #tpu.memory_space<vmem>>, vector<16xf32>,
      %swap3A_295 = arith.constant 1 : i32
      %swap3A_296 = arith.index_cast %swap3A_295 : i32 to index
      %swap3A_297 = arith.constant 160 : index
      %swap3A_298 = tpu.vector_load %arg8[%swap3A_296, %swap3A_297] {strides = array<i32>} : memref<4x256xf32, #tpu.memory_space<vmem>>, vector<16xf32>,
      tpu.vector_store %arg8[%swap3A_296, %swap3A_297], %scan3A_253#10 {strides = array<i32>} : memref<4x256xf32, #tpu.memory_space<vmem>>, vector<16xf32>,
      %swap3A_299 = arith.constant 1 : i32
      %swap3A_300 = arith.index_cast %swap3A_299 : i32 to index
      %swap3A_301 = arith.constant 176 : index
      %swap3A_302 = tpu.vector_load %arg8[%swap3A_300, %swap3A_301] {strides = array<i32>} : memref<4x256xf32, #tpu.memory_space<vmem>>, vector<16xf32>,
      tpu.vector_store %arg8[%swap3A_300, %swap3A_301], %scan3A_253#11 {strides = array<i32>} : memref<4x256xf32, #tpu.memory_space<vmem>>, vector<16xf32>,
      %swap3A_303 = arith.constant 1 : i32
      %swap3A_304 = arith.index_cast %swap3A_303 : i32 to index
      %swap3A_305 = arith.constant 192 : index
      %swap3A_306 = tpu.vector_load %arg8[%swap3A_304, %swap3A_305] {strides = array<i32>} : memref<4x256xf32, #tpu.memory_space<vmem>>, vector<16xf32>,
      tpu.vector_store %arg8[%swap3A_304, %swap3A_305], %scan3A_253#12 {strides = array<i32>} : memref<4x256xf32, #tpu.memory_space<vmem>>, vector<16xf32>,
      %swap3A_307 = arith.constant 1 : i32
      %swap3A_308 = arith.index_cast %swap3A_307 : i32 to index
      %swap3A_309 = arith.constant 208 : index
      %swap3A_310 = tpu.vector_load %arg8[%swap3A_308, %swap3A_309] {strides = array<i32>} : memref<4x256xf32, #tpu.memory_space<vmem>>, vector<16xf32>,
      tpu.vector_store %arg8[%swap3A_308, %swap3A_309], %scan3A_253#13 {strides = array<i32>} : memref<4x256xf32, #tpu.memory_space<vmem>>, vector<16xf32>,
      %swap3A_311 = arith.constant 1 : i32
      %swap3A_312 = arith.index_cast %swap3A_311 : i32 to index
      %swap3A_313 = arith.constant 224 : index
      %swap3A_314 = tpu.vector_load %arg8[%swap3A_312, %swap3A_313] {strides = array<i32>} : memref<4x256xf32, #tpu.memory_space<vmem>>, vector<16xf32>,
      tpu.vector_store %arg8[%swap3A_312, %swap3A_313], %scan3A_253#14 {strides = array<i32>} : memref<4x256xf32, #tpu.memory_space<vmem>>, vector<16xf32>,
      %swap3A_315 = arith.constant 1 : i32
      %swap3A_316 = arith.index_cast %swap3A_315 : i32 to index
      %swap3A_317 = arith.constant 240 : index
      %swap3A_318 = tpu.vector_load %arg8[%swap3A_316, %swap3A_317] {strides = array<i32>} : memref<4x256xf32, #tpu.memory_space<vmem>>, vector<16xf32>,
      tpu.vector_store %arg8[%swap3A_316, %swap3A_317], %scan3A_253#15 {strides = array<i32>} : memref<4x256xf32, #tpu.memory_space<vmem>>, vector<16xf32>,
      %get3A_319 = arith.constant 64 : i32
      %get3A_320 = arith.index_cast %get3A_319 : i32 to index
      %get3A_321 = arith.constant 0 : index
      %get3A_322 = tpu.vector_load %arg6[%get3A_320, %get3A_321] {strides = array<i32>} : memref<128x256xf32, #tpu.memory_space<vmem>>, vector<16xf32>,
      %get3A_323 = arith.constant 64 : i32
      %get3A_324 = arith.index_cast %get3A_323 : i32 to index
      %get3A_325 = arith.constant 16 : index
      %get3A_326 = tpu.vector_load %arg6[%get3A_324, %get3A_325] {strides = array<i32>} : memref<128x256xf32, #tpu.memory_space<vmem>>, vector<16xf32>,
      %get3A_327 = arith.constant 64 : i32
      %get3A_328 = arith.index_cast %get3A_327 : i32 to index
      %get3A_329 = arith.constant 32 : index
      %get3A_330 = tpu.vector_load %arg6[%get3A_328, %get3A_329] {strides = array<i32>} : memref<128x256xf32, #tpu.memory_space<vmem>>, vector<16xf32>,
      %get3A_331 = arith.constant 64 : i32
      %get3A_332 = arith.index_cast %get3A_331 : i32 to index
      %get3A_333 = arith.constant 48 : index
      %get3A_334 = tpu.vector_load %arg6[%get3A_332, %get3A_333] {strides = array<i32>} : memref<128x256xf32, #tpu.memory_space<vmem>>, vector<16xf32>,
      %get3A_335 = arith.constant 64 : i32
      %get3A_336 = arith.index_cast %get3A_335 : i32 to index
      %get3A_337 = arith.constant 64 : index
      %get3A_338 = tpu.vector_load %arg6[%get3A_336, %get3A_337] {strides = array<i32>} : memref<128x256xf32, #tpu.memory_space<vmem>>, vector<16xf32>,
      %get3A_339 = arith.constant 64 : i32
      %get3A_340 = arith.index_cast %get3A_339 : i32 to index
      %get3A_341 = arith.constant 80 : index
      %get3A_342 = tpu.vector_load %arg6[%get3A_340, %get3A_341] {strides = array<i32>} : memref<128x256xf32, #tpu.memory_space<vmem>>, vector<16xf32>,
      %get3A_343 = arith.constant 64 : i32
      %get3A_344 = arith.index_cast %get3A_343 : i32 to index
      %get3A_345 = arith.constant 96 : index
      %get3A_346 = tpu.vector_load %arg6[%get3A_344, %get3A_345] {strides = array<i32>} : memref<128x256xf32, #tpu.memory_space<vmem>>, vector<16xf32>,
      %get3A_347 = arith.constant 64 : i32
      %get3A_348 = arith.index_cast %get3A_347 : i32 to index
      %get3A_349 = arith.constant 112 : index
      %get3A_350 = tpu.vector_load %arg6[%get3A_348, %get3A_349] {strides = array<i32>} : memref<128x256xf32, #tpu.memory_space<vmem>>, vector<16xf32>,
      %get3A_351 = arith.constant 64 : i32
      %get3A_352 = arith.index_cast %get3A_351 : i32 to index
      %get3A_353 = arith.constant 128 : index
      %get3A_354 = tpu.vector_load %arg6[%get3A_352, %get3A_353] {strides = array<i32>} : memref<128x256xf32, #tpu.memory_space<vmem>>, vector<16xf32>,
      %get3A_355 = arith.constant 64 : i32
      %get3A_356 = arith.index_cast %get3A_355 : i32 to index
      %get3A_357 = arith.constant 144 : index
      %get3A_358 = tpu.vector_load %arg6[%get3A_356, %get3A_357] {strides = array<i32>} : memref<128x256xf32, #tpu.memory_space<vmem>>, vector<16xf32>,
      %get3A_359 = arith.constant 64 : i32
      %get3A_360 = arith.index_cast %get3A_359 : i32 to index
      %get3A_361 = arith.constant 160 : index
      %get3A_362 = tpu.vector_load %arg6[%get3A_360, %get3A_361] {strides = array<i32>} : memref<128x256xf32, #tpu.memory_space<vmem>>, vector<16xf32>,
      %get3A_363 = arith.constant 64 : i32
      %get3A_364 = arith.index_cast %get3A_363 : i32 to index
      %get3A_365 = arith.constant 176 : index
      %get3A_366 = tpu.vector_load %arg6[%get3A_364, %get3A_365] {strides = array<i32>} : memref<128x256xf32, #tpu.memory_space<vmem>>, vector<16xf32>,
      %get3A_367 = arith.constant 64 : i32
      %get3A_368 = arith.index_cast %get3A_367 : i32 to index
      %get3A_369 = arith.constant 192 : index
      %get3A_370 = tpu.vector_load %arg6[%get3A_368, %get3A_369] {strides = array<i32>} : memref<128x256xf32, #tpu.memory_space<vmem>>, vector<16xf32>,
      %get3A_371 = arith.constant 64 : i32
      %get3A_372 = arith.index_cast %get3A_371 : i32 to index
      %get3A_373 = arith.constant 208 : index
      %get3A_374 = tpu.vector_load %arg6[%get3A_372, %get3A_373] {strides = array<i32>} : memref<128x256xf32, #tpu.memory_space<vmem>>, vector<16xf32>,
      %get3A_375 = arith.constant 64 : i32
      %get3A_376 = arith.index_cast %get3A_375 : i32 to index
      %get3A_377 = arith.constant 224 : index
      %get3A_378 = tpu.vector_load %arg6[%get3A_376, %get3A_377] {strides = array<i32>} : memref<128x256xf32, #tpu.memory_space<vmem>>, vector<16xf32>,
      %get3A_379 = arith.constant 64 : i32
      %get3A_380 = arith.index_cast %get3A_379 : i32 to index
      %get3A_381 = arith.constant 240 : index
      %get3A_382 = tpu.vector_load %arg6[%get3A_380, %get3A_381] {strides = array<i32>} : memref<128x256xf32, #tpu.memory_space<vmem>>, vector<16xf32>,
      %scan3A_383 = arith.constant 1 : i32
      %scan3A_384 = arith.constant 31 : i32
      %scan3A_385 = arith.addi %scan3A_383, %scan3A_384 : i32
      %scan3A_386 = arith.constant 1 : i32
      %scan3A_387:16 = scf.for %scan3A_1152 = %scan3A_383 to %scan3A_385 step %scan3A_386 iter_args(%scan3A_1153 = %get3A_322, %scan3A_1154 = %get3A_326, %scan3A_1155 = %get3A_330, %scan3A_1156 = %get3A_334, %scan3A_1157 = %get3A_338, %scan3A_1158 = %get3A_342, %scan3A_1159 = %get3A_346, %scan3A_1160 = %get3A_350, %scan3A_1161 = %get3A_354, %scan3A_1162 = %get3A_358, %scan3A_1163 = %get3A_362, %scan3A_1164 = %get3A_366, %scan3A_1165 = %get3A_370, %scan3A_1166 = %get3A_374, %scan3A_1167 = %get3A_378, %scan3A_1168 = %get3A_382) -> (vector<16xf32>, vector<16xf32>, vector<16xf32>, vector<16xf32>, vector<16xf32>, vector<16xf32>, vector<16xf32>, vector<16xf32>, vector<16xf32>, vector<16xf32>, vector<16xf32>, vector<16xf32>, vector<16xf32>, vector<16xf32>, vector<16xf32>, vector<16xf32>)  : i32 {
        %add3A_1169 = arith.constant 64 : i32
        %add3A_1170 = arith.addi %add3A_1169, %scan3A_1152 : i32
        %get3A_1171 = arith.index_cast %add3A_1170 : i32 to index
        %get3A_1172 = arith.constant 0 : index
        %get3A_1173 = tpu.vector_load %arg6[%get3A_1171, %get3A_1172] {strides = array<i32>} : memref<128x256xf32, #tpu.memory_space<vmem>>, vector<16xf32>,
        %max3A = arith.maximumf %scan3A_1153, %get3A_1173 : vector<16xf32>
        %add3A_1174 = arith.constant 64 : i32
        %add3A_1175 = arith.addi %add3A_1174, %scan3A_1152 : i32
        %get3A_1176 = arith.index_cast %add3A_1175 : i32 to index
        %get3A_1177 = arith.constant 16 : index
        %get3A_1178 = tpu.vector_load %arg6[%get3A_1176, %get3A_1177] {strides = array<i32>} : memref<128x256xf32, #tpu.memory_space<vmem>>, vector<16xf32>,
        %max3A_1179 = arith.maximumf %scan3A_1154, %get3A_1178 : vector<16xf32>
        %add3A_1180 = arith.constant 64 : i32
        %add3A_1181 = arith.addi %add3A_1180, %scan3A_1152 : i32
        %get3A_1182 = arith.index_cast %add3A_1181 : i32 to index
        %get3A_1183 = arith.constant 32 : index
        %get3A_1184 = tpu.vector_load %arg6[%get3A_1182, %get3A_1183] {strides = array<i32>} : memref<128x256xf32, #tpu.memory_space<vmem>>, vector<16xf32>,
        %max3A_1185 = arith.maximumf %scan3A_1155, %get3A_1184 : vector<16xf32>
        %add3A_1186 = arith.constant 64 : i32
        %add3A_1187 = arith.addi %add3A_1186, %scan3A_1152 : i32
        %get3A_1188 = arith.index_cast %add3A_1187 : i32 to index
        %get3A_1189 = arith.constant 48 : index
        %get3A_1190 = tpu.vector_load %arg6[%get3A_1188, %get3A_1189] {strides = array<i32>} : memref<128x256xf32, #tpu.memory_space<vmem>>, vector<16xf32>,
        %max3A_1191 = arith.maximumf %scan3A_1156, %get3A_1190 : vector<16xf32>
        %add3A_1192 = arith.constant 64 : i32
        %add3A_1193 = arith.addi %add3A_1192, %scan3A_1152 : i32
        %get3A_1194 = arith.index_cast %add3A_1193 : i32 to index
        %get3A_1195 = arith.constant 64 : index
        %get3A_1196 = tpu.vector_load %arg6[%get3A_1194, %get3A_1195] {strides = array<i32>} : memref<128x256xf32, #tpu.memory_space<vmem>>, vector<16xf32>,
        %max3A_1197 = arith.maximumf %scan3A_1157, %get3A_1196 : vector<16xf32>
        %add3A_1198 = arith.constant 64 : i32
        %add3A_1199 = arith.addi %add3A_1198, %scan3A_1152 : i32
        %get3A_1200 = arith.index_cast %add3A_1199 : i32 to index
        %get3A_1201 = arith.constant 80 : index
        %get3A_1202 = tpu.vector_load %arg6[%get3A_1200, %get3A_1201] {strides = array<i32>} : memref<128x256xf32, #tpu.memory_space<vmem>>, vector<16xf32>,
        %max3A_1203 = arith.maximumf %scan3A_1158, %get3A_1202 : vector<16xf32>
        %add3A_1204 = arith.constant 64 : i32
        %add3A_1205 = arith.addi %add3A_1204, %scan3A_1152 : i32
        %get3A_1206 = arith.index_cast %add3A_1205 : i32 to index
        %get3A_1207 = arith.constant 96 : index
        %get3A_1208 = tpu.vector_load %arg6[%get3A_1206, %get3A_1207] {strides = array<i32>} : memref<128x256xf32, #tpu.memory_space<vmem>>, vector<16xf32>,
        %max3A_1209 = arith.maximumf %scan3A_1159, %get3A_1208 : vector<16xf32>
        %add3A_1210 = arith.constant 64 : i32
        %add3A_1211 = arith.addi %add3A_1210, %scan3A_1152 : i32
        %get3A_1212 = arith.index_cast %add3A_1211 : i32 to index
        %get3A_1213 = arith.constant 112 : index
        %get3A_1214 = tpu.vector_load %arg6[%get3A_1212, %get3A_1213] {strides = array<i32>} : memref<128x256xf32, #tpu.memory_space<vmem>>, vector<16xf32>,
        %max3A_1215 = arith.maximumf %scan3A_1160, %get3A_1214 : vector<16xf32>
        %add3A_1216 = arith.constant 64 : i32
        %add3A_1217 = arith.addi %add3A_1216, %scan3A_1152 : i32
        %get3A_1218 = arith.index_cast %add3A_1217 : i32 to index
        %get3A_1219 = arith.constant 128 : index
        %get3A_1220 = tpu.vector_load %arg6[%get3A_1218, %get3A_1219] {strides = array<i32>} : memref<128x256xf32, #tpu.memory_space<vmem>>, vector<16xf32>,
        %max3A_1221 = arith.maximumf %scan3A_1161, %get3A_1220 : vector<16xf32>
        %add3A_1222 = arith.constant 64 : i32
        %add3A_1223 = arith.addi %add3A_1222, %scan3A_1152 : i32
        %get3A_1224 = arith.index_cast %add3A_1223 : i32 to index
        %get3A_1225 = arith.constant 144 : index
        %get3A_1226 = tpu.vector_load %arg6[%get3A_1224, %get3A_1225] {strides = array<i32>} : memref<128x256xf32, #tpu.memory_space<vmem>>, vector<16xf32>,
        %max3A_1227 = arith.maximumf %scan3A_1162, %get3A_1226 : vector<16xf32>
        %add3A_1228 = arith.constant 64 : i32
        %add3A_1229 = arith.addi %add3A_1228, %scan3A_1152 : i32
        %get3A_1230 = arith.index_cast %add3A_1229 : i32 to index
        %get3A_1231 = arith.constant 160 : index
        %get3A_1232 = tpu.vector_load %arg6[%get3A_1230, %get3A_1231] {strides = array<i32>} : memref<128x256xf32, #tpu.memory_space<vmem>>, vector<16xf32>,
        %max3A_1233 = arith.maximumf %scan3A_1163, %get3A_1232 : vector<16xf32>
        %add3A_1234 = arith.constant 64 : i32
        %add3A_1235 = arith.addi %add3A_1234, %scan3A_1152 : i32
        %get3A_1236 = arith.index_cast %add3A_1235 : i32 to index
        %get3A_1237 = arith.constant 176 : index
        %get3A_1238 = tpu.vector_load %arg6[%get3A_1236, %get3A_1237] {strides = array<i32>} : memref<128x256xf32, #tpu.memory_space<vmem>>, vector<16xf32>,
        %max3A_1239 = arith.maximumf %scan3A_1164, %get3A_1238 : vector<16xf32>
        %add3A_1240 = arith.constant 64 : i32
        %add3A_1241 = arith.addi %add3A_1240, %scan3A_1152 : i32
        %get3A_1242 = arith.index_cast %add3A_1241 : i32 to index
        %get3A_1243 = arith.constant 192 : index
        %get3A_1244 = tpu.vector_load %arg6[%get3A_1242, %get3A_1243] {strides = array<i32>} : memref<128x256xf32, #tpu.memory_space<vmem>>, vector<16xf32>,
        %max3A_1245 = arith.maximumf %scan3A_1165, %get3A_1244 : vector<16xf32>
        %add3A_1246 = arith.constant 64 : i32
        %add3A_1247 = arith.addi %add3A_1246, %scan3A_1152 : i32
        %get3A_1248 = arith.index_cast %add3A_1247 : i32 to index
        %get3A_1249 = arith.constant 208 : index
        %get3A_1250 = tpu.vector_load %arg6[%get3A_1248, %get3A_1249] {strides = array<i32>} : memref<128x256xf32, #tpu.memory_space<vmem>>, vector<16xf32>,
        %max3A_1251 = arith.maximumf %scan3A_1166, %get3A_1250 : vector<16xf32>
        %add3A_1252 = arith.constant 64 : i32
        %add3A_1253 = arith.addi %add3A_1252, %scan3A_1152 : i32
        %get3A_1254 = arith.index_cast %add3A_1253 : i32 to index
        %get3A_1255 = arith.constant 224 : index
        %get3A_1256 = tpu.vector_load %arg6[%get3A_1254, %get3A_1255] {strides = array<i32>} : memref<128x256xf32, #tpu.memory_space<vmem>>, vector<16xf32>,
        %max3A_1257 = arith.maximumf %scan3A_1167, %get3A_1256 : vector<16xf32>
        %add3A_1258 = arith.constant 64 : i32
        %add3A_1259 = arith.addi %add3A_1258, %scan3A_1152 : i32
        %get3A_1260 = arith.index_cast %add3A_1259 : i32 to index
        %get3A_1261 = arith.constant 240 : index
        %get3A_1262 = tpu.vector_load %arg6[%get3A_1260, %get3A_1261] {strides = array<i32>} : memref<128x256xf32, #tpu.memory_space<vmem>>, vector<16xf32>,
        %max3A_1263 = arith.maximumf %scan3A_1168, %get3A_1262 : vector<16xf32>
        scf.yield %max3A, %max3A_1179, %max3A_1185, %max3A_1191, %max3A_1197, %max3A_1203, %max3A_1209, %max3A_1215, %max3A_1221, %max3A_1227, %max3A_1233, %max3A_1239, %max3A_1245, %max3A_1251, %max3A_1257, %max3A_1263 : vector<16xf32>, vector<16xf32>, vector<16xf32>, vector<16xf32>, vector<16xf32>, vector<16xf32>, vector<16xf32>, vector<16xf32>, vector<16xf32>, vector<16xf32>, vector<16xf32>, vector<16xf32>, vector<16xf32>, vector<16xf32>, vector<16xf32>, vector<16xf32>
      }
      %scan3A_388 = arith.constant 31 : i32
      %swap3A_389 = arith.constant 2 : i32
      %swap3A_390 = arith.index_cast %swap3A_389 : i32 to index
      %swap3A_391 = arith.constant 0 : index
      %swap3A_392 = tpu.vector_load %arg8[%swap3A_390, %swap3A_391] {strides = array<i32>} : memref<4x256xf32, #tpu.memory_space<vmem>>, vector<16xf32>,
      tpu.vector_store %arg8[%swap3A_390, %swap3A_391], %scan3A_387#0 {strides = array<i32>} : memref<4x256xf32, #tpu.memory_space<vmem>>, vector<16xf32>,
      %swap3A_393 = arith.constant 2 : i32
      %swap3A_394 = arith.index_cast %swap3A_393 : i32 to index
      %swap3A_395 = arith.constant 16 : index
      %swap3A_396 = tpu.vector_load %arg8[%swap3A_394, %swap3A_395] {strides = array<i32>} : memref<4x256xf32, #tpu.memory_space<vmem>>, vector<16xf32>,
      tpu.vector_store %arg8[%swap3A_394, %swap3A_395], %scan3A_387#1 {strides = array<i32>} : memref<4x256xf32, #tpu.memory_space<vmem>>, vector<16xf32>,
      %swap3A_397 = arith.constant 2 : i32
      %swap3A_398 = arith.index_cast %swap3A_397 : i32 to index
      %swap3A_399 = arith.constant 32 : index
      %swap3A_400 = tpu.vector_load %arg8[%swap3A_398, %swap3A_399] {strides = array<i32>} : memref<4x256xf32, #tpu.memory_space<vmem>>, vector<16xf32>,
      tpu.vector_store %arg8[%swap3A_398, %swap3A_399], %scan3A_387#2 {strides = array<i32>} : memref<4x256xf32, #tpu.memory_space<vmem>>, vector<16xf32>,
      %swap3A_401 = arith.constant 2 : i32
      %swap3A_402 = arith.index_cast %swap3A_401 : i32 to index
      %swap3A_403 = arith.constant 48 : index
      %swap3A_404 = tpu.vector_load %arg8[%swap3A_402, %swap3A_403] {strides = array<i32>} : memref<4x256xf32, #tpu.memory_space<vmem>>, vector<16xf32>,
      tpu.vector_store %arg8[%swap3A_402, %swap3A_403], %scan3A_387#3 {strides = array<i32>} : memref<4x256xf32, #tpu.memory_space<vmem>>, vector<16xf32>,
      %swap3A_405 = arith.constant 2 : i32
      %swap3A_406 = arith.index_cast %swap3A_405 : i32 to index
      %swap3A_407 = arith.constant 64 : index
      %swap3A_408 = tpu.vector_load %arg8[%swap3A_406, %swap3A_407] {strides = array<i32>} : memref<4x256xf32, #tpu.memory_space<vmem>>, vector<16xf32>,
      tpu.vector_store %arg8[%swap3A_406, %swap3A_407], %scan3A_387#4 {strides = array<i32>} : memref<4x256xf32, #tpu.memory_space<vmem>>, vector<16xf32>,
      %swap3A_409 = arith.constant 2 : i32
      %swap3A_410 = arith.index_cast %swap3A_409 : i32 to index
      %swap3A_411 = arith.constant 80 : index
      %swap3A_412 = tpu.vector_load %arg8[%swap3A_410, %swap3A_411] {strides = array<i32>} : memref<4x256xf32, #tpu.memory_space<vmem>>, vector<16xf32>,
      tpu.vector_store %arg8[%swap3A_410, %swap3A_411], %scan3A_387#5 {strides = array<i32>} : memref<4x256xf32, #tpu.memory_space<vmem>>, vector<16xf32>,
      %swap3A_413 = arith.constant 2 : i32
      %swap3A_414 = arith.index_cast %swap3A_413 : i32 to index
      %swap3A_415 = arith.constant 96 : index
      %swap3A_416 = tpu.vector_load %arg8[%swap3A_414, %swap3A_415] {strides = array<i32>} : memref<4x256xf32, #tpu.memory_space<vmem>>, vector<16xf32>,
      tpu.vector_store %arg8[%swap3A_414, %swap3A_415], %scan3A_387#6 {strides = array<i32>} : memref<4x256xf32, #tpu.memory_space<vmem>>, vector<16xf32>,
      %swap3A_417 = arith.constant 2 : i32
      %swap3A_418 = arith.index_cast %swap3A_417 : i32 to index
      %swap3A_419 = arith.constant 112 : index
      %swap3A_420 = tpu.vector_load %arg8[%swap3A_418, %swap3A_419] {strides = array<i32>} : memref<4x256xf32, #tpu.memory_space<vmem>>, vector<16xf32>,
      tpu.vector_store %arg8[%swap3A_418, %swap3A_419], %scan3A_387#7 {strides = array<i32>} : memref<4x256xf32, #tpu.memory_space<vmem>>, vector<16xf32>,
      %swap3A_421 = arith.constant 2 : i32
      %swap3A_422 = arith.index_cast %swap3A_421 : i32 to index
      %swap3A_423 = arith.constant 128 : index
      %swap3A_424 = tpu.vector_load %arg8[%swap3A_422, %swap3A_423] {strides = array<i32>} : memref<4x256xf32, #tpu.memory_space<vmem>>, vector<16xf32>,
      tpu.vector_store %arg8[%swap3A_422, %swap3A_423], %scan3A_387#8 {strides = array<i32>} : memref<4x256xf32, #tpu.memory_space<vmem>>, vector<16xf32>,
      %swap3A_425 = arith.constant 2 : i32
      %swap3A_426 = arith.index_cast %swap3A_425 : i32 to index
      %swap3A_427 = arith.constant 144 : index
      %swap3A_428 = tpu.vector_load %arg8[%swap3A_426, %swap3A_427] {strides = array<i32>} : memref<4x256xf32, #tpu.memory_space<vmem>>, vector<16xf32>,
      tpu.vector_store %arg8[%swap3A_426, %swap3A_427], %scan3A_387#9 {strides = array<i32>} : memref<4x256xf32, #tpu.memory_space<vmem>>, vector<16xf32>,
      %swap3A_429 = arith.constant 2 : i32
      %swap3A_430 = arith.index_cast %swap3A_429 : i32 to index
      %swap3A_431 = arith.constant 160 : index
      %swap3A_432 = tpu.vector_load %arg8[%swap3A_430, %swap3A_431] {strides = array<i32>} : memref<4x256xf32, #tpu.memory_space<vmem>>, vector<16xf32>,
      tpu.vector_store %arg8[%swap3A_430, %swap3A_431], %scan3A_387#10 {strides = array<i32>} : memref<4x256xf32, #tpu.memory_space<vmem>>, vector<16xf32>,
      %swap3A_433 = arith.constant 2 : i32
      %swap3A_434 = arith.index_cast %swap3A_433 : i32 to index
      %swap3A_435 = arith.constant 176 : index
      %swap3A_436 = tpu.vector_load %arg8[%swap3A_434, %swap3A_435] {strides = array<i32>} : memref<4x256xf32, #tpu.memory_space<vmem>>, vector<16xf32>,
      tpu.vector_store %arg8[%swap3A_434, %swap3A_435], %scan3A_387#11 {strides = array<i32>} : memref<4x256xf32, #tpu.memory_space<vmem>>, vector<16xf32>,
      %swap3A_437 = arith.constant 2 : i32
      %swap3A_438 = arith.index_cast %swap3A_437 : i32 to index
      %swap3A_439 = arith.constant 192 : index
      %swap3A_440 = tpu.vector_load %arg8[%swap3A_438, %swap3A_439] {strides = array<i32>} : memref<4x256xf32, #tpu.memory_space<vmem>>, vector<16xf32>,
      tpu.vector_store %arg8[%swap3A_438, %swap3A_439], %scan3A_387#12 {strides = array<i32>} : memref<4x256xf32, #tpu.memory_space<vmem>>, vector<16xf32>,
      %swap3A_441 = arith.constant 2 : i32
      %swap3A_442 = arith.index_cast %swap3A_441 : i32 to index
      %swap3A_443 = arith.constant 208 : index
      %swap3A_444 = tpu.vector_load %arg8[%swap3A_442, %swap3A_443] {strides = array<i32>} : memref<4x256xf32, #tpu.memory_space<vmem>>, vector<16xf32>,
      tpu.vector_store %arg8[%swap3A_442, %swap3A_443], %scan3A_387#13 {strides = array<i32>} : memref<4x256xf32, #tpu.memory_space<vmem>>, vector<16xf32>,
      %swap3A_445 = arith.constant 2 : i32
      %swap3A_446 = arith.index_cast %swap3A_445 : i32 to index
      %swap3A_447 = arith.constant 224 : index
      %swap3A_448 = tpu.vector_load %arg8[%swap3A_446, %swap3A_447] {strides = array<i32>} : memref<4x256xf32, #tpu.memory_space<vmem>>, vector<16xf32>,
      tpu.vector_store %arg8[%swap3A_446, %swap3A_447], %scan3A_387#14 {strides = array<i32>} : memref<4x256xf32, #tpu.memory_space<vmem>>, vector<16xf32>,
      %swap3A_449 = arith.constant 2 : i32
      %swap3A_450 = arith.index_cast %swap3A_449 : i32 to index
      %swap3A_451 = arith.constant 240 : index
      %swap3A_452 = tpu.vector_load %arg8[%swap3A_450, %swap3A_451] {strides = array<i32>} : memref<4x256xf32, #tpu.memory_space<vmem>>, vector<16xf32>,
      tpu.vector_store %arg8[%swap3A_450, %swap3A_451], %scan3A_387#15 {strides = array<i32>} : memref<4x256xf32, #tpu.memory_space<vmem>>, vector<16xf32>,
      %get3A_453 = arith.constant 96 : i32
      %get3A_454 = arith.index_cast %get3A_453 : i32 to index
      %get3A_455 = arith.constant 0 : index
      %get3A_456 = tpu.vector_load %arg6[%get3A_454, %get3A_455] {strides = array<i32>} : memref<128x256xf32, #tpu.memory_space<vmem>>, vector<16xf32>,
      %get3A_457 = arith.constant 96 : i32
      %get3A_458 = arith.index_cast %get3A_457 : i32 to index
      %get3A_459 = arith.constant 16 : index
      %get3A_460 = tpu.vector_load %arg6[%get3A_458, %get3A_459] {strides = array<i32>} : memref<128x256xf32, #tpu.memory_space<vmem>>, vector<16xf32>,
      %get3A_461 = arith.constant 96 : i32
      %get3A_462 = arith.index_cast %get3A_461 : i32 to index
      %get3A_463 = arith.constant 32 : index
      %get3A_464 = tpu.vector_load %arg6[%get3A_462, %get3A_463] {strides = array<i32>} : memref<128x256xf32, #tpu.memory_space<vmem>>, vector<16xf32>,
      %get3A_465 = arith.constant 96 : i32
      %get3A_466 = arith.index_cast %get3A_465 : i32 to index
      %get3A_467 = arith.constant 48 : index
      %get3A_468 = tpu.vector_load %arg6[%get3A_466, %get3A_467] {strides = array<i32>} : memref<128x256xf32, #tpu.memory_space<vmem>>, vector<16xf32>,
      %get3A_469 = arith.constant 96 : i32
      %get3A_470 = arith.index_cast %get3A_469 : i32 to index
      %get3A_471 = arith.constant 64 : index
      %get3A_472 = tpu.vector_load %arg6[%get3A_470, %get3A_471] {strides = array<i32>} : memref<128x256xf32, #tpu.memory_space<vmem>>, vector<16xf32>,
      %get3A_473 = arith.constant 96 : i32
      %get3A_474 = arith.index_cast %get3A_473 : i32 to index
      %get3A_475 = arith.constant 80 : index
      %get3A_476 = tpu.vector_load %arg6[%get3A_474, %get3A_475] {strides = array<i32>} : memref<128x256xf32, #tpu.memory_space<vmem>>, vector<16xf32>,
      %get3A_477 = arith.constant 96 : i32
      %get3A_478 = arith.index_cast %get3A_477 : i32 to index
      %get3A_479 = arith.constant 96 : index
      %get3A_480 = tpu.vector_load %arg6[%get3A_478, %get3A_479] {strides = array<i32>} : memref<128x256xf32, #tpu.memory_space<vmem>>, vector<16xf32>,
      %get3A_481 = arith.constant 96 : i32
      %get3A_482 = arith.index_cast %get3A_481 : i32 to index
      %get3A_483 = arith.constant 112 : index
      %get3A_484 = tpu.vector_load %arg6[%get3A_482, %get3A_483] {strides = array<i32>} : memref<128x256xf32, #tpu.memory_space<vmem>>, vector<16xf32>,
      %get3A_485 = arith.constant 96 : i32
      %get3A_486 = arith.index_cast %get3A_485 : i32 to index
      %get3A_487 = arith.constant 128 : index
      %get3A_488 = tpu.vector_load %arg6[%get3A_486, %get3A_487] {strides = array<i32>} : memref<128x256xf32, #tpu.memory_space<vmem>>, vector<16xf32>,
      %get3A_489 = arith.constant 96 : i32
      %get3A_490 = arith.index_cast %get3A_489 : i32 to index
      %get3A_491 = arith.constant 144 : index
      %get3A_492 = tpu.vector_load %arg6[%get3A_490, %get3A_491] {strides = array<i32>} : memref<128x256xf32, #tpu.memory_space<vmem>>, vector<16xf32>,
      %get3A_493 = arith.constant 96 : i32
      %get3A_494 = arith.index_cast %get3A_493 : i32 to index
      %get3A_495 = arith.constant 160 : index
      %get3A_496 = tpu.vector_load %arg6[%get3A_494, %get3A_495] {strides = array<i32>} : memref<128x256xf32, #tpu.memory_space<vmem>>, vector<16xf32>,
      %get3A_497 = arith.constant 96 : i32
      %get3A_498 = arith.index_cast %get3A_497 : i32 to index
      %get3A_499 = arith.constant 176 : index
      %get3A_500 = tpu.vector_load %arg6[%get3A_498, %get3A_499] {strides = array<i32>} : memref<128x256xf32, #tpu.memory_space<vmem>>, vector<16xf32>,
      %get3A_501 = arith.constant 96 : i32
      %get3A_502 = arith.index_cast %get3A_501 : i32 to index
      %get3A_503 = arith.constant 192 : index
      %get3A_504 = tpu.vector_load %arg6[%get3A_502, %get3A_503] {strides = array<i32>} : memref<128x256xf32, #tpu.memory_space<vmem>>, vector<16xf32>,
      %get3A_505 = arith.constant 96 : i32
      %get3A_506 = arith.index_cast %get3A_505 : i32 to index
      %get3A_507 = arith.constant 208 : index
      %get3A_508 = tpu.vector_load %arg6[%get3A_506, %get3A_507] {strides = array<i32>} : memref<128x256xf32, #tpu.memory_space<vmem>>, vector<16xf32>,
      %get3A_509 = arith.constant 96 : i32
      %get3A_510 = arith.index_cast %get3A_509 : i32 to index
      %get3A_511 = arith.constant 224 : index
      %get3A_512 = tpu.vector_load %arg6[%get3A_510, %get3A_511] {strides = array<i32>} : memref<128x256xf32, #tpu.memory_space<vmem>>, vector<16xf32>,
      %get3A_513 = arith.constant 96 : i32
      %get3A_514 = arith.index_cast %get3A_513 : i32 to index
      %get3A_515 = arith.constant 240 : index
      %get3A_516 = tpu.vector_load %arg6[%get3A_514, %get3A_515] {strides = array<i32>} : memref<128x256xf32, #tpu.memory_space<vmem>>, vector<16xf32>,
      %scan3A_517 = arith.constant 1 : i32
      %scan3A_518 = arith.constant 31 : i32
      %scan3A_519 = arith.addi %scan3A_517, %scan3A_518 : i32
      %scan3A_520 = arith.constant 1 : i32
      %scan3A_521:16 = scf.for %scan3A_1152 = %scan3A_517 to %scan3A_519 step %scan3A_520 iter_args(%scan3A_1153 = %get3A_456, %scan3A_1154 = %get3A_460, %scan3A_1155 = %get3A_464, %scan3A_1156 = %get3A_468, %scan3A_1157 = %get3A_472, %scan3A_1158 = %get3A_476, %scan3A_1159 = %get3A_480, %scan3A_1160 = %get3A_484, %scan3A_1161 = %get3A_488, %scan3A_1162 = %get3A_492, %scan3A_1163 = %get3A_496, %scan3A_1164 = %get3A_500, %scan3A_1165 = %get3A_504, %scan3A_1166 = %get3A_508, %scan3A_1167 = %get3A_512, %scan3A_1168 = %get3A_516) -> (vector<16xf32>, vector<16xf32>, vector<16xf32>, vector<16xf32>, vector<16xf32>, vector<16xf32>, vector<16xf32>, vector<16xf32>, vector<16xf32>, vector<16xf32>, vector<16xf32>, vector<16xf32>, vector<16xf32>, vector<16xf32>, vector<16xf32>, vector<16xf32>)  : i32 {
        %add3A_1169 = arith.constant 96 : i32
        %add3A_1170 = arith.addi %add3A_1169, %scan3A_1152 : i32
        %get3A_1171 = arith.index_cast %add3A_1170 : i32 to index
        %get3A_1172 = arith.constant 0 : index
        %get3A_1173 = tpu.vector_load %arg6[%get3A_1171, %get3A_1172] {strides = array<i32>} : memref<128x256xf32, #tpu.memory_space<vmem>>, vector<16xf32>,
        %max3A = arith.maximumf %scan3A_1153, %get3A_1173 : vector<16xf32>
        %add3A_1174 = arith.constant 96 : i32
        %add3A_1175 = arith.addi %add3A_1174, %scan3A_1152 : i32
        %get3A_1176 = arith.index_cast %add3A_1175 : i32 to index
        %get3A_1177 = arith.constant 16 : index
        %get3A_1178 = tpu.vector_load %arg6[%get3A_1176, %get3A_1177] {strides = array<i32>} : memref<128x256xf32, #tpu.memory_space<vmem>>, vector<16xf32>,
        %max3A_1179 = arith.maximumf %scan3A_1154, %get3A_1178 : vector<16xf32>
        %add3A_1180 = arith.constant 96 : i32
        %add3A_1181 = arith.addi %add3A_1180, %scan3A_1152 : i32
        %get3A_1182 = arith.index_cast %add3A_1181 : i32 to index
        %get3A_1183 = arith.constant 32 : index
        %get3A_1184 = tpu.vector_load %arg6[%get3A_1182, %get3A_1183] {strides = array<i32>} : memref<128x256xf32, #tpu.memory_space<vmem>>, vector<16xf32>,
        %max3A_1185 = arith.maximumf %scan3A_1155, %get3A_1184 : vector<16xf32>
        %add3A_1186 = arith.constant 96 : i32
        %add3A_1187 = arith.addi %add3A_1186, %scan3A_1152 : i32
        %get3A_1188 = arith.index_cast %add3A_1187 : i32 to index
        %get3A_1189 = arith.constant 48 : index
        %get3A_1190 = tpu.vector_load %arg6[%get3A_1188, %get3A_1189] {strides = array<i32>} : memref<128x256xf32, #tpu.memory_space<vmem>>, vector<16xf32>,
        %max3A_1191 = arith.maximumf %scan3A_1156, %get3A_1190 : vector<16xf32>
        %add3A_1192 = arith.constant 96 : i32
        %add3A_1193 = arith.addi %add3A_1192, %scan3A_1152 : i32
        %get3A_1194 = arith.index_cast %add3A_1193 : i32 to index
        %get3A_1195 = arith.constant 64 : index
        %get3A_1196 = tpu.vector_load %arg6[%get3A_1194, %get3A_1195] {strides = array<i32>} : memref<128x256xf32, #tpu.memory_space<vmem>>, vector<16xf32>,
        %max3A_1197 = arith.maximumf %scan3A_1157, %get3A_1196 : vector<16xf32>
        %add3A_1198 = arith.constant 96 : i32
        %add3A_1199 = arith.addi %add3A_1198, %scan3A_1152 : i32
        %get3A_1200 = arith.index_cast %add3A_1199 : i32 to index
        %get3A_1201 = arith.constant 80 : index
        %get3A_1202 = tpu.vector_load %arg6[%get3A_1200, %get3A_1201] {strides = array<i32>} : memref<128x256xf32, #tpu.memory_space<vmem>>, vector<16xf32>,
        %max3A_1203 = arith.maximumf %scan3A_1158, %get3A_1202 : vector<16xf32>
        %add3A_1204 = arith.constant 96 : i32
        %add3A_1205 = arith.addi %add3A_1204, %scan3A_1152 : i32
        %get3A_1206 = arith.index_cast %add3A_1205 : i32 to index
        %get3A_1207 = arith.constant 96 : index
        %get3A_1208 = tpu.vector_load %arg6[%get3A_1206, %get3A_1207] {strides = array<i32>} : memref<128x256xf32, #tpu.memory_space<vmem>>, vector<16xf32>,
        %max3A_1209 = arith.maximumf %scan3A_1159, %get3A_1208 : vector<16xf32>
        %add3A_1210 = arith.constant 96 : i32
        %add3A_1211 = arith.addi %add3A_1210, %scan3A_1152 : i32
        %get3A_1212 = arith.index_cast %add3A_1211 : i32 to index
        %get3A_1213 = arith.constant 112 : index
        %get3A_1214 = tpu.vector_load %arg6[%get3A_1212, %get3A_1213] {strides = array<i32>} : memref<128x256xf32, #tpu.memory_space<vmem>>, vector<16xf32>,
        %max3A_1215 = arith.maximumf %scan3A_1160, %get3A_1214 : vector<16xf32>
        %add3A_1216 = arith.constant 96 : i32
        %add3A_1217 = arith.addi %add3A_1216, %scan3A_1152 : i32
        %get3A_1218 = arith.index_cast %add3A_1217 : i32 to index
        %get3A_1219 = arith.constant 128 : index
        %get3A_1220 = tpu.vector_load %arg6[%get3A_1218, %get3A_1219] {strides = array<i32>} : memref<128x256xf32, #tpu.memory_space<vmem>>, vector<16xf32>,
        %max3A_1221 = arith.maximumf %scan3A_1161, %get3A_1220 : vector<16xf32>
        %add3A_1222 = arith.constant 96 : i32
        %add3A_1223 = arith.addi %add3A_1222, %scan3A_1152 : i32
        %get3A_1224 = arith.index_cast %add3A_1223 : i32 to index
        %get3A_1225 = arith.constant 144 : index
        %get3A_1226 = tpu.vector_load %arg6[%get3A_1224, %get3A_1225] {strides = array<i32>} : memref<128x256xf32, #tpu.memory_space<vmem>>, vector<16xf32>,
        %max3A_1227 = arith.maximumf %scan3A_1162, %get3A_1226 : vector<16xf32>
        %add3A_1228 = arith.constant 96 : i32
        %add3A_1229 = arith.addi %add3A_1228, %scan3A_1152 : i32
        %get3A_1230 = arith.index_cast %add3A_1229 : i32 to index
        %get3A_1231 = arith.constant 160 : index
        %get3A_1232 = tpu.vector_load %arg6[%get3A_1230, %get3A_1231] {strides = array<i32>} : memref<128x256xf32, #tpu.memory_space<vmem>>, vector<16xf32>,
        %max3A_1233 = arith.maximumf %scan3A_1163, %get3A_1232 : vector<16xf32>
        %add3A_1234 = arith.constant 96 : i32
        %add3A_1235 = arith.addi %add3A_1234, %scan3A_1152 : i32
        %get3A_1236 = arith.index_cast %add3A_1235 : i32 to index
        %get3A_1237 = arith.constant 176 : index
        %get3A_1238 = tpu.vector_load %arg6[%get3A_1236, %get3A_1237] {strides = array<i32>} : memref<128x256xf32, #tpu.memory_space<vmem>>, vector<16xf32>,
        %max3A_1239 = arith.maximumf %scan3A_1164, %get3A_1238 : vector<16xf32>
        %add3A_1240 = arith.constant 96 : i32
        %add3A_1241 = arith.addi %add3A_1240, %scan3A_1152 : i32
        %get3A_1242 = arith.index_cast %add3A_1241 : i32 to index
        %get3A_1243 = arith.constant 192 : index
        %get3A_1244 = tpu.vector_load %arg6[%get3A_1242, %get3A_1243] {strides = array<i32>} : memref<128x256xf32, #tpu.memory_space<vmem>>, vector<16xf32>,
        %max3A_1245 = arith.maximumf %scan3A_1165, %get3A_1244 : vector<16xf32>
        %add3A_1246 = arith.constant 96 : i32
        %add3A_1247 = arith.addi %add3A_1246, %scan3A_1152 : i32
        %get3A_1248 = arith.index_cast %add3A_1247 : i32 to index
        %get3A_1249 = arith.constant 208 : index
        %get3A_1250 = tpu.vector_load %arg6[%get3A_1248, %get3A_1249] {strides = array<i32>} : memref<128x256xf32, #tpu.memory_space<vmem>>, vector<16xf32>,
        %max3A_1251 = arith.maximumf %scan3A_1166, %get3A_1250 : vector<16xf32>
        %add3A_1252 = arith.constant 96 : i32
        %add3A_1253 = arith.addi %add3A_1252, %scan3A_1152 : i32
        %get3A_1254 = arith.index_cast %add3A_1253 : i32 to index
        %get3A_1255 = arith.constant 224 : index
        %get3A_1256 = tpu.vector_load %arg6[%get3A_1254, %get3A_1255] {strides = array<i32>} : memref<128x256xf32, #tpu.memory_space<vmem>>, vector<16xf32>,
        %max3A_1257 = arith.maximumf %scan3A_1167, %get3A_1256 : vector<16xf32>
        %add3A_1258 = arith.constant 96 : i32
        %add3A_1259 = arith.addi %add3A_1258, %scan3A_1152 : i32
        %get3A_1260 = arith.index_cast %add3A_1259 : i32 to index
        %get3A_1261 = arith.constant 240 : index
        %get3A_1262 = tpu.vector_load %arg6[%get3A_1260, %get3A_1261] {strides = array<i32>} : memref<128x256xf32, #tpu.memory_space<vmem>>, vector<16xf32>,
        %max3A_1263 = arith.maximumf %scan3A_1168, %get3A_1262 : vector<16xf32>
        scf.yield %max3A, %max3A_1179, %max3A_1185, %max3A_1191, %max3A_1197, %max3A_1203, %max3A_1209, %max3A_1215, %max3A_1221, %max3A_1227, %max3A_1233, %max3A_1239, %max3A_1245, %max3A_1251, %max3A_1257, %max3A_1263 : vector<16xf32>, vector<16xf32>, vector<16xf32>, vector<16xf32>, vector<16xf32>, vector<16xf32>, vector<16xf32>, vector<16xf32>, vector<16xf32>, vector<16xf32>, vector<16xf32>, vector<16xf32>, vector<16xf32>, vector<16xf32>, vector<16xf32>, vector<16xf32>
      }
      %scan3A_522 = arith.constant 31 : i32
      %swap3A_523 = arith.constant 3 : i32
      %swap3A_524 = arith.index_cast %swap3A_523 : i32 to index
      %swap3A_525 = arith.constant 0 : index
      %swap3A_526 = tpu.vector_load %arg8[%swap3A_524, %swap3A_525] {strides = array<i32>} : memref<4x256xf32, #tpu.memory_space<vmem>>, vector<16xf32>,
      tpu.vector_store %arg8[%swap3A_524, %swap3A_525], %scan3A_521#0 {strides = array<i32>} : memref<4x256xf32, #tpu.memory_space<vmem>>, vector<16xf32>,
      %swap3A_527 = arith.constant 3 : i32
      %swap3A_528 = arith.index_cast %swap3A_527 : i32 to index
      %swap3A_529 = arith.constant 16 : index
      %swap3A_530 = tpu.vector_load %arg8[%swap3A_528, %swap3A_529] {strides = array<i32>} : memref<4x256xf32, #tpu.memory_space<vmem>>, vector<16xf32>,
      tpu.vector_store %arg8[%swap3A_528, %swap3A_529], %scan3A_521#1 {strides = array<i32>} : memref<4x256xf32, #tpu.memory_space<vmem>>, vector<16xf32>,
      %swap3A_531 = arith.constant 3 : i32
      %swap3A_532 = arith.index_cast %swap3A_531 : i32 to index
      %swap3A_533 = arith.constant 32 : index
      %swap3A_534 = tpu.vector_load %arg8[%swap3A_532, %swap3A_533] {strides = array<i32>} : memref<4x256xf32, #tpu.memory_space<vmem>>, vector<16xf32>,
      tpu.vector_store %arg8[%swap3A_532, %swap3A_533], %scan3A_521#2 {strides = array<i32>} : memref<4x256xf32, #tpu.memory_space<vmem>>, vector<16xf32>,
      %swap3A_535 = arith.constant 3 : i32
      %swap3A_536 = arith.index_cast %swap3A_535 : i32 to index
      %swap3A_537 = arith.constant 48 : index
      %swap3A_538 = tpu.vector_load %arg8[%swap3A_536, %swap3A_537] {strides = array<i32>} : memref<4x256xf32, #tpu.memory_space<vmem>>, vector<16xf32>,
      tpu.vector_store %arg8[%swap3A_536, %swap3A_537], %scan3A_521#3 {strides = array<i32>} : memref<4x256xf32, #tpu.memory_space<vmem>>, vector<16xf32>,
      %swap3A_539 = arith.constant 3 : i32
      %swap3A_540 = arith.index_cast %swap3A_539 : i32 to index
      %swap3A_541 = arith.constant 64 : index
      %swap3A_542 = tpu.vector_load %arg8[%swap3A_540, %swap3A_541] {strides = array<i32>} : memref<4x256xf32, #tpu.memory_space<vmem>>, vector<16xf32>,
      tpu.vector_store %arg8[%swap3A_540, %swap3A_541], %scan3A_521#4 {strides = array<i32>} : memref<4x256xf32, #tpu.memory_space<vmem>>, vector<16xf32>,
      %swap3A_543 = arith.constant 3 : i32
      %swap3A_544 = arith.index_cast %swap3A_543 : i32 to index
      %swap3A_545 = arith.constant 80 : index
      %swap3A_546 = tpu.vector_load %arg8[%swap3A_544, %swap3A_545] {strides = array<i32>} : memref<4x256xf32, #tpu.memory_space<vmem>>, vector<16xf32>,
      tpu.vector_store %arg8[%swap3A_544, %swap3A_545], %scan3A_521#5 {strides = array<i32>} : memref<4x256xf32, #tpu.memory_space<vmem>>, vector<16xf32>,
      %swap3A_547 = arith.constant 3 : i32
      %swap3A_548 = arith.index_cast %swap3A_547 : i32 to index
      %swap3A_549 = arith.constant 96 : index
      %swap3A_550 = tpu.vector_load %arg8[%swap3A_548, %swap3A_549] {strides = array<i32>} : memref<4x256xf32, #tpu.memory_space<vmem>>, vector<16xf32>,
      tpu.vector_store %arg8[%swap3A_548, %swap3A_549], %scan3A_521#6 {strides = array<i32>} : memref<4x256xf32, #tpu.memory_space<vmem>>, vector<16xf32>,
      %swap3A_551 = arith.constant 3 : i32
      %swap3A_552 = arith.index_cast %swap3A_551 : i32 to index
      %swap3A_553 = arith.constant 112 : index
      %swap3A_554 = tpu.vector_load %arg8[%swap3A_552, %swap3A_553] {strides = array<i32>} : memref<4x256xf32, #tpu.memory_space<vmem>>, vector<16xf32>,
      tpu.vector_store %arg8[%swap3A_552, %swap3A_553], %scan3A_521#7 {strides = array<i32>} : memref<4x256xf32, #tpu.memory_space<vmem>>, vector<16xf32>,
      %swap3A_555 = arith.constant 3 : i32
      %swap3A_556 = arith.index_cast %swap3A_555 : i32 to index
      %swap3A_557 = arith.constant 128 : index
      %swap3A_558 = tpu.vector_load %arg8[%swap3A_556, %swap3A_557] {strides = array<i32>} : memref<4x256xf32, #tpu.memory_space<vmem>>, vector<16xf32>,
      tpu.vector_store %arg8[%swap3A_556, %swap3A_557], %scan3A_521#8 {strides = array<i32>} : memref<4x256xf32, #tpu.memory_space<vmem>>, vector<16xf32>,
      %swap3A_559 = arith.constant 3 : i32
      %swap3A_560 = arith.index_cast %swap3A_559 : i32 to index
      %swap3A_561 = arith.constant 144 : index
      %swap3A_562 = tpu.vector_load %arg8[%swap3A_560, %swap3A_561] {strides = array<i32>} : memref<4x256xf32, #tpu.memory_space<vmem>>, vector<16xf32>,
      tpu.vector_store %arg8[%swap3A_560, %swap3A_561], %scan3A_521#9 {strides = array<i32>} : memref<4x256xf32, #tpu.memory_space<vmem>>, vector<16xf32>,
      %swap3A_563 = arith.constant 3 : i32
      %swap3A_564 = arith.index_cast %swap3A_563 : i32 to index
      %swap3A_565 = arith.constant 160 : index
      %swap3A_566 = tpu.vector_load %arg8[%swap3A_564, %swap3A_565] {strides = array<i32>} : memref<4x256xf32, #tpu.memory_space<vmem>>, vector<16xf32>,
      tpu.vector_store %arg8[%swap3A_564, %swap3A_565], %scan3A_521#10 {strides = array<i32>} : memref<4x256xf32, #tpu.memory_space<vmem>>, vector<16xf32>,
      %swap3A_567 = arith.constant 3 : i32
      %swap3A_568 = arith.index_cast %swap3A_567 : i32 to index
      %swap3A_569 = arith.constant 176 : index
      %swap3A_570 = tpu.vector_load %arg8[%swap3A_568, %swap3A_569] {strides = array<i32>} : memref<4x256xf32, #tpu.memory_space<vmem>>, vector<16xf32>,
      tpu.vector_store %arg8[%swap3A_568, %swap3A_569], %scan3A_521#11 {strides = array<i32>} : memref<4x256xf32, #tpu.memory_space<vmem>>, vector<16xf32>,
      %swap3A_571 = arith.constant 3 : i32
      %swap3A_572 = arith.index_cast %swap3A_571 : i32 to index
      %swap3A_573 = arith.constant 192 : index
      %swap3A_574 = tpu.vector_load %arg8[%swap3A_572, %swap3A_573] {strides = array<i32>} : memref<4x256xf32, #tpu.memory_space<vmem>>, vector<16xf32>,
      tpu.vector_store %arg8[%swap3A_572, %swap3A_573], %scan3A_521#12 {strides = array<i32>} : memref<4x256xf32, #tpu.memory_space<vmem>>, vector<16xf32>,
      %swap3A_575 = arith.constant 3 : i32
      %swap3A_576 = arith.index_cast %swap3A_575 : i32 to index
      %swap3A_577 = arith.constant 208 : index
      %swap3A_578 = tpu.vector_load %arg8[%swap3A_576, %swap3A_577] {strides = array<i32>} : memref<4x256xf32, #tpu.memory_space<vmem>>, vector<16xf32>,
      tpu.vector_store %arg8[%swap3A_576, %swap3A_577], %scan3A_521#13 {strides = array<i32>} : memref<4x256xf32, #tpu.memory_space<vmem>>, vector<16xf32>,
      %swap3A_579 = arith.constant 3 : i32
      %swap3A_580 = arith.index_cast %swap3A_579 : i32 to index
      %swap3A_581 = arith.constant 224 : index
      %swap3A_582 = tpu.vector_load %arg8[%swap3A_580, %swap3A_581] {strides = array<i32>} : memref<4x256xf32, #tpu.memory_space<vmem>>, vector<16xf32>,
      tpu.vector_store %arg8[%swap3A_580, %swap3A_581], %scan3A_521#14 {strides = array<i32>} : memref<4x256xf32, #tpu.memory_space<vmem>>, vector<16xf32>,
      %swap3A_583 = arith.constant 3 : i32
      %swap3A_584 = arith.index_cast %swap3A_583 : i32 to index
      %swap3A_585 = arith.constant 240 : index
      %swap3A_586 = tpu.vector_load %arg8[%swap3A_584, %swap3A_585] {strides = array<i32>} : memref<4x256xf32, #tpu.memory_space<vmem>>, vector<16xf32>,
      tpu.vector_store %arg8[%swap3A_584, %swap3A_585], %scan3A_521#15 {strides = array<i32>} : memref<4x256xf32, #tpu.memory_space<vmem>>, vector<16xf32>,
      %mul3A_587 = arith.constant 256 : i32
      %mul3A_588 = arith.muli %add3A, %mul3A_587 : i32
      %mul3A_589 = arith.constant 4 : i32
      %mul3A_590 = arith.muli %mul3A_48, %mul3A_589 : i32
      %add3A_591 = arith.addi %mul3A_588, %mul3A_590 : i32
      "tpu.region"() ({
        %run_scoped3A = tpu.sem_alloc : memref<!tpu.dma_semaphore, #tpu.memory_space<semaphore_mem>>
        %dma_start3A_1152 = arith.constant 0 : i32
        %dma_start3A_1153 = tpu.memref_slice %arg4[%add3A_591, %dma_start3A_1152] : memref<8192x256xf32, #tpu.memory_space<hbm>> -> memref<4x256xf32, #tpu.memory_space<hbm>>
        %dma_start3A_1154 = arith.constant 0 : i32
        %dma_start3A_1155 = tpu.memref_slice %arg4[%add3A_591, %dma_start3A_1154] : memref<8192x256xf32, #tpu.memory_space<hbm>> -> memref<4x256xf32, #tpu.memory_space<hbm>>
        tpu.enqueue_dma source(%arg8 : memref<4x256xf32, #tpu.memory_space<vmem>>) target(%dma_start3A_1155 : memref<4x256xf32, #tpu.memory_space<hbm>>) target_semaphore(%run_scoped3A : memref<!tpu.dma_semaphore, #tpu.memory_space<semaphore_mem>>)
        %dma_wait3A_1156 = arith.constant 0 : i32
        %dma_wait3A_1157 = tpu.memref_slice %arg4[%add3A_591, %dma_wait3A_1156] : memref<8192x256xf32, #tpu.memory_space<hbm>> -> memref<4x256xf32, #tpu.memory_space<hbm>>
        %dma_wait3A_1158 = arith.constant 0 : i32
        %dma_wait3A_1159 = tpu.memref_slice %arg4[%add3A_591, %dma_wait3A_1158] : memref<8192x256xf32, #tpu.memory_space<hbm>> -> memref<4x256xf32, #tpu.memory_space<hbm>>
        tpu.wait_dma2 semaphore(%run_scoped3A : memref<!tpu.dma_semaphore, #tpu.memory_space<semaphore_mem>>) src(%arg8 : memref<4x256xf32, #tpu.memory_space<vmem>>) dst(%dma_wait3A_1159 : memref<4x256xf32, #tpu.memory_space<hbm>>)
        tpu.yield
      }) : () -> ()
      %add3A_592 = arith.constant 2 : i32
      %add3A_593 = arith.addi %mul3A_48, %add3A_592 : i32
      %lt3A = arith.constant 64 : i32
      %lt3A_594 = arith.cmpi slt, %add3A_593, %lt3A : i32
      %convert_element_type3A = arith.extui %lt3A_594 : i1 to i32
      %cond3A = arith.constant 0 : i32
      %cond3A_595 = arith.cmpi ne, %convert_element_type3A, %cond3A : i32
      scf.if %cond3A_595 {
        %add3A_1152 = arith.constant 2 : i32
        %add3A_1153 = arith.addi %mul3A_48, %add3A_1152 : i32
        %mul3A_1154 = arith.constant 128 : i32
        %mul3A_1155 = arith.muli %add3A_1153, %mul3A_1154 : i32
        %dma_start3A_1156 = tpu.memref_slice %arg5[%mul3A_1155] : memref<8192xi32, #tpu.memory_space<vmem>> -> memref<128xi32, #tpu.memory_space<vmem>>
        %dma_start3A_1157 = arith.constant 0 : i32
        %dma_start3A_1158 = arith.constant 0 : i32
        %dma_start3A_1159 = tpu.memref_slice %arg2[%dma_start3A_1157, %dma_start3A_1158] : memref<32768x256xf32, #tpu.memory_space<hbm>> -> memref<32768x256xf32, #tpu.memory_space<hbm>>
        tpu.enqueue_indirect_dma source(%dma_start3A_1159 : memref<32768x256xf32, #tpu.memory_space<hbm>>) target(%arg6 : memref<128x256xf32, #tpu.memory_space<vmem>>) offsets(%dma_start3A_1156 : memref<128xi32, #tpu.memory_space<vmem>>) semaphore(%arg9 : memref<!tpu.dma_semaphore, #tpu.memory_space<semaphore_mem>>)
      } else {
      }
      %dma_wait3A_596 = arith.constant 0 : i32
      %dma_wait3A_597 = tpu.memref_slice %arg5[%dma_wait3A_596] : memref<8192xi32, #tpu.memory_space<vmem>> -> memref<128xi32, #tpu.memory_space<vmem>>
      %dma_wait3A_598 = arith.constant 0 : i32
      %dma_wait3A_599 = arith.constant 0 : i32
      %dma_wait3A_600 = tpu.memref_slice %arg2[%dma_wait3A_598, %dma_wait3A_599] : memref<32768x256xf32, #tpu.memory_space<hbm>> -> memref<32768x256xf32, #tpu.memory_space<hbm>>
      tpu.wait_indirect_dma semaphore(%arg10 : memref<!tpu.dma_semaphore, #tpu.memory_space<semaphore_mem>>) src(%dma_wait3A_600 : memref<32768x256xf32, #tpu.memory_space<hbm>>) dst(%arg7 : memref<128x256xf32, #tpu.memory_space<vmem>>)
      %add3A_601 = arith.constant 1 : i32
      %add3A_602 = arith.addi %mul3A_48, %add3A_601 : i32
      %get3A_603 = arith.constant 0 : i32
      %get3A_604 = arith.index_cast %get3A_603 : i32 to index
      %get3A_605 = arith.constant 0 : index
      %get3A_606 = tpu.vector_load %arg7[%get3A_604, %get3A_605] {strides = array<i32>} : memref<128x256xf32, #tpu.memory_space<vmem>>, vector<16xf32>,
      %get3A_607 = arith.constant 0 : i32
      %get3A_608 = arith.index_cast %get3A_607 : i32 to index
      %get3A_609 = arith.constant 16 : index
      %get3A_610 = tpu.vector_load %arg7[%get3A_608, %get3A_609] {strides = array<i32>} : memref<128x256xf32, #tpu.memory_space<vmem>>, vector<16xf32>,
      %get3A_611 = arith.constant 0 : i32
      %get3A_612 = arith.index_cast %get3A_611 : i32 to index
      %get3A_613 = arith.constant 32 : index
      %get3A_614 = tpu.vector_load %arg7[%get3A_612, %get3A_613] {strides = array<i32>} : memref<128x256xf32, #tpu.memory_space<vmem>>, vector<16xf32>,
      %get3A_615 = arith.constant 0 : i32
      %get3A_616 = arith.index_cast %get3A_615 : i32 to index
      %get3A_617 = arith.constant 48 : index
      %get3A_618 = tpu.vector_load %arg7[%get3A_616, %get3A_617] {strides = array<i32>} : memref<128x256xf32, #tpu.memory_space<vmem>>, vector<16xf32>,
      %get3A_619 = arith.constant 0 : i32
      %get3A_620 = arith.index_cast %get3A_619 : i32 to index
      %get3A_621 = arith.constant 64 : index
      %get3A_622 = tpu.vector_load %arg7[%get3A_620, %get3A_621] {strides = array<i32>} : memref<128x256xf32, #tpu.memory_space<vmem>>, vector<16xf32>,
      %get3A_623 = arith.constant 0 : i32
      %get3A_624 = arith.index_cast %get3A_623 : i32 to index
      %get3A_625 = arith.constant 80 : index
      %get3A_626 = tpu.vector_load %arg7[%get3A_624, %get3A_625] {strides = array<i32>} : memref<128x256xf32, #tpu.memory_space<vmem>>, vector<16xf32>,
      %get3A_627 = arith.constant 0 : i32
      %get3A_628 = arith.index_cast %get3A_627 : i32 to index
      %get3A_629 = arith.constant 96 : index
      %get3A_630 = tpu.vector_load %arg7[%get3A_628, %get3A_629] {strides = array<i32>} : memref<128x256xf32, #tpu.memory_space<vmem>>, vector<16xf32>,
      %get3A_631 = arith.constant 0 : i32
      %get3A_632 = arith.index_cast %get3A_631 : i32 to index
      %get3A_633 = arith.constant 112 : index
      %get3A_634 = tpu.vector_load %arg7[%get3A_632, %get3A_633] {strides = array<i32>} : memref<128x256xf32, #tpu.memory_space<vmem>>, vector<16xf32>,
      %get3A_635 = arith.constant 0 : i32
      %get3A_636 = arith.index_cast %get3A_635 : i32 to index
      %get3A_637 = arith.constant 128 : index
      %get3A_638 = tpu.vector_load %arg7[%get3A_636, %get3A_637] {strides = array<i32>} : memref<128x256xf32, #tpu.memory_space<vmem>>, vector<16xf32>,
      %get3A_639 = arith.constant 0 : i32
      %get3A_640 = arith.index_cast %get3A_639 : i32 to index
      %get3A_641 = arith.constant 144 : index
      %get3A_642 = tpu.vector_load %arg7[%get3A_640, %get3A_641] {strides = array<i32>} : memref<128x256xf32, #tpu.memory_space<vmem>>, vector<16xf32>,
      %get3A_643 = arith.constant 0 : i32
      %get3A_644 = arith.index_cast %get3A_643 : i32 to index
      %get3A_645 = arith.constant 160 : index
      %get3A_646 = tpu.vector_load %arg7[%get3A_644, %get3A_645] {strides = array<i32>} : memref<128x256xf32, #tpu.memory_space<vmem>>, vector<16xf32>,
      %get3A_647 = arith.constant 0 : i32
      %get3A_648 = arith.index_cast %get3A_647 : i32 to index
      %get3A_649 = arith.constant 176 : index
      %get3A_650 = tpu.vector_load %arg7[%get3A_648, %get3A_649] {strides = array<i32>} : memref<128x256xf32, #tpu.memory_space<vmem>>, vector<16xf32>,
      %get3A_651 = arith.constant 0 : i32
      %get3A_652 = arith.index_cast %get3A_651 : i32 to index
      %get3A_653 = arith.constant 192 : index
      %get3A_654 = tpu.vector_load %arg7[%get3A_652, %get3A_653] {strides = array<i32>} : memref<128x256xf32, #tpu.memory_space<vmem>>, vector<16xf32>,
      %get3A_655 = arith.constant 0 : i32
      %get3A_656 = arith.index_cast %get3A_655 : i32 to index
      %get3A_657 = arith.constant 208 : index
      %get3A_658 = tpu.vector_load %arg7[%get3A_656, %get3A_657] {strides = array<i32>} : memref<128x256xf32, #tpu.memory_space<vmem>>, vector<16xf32>,
      %get3A_659 = arith.constant 0 : i32
      %get3A_660 = arith.index_cast %get3A_659 : i32 to index
      %get3A_661 = arith.constant 224 : index
      %get3A_662 = tpu.vector_load %arg7[%get3A_660, %get3A_661] {strides = array<i32>} : memref<128x256xf32, #tpu.memory_space<vmem>>, vector<16xf32>,
      %get3A_663 = arith.constant 0 : i32
      %get3A_664 = arith.index_cast %get3A_663 : i32 to index
      %get3A_665 = arith.constant 240 : index
      %get3A_666 = tpu.vector_load %arg7[%get3A_664, %get3A_665] {strides = array<i32>} : memref<128x256xf32, #tpu.memory_space<vmem>>, vector<16xf32>,
      %scan3A_667 = arith.constant 1 : i32
      %scan3A_668 = arith.constant 31 : i32
      %scan3A_669 = arith.addi %scan3A_667, %scan3A_668 : i32
      %scan3A_670 = arith.constant 1 : i32
      %scan3A_671:16 = scf.for %scan3A_1152 = %scan3A_667 to %scan3A_669 step %scan3A_670 iter_args(%scan3A_1153 = %get3A_606, %scan3A_1154 = %get3A_610, %scan3A_1155 = %get3A_614, %scan3A_1156 = %get3A_618, %scan3A_1157 = %get3A_622, %scan3A_1158 = %get3A_626, %scan3A_1159 = %get3A_630, %scan3A_1160 = %get3A_634, %scan3A_1161 = %get3A_638, %scan3A_1162 = %get3A_642, %scan3A_1163 = %get3A_646, %scan3A_1164 = %get3A_650, %scan3A_1165 = %get3A_654, %scan3A_1166 = %get3A_658, %scan3A_1167 = %get3A_662, %scan3A_1168 = %get3A_666) -> (vector<16xf32>, vector<16xf32>, vector<16xf32>, vector<16xf32>, vector<16xf32>, vector<16xf32>, vector<16xf32>, vector<16xf32>, vector<16xf32>, vector<16xf32>, vector<16xf32>, vector<16xf32>, vector<16xf32>, vector<16xf32>, vector<16xf32>, vector<16xf32>)  : i32 {
        %add3A_1169 = arith.constant 0 : i32
        %add3A_1170 = arith.addi %add3A_1169, %scan3A_1152 : i32
        %get3A_1171 = arith.index_cast %add3A_1170 : i32 to index
        %get3A_1172 = arith.constant 0 : index
        %get3A_1173 = tpu.vector_load %arg7[%get3A_1171, %get3A_1172] {strides = array<i32>} : memref<128x256xf32, #tpu.memory_space<vmem>>, vector<16xf32>,
        %max3A = arith.maximumf %scan3A_1153, %get3A_1173 : vector<16xf32>
        %add3A_1174 = arith.constant 0 : i32
        %add3A_1175 = arith.addi %add3A_1174, %scan3A_1152 : i32
        %get3A_1176 = arith.index_cast %add3A_1175 : i32 to index
        %get3A_1177 = arith.constant 16 : index
        %get3A_1178 = tpu.vector_load %arg7[%get3A_1176, %get3A_1177] {strides = array<i32>} : memref<128x256xf32, #tpu.memory_space<vmem>>, vector<16xf32>,
        %max3A_1179 = arith.maximumf %scan3A_1154, %get3A_1178 : vector<16xf32>
        %add3A_1180 = arith.constant 0 : i32
        %add3A_1181 = arith.addi %add3A_1180, %scan3A_1152 : i32
        %get3A_1182 = arith.index_cast %add3A_1181 : i32 to index
        %get3A_1183 = arith.constant 32 : index
        %get3A_1184 = tpu.vector_load %arg7[%get3A_1182, %get3A_1183] {strides = array<i32>} : memref<128x256xf32, #tpu.memory_space<vmem>>, vector<16xf32>,
        %max3A_1185 = arith.maximumf %scan3A_1155, %get3A_1184 : vector<16xf32>
        %add3A_1186 = arith.constant 0 : i32
        %add3A_1187 = arith.addi %add3A_1186, %scan3A_1152 : i32
        %get3A_1188 = arith.index_cast %add3A_1187 : i32 to index
        %get3A_1189 = arith.constant 48 : index
        %get3A_1190 = tpu.vector_load %arg7[%get3A_1188, %get3A_1189] {strides = array<i32>} : memref<128x256xf32, #tpu.memory_space<vmem>>, vector<16xf32>,
        %max3A_1191 = arith.maximumf %scan3A_1156, %get3A_1190 : vector<16xf32>
        %add3A_1192 = arith.constant 0 : i32
        %add3A_1193 = arith.addi %add3A_1192, %scan3A_1152 : i32
        %get3A_1194 = arith.index_cast %add3A_1193 : i32 to index
        %get3A_1195 = arith.constant 64 : index
        %get3A_1196 = tpu.vector_load %arg7[%get3A_1194, %get3A_1195] {strides = array<i32>} : memref<128x256xf32, #tpu.memory_space<vmem>>, vector<16xf32>,
        %max3A_1197 = arith.maximumf %scan3A_1157, %get3A_1196 : vector<16xf32>
        %add3A_1198 = arith.constant 0 : i32
        %add3A_1199 = arith.addi %add3A_1198, %scan3A_1152 : i32
        %get3A_1200 = arith.index_cast %add3A_1199 : i32 to index
        %get3A_1201 = arith.constant 80 : index
        %get3A_1202 = tpu.vector_load %arg7[%get3A_1200, %get3A_1201] {strides = array<i32>} : memref<128x256xf32, #tpu.memory_space<vmem>>, vector<16xf32>,
        %max3A_1203 = arith.maximumf %scan3A_1158, %get3A_1202 : vector<16xf32>
        %add3A_1204 = arith.constant 0 : i32
        %add3A_1205 = arith.addi %add3A_1204, %scan3A_1152 : i32
        %get3A_1206 = arith.index_cast %add3A_1205 : i32 to index
        %get3A_1207 = arith.constant 96 : index
        %get3A_1208 = tpu.vector_load %arg7[%get3A_1206, %get3A_1207] {strides = array<i32>} : memref<128x256xf32, #tpu.memory_space<vmem>>, vector<16xf32>,
        %max3A_1209 = arith.maximumf %scan3A_1159, %get3A_1208 : vector<16xf32>
        %add3A_1210 = arith.constant 0 : i32
        %add3A_1211 = arith.addi %add3A_1210, %scan3A_1152 : i32
        %get3A_1212 = arith.index_cast %add3A_1211 : i32 to index
        %get3A_1213 = arith.constant 112 : index
        %get3A_1214 = tpu.vector_load %arg7[%get3A_1212, %get3A_1213] {strides = array<i32>} : memref<128x256xf32, #tpu.memory_space<vmem>>, vector<16xf32>,
        %max3A_1215 = arith.maximumf %scan3A_1160, %get3A_1214 : vector<16xf32>
        %add3A_1216 = arith.constant 0 : i32
        %add3A_1217 = arith.addi %add3A_1216, %scan3A_1152 : i32
        %get3A_1218 = arith.index_cast %add3A_1217 : i32 to index
        %get3A_1219 = arith.constant 128 : index
        %get3A_1220 = tpu.vector_load %arg7[%get3A_1218, %get3A_1219] {strides = array<i32>} : memref<128x256xf32, #tpu.memory_space<vmem>>, vector<16xf32>,
        %max3A_1221 = arith.maximumf %scan3A_1161, %get3A_1220 : vector<16xf32>
        %add3A_1222 = arith.constant 0 : i32
        %add3A_1223 = arith.addi %add3A_1222, %scan3A_1152 : i32
        %get3A_1224 = arith.index_cast %add3A_1223 : i32 to index
        %get3A_1225 = arith.constant 144 : index
        %get3A_1226 = tpu.vector_load %arg7[%get3A_1224, %get3A_1225] {strides = array<i32>} : memref<128x256xf32, #tpu.memory_space<vmem>>, vector<16xf32>,
        %max3A_1227 = arith.maximumf %scan3A_1162, %get3A_1226 : vector<16xf32>
        %add3A_1228 = arith.constant 0 : i32
        %add3A_1229 = arith.addi %add3A_1228, %scan3A_1152 : i32
        %get3A_1230 = arith.index_cast %add3A_1229 : i32 to index
        %get3A_1231 = arith.constant 160 : index
        %get3A_1232 = tpu.vector_load %arg7[%get3A_1230, %get3A_1231] {strides = array<i32>} : memref<128x256xf32, #tpu.memory_space<vmem>>, vector<16xf32>,
        %max3A_1233 = arith.maximumf %scan3A_1163, %get3A_1232 : vector<16xf32>
        %add3A_1234 = arith.constant 0 : i32
        %add3A_1235 = arith.addi %add3A_1234, %scan3A_1152 : i32
        %get3A_1236 = arith.index_cast %add3A_1235 : i32 to index
        %get3A_1237 = arith.constant 176 : index
        %get3A_1238 = tpu.vector_load %arg7[%get3A_1236, %get3A_1237] {strides = array<i32>} : memref<128x256xf32, #tpu.memory_space<vmem>>, vector<16xf32>,
        %max3A_1239 = arith.maximumf %scan3A_1164, %get3A_1238 : vector<16xf32>
        %add3A_1240 = arith.constant 0 : i32
        %add3A_1241 = arith.addi %add3A_1240, %scan3A_1152 : i32
        %get3A_1242 = arith.index_cast %add3A_1241 : i32 to index
        %get3A_1243 = arith.constant 192 : index
        %get3A_1244 = tpu.vector_load %arg7[%get3A_1242, %get3A_1243] {strides = array<i32>} : memref<128x256xf32, #tpu.memory_space<vmem>>, vector<16xf32>,
        %max3A_1245 = arith.maximumf %scan3A_1165, %get3A_1244 : vector<16xf32>
        %add3A_1246 = arith.constant 0 : i32
        %add3A_1247 = arith.addi %add3A_1246, %scan3A_1152 : i32
        %get3A_1248 = arith.index_cast %add3A_1247 : i32 to index
        %get3A_1249 = arith.constant 208 : index
        %get3A_1250 = tpu.vector_load %arg7[%get3A_1248, %get3A_1249] {strides = array<i32>} : memref<128x256xf32, #tpu.memory_space<vmem>>, vector<16xf32>,
        %max3A_1251 = arith.maximumf %scan3A_1166, %get3A_1250 : vector<16xf32>
        %add3A_1252 = arith.constant 0 : i32
        %add3A_1253 = arith.addi %add3A_1252, %scan3A_1152 : i32
        %get3A_1254 = arith.index_cast %add3A_1253 : i32 to index
        %get3A_1255 = arith.constant 224 : index
        %get3A_1256 = tpu.vector_load %arg7[%get3A_1254, %get3A_1255] {strides = array<i32>} : memref<128x256xf32, #tpu.memory_space<vmem>>, vector<16xf32>,
        %max3A_1257 = arith.maximumf %scan3A_1167, %get3A_1256 : vector<16xf32>
        %add3A_1258 = arith.constant 0 : i32
        %add3A_1259 = arith.addi %add3A_1258, %scan3A_1152 : i32
        %get3A_1260 = arith.index_cast %add3A_1259 : i32 to index
        %get3A_1261 = arith.constant 240 : index
        %get3A_1262 = tpu.vector_load %arg7[%get3A_1260, %get3A_1261] {strides = array<i32>} : memref<128x256xf32, #tpu.memory_space<vmem>>, vector<16xf32>,
        %max3A_1263 = arith.maximumf %scan3A_1168, %get3A_1262 : vector<16xf32>
        scf.yield %max3A, %max3A_1179, %max3A_1185, %max3A_1191, %max3A_1197, %max3A_1203, %max3A_1209, %max3A_1215, %max3A_1221, %max3A_1227, %max3A_1233, %max3A_1239, %max3A_1245, %max3A_1251, %max3A_1257, %max3A_1263 : vector<16xf32>, vector<16xf32>, vector<16xf32>, vector<16xf32>, vector<16xf32>, vector<16xf32>, vector<16xf32>, vector<16xf32>, vector<16xf32>, vector<16xf32>, vector<16xf32>, vector<16xf32>, vector<16xf32>, vector<16xf32>, vector<16xf32>, vector<16xf32>
      }
      %scan3A_672 = arith.constant 31 : i32
      %swap3A_673 = arith.constant 0 : i32
      %swap3A_674 = arith.index_cast %swap3A_673 : i32 to index
      %swap3A_675 = arith.constant 0 : index
      %swap3A_676 = tpu.vector_load %arg8[%swap3A_674, %swap3A_675] {strides = array<i32>} : memref<4x256xf32, #tpu.memory_space<vmem>>, vector<16xf32>,
      tpu.vector_store %arg8[%swap3A_674, %swap3A_675], %scan3A_671#0 {strides = array<i32>} : memref<4x256xf32, #tpu.memory_space<vmem>>, vector<16xf32>,
      %swap3A_677 = arith.constant 0 : i32
      %swap3A_678 = arith.index_cast %swap3A_677 : i32 to index
      %swap3A_679 = arith.constant 16 : index
      %swap3A_680 = tpu.vector_load %arg8[%swap3A_678, %swap3A_679] {strides = array<i32>} : memref<4x256xf32, #tpu.memory_space<vmem>>, vector<16xf32>,
      tpu.vector_store %arg8[%swap3A_678, %swap3A_679], %scan3A_671#1 {strides = array<i32>} : memref<4x256xf32, #tpu.memory_space<vmem>>, vector<16xf32>,
      %swap3A_681 = arith.constant 0 : i32
      %swap3A_682 = arith.index_cast %swap3A_681 : i32 to index
      %swap3A_683 = arith.constant 32 : index
      %swap3A_684 = tpu.vector_load %arg8[%swap3A_682, %swap3A_683] {strides = array<i32>} : memref<4x256xf32, #tpu.memory_space<vmem>>, vector<16xf32>,
      tpu.vector_store %arg8[%swap3A_682, %swap3A_683], %scan3A_671#2 {strides = array<i32>} : memref<4x256xf32, #tpu.memory_space<vmem>>, vector<16xf32>,
      %swap3A_685 = arith.constant 0 : i32
      %swap3A_686 = arith.index_cast %swap3A_685 : i32 to index
      %swap3A_687 = arith.constant 48 : index
      %swap3A_688 = tpu.vector_load %arg8[%swap3A_686, %swap3A_687] {strides = array<i32>} : memref<4x256xf32, #tpu.memory_space<vmem>>, vector<16xf32>,
      tpu.vector_store %arg8[%swap3A_686, %swap3A_687], %scan3A_671#3 {strides = array<i32>} : memref<4x256xf32, #tpu.memory_space<vmem>>, vector<16xf32>,
      %swap3A_689 = arith.constant 0 : i32
      %swap3A_690 = arith.index_cast %swap3A_689 : i32 to index
      %swap3A_691 = arith.constant 64 : index
      %swap3A_692 = tpu.vector_load %arg8[%swap3A_690, %swap3A_691] {strides = array<i32>} : memref<4x256xf32, #tpu.memory_space<vmem>>, vector<16xf32>,
      tpu.vector_store %arg8[%swap3A_690, %swap3A_691], %scan3A_671#4 {strides = array<i32>} : memref<4x256xf32, #tpu.memory_space<vmem>>, vector<16xf32>,
      %swap3A_693 = arith.constant 0 : i32
      %swap3A_694 = arith.index_cast %swap3A_693 : i32 to index
      %swap3A_695 = arith.constant 80 : index
      %swap3A_696 = tpu.vector_load %arg8[%swap3A_694, %swap3A_695] {strides = array<i32>} : memref<4x256xf32, #tpu.memory_space<vmem>>, vector<16xf32>,
      tpu.vector_store %arg8[%swap3A_694, %swap3A_695], %scan3A_671#5 {strides = array<i32>} : memref<4x256xf32, #tpu.memory_space<vmem>>, vector<16xf32>,
      %swap3A_697 = arith.constant 0 : i32
      %swap3A_698 = arith.index_cast %swap3A_697 : i32 to index
      %swap3A_699 = arith.constant 96 : index
      %swap3A_700 = tpu.vector_load %arg8[%swap3A_698, %swap3A_699] {strides = array<i32>} : memref<4x256xf32, #tpu.memory_space<vmem>>, vector<16xf32>,
      tpu.vector_store %arg8[%swap3A_698, %swap3A_699], %scan3A_671#6 {strides = array<i32>} : memref<4x256xf32, #tpu.memory_space<vmem>>, vector<16xf32>,
      %swap3A_701 = arith.constant 0 : i32
      %swap3A_702 = arith.index_cast %swap3A_701 : i32 to index
      %swap3A_703 = arith.constant 112 : index
      %swap3A_704 = tpu.vector_load %arg8[%swap3A_702, %swap3A_703] {strides = array<i32>} : memref<4x256xf32, #tpu.memory_space<vmem>>, vector<16xf32>,
      tpu.vector_store %arg8[%swap3A_702, %swap3A_703], %scan3A_671#7 {strides = array<i32>} : memref<4x256xf32, #tpu.memory_space<vmem>>, vector<16xf32>,
      %swap3A_705 = arith.constant 0 : i32
      %swap3A_706 = arith.index_cast %swap3A_705 : i32 to index
      %swap3A_707 = arith.constant 128 : index
      %swap3A_708 = tpu.vector_load %arg8[%swap3A_706, %swap3A_707] {strides = array<i32>} : memref<4x256xf32, #tpu.memory_space<vmem>>, vector<16xf32>,
      tpu.vector_store %arg8[%swap3A_706, %swap3A_707], %scan3A_671#8 {strides = array<i32>} : memref<4x256xf32, #tpu.memory_space<vmem>>, vector<16xf32>,
      %swap3A_709 = arith.constant 0 : i32
      %swap3A_710 = arith.index_cast %swap3A_709 : i32 to index
      %swap3A_711 = arith.constant 144 : index
      %swap3A_712 = tpu.vector_load %arg8[%swap3A_710, %swap3A_711] {strides = array<i32>} : memref<4x256xf32, #tpu.memory_space<vmem>>, vector<16xf32>,
      tpu.vector_store %arg8[%swap3A_710, %swap3A_711], %scan3A_671#9 {strides = array<i32>} : memref<4x256xf32, #tpu.memory_space<vmem>>, vector<16xf32>,
      %swap3A_713 = arith.constant 0 : i32
      %swap3A_714 = arith.index_cast %swap3A_713 : i32 to index
      %swap3A_715 = arith.constant 160 : index
      %swap3A_716 = tpu.vector_load %arg8[%swap3A_714, %swap3A_715] {strides = array<i32>} : memref<4x256xf32, #tpu.memory_space<vmem>>, vector<16xf32>,
      tpu.vector_store %arg8[%swap3A_714, %swap3A_715], %scan3A_671#10 {strides = array<i32>} : memref<4x256xf32, #tpu.memory_space<vmem>>, vector<16xf32>,
      %swap3A_717 = arith.constant 0 : i32
      %swap3A_718 = arith.index_cast %swap3A_717 : i32 to index
      %swap3A_719 = arith.constant 176 : index
      %swap3A_720 = tpu.vector_load %arg8[%swap3A_718, %swap3A_719] {strides = array<i32>} : memref<4x256xf32, #tpu.memory_space<vmem>>, vector<16xf32>,
      tpu.vector_store %arg8[%swap3A_718, %swap3A_719], %scan3A_671#11 {strides = array<i32>} : memref<4x256xf32, #tpu.memory_space<vmem>>, vector<16xf32>,
      %swap3A_721 = arith.constant 0 : i32
      %swap3A_722 = arith.index_cast %swap3A_721 : i32 to index
      %swap3A_723 = arith.constant 192 : index
      %swap3A_724 = tpu.vector_load %arg8[%swap3A_722, %swap3A_723] {strides = array<i32>} : memref<4x256xf32, #tpu.memory_space<vmem>>, vector<16xf32>,
      tpu.vector_store %arg8[%swap3A_722, %swap3A_723], %scan3A_671#12 {strides = array<i32>} : memref<4x256xf32, #tpu.memory_space<vmem>>, vector<16xf32>,
      %swap3A_725 = arith.constant 0 : i32
      %swap3A_726 = arith.index_cast %swap3A_725 : i32 to index
      %swap3A_727 = arith.constant 208 : index
      %swap3A_728 = tpu.vector_load %arg8[%swap3A_726, %swap3A_727] {strides = array<i32>} : memref<4x256xf32, #tpu.memory_space<vmem>>, vector<16xf32>,
      tpu.vector_store %arg8[%swap3A_726, %swap3A_727], %scan3A_671#13 {strides = array<i32>} : memref<4x256xf32, #tpu.memory_space<vmem>>, vector<16xf32>,
      %swap3A_729 = arith.constant 0 : i32
      %swap3A_730 = arith.index_cast %swap3A_729 : i32 to index
      %swap3A_731 = arith.constant 224 : index
      %swap3A_732 = tpu.vector_load %arg8[%swap3A_730, %swap3A_731] {strides = array<i32>} : memref<4x256xf32, #tpu.memory_space<vmem>>, vector<16xf32>,
      tpu.vector_store %arg8[%swap3A_730, %swap3A_731], %scan3A_671#14 {strides = array<i32>} : memref<4x256xf32, #tpu.memory_space<vmem>>, vector<16xf32>,
      %swap3A_733 = arith.constant 0 : i32
      %swap3A_734 = arith.index_cast %swap3A_733 : i32 to index
      %swap3A_735 = arith.constant 240 : index
      %swap3A_736 = tpu.vector_load %arg8[%swap3A_734, %swap3A_735] {strides = array<i32>} : memref<4x256xf32, #tpu.memory_space<vmem>>, vector<16xf32>,
      tpu.vector_store %arg8[%swap3A_734, %swap3A_735], %scan3A_671#15 {strides = array<i32>} : memref<4x256xf32, #tpu.memory_space<vmem>>, vector<16xf32>,
      %get3A_737 = arith.constant 32 : i32
      %get3A_738 = arith.index_cast %get3A_737 : i32 to index
      %get3A_739 = arith.constant 0 : index
      %get3A_740 = tpu.vector_load %arg7[%get3A_738, %get3A_739] {strides = array<i32>} : memref<128x256xf32, #tpu.memory_space<vmem>>, vector<16xf32>,
      %get3A_741 = arith.constant 32 : i32
      %get3A_742 = arith.index_cast %get3A_741 : i32 to index
      %get3A_743 = arith.constant 16 : index
      %get3A_744 = tpu.vector_load %arg7[%get3A_742, %get3A_743] {strides = array<i32>} : memref<128x256xf32, #tpu.memory_space<vmem>>, vector<16xf32>,
      %get3A_745 = arith.constant 32 : i32
      %get3A_746 = arith.index_cast %get3A_745 : i32 to index
      %get3A_747 = arith.constant 32 : index
      %get3A_748 = tpu.vector_load %arg7[%get3A_746, %get3A_747] {strides = array<i32>} : memref<128x256xf32, #tpu.memory_space<vmem>>, vector<16xf32>,
      %get3A_749 = arith.constant 32 : i32
      %get3A_750 = arith.index_cast %get3A_749 : i32 to index
      %get3A_751 = arith.constant 48 : index
      %get3A_752 = tpu.vector_load %arg7[%get3A_750, %get3A_751] {strides = array<i32>} : memref<128x256xf32, #tpu.memory_space<vmem>>, vector<16xf32>,
      %get3A_753 = arith.constant 32 : i32
      %get3A_754 = arith.index_cast %get3A_753 : i32 to index
      %get3A_755 = arith.constant 64 : index
      %get3A_756 = tpu.vector_load %arg7[%get3A_754, %get3A_755] {strides = array<i32>} : memref<128x256xf32, #tpu.memory_space<vmem>>, vector<16xf32>,
      %get3A_757 = arith.constant 32 : i32
      %get3A_758 = arith.index_cast %get3A_757 : i32 to index
      %get3A_759 = arith.constant 80 : index
      %get3A_760 = tpu.vector_load %arg7[%get3A_758, %get3A_759] {strides = array<i32>} : memref<128x256xf32, #tpu.memory_space<vmem>>, vector<16xf32>,
      %get3A_761 = arith.constant 32 : i32
      %get3A_762 = arith.index_cast %get3A_761 : i32 to index
      %get3A_763 = arith.constant 96 : index
      %get3A_764 = tpu.vector_load %arg7[%get3A_762, %get3A_763] {strides = array<i32>} : memref<128x256xf32, #tpu.memory_space<vmem>>, vector<16xf32>,
      %get3A_765 = arith.constant 32 : i32
      %get3A_766 = arith.index_cast %get3A_765 : i32 to index
      %get3A_767 = arith.constant 112 : index
      %get3A_768 = tpu.vector_load %arg7[%get3A_766, %get3A_767] {strides = array<i32>} : memref<128x256xf32, #tpu.memory_space<vmem>>, vector<16xf32>,
      %get3A_769 = arith.constant 32 : i32
      %get3A_770 = arith.index_cast %get3A_769 : i32 to index
      %get3A_771 = arith.constant 128 : index
      %get3A_772 = tpu.vector_load %arg7[%get3A_770, %get3A_771] {strides = array<i32>} : memref<128x256xf32, #tpu.memory_space<vmem>>, vector<16xf32>,
      %get3A_773 = arith.constant 32 : i32
      %get3A_774 = arith.index_cast %get3A_773 : i32 to index
      %get3A_775 = arith.constant 144 : index
      %get3A_776 = tpu.vector_load %arg7[%get3A_774, %get3A_775] {strides = array<i32>} : memref<128x256xf32, #tpu.memory_space<vmem>>, vector<16xf32>,
      %get3A_777 = arith.constant 32 : i32
      %get3A_778 = arith.index_cast %get3A_777 : i32 to index
      %get3A_779 = arith.constant 160 : index
      %get3A_780 = tpu.vector_load %arg7[%get3A_778, %get3A_779] {strides = array<i32>} : memref<128x256xf32, #tpu.memory_space<vmem>>, vector<16xf32>,
      %get3A_781 = arith.constant 32 : i32
      %get3A_782 = arith.index_cast %get3A_781 : i32 to index
      %get3A_783 = arith.constant 176 : index
      %get3A_784 = tpu.vector_load %arg7[%get3A_782, %get3A_783] {strides = array<i32>} : memref<128x256xf32, #tpu.memory_space<vmem>>, vector<16xf32>,
      %get3A_785 = arith.constant 32 : i32
      %get3A_786 = arith.index_cast %get3A_785 : i32 to index
      %get3A_787 = arith.constant 192 : index
      %get3A_788 = tpu.vector_load %arg7[%get3A_786, %get3A_787] {strides = array<i32>} : memref<128x256xf32, #tpu.memory_space<vmem>>, vector<16xf32>,
      %get3A_789 = arith.constant 32 : i32
      %get3A_790 = arith.index_cast %get3A_789 : i32 to index
      %get3A_791 = arith.constant 208 : index
      %get3A_792 = tpu.vector_load %arg7[%get3A_790, %get3A_791] {strides = array<i32>} : memref<128x256xf32, #tpu.memory_space<vmem>>, vector<16xf32>,
      %get3A_793 = arith.constant 32 : i32
      %get3A_794 = arith.index_cast %get3A_793 : i32 to index
      %get3A_795 = arith.constant 224 : index
      %get3A_796 = tpu.vector_load %arg7[%get3A_794, %get3A_795] {strides = array<i32>} : memref<128x256xf32, #tpu.memory_space<vmem>>, vector<16xf32>,
      %get3A_797 = arith.constant 32 : i32
      %get3A_798 = arith.index_cast %get3A_797 : i32 to index
      %get3A_799 = arith.constant 240 : index
      %get3A_800 = tpu.vector_load %arg7[%get3A_798, %get3A_799] {strides = array<i32>} : memref<128x256xf32, #tpu.memory_space<vmem>>, vector<16xf32>,
      %scan3A_801 = arith.constant 1 : i32
      %scan3A_802 = arith.constant 31 : i32
      %scan3A_803 = arith.addi %scan3A_801, %scan3A_802 : i32
      %scan3A_804 = arith.constant 1 : i32
      %scan3A_805:16 = scf.for %scan3A_1152 = %scan3A_801 to %scan3A_803 step %scan3A_804 iter_args(%scan3A_1153 = %get3A_740, %scan3A_1154 = %get3A_744, %scan3A_1155 = %get3A_748, %scan3A_1156 = %get3A_752, %scan3A_1157 = %get3A_756, %scan3A_1158 = %get3A_760, %scan3A_1159 = %get3A_764, %scan3A_1160 = %get3A_768, %scan3A_1161 = %get3A_772, %scan3A_1162 = %get3A_776, %scan3A_1163 = %get3A_780, %scan3A_1164 = %get3A_784, %scan3A_1165 = %get3A_788, %scan3A_1166 = %get3A_792, %scan3A_1167 = %get3A_796, %scan3A_1168 = %get3A_800) -> (vector<16xf32>, vector<16xf32>, vector<16xf32>, vector<16xf32>, vector<16xf32>, vector<16xf32>, vector<16xf32>, vector<16xf32>, vector<16xf32>, vector<16xf32>, vector<16xf32>, vector<16xf32>, vector<16xf32>, vector<16xf32>, vector<16xf32>, vector<16xf32>)  : i32 {
        %add3A_1169 = arith.constant 32 : i32
        %add3A_1170 = arith.addi %add3A_1169, %scan3A_1152 : i32
        %get3A_1171 = arith.index_cast %add3A_1170 : i32 to index
        %get3A_1172 = arith.constant 0 : index
        %get3A_1173 = tpu.vector_load %arg7[%get3A_1171, %get3A_1172] {strides = array<i32>} : memref<128x256xf32, #tpu.memory_space<vmem>>, vector<16xf32>,
        %max3A = arith.maximumf %scan3A_1153, %get3A_1173 : vector<16xf32>
        %add3A_1174 = arith.constant 32 : i32
        %add3A_1175 = arith.addi %add3A_1174, %scan3A_1152 : i32
        %get3A_1176 = arith.index_cast %add3A_1175 : i32 to index
        %get3A_1177 = arith.constant 16 : index
        %get3A_1178 = tpu.vector_load %arg7[%get3A_1176, %get3A_1177] {strides = array<i32>} : memref<128x256xf32, #tpu.memory_space<vmem>>, vector<16xf32>,
        %max3A_1179 = arith.maximumf %scan3A_1154, %get3A_1178 : vector<16xf32>
        %add3A_1180 = arith.constant 32 : i32
        %add3A_1181 = arith.addi %add3A_1180, %scan3A_1152 : i32
        %get3A_1182 = arith.index_cast %add3A_1181 : i32 to index
        %get3A_1183 = arith.constant 32 : index
        %get3A_1184 = tpu.vector_load %arg7[%get3A_1182, %get3A_1183] {strides = array<i32>} : memref<128x256xf32, #tpu.memory_space<vmem>>, vector<16xf32>,
        %max3A_1185 = arith.maximumf %scan3A_1155, %get3A_1184 : vector<16xf32>
        %add3A_1186 = arith.constant 32 : i32
        %add3A_1187 = arith.addi %add3A_1186, %scan3A_1152 : i32
        %get3A_1188 = arith.index_cast %add3A_1187 : i32 to index
        %get3A_1189 = arith.constant 48 : index
        %get3A_1190 = tpu.vector_load %arg7[%get3A_1188, %get3A_1189] {strides = array<i32>} : memref<128x256xf32, #tpu.memory_space<vmem>>, vector<16xf32>,
        %max3A_1191 = arith.maximumf %scan3A_1156, %get3A_1190 : vector<16xf32>
        %add3A_1192 = arith.constant 32 : i32
        %add3A_1193 = arith.addi %add3A_1192, %scan3A_1152 : i32
        %get3A_1194 = arith.index_cast %add3A_1193 : i32 to index
        %get3A_1195 = arith.constant 64 : index
        %get3A_1196 = tpu.vector_load %arg7[%get3A_1194, %get3A_1195] {strides = array<i32>} : memref<128x256xf32, #tpu.memory_space<vmem>>, vector<16xf32>,
        %max3A_1197 = arith.maximumf %scan3A_1157, %get3A_1196 : vector<16xf32>
        %add3A_1198 = arith.constant 32 : i32
        %add3A_1199 = arith.addi %add3A_1198, %scan3A_1152 : i32
        %get3A_1200 = arith.index_cast %add3A_1199 : i32 to index
        %get3A_1201 = arith.constant 80 : index
        %get3A_1202 = tpu.vector_load %arg7[%get3A_1200, %get3A_1201] {strides = array<i32>} : memref<128x256xf32, #tpu.memory_space<vmem>>, vector<16xf32>,
        %max3A_1203 = arith.maximumf %scan3A_1158, %get3A_1202 : vector<16xf32>
        %add3A_1204 = arith.constant 32 : i32
        %add3A_1205 = arith.addi %add3A_1204, %scan3A_1152 : i32
        %get3A_1206 = arith.index_cast %add3A_1205 : i32 to index
        %get3A_1207 = arith.constant 96 : index
        %get3A_1208 = tpu.vector_load %arg7[%get3A_1206, %get3A_1207] {strides = array<i32>} : memref<128x256xf32, #tpu.memory_space<vmem>>, vector<16xf32>,
        %max3A_1209 = arith.maximumf %scan3A_1159, %get3A_1208 : vector<16xf32>
        %add3A_1210 = arith.constant 32 : i32
        %add3A_1211 = arith.addi %add3A_1210, %scan3A_1152 : i32
        %get3A_1212 = arith.index_cast %add3A_1211 : i32 to index
        %get3A_1213 = arith.constant 112 : index
        %get3A_1214 = tpu.vector_load %arg7[%get3A_1212, %get3A_1213] {strides = array<i32>} : memref<128x256xf32, #tpu.memory_space<vmem>>, vector<16xf32>,
        %max3A_1215 = arith.maximumf %scan3A_1160, %get3A_1214 : vector<16xf32>
        %add3A_1216 = arith.constant 32 : i32
        %add3A_1217 = arith.addi %add3A_1216, %scan3A_1152 : i32
        %get3A_1218 = arith.index_cast %add3A_1217 : i32 to index
        %get3A_1219 = arith.constant 128 : index
        %get3A_1220 = tpu.vector_load %arg7[%get3A_1218, %get3A_1219] {strides = array<i32>} : memref<128x256xf32, #tpu.memory_space<vmem>>, vector<16xf32>,
        %max3A_1221 = arith.maximumf %scan3A_1161, %get3A_1220 : vector<16xf32>
        %add3A_1222 = arith.constant 32 : i32
        %add3A_1223 = arith.addi %add3A_1222, %scan3A_1152 : i32
        %get3A_1224 = arith.index_cast %add3A_1223 : i32 to index
        %get3A_1225 = arith.constant 144 : index
        %get3A_1226 = tpu.vector_load %arg7[%get3A_1224, %get3A_1225] {strides = array<i32>} : memref<128x256xf32, #tpu.memory_space<vmem>>, vector<16xf32>,
        %max3A_1227 = arith.maximumf %scan3A_1162, %get3A_1226 : vector<16xf32>
        %add3A_1228 = arith.constant 32 : i32
        %add3A_1229 = arith.addi %add3A_1228, %scan3A_1152 : i32
        %get3A_1230 = arith.index_cast %add3A_1229 : i32 to index
        %get3A_1231 = arith.constant 160 : index
        %get3A_1232 = tpu.vector_load %arg7[%get3A_1230, %get3A_1231] {strides = array<i32>} : memref<128x256xf32, #tpu.memory_space<vmem>>, vector<16xf32>,
        %max3A_1233 = arith.maximumf %scan3A_1163, %get3A_1232 : vector<16xf32>
        %add3A_1234 = arith.constant 32 : i32
        %add3A_1235 = arith.addi %add3A_1234, %scan3A_1152 : i32
        %get3A_1236 = arith.index_cast %add3A_1235 : i32 to index
        %get3A_1237 = arith.constant 176 : index
        %get3A_1238 = tpu.vector_load %arg7[%get3A_1236, %get3A_1237] {strides = array<i32>} : memref<128x256xf32, #tpu.memory_space<vmem>>, vector<16xf32>,
        %max3A_1239 = arith.maximumf %scan3A_1164, %get3A_1238 : vector<16xf32>
        %add3A_1240 = arith.constant 32 : i32
        %add3A_1241 = arith.addi %add3A_1240, %scan3A_1152 : i32
        %get3A_1242 = arith.index_cast %add3A_1241 : i32 to index
        %get3A_1243 = arith.constant 192 : index
        %get3A_1244 = tpu.vector_load %arg7[%get3A_1242, %get3A_1243] {strides = array<i32>} : memref<128x256xf32, #tpu.memory_space<vmem>>, vector<16xf32>,
        %max3A_1245 = arith.maximumf %scan3A_1165, %get3A_1244 : vector<16xf32>
        %add3A_1246 = arith.constant 32 : i32
        %add3A_1247 = arith.addi %add3A_1246, %scan3A_1152 : i32
        %get3A_1248 = arith.index_cast %add3A_1247 : i32 to index
        %get3A_1249 = arith.constant 208 : index
        %get3A_1250 = tpu.vector_load %arg7[%get3A_1248, %get3A_1249] {strides = array<i32>} : memref<128x256xf32, #tpu.memory_space<vmem>>, vector<16xf32>,
        %max3A_1251 = arith.maximumf %scan3A_1166, %get3A_1250 : vector<16xf32>
        %add3A_1252 = arith.constant 32 : i32
        %add3A_1253 = arith.addi %add3A_1252, %scan3A_1152 : i32
        %get3A_1254 = arith.index_cast %add3A_1253 : i32 to index
        %get3A_1255 = arith.constant 224 : index
        %get3A_1256 = tpu.vector_load %arg7[%get3A_1254, %get3A_1255] {strides = array<i32>} : memref<128x256xf32, #tpu.memory_space<vmem>>, vector<16xf32>,
        %max3A_1257 = arith.maximumf %scan3A_1167, %get3A_1256 : vector<16xf32>
        %add3A_1258 = arith.constant 32 : i32
        %add3A_1259 = arith.addi %add3A_1258, %scan3A_1152 : i32
        %get3A_1260 = arith.index_cast %add3A_1259 : i32 to index
        %get3A_1261 = arith.constant 240 : index
        %get3A_1262 = tpu.vector_load %arg7[%get3A_1260, %get3A_1261] {strides = array<i32>} : memref<128x256xf32, #tpu.memory_space<vmem>>, vector<16xf32>,
        %max3A_1263 = arith.maximumf %scan3A_1168, %get3A_1262 : vector<16xf32>
        scf.yield %max3A, %max3A_1179, %max3A_1185, %max3A_1191, %max3A_1197, %max3A_1203, %max3A_1209, %max3A_1215, %max3A_1221, %max3A_1227, %max3A_1233, %max3A_1239, %max3A_1245, %max3A_1251, %max3A_1257, %max3A_1263 : vector<16xf32>, vector<16xf32>, vector<16xf32>, vector<16xf32>, vector<16xf32>, vector<16xf32>, vector<16xf32>, vector<16xf32>, vector<16xf32>, vector<16xf32>, vector<16xf32>, vector<16xf32>, vector<16xf32>, vector<16xf32>, vector<16xf32>, vector<16xf32>
      }
      %scan3A_806 = arith.constant 31 : i32
      %swap3A_807 = arith.constant 1 : i32
      %swap3A_808 = arith.index_cast %swap3A_807 : i32 to index
      %swap3A_809 = arith.constant 0 : index
      %swap3A_810 = tpu.vector_load %arg8[%swap3A_808, %swap3A_809] {strides = array<i32>} : memref<4x256xf32, #tpu.memory_space<vmem>>, vector<16xf32>,
      tpu.vector_store %arg8[%swap3A_808, %swap3A_809], %scan3A_805#0 {strides = array<i32>} : memref<4x256xf32, #tpu.memory_space<vmem>>, vector<16xf32>,
      %swap3A_811 = arith.constant 1 : i32
      %swap3A_812 = arith.index_cast %swap3A_811 : i32 to index
      %swap3A_813 = arith.constant 16 : index
      %swap3A_814 = tpu.vector_load %arg8[%swap3A_812, %swap3A_813] {strides = array<i32>} : memref<4x256xf32, #tpu.memory_space<vmem>>, vector<16xf32>,
      tpu.vector_store %arg8[%swap3A_812, %swap3A_813], %scan3A_805#1 {strides = array<i32>} : memref<4x256xf32, #tpu.memory_space<vmem>>, vector<16xf32>,
      %swap3A_815 = arith.constant 1 : i32
      %swap3A_816 = arith.index_cast %swap3A_815 : i32 to index
      %swap3A_817 = arith.constant 32 : index
      %swap3A_818 = tpu.vector_load %arg8[%swap3A_816, %swap3A_817] {strides = array<i32>} : memref<4x256xf32, #tpu.memory_space<vmem>>, vector<16xf32>,
      tpu.vector_store %arg8[%swap3A_816, %swap3A_817], %scan3A_805#2 {strides = array<i32>} : memref<4x256xf32, #tpu.memory_space<vmem>>, vector<16xf32>,
      %swap3A_819 = arith.constant 1 : i32
      %swap3A_820 = arith.index_cast %swap3A_819 : i32 to index
      %swap3A_821 = arith.constant 48 : index
      %swap3A_822 = tpu.vector_load %arg8[%swap3A_820, %swap3A_821] {strides = array<i32>} : memref<4x256xf32, #tpu.memory_space<vmem>>, vector<16xf32>,
      tpu.vector_store %arg8[%swap3A_820, %swap3A_821], %scan3A_805#3 {strides = array<i32>} : memref<4x256xf32, #tpu.memory_space<vmem>>, vector<16xf32>,
      %swap3A_823 = arith.constant 1 : i32
      %swap3A_824 = arith.index_cast %swap3A_823 : i32 to index
      %swap3A_825 = arith.constant 64 : index
      %swap3A_826 = tpu.vector_load %arg8[%swap3A_824, %swap3A_825] {strides = array<i32>} : memref<4x256xf32, #tpu.memory_space<vmem>>, vector<16xf32>,
      tpu.vector_store %arg8[%swap3A_824, %swap3A_825], %scan3A_805#4 {strides = array<i32>} : memref<4x256xf32, #tpu.memory_space<vmem>>, vector<16xf32>,
      %swap3A_827 = arith.constant 1 : i32
      %swap3A_828 = arith.index_cast %swap3A_827 : i32 to index
      %swap3A_829 = arith.constant 80 : index
      %swap3A_830 = tpu.vector_load %arg8[%swap3A_828, %swap3A_829] {strides = array<i32>} : memref<4x256xf32, #tpu.memory_space<vmem>>, vector<16xf32>,
      tpu.vector_store %arg8[%swap3A_828, %swap3A_829], %scan3A_805#5 {strides = array<i32>} : memref<4x256xf32, #tpu.memory_space<vmem>>, vector<16xf32>,
      %swap3A_831 = arith.constant 1 : i32
      %swap3A_832 = arith.index_cast %swap3A_831 : i32 to index
      %swap3A_833 = arith.constant 96 : index
      %swap3A_834 = tpu.vector_load %arg8[%swap3A_832, %swap3A_833] {strides = array<i32>} : memref<4x256xf32, #tpu.memory_space<vmem>>, vector<16xf32>,
      tpu.vector_store %arg8[%swap3A_832, %swap3A_833], %scan3A_805#6 {strides = array<i32>} : memref<4x256xf32, #tpu.memory_space<vmem>>, vector<16xf32>,
      %swap3A_835 = arith.constant 1 : i32
      %swap3A_836 = arith.index_cast %swap3A_835 : i32 to index
      %swap3A_837 = arith.constant 112 : index
      %swap3A_838 = tpu.vector_load %arg8[%swap3A_836, %swap3A_837] {strides = array<i32>} : memref<4x256xf32, #tpu.memory_space<vmem>>, vector<16xf32>,
      tpu.vector_store %arg8[%swap3A_836, %swap3A_837], %scan3A_805#7 {strides = array<i32>} : memref<4x256xf32, #tpu.memory_space<vmem>>, vector<16xf32>,
      %swap3A_839 = arith.constant 1 : i32
      %swap3A_840 = arith.index_cast %swap3A_839 : i32 to index
      %swap3A_841 = arith.constant 128 : index
      %swap3A_842 = tpu.vector_load %arg8[%swap3A_840, %swap3A_841] {strides = array<i32>} : memref<4x256xf32, #tpu.memory_space<vmem>>, vector<16xf32>,
      tpu.vector_store %arg8[%swap3A_840, %swap3A_841], %scan3A_805#8 {strides = array<i32>} : memref<4x256xf32, #tpu.memory_space<vmem>>, vector<16xf32>,
      %swap3A_843 = arith.constant 1 : i32
      %swap3A_844 = arith.index_cast %swap3A_843 : i32 to index
      %swap3A_845 = arith.constant 144 : index
      %swap3A_846 = tpu.vector_load %arg8[%swap3A_844, %swap3A_845] {strides = array<i32>} : memref<4x256xf32, #tpu.memory_space<vmem>>, vector<16xf32>,
      tpu.vector_store %arg8[%swap3A_844, %swap3A_845], %scan3A_805#9 {strides = array<i32>} : memref<4x256xf32, #tpu.memory_space<vmem>>, vector<16xf32>,
      %swap3A_847 = arith.constant 1 : i32
      %swap3A_848 = arith.index_cast %swap3A_847 : i32 to index
      %swap3A_849 = arith.constant 160 : index
      %swap3A_850 = tpu.vector_load %arg8[%swap3A_848, %swap3A_849] {strides = array<i32>} : memref<4x256xf32, #tpu.memory_space<vmem>>, vector<16xf32>,
      tpu.vector_store %arg8[%swap3A_848, %swap3A_849], %scan3A_805#10 {strides = array<i32>} : memref<4x256xf32, #tpu.memory_space<vmem>>, vector<16xf32>,
      %swap3A_851 = arith.constant 1 : i32
      %swap3A_852 = arith.index_cast %swap3A_851 : i32 to index
      %swap3A_853 = arith.constant 176 : index
      %swap3A_854 = tpu.vector_load %arg8[%swap3A_852, %swap3A_853] {strides = array<i32>} : memref<4x256xf32, #tpu.memory_space<vmem>>, vector<16xf32>,
      tpu.vector_store %arg8[%swap3A_852, %swap3A_853], %scan3A_805#11 {strides = array<i32>} : memref<4x256xf32, #tpu.memory_space<vmem>>, vector<16xf32>,
      %swap3A_855 = arith.constant 1 : i32
      %swap3A_856 = arith.index_cast %swap3A_855 : i32 to index
      %swap3A_857 = arith.constant 192 : index
      %swap3A_858 = tpu.vector_load %arg8[%swap3A_856, %swap3A_857] {strides = array<i32>} : memref<4x256xf32, #tpu.memory_space<vmem>>, vector<16xf32>,
      tpu.vector_store %arg8[%swap3A_856, %swap3A_857], %scan3A_805#12 {strides = array<i32>} : memref<4x256xf32, #tpu.memory_space<vmem>>, vector<16xf32>,
      %swap3A_859 = arith.constant 1 : i32
      %swap3A_860 = arith.index_cast %swap3A_859 : i32 to index
      %swap3A_861 = arith.constant 208 : index
      %swap3A_862 = tpu.vector_load %arg8[%swap3A_860, %swap3A_861] {strides = array<i32>} : memref<4x256xf32, #tpu.memory_space<vmem>>, vector<16xf32>,
      tpu.vector_store %arg8[%swap3A_860, %swap3A_861], %scan3A_805#13 {strides = array<i32>} : memref<4x256xf32, #tpu.memory_space<vmem>>, vector<16xf32>,
      %swap3A_863 = arith.constant 1 : i32
      %swap3A_864 = arith.index_cast %swap3A_863 : i32 to index
      %swap3A_865 = arith.constant 224 : index
      %swap3A_866 = tpu.vector_load %arg8[%swap3A_864, %swap3A_865] {strides = array<i32>} : memref<4x256xf32, #tpu.memory_space<vmem>>, vector<16xf32>,
      tpu.vector_store %arg8[%swap3A_864, %swap3A_865], %scan3A_805#14 {strides = array<i32>} : memref<4x256xf32, #tpu.memory_space<vmem>>, vector<16xf32>,
      %swap3A_867 = arith.constant 1 : i32
      %swap3A_868 = arith.index_cast %swap3A_867 : i32 to index
      %swap3A_869 = arith.constant 240 : index
      %swap3A_870 = tpu.vector_load %arg8[%swap3A_868, %swap3A_869] {strides = array<i32>} : memref<4x256xf32, #tpu.memory_space<vmem>>, vector<16xf32>,
      tpu.vector_store %arg8[%swap3A_868, %swap3A_869], %scan3A_805#15 {strides = array<i32>} : memref<4x256xf32, #tpu.memory_space<vmem>>, vector<16xf32>,
      %get3A_871 = arith.constant 64 : i32
      %get3A_872 = arith.index_cast %get3A_871 : i32 to index
      %get3A_873 = arith.constant 0 : index
      %get3A_874 = tpu.vector_load %arg7[%get3A_872, %get3A_873] {strides = array<i32>} : memref<128x256xf32, #tpu.memory_space<vmem>>, vector<16xf32>,
      %get3A_875 = arith.constant 64 : i32
      %get3A_876 = arith.index_cast %get3A_875 : i32 to index
      %get3A_877 = arith.constant 16 : index
      %get3A_878 = tpu.vector_load %arg7[%get3A_876, %get3A_877] {strides = array<i32>} : memref<128x256xf32, #tpu.memory_space<vmem>>, vector<16xf32>,
      %get3A_879 = arith.constant 64 : i32
      %get3A_880 = arith.index_cast %get3A_879 : i32 to index
      %get3A_881 = arith.constant 32 : index
      %get3A_882 = tpu.vector_load %arg7[%get3A_880, %get3A_881] {strides = array<i32>} : memref<128x256xf32, #tpu.memory_space<vmem>>, vector<16xf32>,
      %get3A_883 = arith.constant 64 : i32
      %get3A_884 = arith.index_cast %get3A_883 : i32 to index
      %get3A_885 = arith.constant 48 : index
      %get3A_886 = tpu.vector_load %arg7[%get3A_884, %get3A_885] {strides = array<i32>} : memref<128x256xf32, #tpu.memory_space<vmem>>, vector<16xf32>,
      %get3A_887 = arith.constant 64 : i32
      %get3A_888 = arith.index_cast %get3A_887 : i32 to index
      %get3A_889 = arith.constant 64 : index
      %get3A_890 = tpu.vector_load %arg7[%get3A_888, %get3A_889] {strides = array<i32>} : memref<128x256xf32, #tpu.memory_space<vmem>>, vector<16xf32>,
      %get3A_891 = arith.constant 64 : i32
      %get3A_892 = arith.index_cast %get3A_891 : i32 to index
      %get3A_893 = arith.constant 80 : index
      %get3A_894 = tpu.vector_load %arg7[%get3A_892, %get3A_893] {strides = array<i32>} : memref<128x256xf32, #tpu.memory_space<vmem>>, vector<16xf32>,
      %get3A_895 = arith.constant 64 : i32
      %get3A_896 = arith.index_cast %get3A_895 : i32 to index
      %get3A_897 = arith.constant 96 : index
      %get3A_898 = tpu.vector_load %arg7[%get3A_896, %get3A_897] {strides = array<i32>} : memref<128x256xf32, #tpu.memory_space<vmem>>, vector<16xf32>,
      %get3A_899 = arith.constant 64 : i32
      %get3A_900 = arith.index_cast %get3A_899 : i32 to index
      %get3A_901 = arith.constant 112 : index
      %get3A_902 = tpu.vector_load %arg7[%get3A_900, %get3A_901] {strides = array<i32>} : memref<128x256xf32, #tpu.memory_space<vmem>>, vector<16xf32>,
      %get3A_903 = arith.constant 64 : i32
      %get3A_904 = arith.index_cast %get3A_903 : i32 to index
      %get3A_905 = arith.constant 128 : index
      %get3A_906 = tpu.vector_load %arg7[%get3A_904, %get3A_905] {strides = array<i32>} : memref<128x256xf32, #tpu.memory_space<vmem>>, vector<16xf32>,
      %get3A_907 = arith.constant 64 : i32
      %get3A_908 = arith.index_cast %get3A_907 : i32 to index
      %get3A_909 = arith.constant 144 : index
      %get3A_910 = tpu.vector_load %arg7[%get3A_908, %get3A_909] {strides = array<i32>} : memref<128x256xf32, #tpu.memory_space<vmem>>, vector<16xf32>,
      %get3A_911 = arith.constant 64 : i32
      %get3A_912 = arith.index_cast %get3A_911 : i32 to index
      %get3A_913 = arith.constant 160 : index
      %get3A_914 = tpu.vector_load %arg7[%get3A_912, %get3A_913] {strides = array<i32>} : memref<128x256xf32, #tpu.memory_space<vmem>>, vector<16xf32>,
      %get3A_915 = arith.constant 64 : i32
      %get3A_916 = arith.index_cast %get3A_915 : i32 to index
      %get3A_917 = arith.constant 176 : index
      %get3A_918 = tpu.vector_load %arg7[%get3A_916, %get3A_917] {strides = array<i32>} : memref<128x256xf32, #tpu.memory_space<vmem>>, vector<16xf32>,
      %get3A_919 = arith.constant 64 : i32
      %get3A_920 = arith.index_cast %get3A_919 : i32 to index
      %get3A_921 = arith.constant 192 : index
      %get3A_922 = tpu.vector_load %arg7[%get3A_920, %get3A_921] {strides = array<i32>} : memref<128x256xf32, #tpu.memory_space<vmem>>, vector<16xf32>,
      %get3A_923 = arith.constant 64 : i32
      %get3A_924 = arith.index_cast %get3A_923 : i32 to index
      %get3A_925 = arith.constant 208 : index
      %get3A_926 = tpu.vector_load %arg7[%get3A_924, %get3A_925] {strides = array<i32>} : memref<128x256xf32, #tpu.memory_space<vmem>>, vector<16xf32>,
      %get3A_927 = arith.constant 64 : i32
      %get3A_928 = arith.index_cast %get3A_927 : i32 to index
      %get3A_929 = arith.constant 224 : index
      %get3A_930 = tpu.vector_load %arg7[%get3A_928, %get3A_929] {strides = array<i32>} : memref<128x256xf32, #tpu.memory_space<vmem>>, vector<16xf32>,
      %get3A_931 = arith.constant 64 : i32
      %get3A_932 = arith.index_cast %get3A_931 : i32 to index
      %get3A_933 = arith.constant 240 : index
      %get3A_934 = tpu.vector_load %arg7[%get3A_932, %get3A_933] {strides = array<i32>} : memref<128x256xf32, #tpu.memory_space<vmem>>, vector<16xf32>,
      %scan3A_935 = arith.constant 1 : i32
      %scan3A_936 = arith.constant 31 : i32
      %scan3A_937 = arith.addi %scan3A_935, %scan3A_936 : i32
      %scan3A_938 = arith.constant 1 : i32
      %scan3A_939:16 = scf.for %scan3A_1152 = %scan3A_935 to %scan3A_937 step %scan3A_938 iter_args(%scan3A_1153 = %get3A_874, %scan3A_1154 = %get3A_878, %scan3A_1155 = %get3A_882, %scan3A_1156 = %get3A_886, %scan3A_1157 = %get3A_890, %scan3A_1158 = %get3A_894, %scan3A_1159 = %get3A_898, %scan3A_1160 = %get3A_902, %scan3A_1161 = %get3A_906, %scan3A_1162 = %get3A_910, %scan3A_1163 = %get3A_914, %scan3A_1164 = %get3A_918, %scan3A_1165 = %get3A_922, %scan3A_1166 = %get3A_926, %scan3A_1167 = %get3A_930, %scan3A_1168 = %get3A_934) -> (vector<16xf32>, vector<16xf32>, vector<16xf32>, vector<16xf32>, vector<16xf32>, vector<16xf32>, vector<16xf32>, vector<16xf32>, vector<16xf32>, vector<16xf32>, vector<16xf32>, vector<16xf32>, vector<16xf32>, vector<16xf32>, vector<16xf32>, vector<16xf32>)  : i32 {
        %add3A_1169 = arith.constant 64 : i32
        %add3A_1170 = arith.addi %add3A_1169, %scan3A_1152 : i32
        %get3A_1171 = arith.index_cast %add3A_1170 : i32 to index
        %get3A_1172 = arith.constant 0 : index
        %get3A_1173 = tpu.vector_load %arg7[%get3A_1171, %get3A_1172] {strides = array<i32>} : memref<128x256xf32, #tpu.memory_space<vmem>>, vector<16xf32>,
        %max3A = arith.maximumf %scan3A_1153, %get3A_1173 : vector<16xf32>
        %add3A_1174 = arith.constant 64 : i32
        %add3A_1175 = arith.addi %add3A_1174, %scan3A_1152 : i32
        %get3A_1176 = arith.index_cast %add3A_1175 : i32 to index
        %get3A_1177 = arith.constant 16 : index
        %get3A_1178 = tpu.vector_load %arg7[%get3A_1176, %get3A_1177] {strides = array<i32>} : memref<128x256xf32, #tpu.memory_space<vmem>>, vector<16xf32>,
        %max3A_1179 = arith.maximumf %scan3A_1154, %get3A_1178 : vector<16xf32>
        %add3A_1180 = arith.constant 64 : i32
        %add3A_1181 = arith.addi %add3A_1180, %scan3A_1152 : i32
        %get3A_1182 = arith.index_cast %add3A_1181 : i32 to index
        %get3A_1183 = arith.constant 32 : index
        %get3A_1184 = tpu.vector_load %arg7[%get3A_1182, %get3A_1183] {strides = array<i32>} : memref<128x256xf32, #tpu.memory_space<vmem>>, vector<16xf32>,
        %max3A_1185 = arith.maximumf %scan3A_1155, %get3A_1184 : vector<16xf32>
        %add3A_1186 = arith.constant 64 : i32
        %add3A_1187 = arith.addi %add3A_1186, %scan3A_1152 : i32
        %get3A_1188 = arith.index_cast %add3A_1187 : i32 to index
        %get3A_1189 = arith.constant 48 : index
        %get3A_1190 = tpu.vector_load %arg7[%get3A_1188, %get3A_1189] {strides = array<i32>} : memref<128x256xf32, #tpu.memory_space<vmem>>, vector<16xf32>,
        %max3A_1191 = arith.maximumf %scan3A_1156, %get3A_1190 : vector<16xf32>
        %add3A_1192 = arith.constant 64 : i32
        %add3A_1193 = arith.addi %add3A_1192, %scan3A_1152 : i32
        %get3A_1194 = arith.index_cast %add3A_1193 : i32 to index
        %get3A_1195 = arith.constant 64 : index
        %get3A_1196 = tpu.vector_load %arg7[%get3A_1194, %get3A_1195] {strides = array<i32>} : memref<128x256xf32, #tpu.memory_space<vmem>>, vector<16xf32>,
        %max3A_1197 = arith.maximumf %scan3A_1157, %get3A_1196 : vector<16xf32>
        %add3A_1198 = arith.constant 64 : i32
        %add3A_1199 = arith.addi %add3A_1198, %scan3A_1152 : i32
        %get3A_1200 = arith.index_cast %add3A_1199 : i32 to index
        %get3A_1201 = arith.constant 80 : index
        %get3A_1202 = tpu.vector_load %arg7[%get3A_1200, %get3A_1201] {strides = array<i32>} : memref<128x256xf32, #tpu.memory_space<vmem>>, vector<16xf32>,
        %max3A_1203 = arith.maximumf %scan3A_1158, %get3A_1202 : vector<16xf32>
        %add3A_1204 = arith.constant 64 : i32
        %add3A_1205 = arith.addi %add3A_1204, %scan3A_1152 : i32
        %get3A_1206 = arith.index_cast %add3A_1205 : i32 to index
        %get3A_1207 = arith.constant 96 : index
        %get3A_1208 = tpu.vector_load %arg7[%get3A_1206, %get3A_1207] {strides = array<i32>} : memref<128x256xf32, #tpu.memory_space<vmem>>, vector<16xf32>,
        %max3A_1209 = arith.maximumf %scan3A_1159, %get3A_1208 : vector<16xf32>
        %add3A_1210 = arith.constant 64 : i32
        %add3A_1211 = arith.addi %add3A_1210, %scan3A_1152 : i32
        %get3A_1212 = arith.index_cast %add3A_1211 : i32 to index
        %get3A_1213 = arith.constant 112 : index
        %get3A_1214 = tpu.vector_load %arg7[%get3A_1212, %get3A_1213] {strides = array<i32>} : memref<128x256xf32, #tpu.memory_space<vmem>>, vector<16xf32>,
        %max3A_1215 = arith.maximumf %scan3A_1160, %get3A_1214 : vector<16xf32>
        %add3A_1216 = arith.constant 64 : i32
        %add3A_1217 = arith.addi %add3A_1216, %scan3A_1152 : i32
        %get3A_1218 = arith.index_cast %add3A_1217 : i32 to index
        %get3A_1219 = arith.constant 128 : index
        %get3A_1220 = tpu.vector_load %arg7[%get3A_1218, %get3A_1219] {strides = array<i32>} : memref<128x256xf32, #tpu.memory_space<vmem>>, vector<16xf32>,
        %max3A_1221 = arith.maximumf %scan3A_1161, %get3A_1220 : vector<16xf32>
        %add3A_1222 = arith.constant 64 : i32
        %add3A_1223 = arith.addi %add3A_1222, %scan3A_1152 : i32
        %get3A_1224 = arith.index_cast %add3A_1223 : i32 to index
        %get3A_1225 = arith.constant 144 : index
        %get3A_1226 = tpu.vector_load %arg7[%get3A_1224, %get3A_1225] {strides = array<i32>} : memref<128x256xf32, #tpu.memory_space<vmem>>, vector<16xf32>,
        %max3A_1227 = arith.maximumf %scan3A_1162, %get3A_1226 : vector<16xf32>
        %add3A_1228 = arith.constant 64 : i32
        %add3A_1229 = arith.addi %add3A_1228, %scan3A_1152 : i32
        %get3A_1230 = arith.index_cast %add3A_1229 : i32 to index
        %get3A_1231 = arith.constant 160 : index
        %get3A_1232 = tpu.vector_load %arg7[%get3A_1230, %get3A_1231] {strides = array<i32>} : memref<128x256xf32, #tpu.memory_space<vmem>>, vector<16xf32>,
        %max3A_1233 = arith.maximumf %scan3A_1163, %get3A_1232 : vector<16xf32>
        %add3A_1234 = arith.constant 64 : i32
        %add3A_1235 = arith.addi %add3A_1234, %scan3A_1152 : i32
        %get3A_1236 = arith.index_cast %add3A_1235 : i32 to index
        %get3A_1237 = arith.constant 176 : index
        %get3A_1238 = tpu.vector_load %arg7[%get3A_1236, %get3A_1237] {strides = array<i32>} : memref<128x256xf32, #tpu.memory_space<vmem>>, vector<16xf32>,
        %max3A_1239 = arith.maximumf %scan3A_1164, %get3A_1238 : vector<16xf32>
        %add3A_1240 = arith.constant 64 : i32
        %add3A_1241 = arith.addi %add3A_1240, %scan3A_1152 : i32
        %get3A_1242 = arith.index_cast %add3A_1241 : i32 to index
        %get3A_1243 = arith.constant 192 : index
        %get3A_1244 = tpu.vector_load %arg7[%get3A_1242, %get3A_1243] {strides = array<i32>} : memref<128x256xf32, #tpu.memory_space<vmem>>, vector<16xf32>,
        %max3A_1245 = arith.maximumf %scan3A_1165, %get3A_1244 : vector<16xf32>
        %add3A_1246 = arith.constant 64 : i32
        %add3A_1247 = arith.addi %add3A_1246, %scan3A_1152 : i32
        %get3A_1248 = arith.index_cast %add3A_1247 : i32 to index
        %get3A_1249 = arith.constant 208 : index
        %get3A_1250 = tpu.vector_load %arg7[%get3A_1248, %get3A_1249] {strides = array<i32>} : memref<128x256xf32, #tpu.memory_space<vmem>>, vector<16xf32>,
        %max3A_1251 = arith.maximumf %scan3A_1166, %get3A_1250 : vector<16xf32>
        %add3A_1252 = arith.constant 64 : i32
        %add3A_1253 = arith.addi %add3A_1252, %scan3A_1152 : i32
        %get3A_1254 = arith.index_cast %add3A_1253 : i32 to index
        %get3A_1255 = arith.constant 224 : index
        %get3A_1256 = tpu.vector_load %arg7[%get3A_1254, %get3A_1255] {strides = array<i32>} : memref<128x256xf32, #tpu.memory_space<vmem>>, vector<16xf32>,
        %max3A_1257 = arith.maximumf %scan3A_1167, %get3A_1256 : vector<16xf32>
        %add3A_1258 = arith.constant 64 : i32
        %add3A_1259 = arith.addi %add3A_1258, %scan3A_1152 : i32
        %get3A_1260 = arith.index_cast %add3A_1259 : i32 to index
        %get3A_1261 = arith.constant 240 : index
        %get3A_1262 = tpu.vector_load %arg7[%get3A_1260, %get3A_1261] {strides = array<i32>} : memref<128x256xf32, #tpu.memory_space<vmem>>, vector<16xf32>,
        %max3A_1263 = arith.maximumf %scan3A_1168, %get3A_1262 : vector<16xf32>
        scf.yield %max3A, %max3A_1179, %max3A_1185, %max3A_1191, %max3A_1197, %max3A_1203, %max3A_1209, %max3A_1215, %max3A_1221, %max3A_1227, %max3A_1233, %max3A_1239, %max3A_1245, %max3A_1251, %max3A_1257, %max3A_1263 : vector<16xf32>, vector<16xf32>, vector<16xf32>, vector<16xf32>, vector<16xf32>, vector<16xf32>, vector<16xf32>, vector<16xf32>, vector<16xf32>, vector<16xf32>, vector<16xf32>, vector<16xf32>, vector<16xf32>, vector<16xf32>, vector<16xf32>, vector<16xf32>
      }
      %scan3A_940 = arith.constant 31 : i32
      %swap3A_941 = arith.constant 2 : i32
      %swap3A_942 = arith.index_cast %swap3A_941 : i32 to index
      %swap3A_943 = arith.constant 0 : index
      %swap3A_944 = tpu.vector_load %arg8[%swap3A_942, %swap3A_943] {strides = array<i32>} : memref<4x256xf32, #tpu.memory_space<vmem>>, vector<16xf32>,
      tpu.vector_store %arg8[%swap3A_942, %swap3A_943], %scan3A_939#0 {strides = array<i32>} : memref<4x256xf32, #tpu.memory_space<vmem>>, vector<16xf32>,
      %swap3A_945 = arith.constant 2 : i32
      %swap3A_946 = arith.index_cast %swap3A_945 : i32 to index
      %swap3A_947 = arith.constant 16 : index
      %swap3A_948 = tpu.vector_load %arg8[%swap3A_946, %swap3A_947] {strides = array<i32>} : memref<4x256xf32, #tpu.memory_space<vmem>>, vector<16xf32>,
      tpu.vector_store %arg8[%swap3A_946, %swap3A_947], %scan3A_939#1 {strides = array<i32>} : memref<4x256xf32, #tpu.memory_space<vmem>>, vector<16xf32>,
      %swap3A_949 = arith.constant 2 : i32
      %swap3A_950 = arith.index_cast %swap3A_949 : i32 to index
      %swap3A_951 = arith.constant 32 : index
      %swap3A_952 = tpu.vector_load %arg8[%swap3A_950, %swap3A_951] {strides = array<i32>} : memref<4x256xf32, #tpu.memory_space<vmem>>, vector<16xf32>,
      tpu.vector_store %arg8[%swap3A_950, %swap3A_951], %scan3A_939#2 {strides = array<i32>} : memref<4x256xf32, #tpu.memory_space<vmem>>, vector<16xf32>,
      %swap3A_953 = arith.constant 2 : i32
      %swap3A_954 = arith.index_cast %swap3A_953 : i32 to index
      %swap3A_955 = arith.constant 48 : index
      %swap3A_956 = tpu.vector_load %arg8[%swap3A_954, %swap3A_955] {strides = array<i32>} : memref<4x256xf32, #tpu.memory_space<vmem>>, vector<16xf32>,
      tpu.vector_store %arg8[%swap3A_954, %swap3A_955], %scan3A_939#3 {strides = array<i32>} : memref<4x256xf32, #tpu.memory_space<vmem>>, vector<16xf32>,
      %swap3A_957 = arith.constant 2 : i32
      %swap3A_958 = arith.index_cast %swap3A_957 : i32 to index
      %swap3A_959 = arith.constant 64 : index
      %swap3A_960 = tpu.vector_load %arg8[%swap3A_958, %swap3A_959] {strides = array<i32>} : memref<4x256xf32, #tpu.memory_space<vmem>>, vector<16xf32>,
      tpu.vector_store %arg8[%swap3A_958, %swap3A_959], %scan3A_939#4 {strides = array<i32>} : memref<4x256xf32, #tpu.memory_space<vmem>>, vector<16xf32>,
      %swap3A_961 = arith.constant 2 : i32
      %swap3A_962 = arith.index_cast %swap3A_961 : i32 to index
      %swap3A_963 = arith.constant 80 : index
      %swap3A_964 = tpu.vector_load %arg8[%swap3A_962, %swap3A_963] {strides = array<i32>} : memref<4x256xf32, #tpu.memory_space<vmem>>, vector<16xf32>,
      tpu.vector_store %arg8[%swap3A_962, %swap3A_963], %scan3A_939#5 {strides = array<i32>} : memref<4x256xf32, #tpu.memory_space<vmem>>, vector<16xf32>,
      %swap3A_965 = arith.constant 2 : i32
      %swap3A_966 = arith.index_cast %swap3A_965 : i32 to index
      %swap3A_967 = arith.constant 96 : index
      %swap3A_968 = tpu.vector_load %arg8[%swap3A_966, %swap3A_967] {strides = array<i32>} : memref<4x256xf32, #tpu.memory_space<vmem>>, vector<16xf32>,
      tpu.vector_store %arg8[%swap3A_966, %swap3A_967], %scan3A_939#6 {strides = array<i32>} : memref<4x256xf32, #tpu.memory_space<vmem>>, vector<16xf32>,
      %swap3A_969 = arith.constant 2 : i32
      %swap3A_970 = arith.index_cast %swap3A_969 : i32 to index
      %swap3A_971 = arith.constant 112 : index
      %swap3A_972 = tpu.vector_load %arg8[%swap3A_970, %swap3A_971] {strides = array<i32>} : memref<4x256xf32, #tpu.memory_space<vmem>>, vector<16xf32>,
      tpu.vector_store %arg8[%swap3A_970, %swap3A_971], %scan3A_939#7 {strides = array<i32>} : memref<4x256xf32, #tpu.memory_space<vmem>>, vector<16xf32>,
      %swap3A_973 = arith.constant 2 : i32
      %swap3A_974 = arith.index_cast %swap3A_973 : i32 to index
      %swap3A_975 = arith.constant 128 : index
      %swap3A_976 = tpu.vector_load %arg8[%swap3A_974, %swap3A_975] {strides = array<i32>} : memref<4x256xf32, #tpu.memory_space<vmem>>, vector<16xf32>,
      tpu.vector_store %arg8[%swap3A_974, %swap3A_975], %scan3A_939#8 {strides = array<i32>} : memref<4x256xf32, #tpu.memory_space<vmem>>, vector<16xf32>,
      %swap3A_977 = arith.constant 2 : i32
      %swap3A_978 = arith.index_cast %swap3A_977 : i32 to index
      %swap3A_979 = arith.constant 144 : index
      %swap3A_980 = tpu.vector_load %arg8[%swap3A_978, %swap3A_979] {strides = array<i32>} : memref<4x256xf32, #tpu.memory_space<vmem>>, vector<16xf32>,
      tpu.vector_store %arg8[%swap3A_978, %swap3A_979], %scan3A_939#9 {strides = array<i32>} : memref<4x256xf32, #tpu.memory_space<vmem>>, vector<16xf32>,
      %swap3A_981 = arith.constant 2 : i32
      %swap3A_982 = arith.index_cast %swap3A_981 : i32 to index
      %swap3A_983 = arith.constant 160 : index
      %swap3A_984 = tpu.vector_load %arg8[%swap3A_982, %swap3A_983] {strides = array<i32>} : memref<4x256xf32, #tpu.memory_space<vmem>>, vector<16xf32>,
      tpu.vector_store %arg8[%swap3A_982, %swap3A_983], %scan3A_939#10 {strides = array<i32>} : memref<4x256xf32, #tpu.memory_space<vmem>>, vector<16xf32>,
      %swap3A_985 = arith.constant 2 : i32
      %swap3A_986 = arith.index_cast %swap3A_985 : i32 to index
      %swap3A_987 = arith.constant 176 : index
      %swap3A_988 = tpu.vector_load %arg8[%swap3A_986, %swap3A_987] {strides = array<i32>} : memref<4x256xf32, #tpu.memory_space<vmem>>, vector<16xf32>,
      tpu.vector_store %arg8[%swap3A_986, %swap3A_987], %scan3A_939#11 {strides = array<i32>} : memref<4x256xf32, #tpu.memory_space<vmem>>, vector<16xf32>,
      %swap3A_989 = arith.constant 2 : i32
      %swap3A_990 = arith.index_cast %swap3A_989 : i32 to index
      %swap3A_991 = arith.constant 192 : index
      %swap3A_992 = tpu.vector_load %arg8[%swap3A_990, %swap3A_991] {strides = array<i32>} : memref<4x256xf32, #tpu.memory_space<vmem>>, vector<16xf32>,
      tpu.vector_store %arg8[%swap3A_990, %swap3A_991], %scan3A_939#12 {strides = array<i32>} : memref<4x256xf32, #tpu.memory_space<vmem>>, vector<16xf32>,
      %swap3A_993 = arith.constant 2 : i32
      %swap3A_994 = arith.index_cast %swap3A_993 : i32 to index
      %swap3A_995 = arith.constant 208 : index
      %swap3A_996 = tpu.vector_load %arg8[%swap3A_994, %swap3A_995] {strides = array<i32>} : memref<4x256xf32, #tpu.memory_space<vmem>>, vector<16xf32>,
      tpu.vector_store %arg8[%swap3A_994, %swap3A_995], %scan3A_939#13 {strides = array<i32>} : memref<4x256xf32, #tpu.memory_space<vmem>>, vector<16xf32>,
      %swap3A_997 = arith.constant 2 : i32
      %swap3A_998 = arith.index_cast %swap3A_997 : i32 to index
      %swap3A_999 = arith.constant 224 : index
      %swap3A_1000 = tpu.vector_load %arg8[%swap3A_998, %swap3A_999] {strides = array<i32>} : memref<4x256xf32, #tpu.memory_space<vmem>>, vector<16xf32>,
      tpu.vector_store %arg8[%swap3A_998, %swap3A_999], %scan3A_939#14 {strides = array<i32>} : memref<4x256xf32, #tpu.memory_space<vmem>>, vector<16xf32>,
      %swap3A_1001 = arith.constant 2 : i32
      %swap3A_1002 = arith.index_cast %swap3A_1001 : i32 to index
      %swap3A_1003 = arith.constant 240 : index
      %swap3A_1004 = tpu.vector_load %arg8[%swap3A_1002, %swap3A_1003] {strides = array<i32>} : memref<4x256xf32, #tpu.memory_space<vmem>>, vector<16xf32>,
      tpu.vector_store %arg8[%swap3A_1002, %swap3A_1003], %scan3A_939#15 {strides = array<i32>} : memref<4x256xf32, #tpu.memory_space<vmem>>, vector<16xf32>,
      %get3A_1005 = arith.constant 96 : i32
      %get3A_1006 = arith.index_cast %get3A_1005 : i32 to index
      %get3A_1007 = arith.constant 0 : index
      %get3A_1008 = tpu.vector_load %arg7[%get3A_1006, %get3A_1007] {strides = array<i32>} : memref<128x256xf32, #tpu.memory_space<vmem>>, vector<16xf32>,
      %get3A_1009 = arith.constant 96 : i32
      %get3A_1010 = arith.index_cast %get3A_1009 : i32 to index
      %get3A_1011 = arith.constant 16 : index
      %get3A_1012 = tpu.vector_load %arg7[%get3A_1010, %get3A_1011] {strides = array<i32>} : memref<128x256xf32, #tpu.memory_space<vmem>>, vector<16xf32>,
      %get3A_1013 = arith.constant 96 : i32
      %get3A_1014 = arith.index_cast %get3A_1013 : i32 to index
      %get3A_1015 = arith.constant 32 : index
      %get3A_1016 = tpu.vector_load %arg7[%get3A_1014, %get3A_1015] {strides = array<i32>} : memref<128x256xf32, #tpu.memory_space<vmem>>, vector<16xf32>,
      %get3A_1017 = arith.constant 96 : i32
      %get3A_1018 = arith.index_cast %get3A_1017 : i32 to index
      %get3A_1019 = arith.constant 48 : index
      %get3A_1020 = tpu.vector_load %arg7[%get3A_1018, %get3A_1019] {strides = array<i32>} : memref<128x256xf32, #tpu.memory_space<vmem>>, vector<16xf32>,
      %get3A_1021 = arith.constant 96 : i32
      %get3A_1022 = arith.index_cast %get3A_1021 : i32 to index
      %get3A_1023 = arith.constant 64 : index
      %get3A_1024 = tpu.vector_load %arg7[%get3A_1022, %get3A_1023] {strides = array<i32>} : memref<128x256xf32, #tpu.memory_space<vmem>>, vector<16xf32>,
      %get3A_1025 = arith.constant 96 : i32
      %get3A_1026 = arith.index_cast %get3A_1025 : i32 to index
      %get3A_1027 = arith.constant 80 : index
      %get3A_1028 = tpu.vector_load %arg7[%get3A_1026, %get3A_1027] {strides = array<i32>} : memref<128x256xf32, #tpu.memory_space<vmem>>, vector<16xf32>,
      %get3A_1029 = arith.constant 96 : i32
      %get3A_1030 = arith.index_cast %get3A_1029 : i32 to index
      %get3A_1031 = arith.constant 96 : index
      %get3A_1032 = tpu.vector_load %arg7[%get3A_1030, %get3A_1031] {strides = array<i32>} : memref<128x256xf32, #tpu.memory_space<vmem>>, vector<16xf32>,
      %get3A_1033 = arith.constant 96 : i32
      %get3A_1034 = arith.index_cast %get3A_1033 : i32 to index
      %get3A_1035 = arith.constant 112 : index
      %get3A_1036 = tpu.vector_load %arg7[%get3A_1034, %get3A_1035] {strides = array<i32>} : memref<128x256xf32, #tpu.memory_space<vmem>>, vector<16xf32>,
      %get3A_1037 = arith.constant 96 : i32
      %get3A_1038 = arith.index_cast %get3A_1037 : i32 to index
      %get3A_1039 = arith.constant 128 : index
      %get3A_1040 = tpu.vector_load %arg7[%get3A_1038, %get3A_1039] {strides = array<i32>} : memref<128x256xf32, #tpu.memory_space<vmem>>, vector<16xf32>,
      %get3A_1041 = arith.constant 96 : i32
      %get3A_1042 = arith.index_cast %get3A_1041 : i32 to index
      %get3A_1043 = arith.constant 144 : index
      %get3A_1044 = tpu.vector_load %arg7[%get3A_1042, %get3A_1043] {strides = array<i32>} : memref<128x256xf32, #tpu.memory_space<vmem>>, vector<16xf32>,
      %get3A_1045 = arith.constant 96 : i32
      %get3A_1046 = arith.index_cast %get3A_1045 : i32 to index
      %get3A_1047 = arith.constant 160 : index
      %get3A_1048 = tpu.vector_load %arg7[%get3A_1046, %get3A_1047] {strides = array<i32>} : memref<128x256xf32, #tpu.memory_space<vmem>>, vector<16xf32>,
      %get3A_1049 = arith.constant 96 : i32
      %get3A_1050 = arith.index_cast %get3A_1049 : i32 to index
      %get3A_1051 = arith.constant 176 : index
      %get3A_1052 = tpu.vector_load %arg7[%get3A_1050, %get3A_1051] {strides = array<i32>} : memref<128x256xf32, #tpu.memory_space<vmem>>, vector<16xf32>,
      %get3A_1053 = arith.constant 96 : i32
      %get3A_1054 = arith.index_cast %get3A_1053 : i32 to index
      %get3A_1055 = arith.constant 192 : index
      %get3A_1056 = tpu.vector_load %arg7[%get3A_1054, %get3A_1055] {strides = array<i32>} : memref<128x256xf32, #tpu.memory_space<vmem>>, vector<16xf32>,
      %get3A_1057 = arith.constant 96 : i32
      %get3A_1058 = arith.index_cast %get3A_1057 : i32 to index
      %get3A_1059 = arith.constant 208 : index
      %get3A_1060 = tpu.vector_load %arg7[%get3A_1058, %get3A_1059] {strides = array<i32>} : memref<128x256xf32, #tpu.memory_space<vmem>>, vector<16xf32>,
      %get3A_1061 = arith.constant 96 : i32
      %get3A_1062 = arith.index_cast %get3A_1061 : i32 to index
      %get3A_1063 = arith.constant 224 : index
      %get3A_1064 = tpu.vector_load %arg7[%get3A_1062, %get3A_1063] {strides = array<i32>} : memref<128x256xf32, #tpu.memory_space<vmem>>, vector<16xf32>,
      %get3A_1065 = arith.constant 96 : i32
      %get3A_1066 = arith.index_cast %get3A_1065 : i32 to index
      %get3A_1067 = arith.constant 240 : index
      %get3A_1068 = tpu.vector_load %arg7[%get3A_1066, %get3A_1067] {strides = array<i32>} : memref<128x256xf32, #tpu.memory_space<vmem>>, vector<16xf32>,
      %scan3A_1069 = arith.constant 1 : i32
      %scan3A_1070 = arith.constant 31 : i32
      %scan3A_1071 = arith.addi %scan3A_1069, %scan3A_1070 : i32
      %scan3A_1072 = arith.constant 1 : i32
      %scan3A_1073:16 = scf.for %scan3A_1152 = %scan3A_1069 to %scan3A_1071 step %scan3A_1072 iter_args(%scan3A_1153 = %get3A_1008, %scan3A_1154 = %get3A_1012, %scan3A_1155 = %get3A_1016, %scan3A_1156 = %get3A_1020, %scan3A_1157 = %get3A_1024, %scan3A_1158 = %get3A_1028, %scan3A_1159 = %get3A_1032, %scan3A_1160 = %get3A_1036, %scan3A_1161 = %get3A_1040, %scan3A_1162 = %get3A_1044, %scan3A_1163 = %get3A_1048, %scan3A_1164 = %get3A_1052, %scan3A_1165 = %get3A_1056, %scan3A_1166 = %get3A_1060, %scan3A_1167 = %get3A_1064, %scan3A_1168 = %get3A_1068) -> (vector<16xf32>, vector<16xf32>, vector<16xf32>, vector<16xf32>, vector<16xf32>, vector<16xf32>, vector<16xf32>, vector<16xf32>, vector<16xf32>, vector<16xf32>, vector<16xf32>, vector<16xf32>, vector<16xf32>, vector<16xf32>, vector<16xf32>, vector<16xf32>)  : i32 {
        %add3A_1169 = arith.constant 96 : i32
        %add3A_1170 = arith.addi %add3A_1169, %scan3A_1152 : i32
        %get3A_1171 = arith.index_cast %add3A_1170 : i32 to index
        %get3A_1172 = arith.constant 0 : index
        %get3A_1173 = tpu.vector_load %arg7[%get3A_1171, %get3A_1172] {strides = array<i32>} : memref<128x256xf32, #tpu.memory_space<vmem>>, vector<16xf32>,
        %max3A = arith.maximumf %scan3A_1153, %get3A_1173 : vector<16xf32>
        %add3A_1174 = arith.constant 96 : i32
        %add3A_1175 = arith.addi %add3A_1174, %scan3A_1152 : i32
        %get3A_1176 = arith.index_cast %add3A_1175 : i32 to index
        %get3A_1177 = arith.constant 16 : index
        %get3A_1178 = tpu.vector_load %arg7[%get3A_1176, %get3A_1177] {strides = array<i32>} : memref<128x256xf32, #tpu.memory_space<vmem>>, vector<16xf32>,
        %max3A_1179 = arith.maximumf %scan3A_1154, %get3A_1178 : vector<16xf32>
        %add3A_1180 = arith.constant 96 : i32
        %add3A_1181 = arith.addi %add3A_1180, %scan3A_1152 : i32
        %get3A_1182 = arith.index_cast %add3A_1181 : i32 to index
        %get3A_1183 = arith.constant 32 : index
        %get3A_1184 = tpu.vector_load %arg7[%get3A_1182, %get3A_1183] {strides = array<i32>} : memref<128x256xf32, #tpu.memory_space<vmem>>, vector<16xf32>,
        %max3A_1185 = arith.maximumf %scan3A_1155, %get3A_1184 : vector<16xf32>
        %add3A_1186 = arith.constant 96 : i32
        %add3A_1187 = arith.addi %add3A_1186, %scan3A_1152 : i32
        %get3A_1188 = arith.index_cast %add3A_1187 : i32 to index
        %get3A_1189 = arith.constant 48 : index
        %get3A_1190 = tpu.vector_load %arg7[%get3A_1188, %get3A_1189] {strides = array<i32>} : memref<128x256xf32, #tpu.memory_space<vmem>>, vector<16xf32>,
        %max3A_1191 = arith.maximumf %scan3A_1156, %get3A_1190 : vector<16xf32>
        %add3A_1192 = arith.constant 96 : i32
        %add3A_1193 = arith.addi %add3A_1192, %scan3A_1152 : i32
        %get3A_1194 = arith.index_cast %add3A_1193 : i32 to index
        %get3A_1195 = arith.constant 64 : index
        %get3A_1196 = tpu.vector_load %arg7[%get3A_1194, %get3A_1195] {strides = array<i32>} : memref<128x256xf32, #tpu.memory_space<vmem>>, vector<16xf32>,
        %max3A_1197 = arith.maximumf %scan3A_1157, %get3A_1196 : vector<16xf32>
        %add3A_1198 = arith.constant 96 : i32
        %add3A_1199 = arith.addi %add3A_1198, %scan3A_1152 : i32
        %get3A_1200 = arith.index_cast %add3A_1199 : i32 to index
        %get3A_1201 = arith.constant 80 : index
        %get3A_1202 = tpu.vector_load %arg7[%get3A_1200, %get3A_1201] {strides = array<i32>} : memref<128x256xf32, #tpu.memory_space<vmem>>, vector<16xf32>,
        %max3A_1203 = arith.maximumf %scan3A_1158, %get3A_1202 : vector<16xf32>
        %add3A_1204 = arith.constant 96 : i32
        %add3A_1205 = arith.addi %add3A_1204, %scan3A_1152 : i32
        %get3A_1206 = arith.index_cast %add3A_1205 : i32 to index
        %get3A_1207 = arith.constant 96 : index
        %get3A_1208 = tpu.vector_load %arg7[%get3A_1206, %get3A_1207] {strides = array<i32>} : memref<128x256xf32, #tpu.memory_space<vmem>>, vector<16xf32>,
        %max3A_1209 = arith.maximumf %scan3A_1159, %get3A_1208 : vector<16xf32>
        %add3A_1210 = arith.constant 96 : i32
        %add3A_1211 = arith.addi %add3A_1210, %scan3A_1152 : i32
        %get3A_1212 = arith.index_cast %add3A_1211 : i32 to index
        %get3A_1213 = arith.constant 112 : index
        %get3A_1214 = tpu.vector_load %arg7[%get3A_1212, %get3A_1213] {strides = array<i32>} : memref<128x256xf32, #tpu.memory_space<vmem>>, vector<16xf32>,
        %max3A_1215 = arith.maximumf %scan3A_1160, %get3A_1214 : vector<16xf32>
        %add3A_1216 = arith.constant 96 : i32
        %add3A_1217 = arith.addi %add3A_1216, %scan3A_1152 : i32
        %get3A_1218 = arith.index_cast %add3A_1217 : i32 to index
        %get3A_1219 = arith.constant 128 : index
        %get3A_1220 = tpu.vector_load %arg7[%get3A_1218, %get3A_1219] {strides = array<i32>} : memref<128x256xf32, #tpu.memory_space<vmem>>, vector<16xf32>,
        %max3A_1221 = arith.maximumf %scan3A_1161, %get3A_1220 : vector<16xf32>
        %add3A_1222 = arith.constant 96 : i32
        %add3A_1223 = arith.addi %add3A_1222, %scan3A_1152 : i32
        %get3A_1224 = arith.index_cast %add3A_1223 : i32 to index
        %get3A_1225 = arith.constant 144 : index
        %get3A_1226 = tpu.vector_load %arg7[%get3A_1224, %get3A_1225] {strides = array<i32>} : memref<128x256xf32, #tpu.memory_space<vmem>>, vector<16xf32>,
        %max3A_1227 = arith.maximumf %scan3A_1162, %get3A_1226 : vector<16xf32>
        %add3A_1228 = arith.constant 96 : i32
        %add3A_1229 = arith.addi %add3A_1228, %scan3A_1152 : i32
        %get3A_1230 = arith.index_cast %add3A_1229 : i32 to index
        %get3A_1231 = arith.constant 160 : index
        %get3A_1232 = tpu.vector_load %arg7[%get3A_1230, %get3A_1231] {strides = array<i32>} : memref<128x256xf32, #tpu.memory_space<vmem>>, vector<16xf32>,
        %max3A_1233 = arith.maximumf %scan3A_1163, %get3A_1232 : vector<16xf32>
        %add3A_1234 = arith.constant 96 : i32
        %add3A_1235 = arith.addi %add3A_1234, %scan3A_1152 : i32
        %get3A_1236 = arith.index_cast %add3A_1235 : i32 to index
        %get3A_1237 = arith.constant 176 : index
        %get3A_1238 = tpu.vector_load %arg7[%get3A_1236, %get3A_1237] {strides = array<i32>} : memref<128x256xf32, #tpu.memory_space<vmem>>, vector<16xf32>,
        %max3A_1239 = arith.maximumf %scan3A_1164, %get3A_1238 : vector<16xf32>
        %add3A_1240 = arith.constant 96 : i32
        %add3A_1241 = arith.addi %add3A_1240, %scan3A_1152 : i32
        %get3A_1242 = arith.index_cast %add3A_1241 : i32 to index
        %get3A_1243 = arith.constant 192 : index
        %get3A_1244 = tpu.vector_load %arg7[%get3A_1242, %get3A_1243] {strides = array<i32>} : memref<128x256xf32, #tpu.memory_space<vmem>>, vector<16xf32>,
        %max3A_1245 = arith.maximumf %scan3A_1165, %get3A_1244 : vector<16xf32>
        %add3A_1246 = arith.constant 96 : i32
        %add3A_1247 = arith.addi %add3A_1246, %scan3A_1152 : i32
        %get3A_1248 = arith.index_cast %add3A_1247 : i32 to index
        %get3A_1249 = arith.constant 208 : index
        %get3A_1250 = tpu.vector_load %arg7[%get3A_1248, %get3A_1249] {strides = array<i32>} : memref<128x256xf32, #tpu.memory_space<vmem>>, vector<16xf32>,
        %max3A_1251 = arith.maximumf %scan3A_1166, %get3A_1250 : vector<16xf32>
        %add3A_1252 = arith.constant 96 : i32
        %add3A_1253 = arith.addi %add3A_1252, %scan3A_1152 : i32
        %get3A_1254 = arith.index_cast %add3A_1253 : i32 to index
        %get3A_1255 = arith.constant 224 : index
        %get3A_1256 = tpu.vector_load %arg7[%get3A_1254, %get3A_1255] {strides = array<i32>} : memref<128x256xf32, #tpu.memory_space<vmem>>, vector<16xf32>,
        %max3A_1257 = arith.maximumf %scan3A_1167, %get3A_1256 : vector<16xf32>
        %add3A_1258 = arith.constant 96 : i32
        %add3A_1259 = arith.addi %add3A_1258, %scan3A_1152 : i32
        %get3A_1260 = arith.index_cast %add3A_1259 : i32 to index
        %get3A_1261 = arith.constant 240 : index
        %get3A_1262 = tpu.vector_load %arg7[%get3A_1260, %get3A_1261] {strides = array<i32>} : memref<128x256xf32, #tpu.memory_space<vmem>>, vector<16xf32>,
        %max3A_1263 = arith.maximumf %scan3A_1168, %get3A_1262 : vector<16xf32>
        scf.yield %max3A, %max3A_1179, %max3A_1185, %max3A_1191, %max3A_1197, %max3A_1203, %max3A_1209, %max3A_1215, %max3A_1221, %max3A_1227, %max3A_1233, %max3A_1239, %max3A_1245, %max3A_1251, %max3A_1257, %max3A_1263 : vector<16xf32>, vector<16xf32>, vector<16xf32>, vector<16xf32>, vector<16xf32>, vector<16xf32>, vector<16xf32>, vector<16xf32>, vector<16xf32>, vector<16xf32>, vector<16xf32>, vector<16xf32>, vector<16xf32>, vector<16xf32>, vector<16xf32>, vector<16xf32>
      }
      %scan3A_1074 = arith.constant 31 : i32
      %swap3A_1075 = arith.constant 3 : i32
      %swap3A_1076 = arith.index_cast %swap3A_1075 : i32 to index
      %swap3A_1077 = arith.constant 0 : index
      %swap3A_1078 = tpu.vector_load %arg8[%swap3A_1076, %swap3A_1077] {strides = array<i32>} : memref<4x256xf32, #tpu.memory_space<vmem>>, vector<16xf32>,
      tpu.vector_store %arg8[%swap3A_1076, %swap3A_1077], %scan3A_1073#0 {strides = array<i32>} : memref<4x256xf32, #tpu.memory_space<vmem>>, vector<16xf32>,
      %swap3A_1079 = arith.constant 3 : i32
      %swap3A_1080 = arith.index_cast %swap3A_1079 : i32 to index
      %swap3A_1081 = arith.constant 16 : index
      %swap3A_1082 = tpu.vector_load %arg8[%swap3A_1080, %swap3A_1081] {strides = array<i32>} : memref<4x256xf32, #tpu.memory_space<vmem>>, vector<16xf32>,
      tpu.vector_store %arg8[%swap3A_1080, %swap3A_1081], %scan3A_1073#1 {strides = array<i32>} : memref<4x256xf32, #tpu.memory_space<vmem>>, vector<16xf32>,
      %swap3A_1083 = arith.constant 3 : i32
      %swap3A_1084 = arith.index_cast %swap3A_1083 : i32 to index
      %swap3A_1085 = arith.constant 32 : index
      %swap3A_1086 = tpu.vector_load %arg8[%swap3A_1084, %swap3A_1085] {strides = array<i32>} : memref<4x256xf32, #tpu.memory_space<vmem>>, vector<16xf32>,
      tpu.vector_store %arg8[%swap3A_1084, %swap3A_1085], %scan3A_1073#2 {strides = array<i32>} : memref<4x256xf32, #tpu.memory_space<vmem>>, vector<16xf32>,
      %swap3A_1087 = arith.constant 3 : i32
      %swap3A_1088 = arith.index_cast %swap3A_1087 : i32 to index
      %swap3A_1089 = arith.constant 48 : index
      %swap3A_1090 = tpu.vector_load %arg8[%swap3A_1088, %swap3A_1089] {strides = array<i32>} : memref<4x256xf32, #tpu.memory_space<vmem>>, vector<16xf32>,
      tpu.vector_store %arg8[%swap3A_1088, %swap3A_1089], %scan3A_1073#3 {strides = array<i32>} : memref<4x256xf32, #tpu.memory_space<vmem>>, vector<16xf32>,
      %swap3A_1091 = arith.constant 3 : i32
      %swap3A_1092 = arith.index_cast %swap3A_1091 : i32 to index
      %swap3A_1093 = arith.constant 64 : index
      %swap3A_1094 = tpu.vector_load %arg8[%swap3A_1092, %swap3A_1093] {strides = array<i32>} : memref<4x256xf32, #tpu.memory_space<vmem>>, vector<16xf32>,
      tpu.vector_store %arg8[%swap3A_1092, %swap3A_1093], %scan3A_1073#4 {strides = array<i32>} : memref<4x256xf32, #tpu.memory_space<vmem>>, vector<16xf32>,
      %swap3A_1095 = arith.constant 3 : i32
      %swap3A_1096 = arith.index_cast %swap3A_1095 : i32 to index
      %swap3A_1097 = arith.constant 80 : index
      %swap3A_1098 = tpu.vector_load %arg8[%swap3A_1096, %swap3A_1097] {strides = array<i32>} : memref<4x256xf32, #tpu.memory_space<vmem>>, vector<16xf32>,
      tpu.vector_store %arg8[%swap3A_1096, %swap3A_1097], %scan3A_1073#5 {strides = array<i32>} : memref<4x256xf32, #tpu.memory_space<vmem>>, vector<16xf32>,
      %swap3A_1099 = arith.constant 3 : i32
      %swap3A_1100 = arith.index_cast %swap3A_1099 : i32 to index
      %swap3A_1101 = arith.constant 96 : index
      %swap3A_1102 = tpu.vector_load %arg8[%swap3A_1100, %swap3A_1101] {strides = array<i32>} : memref<4x256xf32, #tpu.memory_space<vmem>>, vector<16xf32>,
      tpu.vector_store %arg8[%swap3A_1100, %swap3A_1101], %scan3A_1073#6 {strides = array<i32>} : memref<4x256xf32, #tpu.memory_space<vmem>>, vector<16xf32>,
      %swap3A_1103 = arith.constant 3 : i32
      %swap3A_1104 = arith.index_cast %swap3A_1103 : i32 to index
      %swap3A_1105 = arith.constant 112 : index
      %swap3A_1106 = tpu.vector_load %arg8[%swap3A_1104, %swap3A_1105] {strides = array<i32>} : memref<4x256xf32, #tpu.memory_space<vmem>>, vector<16xf32>,
      tpu.vector_store %arg8[%swap3A_1104, %swap3A_1105], %scan3A_1073#7 {strides = array<i32>} : memref<4x256xf32, #tpu.memory_space<vmem>>, vector<16xf32>,
      %swap3A_1107 = arith.constant 3 : i32
      %swap3A_1108 = arith.index_cast %swap3A_1107 : i32 to index
      %swap3A_1109 = arith.constant 128 : index
      %swap3A_1110 = tpu.vector_load %arg8[%swap3A_1108, %swap3A_1109] {strides = array<i32>} : memref<4x256xf32, #tpu.memory_space<vmem>>, vector<16xf32>,
      tpu.vector_store %arg8[%swap3A_1108, %swap3A_1109], %scan3A_1073#8 {strides = array<i32>} : memref<4x256xf32, #tpu.memory_space<vmem>>, vector<16xf32>,
      %swap3A_1111 = arith.constant 3 : i32
      %swap3A_1112 = arith.index_cast %swap3A_1111 : i32 to index
      %swap3A_1113 = arith.constant 144 : index
      %swap3A_1114 = tpu.vector_load %arg8[%swap3A_1112, %swap3A_1113] {strides = array<i32>} : memref<4x256xf32, #tpu.memory_space<vmem>>, vector<16xf32>,
      tpu.vector_store %arg8[%swap3A_1112, %swap3A_1113], %scan3A_1073#9 {strides = array<i32>} : memref<4x256xf32, #tpu.memory_space<vmem>>, vector<16xf32>,
      %swap3A_1115 = arith.constant 3 : i32
      %swap3A_1116 = arith.index_cast %swap3A_1115 : i32 to index
      %swap3A_1117 = arith.constant 160 : index
      %swap3A_1118 = tpu.vector_load %arg8[%swap3A_1116, %swap3A_1117] {strides = array<i32>} : memref<4x256xf32, #tpu.memory_space<vmem>>, vector<16xf32>,
      tpu.vector_store %arg8[%swap3A_1116, %swap3A_1117], %scan3A_1073#10 {strides = array<i32>} : memref<4x256xf32, #tpu.memory_space<vmem>>, vector<16xf32>,
      %swap3A_1119 = arith.constant 3 : i32
      %swap3A_1120 = arith.index_cast %swap3A_1119 : i32 to index
      %swap3A_1121 = arith.constant 176 : index
      %swap3A_1122 = tpu.vector_load %arg8[%swap3A_1120, %swap3A_1121] {strides = array<i32>} : memref<4x256xf32, #tpu.memory_space<vmem>>, vector<16xf32>,
      tpu.vector_store %arg8[%swap3A_1120, %swap3A_1121], %scan3A_1073#11 {strides = array<i32>} : memref<4x256xf32, #tpu.memory_space<vmem>>, vector<16xf32>,
      %swap3A_1123 = arith.constant 3 : i32
      %swap3A_1124 = arith.index_cast %swap3A_1123 : i32 to index
      %swap3A_1125 = arith.constant 192 : index
      %swap3A_1126 = tpu.vector_load %arg8[%swap3A_1124, %swap3A_1125] {strides = array<i32>} : memref<4x256xf32, #tpu.memory_space<vmem>>, vector<16xf32>,
      tpu.vector_store %arg8[%swap3A_1124, %swap3A_1125], %scan3A_1073#12 {strides = array<i32>} : memref<4x256xf32, #tpu.memory_space<vmem>>, vector<16xf32>,
      %swap3A_1127 = arith.constant 3 : i32
      %swap3A_1128 = arith.index_cast %swap3A_1127 : i32 to index
      %swap3A_1129 = arith.constant 208 : index
      %swap3A_1130 = tpu.vector_load %arg8[%swap3A_1128, %swap3A_1129] {strides = array<i32>} : memref<4x256xf32, #tpu.memory_space<vmem>>, vector<16xf32>,
      tpu.vector_store %arg8[%swap3A_1128, %swap3A_1129], %scan3A_1073#13 {strides = array<i32>} : memref<4x256xf32, #tpu.memory_space<vmem>>, vector<16xf32>,
      %swap3A_1131 = arith.constant 3 : i32
      %swap3A_1132 = arith.index_cast %swap3A_1131 : i32 to index
      %swap3A_1133 = arith.constant 224 : index
      %swap3A_1134 = tpu.vector_load %arg8[%swap3A_1132, %swap3A_1133] {strides = array<i32>} : memref<4x256xf32, #tpu.memory_space<vmem>>, vector<16xf32>,
      tpu.vector_store %arg8[%swap3A_1132, %swap3A_1133], %scan3A_1073#14 {strides = array<i32>} : memref<4x256xf32, #tpu.memory_space<vmem>>, vector<16xf32>,
      %swap3A_1135 = arith.constant 3 : i32
      %swap3A_1136 = arith.index_cast %swap3A_1135 : i32 to index
      %swap3A_1137 = arith.constant 240 : index
      %swap3A_1138 = tpu.vector_load %arg8[%swap3A_1136, %swap3A_1137] {strides = array<i32>} : memref<4x256xf32, #tpu.memory_space<vmem>>, vector<16xf32>,
      tpu.vector_store %arg8[%swap3A_1136, %swap3A_1137], %scan3A_1073#15 {strides = array<i32>} : memref<4x256xf32, #tpu.memory_space<vmem>>, vector<16xf32>,
      %mul3A_1139 = arith.constant 256 : i32
      %mul3A_1140 = arith.muli %add3A, %mul3A_1139 : i32
      %mul3A_1141 = arith.constant 4 : i32
      %mul3A_1142 = arith.muli %add3A_602, %mul3A_1141 : i32
      %add3A_1143 = arith.addi %mul3A_1140, %mul3A_1142 : i32
      "tpu.region"() ({
        %run_scoped3A = tpu.sem_alloc : memref<!tpu.dma_semaphore, #tpu.memory_space<semaphore_mem>>
        %dma_start3A_1152 = arith.constant 0 : i32
        %dma_start3A_1153 = tpu.memref_slice %arg4[%add3A_1143, %dma_start3A_1152] : memref<8192x256xf32, #tpu.memory_space<hbm>> -> memref<4x256xf32, #tpu.memory_space<hbm>>
        %dma_start3A_1154 = arith.constant 0 : i32
        %dma_start3A_1155 = tpu.memref_slice %arg4[%add3A_1143, %dma_start3A_1154] : memref<8192x256xf32, #tpu.memory_space<hbm>> -> memref<4x256xf32, #tpu.memory_space<hbm>>
        tpu.enqueue_dma source(%arg8 : memref<4x256xf32, #tpu.memory_space<vmem>>) target(%dma_start3A_1155 : memref<4x256xf32, #tpu.memory_space<hbm>>) target_semaphore(%run_scoped3A : memref<!tpu.dma_semaphore, #tpu.memory_space<semaphore_mem>>)
        %dma_wait3A_1156 = arith.constant 0 : i32
        %dma_wait3A_1157 = tpu.memref_slice %arg4[%add3A_1143, %dma_wait3A_1156] : memref<8192x256xf32, #tpu.memory_space<hbm>> -> memref<4x256xf32, #tpu.memory_space<hbm>>
        %dma_wait3A_1158 = arith.constant 0 : i32
        %dma_wait3A_1159 = tpu.memref_slice %arg4[%add3A_1143, %dma_wait3A_1158] : memref<8192x256xf32, #tpu.memory_space<hbm>> -> memref<4x256xf32, #tpu.memory_space<hbm>>
        tpu.wait_dma2 semaphore(%run_scoped3A : memref<!tpu.dma_semaphore, #tpu.memory_space<semaphore_mem>>) src(%arg8 : memref<4x256xf32, #tpu.memory_space<vmem>>) dst(%dma_wait3A_1159 : memref<4x256xf32, #tpu.memory_space<hbm>>)
        tpu.yield
      }) : () -> ()
      %add3A_1144 = arith.constant 3 : i32
      %add3A_1145 = arith.addi %mul3A_48, %add3A_1144 : i32
      %lt3A_1146 = arith.constant 64 : i32
      %lt3A_1147 = arith.cmpi slt, %add3A_1145, %lt3A_1146 : i32
      %convert_element_type3A_1148 = arith.extui %lt3A_1147 : i1 to i32
      %cond3A_1149 = arith.constant 0 : i32
      %cond3A_1150 = arith.cmpi ne, %convert_element_type3A_1148, %cond3A_1149 : i32
      scf.if %cond3A_1150 {
        %add3A_1152 = arith.constant 3 : i32
        %add3A_1153 = arith.addi %mul3A_48, %add3A_1152 : i32
        %mul3A_1154 = arith.constant 128 : i32
        %mul3A_1155 = arith.muli %add3A_1153, %mul3A_1154 : i32
        %dma_start3A_1156 = tpu.memref_slice %arg5[%mul3A_1155] : memref<8192xi32, #tpu.memory_space<vmem>> -> memref<128xi32, #tpu.memory_space<vmem>>
        %dma_start3A_1157 = arith.constant 0 : i32
        %dma_start3A_1158 = arith.constant 0 : i32
        %dma_start3A_1159 = tpu.memref_slice %arg2[%dma_start3A_1157, %dma_start3A_1158] : memref<32768x256xf32, #tpu.memory_space<hbm>> -> memref<32768x256xf32, #tpu.memory_space<hbm>>
        tpu.enqueue_indirect_dma source(%dma_start3A_1159 : memref<32768x256xf32, #tpu.memory_space<hbm>>) target(%arg7 : memref<128x256xf32, #tpu.memory_space<vmem>>) offsets(%dma_start3A_1156 : memref<128xi32, #tpu.memory_space<vmem>>) semaphore(%arg10 : memref<!tpu.dma_semaphore, #tpu.memory_space<semaphore_mem>>)
      } else {
      }
      %scan3A_1151 = arith.constant 0 : i32
      scf.yield %scan3A_1151 : i32
    }
    %scan3A_44 = arith.constant 32 : i32
    return
  }
}

module attributes {stable_mosaic.version = 14 : i64} {
  func.func @_fps_body(%arg0: memref<16x2048xf32, #tpu.memory_space<vmem>>, %arg1: memref<16x2048xf32, #tpu.memory_space<vmem>>, %arg2: memref<16x2048xf32, #tpu.memory_space<vmem>>, %arg3: memref<512x16xi32, #tpu.memory_space<vmem>>, %arg4: memref<512x16xf32, #tpu.memory_space<vmem>>, %arg5: memref<512x16xf32, #tpu.memory_space<vmem>>, %arg6: memref<512x16xf32, #tpu.memory_space<vmem>>) attributes {dimension_semantics = [], scalar_prefetch = 0 : i64, scratch_operands = 0 : i64, tpu.core_type = #tpu.core_type<tc>} {
    %get3A = arith.constant 0 : index
    %get3A_0 = arith.constant 0 : index
    %get3A_1 = vector.load %arg0[%get3A, %get3A_0] : memref<16x2048xf32, #tpu.memory_space<vmem>>, vector<16x2048xf32>
    %get3A_2 = arith.constant 0 : index
    %get3A_3 = arith.constant 0 : index
    %get3A_4 = vector.load %arg1[%get3A_2, %get3A_3] : memref<16x2048xf32, #tpu.memory_space<vmem>>, vector<16x2048xf32>
    %get3A_5 = arith.constant 0 : index
    %get3A_6 = arith.constant 0 : index
    %get3A_7 = vector.load %arg2[%get3A_5, %get3A_6] : memref<16x2048xf32, #tpu.memory_space<vmem>>, vector<16x2048xf32>
    %iota3A = tpu.iota {dimensions = array<i32: 1>} : vector<16x2048xi32>
    %broadcast_in_dim3A = arith.constant 1.000000e+10 : f32
    %broadcast_in_dim3A_8 = vector.broadcast %broadcast_in_dim3A : f32 to vector<16x2048xf32>
    %broadcast_in_dim3A_9 = arith.constant 0 : i32
    %broadcast_in_dim3A_10 = vector.broadcast %broadcast_in_dim3A_9 : i32 to vector<16x1xi32>
    %scan3A = arith.constant 0 : i32
    %scan3A_11 = arith.constant 512 : i32
    %scan3A_12 = arith.addi %scan3A, %scan3A_11 : i32
    %scan3A_13 = arith.constant 1 : i32
    %scan3A_14:2 = scf.for %scan3A_16 = %scan3A to %scan3A_12 step %scan3A_13 iter_args(%scan3A_17 = %broadcast_in_dim3A_8, %scan3A_18 = %broadcast_in_dim3A_10) -> (vector<16x2048xf32>, vector<16x1xi32>)  : i32 {
      %reshape3A = vector.shape_cast %scan3A_18 : vector<16x1xi32> to vector<1x16xi32>
      %swap3A = arith.index_cast %scan3A_16 : i32 to index
      %swap3A_19 = arith.constant 0 : index
      %swap3A_20 = vector.load %arg3[%swap3A, %swap3A_19] : memref<512x16xi32, #tpu.memory_space<vmem>>, vector<1x16xi32>
      tpu.vector_store %arg3[%swap3A, %swap3A_19], %reshape3A {strides = array<i32>} : memref<512x16xi32, #tpu.memory_space<vmem>>, vector<1x16xi32>,
      %eq3A = vector.broadcast %scan3A_18 : vector<16x1xi32> to vector<16x2048xi32>
      %eq3A_21 = arith.cmpi eq, %iota3A, %eq3A : vector<16x2048xi32>
      %broadcast_in_dim3A_22 = arith.constant 0.000000e+00 : f32
      %broadcast_in_dim3A_23 = vector.broadcast %broadcast_in_dim3A_22 : f32 to vector<16x2048xf32>
      %select_n3A = arith.select %eq3A_21, %get3A_1, %broadcast_in_dim3A_23 : vector<16x2048xi1>, vector<16x2048xf32>
      %reduce_sum3A = arith.constant dense<0.000000e+00> : vector<16xf32>
      %reduce_sum3A_24 = vector.multi_reduction <add>, %select_n3A, %reduce_sum3A [1] : vector<16x2048xf32> to vector<16xf32>
      %broadcast_in_dim3A_25 = vector.shape_cast %reduce_sum3A_24 : vector<16xf32> to vector<16x1xf32>
      %select_n3A_26 = arith.select %eq3A_21, %get3A_4, %broadcast_in_dim3A_23 : vector<16x2048xi1>, vector<16x2048xf32>
      %reduce_sum3A_27 = arith.constant dense<0.000000e+00> : vector<16xf32>
      %reduce_sum3A_28 = vector.multi_reduction <add>, %select_n3A_26, %reduce_sum3A_27 [1] : vector<16x2048xf32> to vector<16xf32>
      %broadcast_in_dim3A_29 = vector.shape_cast %reduce_sum3A_28 : vector<16xf32> to vector<16x1xf32>
      %select_n3A_30 = arith.select %eq3A_21, %get3A_7, %broadcast_in_dim3A_23 : vector<16x2048xi1>, vector<16x2048xf32>
      %reduce_sum3A_31 = arith.constant dense<0.000000e+00> : vector<16xf32>
      %reduce_sum3A_32 = vector.multi_reduction <add>, %select_n3A_30, %reduce_sum3A_31 [1] : vector<16x2048xf32> to vector<16xf32>
      %broadcast_in_dim3A_33 = vector.shape_cast %reduce_sum3A_32 : vector<16xf32> to vector<16x1xf32>
      %reshape3A_34 = vector.shape_cast %broadcast_in_dim3A_25 : vector<16x1xf32> to vector<1x16xf32>
      %swap3A_35 = arith.index_cast %scan3A_16 : i32 to index
      %swap3A_36 = arith.constant 0 : index
      %swap3A_37 = vector.load %arg4[%swap3A_35, %swap3A_36] : memref<512x16xf32, #tpu.memory_space<vmem>>, vector<1x16xf32>
      tpu.vector_store %arg4[%swap3A_35, %swap3A_36], %reshape3A_34 {strides = array<i32>} : memref<512x16xf32, #tpu.memory_space<vmem>>, vector<1x16xf32>,
      %reshape3A_38 = vector.shape_cast %broadcast_in_dim3A_29 : vector<16x1xf32> to vector<1x16xf32>
      %swap3A_39 = arith.index_cast %scan3A_16 : i32 to index
      %swap3A_40 = arith.constant 0 : index
      %swap3A_41 = vector.load %arg5[%swap3A_39, %swap3A_40] : memref<512x16xf32, #tpu.memory_space<vmem>>, vector<1x16xf32>
      tpu.vector_store %arg5[%swap3A_39, %swap3A_40], %reshape3A_38 {strides = array<i32>} : memref<512x16xf32, #tpu.memory_space<vmem>>, vector<1x16xf32>,
      %reshape3A_42 = vector.shape_cast %broadcast_in_dim3A_33 : vector<16x1xf32> to vector<1x16xf32>
      %swap3A_43 = arith.index_cast %scan3A_16 : i32 to index
      %swap3A_44 = arith.constant 0 : index
      %swap3A_45 = vector.load %arg6[%swap3A_43, %swap3A_44] : memref<512x16xf32, #tpu.memory_space<vmem>>, vector<1x16xf32>
      tpu.vector_store %arg6[%swap3A_43, %swap3A_44], %reshape3A_42 {strides = array<i32>} : memref<512x16xf32, #tpu.memory_space<vmem>>, vector<1x16xf32>,
      %sub3A = vector.broadcast %broadcast_in_dim3A_25 : vector<16x1xf32> to vector<16x2048xf32>
      %sub3A_46 = arith.subf %get3A_1, %sub3A : vector<16x2048xf32>
      %sub3A_47 = vector.broadcast %broadcast_in_dim3A_29 : vector<16x1xf32> to vector<16x2048xf32>
      %sub3A_48 = arith.subf %get3A_4, %sub3A_47 : vector<16x2048xf32>
      %sub3A_49 = vector.broadcast %broadcast_in_dim3A_33 : vector<16x1xf32> to vector<16x2048xf32>
      %sub3A_50 = arith.subf %get3A_7, %sub3A_49 : vector<16x2048xf32>
      %mul3A = arith.mulf %sub3A_46, %sub3A_46 : vector<16x2048xf32>
      %mul3A_51 = arith.mulf %sub3A_48, %sub3A_48 : vector<16x2048xf32>
      %add3A = arith.addf %mul3A, %mul3A_51 : vector<16x2048xf32>
      %mul3A_52 = arith.mulf %sub3A_50, %sub3A_50 : vector<16x2048xf32>
      %add3A_53 = arith.addf %add3A, %mul3A_52 : vector<16x2048xf32>
      %min3A = arith.minimumf %scan3A_17, %add3A_53 : vector<16x2048xf32>
      %reduce_max3A = arith.constant dense<0xFF800000> : vector<16xf32>
      %reduce_max3A_54 = vector.multi_reduction <maximumf>, %min3A, %reduce_max3A [1] : vector<16x2048xf32> to vector<16xf32>
      %broadcast_in_dim3A_55 = vector.shape_cast %reduce_max3A_54 : vector<16xf32> to vector<16x1xf32>
      %eq3A_56 = vector.broadcast %broadcast_in_dim3A_55 : vector<16x1xf32> to vector<16x2048xf32>
      %eq3A_57 = arith.cmpf oeq, %min3A, %eq3A_56 : vector<16x2048xf32>
      %jit3A = arith.constant 2048 : i32
      %broadcast_in_dim3A_58 = vector.broadcast %jit3A : i32 to vector<16x2048xi32>
      %select_n3A_59 = arith.select %eq3A_57, %iota3A, %broadcast_in_dim3A_58 : vector<16x2048xi1>, vector<16x2048xi32>
      %reduce_min3A = arith.constant dense<2147483647> : vector<16xi32>
      %reduce_min3A_60 = vector.multi_reduction <minsi>, %select_n3A_59, %reduce_min3A [1] : vector<16x2048xi32> to vector<16xi32>
      %broadcast_in_dim3A_61 = vector.shape_cast %reduce_min3A_60 : vector<16xi32> to vector<16x1xi32>
      scf.yield %min3A, %broadcast_in_dim3A_61 : vector<16x2048xf32>, vector<16x1xi32>
    }
    %scan3A_15 = arith.constant 512 : i32
    return
  }
}

module attributes {stable_mosaic.version = 14 : i64} {
  func.func @_topk_body(%arg0: i32, %arg1: memref<1x2048x3xf32, #tpu.memory_space<vmem>>, %arg2: memref<1x3x512xf32, #tpu.memory_space<vmem>>, %arg3: memref<1x2048x1xf32, #tpu.memory_space<vmem>>, %arg4: memref<1x1x512xf32, #tpu.memory_space<vmem>>, %arg5: memref<1x32x512xi32, #tpu.memory_space<vmem>>, %arg6: memref<2048x512xf32, #tpu.memory_space<vmem>>) attributes {dimension_semantics = [#tpu.dimension_semantics<arbitrary>], iteration_bounds = array<i64: 16>, scalar_prefetch = 0 : i64, scratch_operands = 1 : i64, tpu.core_type = #tpu.core_type<tc>, window_params = [{transform_indices = @transform_0, window_bounds = array<i64: 1, 2048, 3>}, {transform_indices = @transform_1, window_bounds = array<i64: 1, 3, 512>}, {transform_indices = @transform_2, window_bounds = array<i64: 1, 2048, 1>}, {transform_indices = @transform_3, window_bounds = array<i64: 1, 1, 512>}, {transform_indices = @transform_4, window_bounds = array<i64: 1, 32, 512>}]} {
    %get3A = arith.constant 0 : index
    %get3A_0 = arith.constant 0 : index
    %get3A_1 = arith.constant 0 : index
    %get3A_2 = vector.load %arg1[%get3A, %get3A_0, %get3A_1] : memref<1x2048x3xf32, #tpu.memory_space<vmem>>, vector<1x2048x3xf32>
    %get3A_3 = vector.shape_cast %get3A_2 : vector<1x2048x3xf32> to vector<2048x3xf32>
    %get3A_4 = arith.constant 0 : index
    %get3A_5 = arith.constant 0 : index
    %get3A_6 = arith.constant 0 : index
    %get3A_7 = vector.load %arg2[%get3A_4, %get3A_5, %get3A_6] : memref<1x3x512xf32, #tpu.memory_space<vmem>>, vector<1x3x512xf32>
    %get3A_8 = vector.shape_cast %get3A_7 : vector<1x3x512xf32> to vector<3x512xf32>
    %dot_general3A = arith.constant dense<0.000000e+00> : vector<2048x512xf32>
    %dot_general3A_9 = tpu.matmul %get3A_3, %get3A_8, %dot_general3A {dimension_numbers = #tpu.dot_dimension_numbers<[1], [0], [0], [1], [0, 0, 1, 1], [], []>, transpose_lhs_hint = false} : vector<2048x3xf32>, vector<3x512xf32>, vector<2048x512xf32> -> vector<2048x512xf32>
    %mul3A = arith.constant -2.000000e+00 : f32
    %mul3A_10 = vector.broadcast %mul3A : f32 to vector<2048x512xf32>
    %mul3A_11 = arith.mulf %mul3A_10, %dot_general3A_9 : vector<2048x512xf32>
    %get3A_12 = arith.constant 0 : index
    %get3A_13 = arith.constant 0 : index
    %get3A_14 = arith.constant 0 : index
    %get3A_15 = vector.load %arg4[%get3A_12, %get3A_13, %get3A_14] : memref<1x1x512xf32, #tpu.memory_space<vmem>>, vector<1x1x512xf32>
    %get3A_16 = vector.shape_cast %get3A_15 : vector<1x1x512xf32> to vector<1x512xf32>
    %add3A = vector.broadcast %get3A_16 : vector<1x512xf32> to vector<2048x512xf32>
    %add3A_17 = arith.addf %mul3A_11, %add3A : vector<2048x512xf32>
    %get3A_18 = arith.constant 0 : index
    %get3A_19 = arith.constant 0 : index
    %get3A_20 = arith.constant 0 : index
    %get3A_21 = vector.load %arg3[%get3A_18, %get3A_19, %get3A_20] : memref<1x2048x1xf32, #tpu.memory_space<vmem>>, vector<1x2048x1xf32>
    %get3A_22 = vector.shape_cast %get3A_21 : vector<1x2048x1xf32> to vector<2048x1xf32>
    %add3A_23 = vector.broadcast %get3A_22 : vector<2048x1xf32> to vector<2048x512xf32>
    %add3A_24 = arith.addf %add3A_17, %add3A_23 : vector<2048x512xf32>
    %swap3A = arith.constant 0 : index
    %swap3A_25 = arith.constant 0 : index
    %swap3A_26 = vector.load %arg6[%swap3A, %swap3A_25] : memref<2048x512xf32, #tpu.memory_space<vmem>>, vector<2048x512xf32>
    tpu.vector_store %arg6[%swap3A, %swap3A_25], %add3A_24 {strides = array<i32>} : memref<2048x512xf32, #tpu.memory_space<vmem>>, vector<2048x512xf32>,
    %iota3A = tpu.iota {dimensions = array<i32: 0>} : vector<2048x512xi32>
    %convert_element_type3A = arith.sitofp %iota3A : vector<2048x512xi32> to vector<2048x512xf32>
    %scan3A = arith.constant 0 : i32
    %scan3A_27 = arith.constant 32 : i32
    %scan3A_28 = arith.addi %scan3A, %scan3A_27 : i32
    %scan3A_29 = arith.constant 4 : i32
    scf.for %scan3A_31 = %scan3A to %scan3A_28 step %scan3A_29  : i32 {
      %get3A_32 = arith.constant 0 : index
      %get3A_33 = arith.constant 0 : index
      %get3A_34 = vector.load %arg6[%get3A_32, %get3A_33] : memref<2048x512xf32, #tpu.memory_space<vmem>>, vector<2048x512xf32>
      %reduce_min3A = arith.constant dense<0x7F800000> : vector<512xf32>
      %reduce_min3A_35 = vector.multi_reduction <minimumf>, %get3A_34, %reduce_min3A [0] : vector<2048x512xf32> to vector<512xf32>
      %broadcast_in_dim3A = vector.shape_cast %reduce_min3A_35 : vector<512xf32> to vector<1x512xf32>
      %eq3A = vector.broadcast %broadcast_in_dim3A : vector<1x512xf32> to vector<2048x512xf32>
      %eq3A_36 = arith.cmpf oeq, %get3A_34, %eq3A : vector<2048x512xf32>
      %jit3A = arith.constant 3.400000e+38 : f32
      %broadcast_in_dim3A_37 = vector.broadcast %jit3A : f32 to vector<2048x512xf32>
      %select_n3A = arith.select %eq3A_36, %convert_element_type3A, %broadcast_in_dim3A_37 : vector<2048x512xi1>, vector<2048x512xf32>
      %reduce_min3A_38 = arith.constant dense<0x7F800000> : vector<512xf32>
      %reduce_min3A_39 = vector.multi_reduction <minimumf>, %select_n3A, %reduce_min3A_38 [0] : vector<2048x512xf32> to vector<512xf32>
      %broadcast_in_dim3A_40 = vector.shape_cast %reduce_min3A_39 : vector<512xf32> to vector<1x512xf32>
      %convert_element_type3A_41 = arith.fptosi %broadcast_in_dim3A_40 : vector<1x512xf32> to vector<1x512xi32>
      %swap3A_42 = arith.constant 0 : index
      %swap3A_43 = arith.index_cast %scan3A_31 : i32 to index
      %swap3A_44 = arith.constant 0 : index
      %swap3A_45 = vector.load %arg5[%swap3A_42, %swap3A_43, %swap3A_44] : memref<1x32x512xi32, #tpu.memory_space<vmem>>, vector<1x1x512xi32>
      %swap3A_46 = vector.shape_cast %swap3A_45 : vector<1x1x512xi32> to vector<1x512xi32>
      %swap3A_47 = vector.shape_cast %convert_element_type3A_41 : vector<1x512xi32> to vector<1x1x512xi32>
      tpu.vector_store %arg5[%swap3A_42, %swap3A_43, %swap3A_44], %swap3A_47 {strides = array<i32>} : memref<1x32x512xi32, #tpu.memory_space<vmem>>, vector<1x1x512xi32>,
      %eq3A_48 = vector.broadcast %broadcast_in_dim3A_40 : vector<1x512xf32> to vector<2048x512xf32>
      %eq3A_49 = arith.cmpf oeq, %convert_element_type3A, %eq3A_48 : vector<2048x512xf32>
      %jit3A_50 = arith.constant 3.400000e+38 : f32
      %broadcast_in_dim3A_51 = vector.broadcast %jit3A_50 : f32 to vector<2048x512xf32>
      %select_n3A_52 = arith.select %eq3A_49, %broadcast_in_dim3A_51, %get3A_34 : vector<2048x512xi1>, vector<2048x512xf32>
      %swap3A_53 = arith.constant 0 : index
      %swap3A_54 = arith.constant 0 : index
      %swap3A_55 = vector.load %arg6[%swap3A_53, %swap3A_54] : memref<2048x512xf32, #tpu.memory_space<vmem>>, vector<2048x512xf32>
      tpu.vector_store %arg6[%swap3A_53, %swap3A_54], %select_n3A_52 {strides = array<i32>} : memref<2048x512xf32, #tpu.memory_space<vmem>>, vector<2048x512xf32>,
      %scan3A_56 = arith.constant 1 : i32
      %scan3A_57 = arith.addi %scan3A_31, %scan3A_56 : i32
      %get3A_58 = arith.constant 0 : index
      %get3A_59 = arith.constant 0 : index
      %get3A_60 = vector.load %arg6[%get3A_58, %get3A_59] : memref<2048x512xf32, #tpu.memory_space<vmem>>, vector<2048x512xf32>
      %reduce_min3A_61 = arith.constant dense<0x7F800000> : vector<512xf32>
      %reduce_min3A_62 = vector.multi_reduction <minimumf>, %get3A_60, %reduce_min3A_61 [0] : vector<2048x512xf32> to vector<512xf32>
      %broadcast_in_dim3A_63 = vector.shape_cast %reduce_min3A_62 : vector<512xf32> to vector<1x512xf32>
      %eq3A_64 = vector.broadcast %broadcast_in_dim3A_63 : vector<1x512xf32> to vector<2048x512xf32>
      %eq3A_65 = arith.cmpf oeq, %get3A_60, %eq3A_64 : vector<2048x512xf32>
      %jit3A_66 = arith.constant 3.400000e+38 : f32
      %broadcast_in_dim3A_67 = vector.broadcast %jit3A_66 : f32 to vector<2048x512xf32>
      %select_n3A_68 = arith.select %eq3A_65, %convert_element_type3A, %broadcast_in_dim3A_67 : vector<2048x512xi1>, vector<2048x512xf32>
      %reduce_min3A_69 = arith.constant dense<0x7F800000> : vector<512xf32>
      %reduce_min3A_70 = vector.multi_reduction <minimumf>, %select_n3A_68, %reduce_min3A_69 [0] : vector<2048x512xf32> to vector<512xf32>
      %broadcast_in_dim3A_71 = vector.shape_cast %reduce_min3A_70 : vector<512xf32> to vector<1x512xf32>
      %convert_element_type3A_72 = arith.fptosi %broadcast_in_dim3A_71 : vector<1x512xf32> to vector<1x512xi32>
      %swap3A_73 = arith.constant 0 : index
      %swap3A_74 = arith.index_cast %scan3A_57 : i32 to index
      %swap3A_75 = arith.constant 0 : index
      %swap3A_76 = vector.load %arg5[%swap3A_73, %swap3A_74, %swap3A_75] : memref<1x32x512xi32, #tpu.memory_space<vmem>>, vector<1x1x512xi32>
      %swap3A_77 = vector.shape_cast %swap3A_76 : vector<1x1x512xi32> to vector<1x512xi32>
      %swap3A_78 = vector.shape_cast %convert_element_type3A_72 : vector<1x512xi32> to vector<1x1x512xi32>
      tpu.vector_store %arg5[%swap3A_73, %swap3A_74, %swap3A_75], %swap3A_78 {strides = array<i32>} : memref<1x32x512xi32, #tpu.memory_space<vmem>>, vector<1x1x512xi32>,
      %eq3A_79 = vector.broadcast %broadcast_in_dim3A_71 : vector<1x512xf32> to vector<2048x512xf32>
      %eq3A_80 = arith.cmpf oeq, %convert_element_type3A, %eq3A_79 : vector<2048x512xf32>
      %jit3A_81 = arith.constant 3.400000e+38 : f32
      %broadcast_in_dim3A_82 = vector.broadcast %jit3A_81 : f32 to vector<2048x512xf32>
      %select_n3A_83 = arith.select %eq3A_80, %broadcast_in_dim3A_82, %get3A_60 : vector<2048x512xi1>, vector<2048x512xf32>
      %swap3A_84 = arith.constant 0 : index
      %swap3A_85 = arith.constant 0 : index
      %swap3A_86 = vector.load %arg6[%swap3A_84, %swap3A_85] : memref<2048x512xf32, #tpu.memory_space<vmem>>, vector<2048x512xf32>
      tpu.vector_store %arg6[%swap3A_84, %swap3A_85], %select_n3A_83 {strides = array<i32>} : memref<2048x512xf32, #tpu.memory_space<vmem>>, vector<2048x512xf32>,
      %scan3A_87 = arith.constant 2 : i32
      %scan3A_88 = arith.addi %scan3A_31, %scan3A_87 : i32
      %get3A_89 = arith.constant 0 : index
      %get3A_90 = arith.constant 0 : index
      %get3A_91 = vector.load %arg6[%get3A_89, %get3A_90] : memref<2048x512xf32, #tpu.memory_space<vmem>>, vector<2048x512xf32>
      %reduce_min3A_92 = arith.constant dense<0x7F800000> : vector<512xf32>
      %reduce_min3A_93 = vector.multi_reduction <minimumf>, %get3A_91, %reduce_min3A_92 [0] : vector<2048x512xf32> to vector<512xf32>
      %broadcast_in_dim3A_94 = vector.shape_cast %reduce_min3A_93 : vector<512xf32> to vector<1x512xf32>
      %eq3A_95 = vector.broadcast %broadcast_in_dim3A_94 : vector<1x512xf32> to vector<2048x512xf32>
      %eq3A_96 = arith.cmpf oeq, %get3A_91, %eq3A_95 : vector<2048x512xf32>
      %jit3A_97 = arith.constant 3.400000e+38 : f32
      %broadcast_in_dim3A_98 = vector.broadcast %jit3A_97 : f32 to vector<2048x512xf32>
      %select_n3A_99 = arith.select %eq3A_96, %convert_element_type3A, %broadcast_in_dim3A_98 : vector<2048x512xi1>, vector<2048x512xf32>
      %reduce_min3A_100 = arith.constant dense<0x7F800000> : vector<512xf32>
      %reduce_min3A_101 = vector.multi_reduction <minimumf>, %select_n3A_99, %reduce_min3A_100 [0] : vector<2048x512xf32> to vector<512xf32>
      %broadcast_in_dim3A_102 = vector.shape_cast %reduce_min3A_101 : vector<512xf32> to vector<1x512xf32>
      %convert_element_type3A_103 = arith.fptosi %broadcast_in_dim3A_102 : vector<1x512xf32> to vector<1x512xi32>
      %swap3A_104 = arith.constant 0 : index
      %swap3A_105 = arith.index_cast %scan3A_88 : i32 to index
      %swap3A_106 = arith.constant 0 : index
      %swap3A_107 = vector.load %arg5[%swap3A_104, %swap3A_105, %swap3A_106] : memref<1x32x512xi32, #tpu.memory_space<vmem>>, vector<1x1x512xi32>
      %swap3A_108 = vector.shape_cast %swap3A_107 : vector<1x1x512xi32> to vector<1x512xi32>
      %swap3A_109 = vector.shape_cast %convert_element_type3A_103 : vector<1x512xi32> to vector<1x1x512xi32>
      tpu.vector_store %arg5[%swap3A_104, %swap3A_105, %swap3A_106], %swap3A_109 {strides = array<i32>} : memref<1x32x512xi32, #tpu.memory_space<vmem>>, vector<1x1x512xi32>,
      %eq3A_110 = vector.broadcast %broadcast_in_dim3A_102 : vector<1x512xf32> to vector<2048x512xf32>
      %eq3A_111 = arith.cmpf oeq, %convert_element_type3A, %eq3A_110 : vector<2048x512xf32>
      %jit3A_112 = arith.constant 3.400000e+38 : f32
      %broadcast_in_dim3A_113 = vector.broadcast %jit3A_112 : f32 to vector<2048x512xf32>
      %select_n3A_114 = arith.select %eq3A_111, %broadcast_in_dim3A_113, %get3A_91 : vector<2048x512xi1>, vector<2048x512xf32>
      %swap3A_115 = arith.constant 0 : index
      %swap3A_116 = arith.constant 0 : index
      %swap3A_117 = vector.load %arg6[%swap3A_115, %swap3A_116] : memref<2048x512xf32, #tpu.memory_space<vmem>>, vector<2048x512xf32>
      tpu.vector_store %arg6[%swap3A_115, %swap3A_116], %select_n3A_114 {strides = array<i32>} : memref<2048x512xf32, #tpu.memory_space<vmem>>, vector<2048x512xf32>,
      %scan3A_118 = arith.constant 3 : i32
      %scan3A_119 = arith.addi %scan3A_31, %scan3A_118 : i32
      %get3A_120 = arith.constant 0 : index
      %get3A_121 = arith.constant 0 : index
      %get3A_122 = vector.load %arg6[%get3A_120, %get3A_121] : memref<2048x512xf32, #tpu.memory_space<vmem>>, vector<2048x512xf32>
      %reduce_min3A_123 = arith.constant dense<0x7F800000> : vector<512xf32>
      %reduce_min3A_124 = vector.multi_reduction <minimumf>, %get3A_122, %reduce_min3A_123 [0] : vector<2048x512xf32> to vector<512xf32>
      %broadcast_in_dim3A_125 = vector.shape_cast %reduce_min3A_124 : vector<512xf32> to vector<1x512xf32>
      %eq3A_126 = vector.broadcast %broadcast_in_dim3A_125 : vector<1x512xf32> to vector<2048x512xf32>
      %eq3A_127 = arith.cmpf oeq, %get3A_122, %eq3A_126 : vector<2048x512xf32>
      %jit3A_128 = arith.constant 3.400000e+38 : f32
      %broadcast_in_dim3A_129 = vector.broadcast %jit3A_128 : f32 to vector<2048x512xf32>
      %select_n3A_130 = arith.select %eq3A_127, %convert_element_type3A, %broadcast_in_dim3A_129 : vector<2048x512xi1>, vector<2048x512xf32>
      %reduce_min3A_131 = arith.constant dense<0x7F800000> : vector<512xf32>
      %reduce_min3A_132 = vector.multi_reduction <minimumf>, %select_n3A_130, %reduce_min3A_131 [0] : vector<2048x512xf32> to vector<512xf32>
      %broadcast_in_dim3A_133 = vector.shape_cast %reduce_min3A_132 : vector<512xf32> to vector<1x512xf32>
      %convert_element_type3A_134 = arith.fptosi %broadcast_in_dim3A_133 : vector<1x512xf32> to vector<1x512xi32>
      %swap3A_135 = arith.constant 0 : index
      %swap3A_136 = arith.index_cast %scan3A_119 : i32 to index
      %swap3A_137 = arith.constant 0 : index
      %swap3A_138 = vector.load %arg5[%swap3A_135, %swap3A_136, %swap3A_137] : memref<1x32x512xi32, #tpu.memory_space<vmem>>, vector<1x1x512xi32>
      %swap3A_139 = vector.shape_cast %swap3A_138 : vector<1x1x512xi32> to vector<1x512xi32>
      %swap3A_140 = vector.shape_cast %convert_element_type3A_134 : vector<1x512xi32> to vector<1x1x512xi32>
      tpu.vector_store %arg5[%swap3A_135, %swap3A_136, %swap3A_137], %swap3A_140 {strides = array<i32>} : memref<1x32x512xi32, #tpu.memory_space<vmem>>, vector<1x1x512xi32>,
      %eq3A_141 = vector.broadcast %broadcast_in_dim3A_133 : vector<1x512xf32> to vector<2048x512xf32>
      %eq3A_142 = arith.cmpf oeq, %convert_element_type3A, %eq3A_141 : vector<2048x512xf32>
      %jit3A_143 = arith.constant 3.400000e+38 : f32
      %broadcast_in_dim3A_144 = vector.broadcast %jit3A_143 : f32 to vector<2048x512xf32>
      %select_n3A_145 = arith.select %eq3A_142, %broadcast_in_dim3A_144, %get3A_122 : vector<2048x512xi1>, vector<2048x512xf32>
      %swap3A_146 = arith.constant 0 : index
      %swap3A_147 = arith.constant 0 : index
      %swap3A_148 = vector.load %arg6[%swap3A_146, %swap3A_147] : memref<2048x512xf32, #tpu.memory_space<vmem>>, vector<2048x512xf32>
      tpu.vector_store %arg6[%swap3A_146, %swap3A_147], %select_n3A_145 {strides = array<i32>} : memref<2048x512xf32, #tpu.memory_space<vmem>>, vector<2048x512xf32>,
    }
    %scan3A_30 = arith.constant 32 : i32
    return
  }
  func.func @transform_0(%arg0: i32) -> (i32, i32, i32) {
    %c0_i32 = arith.constant 0 : i32
    %c0_i32_0 = arith.constant 0 : i32
    %c0_i32_1 = arith.constant 0 : i32
    return %arg0, %c0_i32, %c0_i32_0 : i32, i32, i32
  }
  func.func @transform_1(%arg0: i32) -> (i32, i32, i32) {
    %c0_i32 = arith.constant 0 : i32
    %c0_i32_0 = arith.constant 0 : i32
    %c0_i32_1 = arith.constant 0 : i32
    return %arg0, %c0_i32, %c0_i32_0 : i32, i32, i32
  }
  func.func @transform_2(%arg0: i32) -> (i32, i32, i32) {
    %c0_i32 = arith.constant 0 : i32
    %c0_i32_0 = arith.constant 0 : i32
    %c0_i32_1 = arith.constant 0 : i32
    return %arg0, %c0_i32, %c0_i32_0 : i32, i32, i32
  }
  func.func @transform_3(%arg0: i32) -> (i32, i32, i32) {
    %c0_i32 = arith.constant 0 : i32
    %c0_i32_0 = arith.constant 0 : i32
    %c0_i32_1 = arith.constant 0 : i32
    return %arg0, %c0_i32, %c0_i32_0 : i32, i32, i32
  }
  func.func @transform_4(%arg0: i32) -> (i32, i32, i32) {
    %c0_i32 = arith.constant 0 : i32
    %c0_i32_0 = arith.constant 0 : i32
    %c0_i32_1 = arith.constant 0 : i32
    return %arg0, %c0_i32, %c0_i32_0 : i32, i32, i32
  }
}

module attributes {stable_mosaic.version = 14 : i64} {
  func.func @_smid_body(%arg0: i32, %arg1: memref<1x2048x256xf32, #tpu.memory_space<vmem>>, %arg2: memref<1x2x2048xf32, #tpu.memory_space<vmem>>, %arg3: memref<2x256xf32, #tpu.memory_space<vmem>>, %arg4: memref<1x256xf32, #tpu.memory_space<vmem>>, %arg5: memref<1x256xf32, #tpu.memory_space<vmem>>, %arg6: memref<256x256xf32, #tpu.memory_space<vmem>>, %arg7: memref<1x256xf32, #tpu.memory_space<vmem>>, %arg8: memref<1x2048x256xf32, #tpu.memory_space<vmem>>, %arg9: memref<2x256xf32, #tpu.memory_space<vmem>>) attributes {dimension_semantics = [#tpu.dimension_semantics<arbitrary>], iteration_bounds = array<i64: 16>, scalar_prefetch = 0 : i64, scratch_operands = 0 : i64, tpu.core_type = #tpu.core_type<tc>, window_params = [{transform_indices = @transform_0, window_bounds = array<i64: 1, 2048, 256>}, {transform_indices = @transform_1, window_bounds = array<i64: 1, 2, 2048>}, {pipeline_mode = #tpu.pipeline_mode<synchronous>, transform_indices = @transform_2, window_bounds = array<i64: 2, 256>}, {pipeline_mode = #tpu.pipeline_mode<synchronous>, transform_indices = @transform_3, window_bounds = array<i64: 1, 256>}, {pipeline_mode = #tpu.pipeline_mode<synchronous>, transform_indices = @transform_4, window_bounds = array<i64: 1, 256>}, {pipeline_mode = #tpu.pipeline_mode<synchronous>, transform_indices = @transform_5, window_bounds = array<i64: 256, 256>}, {pipeline_mode = #tpu.pipeline_mode<synchronous>, transform_indices = @transform_6, window_bounds = array<i64: 1, 256>}, {transform_indices = @transform_7, window_bounds = array<i64: 1, 2048, 256>}, {pipeline_mode = #tpu.pipeline_mode<synchronous>, transform_indices = @transform_8, window_bounds = array<i64: 2, 256>}]} {
    %get3A = arith.constant 0 : index
    %get3A_0 = arith.constant 0 : index
    %get3A_1 = vector.load %arg3[%get3A, %get3A_0] : memref<2x256xf32, #tpu.memory_space<vmem>>, vector<2x256xf32>
    %get3A_2 = arith.constant 0 : index
    %get3A_3 = arith.constant 0 : index
    %get3A_4 = vector.load %arg4[%get3A_2, %get3A_3] : memref<1x256xf32, #tpu.memory_space<vmem>>, vector<1x256xf32>
    %get3A_5 = arith.constant 0 : index
    %get3A_6 = arith.constant 0 : index
    %get3A_7 = vector.load %arg5[%get3A_5, %get3A_6] : memref<1x256xf32, #tpu.memory_space<vmem>>, vector<1x256xf32>
    %slice3A = vector.extract_strided_slice %get3A_1 {offsets = [0, 0], sizes = [1, 256], strides = [1, 1]} : vector<2x256xf32> to vector<1x256xf32>
    %div3A = arith.constant 2.621440e+05 : f32
    %div3A_8 = vector.broadcast %div3A : f32 to vector<1x256xf32>
    %div3A_9 = arith.divf %slice3A, %div3A_8 : vector<1x256xf32>
    %slice3A_10 = vector.extract_strided_slice %get3A_1 {offsets = [1, 0], sizes = [1, 256], strides = [1, 1]} : vector<2x256xf32> to vector<1x256xf32>
    %div3A_11 = arith.constant 2.621440e+05 : f32
    %div3A_12 = vector.broadcast %div3A_11 : f32 to vector<1x256xf32>
    %div3A_13 = arith.divf %slice3A_10, %div3A_12 : vector<1x256xf32>
    %mul3A = arith.mulf %div3A_9, %div3A_9 : vector<1x256xf32>
    %sub3A = arith.subf %div3A_13, %mul3A : vector<1x256xf32>
    %add3A = arith.constant 9.99999974E-6 : f32
    %add3A_14 = vector.broadcast %add3A : f32 to vector<1x256xf32>
    %add3A_15 = arith.addf %sub3A, %add3A_14 : vector<1x256xf32>
    %rsqrt3A = math.rsqrt %add3A_15 : vector<1x256xf32>
    %mul3A_16 = arith.mulf %get3A_4, %rsqrt3A : vector<1x256xf32>
    %mul3A_17 = arith.mulf %div3A_9, %mul3A_16 : vector<1x256xf32>
    %sub3A_18 = arith.subf %get3A_7, %mul3A_17 : vector<1x256xf32>
    %get3A_19 = arith.constant 0 : index
    %get3A_20 = arith.constant 0 : index
    %get3A_21 = arith.constant 0 : index
    %get3A_22 = vector.load %arg1[%get3A_19, %get3A_20, %get3A_21] : memref<1x2048x256xf32, #tpu.memory_space<vmem>>, vector<1x2048x256xf32>
    %get3A_23 = vector.shape_cast %get3A_22 : vector<1x2048x256xf32> to vector<2048x256xf32>
    %mul3A_24 = vector.broadcast %mul3A_16 : vector<1x256xf32> to vector<2048x256xf32>
    %mul3A_25 = arith.mulf %get3A_23, %mul3A_24 : vector<2048x256xf32>
    %add3A_26 = vector.broadcast %sub3A_18 : vector<1x256xf32> to vector<2048x256xf32>
    %add3A_27 = arith.addf %mul3A_25, %add3A_26 : vector<2048x256xf32>
    %ge3A = arith.constant 0.000000e+00 : f32
    %ge3A_28 = vector.broadcast %ge3A : f32 to vector<2048x256xf32>
    %ge3A_29 = arith.cmpf oge, %add3A_27, %ge3A_28 : vector<2048x256xf32>
    %mul3A_30 = arith.constant 1.000000e-01 : f32
    %mul3A_31 = vector.broadcast %mul3A_30 : f32 to vector<2048x256xf32>
    %mul3A_32 = arith.mulf %mul3A_31, %add3A_27 : vector<2048x256xf32>
    %select_n3A = arith.select %ge3A_29, %add3A_27, %mul3A_32 : vector<2048x256xi1>, vector<2048x256xf32>
    %get3A_33 = arith.constant 0 : index
    %get3A_34 = arith.constant 0 : index
    %get3A_35 = vector.load %arg6[%get3A_33, %get3A_34] : memref<256x256xf32, #tpu.memory_space<vmem>>, vector<256x256xf32>
    %dot_general3A = arith.constant dense<0.000000e+00> : vector<2048x256xf32>
    %dot_general3A_36 = tpu.matmul %select_n3A, %get3A_35, %dot_general3A {dimension_numbers = #tpu.dot_dimension_numbers<[1], [0], [0], [1], [0, 0, 1, 1], [], []>, transpose_lhs_hint = false} : vector<2048x256xf32>, vector<256x256xf32>, vector<2048x256xf32> -> vector<2048x256xf32>
    %get3A_37 = arith.constant 0 : index
    %get3A_38 = arith.constant 0 : index
    %get3A_39 = vector.load %arg7[%get3A_37, %get3A_38] : memref<1x256xf32, #tpu.memory_space<vmem>>, vector<1x256xf32>
    %add3A_40 = vector.broadcast %get3A_39 : vector<1x256xf32> to vector<2048x256xf32>
    %add3A_41 = arith.addf %dot_general3A_36, %add3A_40 : vector<2048x256xf32>
    %swap3A = arith.constant 0 : index
    %swap3A_42 = arith.constant 0 : index
    %swap3A_43 = arith.constant 0 : index
    %swap3A_44 = vector.load %arg8[%swap3A, %swap3A_42, %swap3A_43] : memref<1x2048x256xf32, #tpu.memory_space<vmem>>, vector<1x2048x256xf32>
    %swap3A_45 = vector.shape_cast %swap3A_44 : vector<1x2048x256xf32> to vector<2048x256xf32>
    %swap3A_46 = vector.shape_cast %add3A_41 : vector<2048x256xf32> to vector<1x2048x256xf32>
    tpu.vector_store %arg8[%swap3A, %swap3A_42, %swap3A_43], %swap3A_46 {strides = array<i32>} : memref<1x2048x256xf32, #tpu.memory_space<vmem>>, vector<1x2048x256xf32>,
    %get3A_47 = arith.constant 0 : index
    %get3A_48 = arith.constant 0 : index
    %get3A_49 = arith.constant 0 : index
    %get3A_50 = vector.load %arg2[%get3A_47, %get3A_48, %get3A_49] : memref<1x2x2048xf32, #tpu.memory_space<vmem>>, vector<1x2x2048xf32>
    %get3A_51 = vector.shape_cast %get3A_50 : vector<1x2x2048xf32> to vector<2x2048xf32>
    %slice3A_52 = vector.extract_strided_slice %get3A_51 {offsets = [0, 0], sizes = [1, 2048], strides = [1, 1]} : vector<2x2048xf32> to vector<1x2048xf32>
    %slice3A_53 = vector.extract_strided_slice %get3A_51 {offsets = [1, 0], sizes = [1, 2048], strides = [1, 1]} : vector<2x2048xf32> to vector<1x2048xf32>
    %add3A_54 = arith.addf %slice3A_52, %slice3A_53 : vector<1x2048xf32>
    %dot_general3A_55 = arith.constant dense<0.000000e+00> : vector<1x256xf32>
    %dot_general3A_56 = tpu.matmul %add3A_54, %add3A_41, %dot_general3A_55 {dimension_numbers = #tpu.dot_dimension_numbers<[1], [0], [0], [1], [0, 0, 1, 1], [], []>, transpose_lhs_hint = false} : vector<1x2048xf32>, vector<2048x256xf32>, vector<1x256xf32> -> vector<1x256xf32>
    %mul3A_57 = arith.mulf %add3A_41, %add3A_41 : vector<2048x256xf32>
    %dot_general3A_58 = arith.constant dense<0.000000e+00> : vector<1x256xf32>
    %dot_general3A_59 = tpu.matmul %add3A_54, %mul3A_57, %dot_general3A_58 {dimension_numbers = #tpu.dot_dimension_numbers<[1], [0], [0], [1], [0, 0, 1, 1], [], []>, transpose_lhs_hint = false} : vector<1x2048xf32>, vector<2048x256xf32>, vector<1x256xf32> -> vector<1x256xf32>
    %eq3A = arith.constant 0 : i32
    %eq3A_60 = arith.cmpi eq, %arg0, %eq3A : i32
    %convert_element_type3A = arith.extui %eq3A_60 : i1 to i32
    %cond3A = arith.constant 0 : i32
    %cond3A_61 = arith.cmpi ne, %convert_element_type3A, %cond3A : i32
    scf.if %cond3A_61 {
      %broadcast_in_dim3A = arith.constant 0.000000e+00 : f32
      %broadcast_in_dim3A_69 = vector.broadcast %broadcast_in_dim3A : f32 to vector<2x256xf32>
      %swap3A_70 = arith.constant 0 : index
      %swap3A_71 = arith.constant 0 : index
      %swap3A_72 = vector.load %arg9[%swap3A_70, %swap3A_71] : memref<2x256xf32, #tpu.memory_space<vmem>>, vector<2x256xf32>
      tpu.vector_store %arg9[%swap3A_70, %swap3A_71], %broadcast_in_dim3A_69 {strides = array<i32>} : memref<2x256xf32, #tpu.memory_space<vmem>>, vector<2x256xf32>,
    } else {
    }
    %get3A_62 = arith.constant 0 : index
    %get3A_63 = arith.constant 0 : index
    %get3A_64 = vector.load %arg9[%get3A_62, %get3A_63] : memref<2x256xf32, #tpu.memory_space<vmem>>, vector<2x256xf32>
    %concatenate3A = tpu.concatenate %dot_general3A_56, %dot_general3A_59 in 0 : vector<1x256xf32>, vector<1x256xf32> -> vector<2x256xf32>
    %add3A_65 = arith.addf %get3A_64, %concatenate3A : vector<2x256xf32>
    %swap3A_66 = arith.constant 0 : index
    %swap3A_67 = arith.constant 0 : index
    %swap3A_68 = vector.load %arg9[%swap3A_66, %swap3A_67] : memref<2x256xf32, #tpu.memory_space<vmem>>, vector<2x256xf32>
    tpu.vector_store %arg9[%swap3A_66, %swap3A_67], %add3A_65 {strides = array<i32>} : memref<2x256xf32, #tpu.memory_space<vmem>>, vector<2x256xf32>,
    return
  }
  func.func @transform_0(%arg0: i32) -> (i32, i32, i32) {
    %c0_i32 = arith.constant 0 : i32
    %c0_i32_0 = arith.constant 0 : i32
    %c0_i32_1 = arith.constant 0 : i32
    return %arg0, %c0_i32, %c0_i32_0 : i32, i32, i32
  }
  func.func @transform_1(%arg0: i32) -> (i32, i32, i32) {
    %c0_i32 = arith.constant 0 : i32
    %c0_i32_0 = arith.constant 0 : i32
    %c0_i32_1 = arith.constant 0 : i32
    return %arg0, %c0_i32, %c0_i32_0 : i32, i32, i32
  }
  func.func @transform_2(%arg0: i32) -> (i32, i32) {
    %c0_i32 = arith.constant 0 : i32
    %c0_i32_0 = arith.constant 0 : i32
    %c0_i32_1 = arith.constant 0 : i32
    return %c0_i32, %c0_i32_0 : i32, i32
  }
  func.func @transform_3(%arg0: i32) -> (i32, i32) {
    %c0_i32 = arith.constant 0 : i32
    %c0_i32_0 = arith.constant 0 : i32
    %c0_i32_1 = arith.constant 0 : i32
    return %c0_i32, %c0_i32_0 : i32, i32
  }
  func.func @transform_4(%arg0: i32) -> (i32, i32) {
    %c0_i32 = arith.constant 0 : i32
    %c0_i32_0 = arith.constant 0 : i32
    %c0_i32_1 = arith.constant 0 : i32
    return %c0_i32, %c0_i32_0 : i32, i32
  }
  func.func @transform_5(%arg0: i32) -> (i32, i32) {
    %c0_i32 = arith.constant 0 : i32
    %c0_i32_0 = arith.constant 0 : i32
    %c0_i32_1 = arith.constant 0 : i32
    return %c0_i32, %c0_i32_0 : i32, i32
  }
  func.func @transform_6(%arg0: i32) -> (i32, i32) {
    %c0_i32 = arith.constant 0 : i32
    %c0_i32_0 = arith.constant 0 : i32
    %c0_i32_1 = arith.constant 0 : i32
    return %c0_i32, %c0_i32_0 : i32, i32
  }
  func.func @transform_7(%arg0: i32) -> (i32, i32, i32) {
    %c0_i32 = arith.constant 0 : i32
    %c0_i32_0 = arith.constant 0 : i32
    %c0_i32_1 = arith.constant 0 : i32
    return %arg0, %c0_i32, %c0_i32_0 : i32, i32, i32
  }
  func.func @transform_8(%arg0: i32) -> (i32, i32) {
    %c0_i32 = arith.constant 0 : i32
    %c0_i32_0 = arith.constant 0 : i32
    %c0_i32_1 = arith.constant 0 : i32
    return %c0_i32, %c0_i32_0 : i32, i32
  }
}

module attributes {stable_mosaic.version = 14 : i64} {
  func.func @_s1_body(%arg0: i32, %arg1: memref<1x2048x256xf32, #tpu.memory_space<vmem>>, %arg2: memref<1x2x2048xf32, #tpu.memory_space<vmem>>, %arg3: memref<256x256xf32, #tpu.memory_space<vmem>>, %arg4: memref<1x256xf32, #tpu.memory_space<vmem>>, %arg5: memref<1x2048x256xf32, #tpu.memory_space<vmem>>, %arg6: memref<2x256xf32, #tpu.memory_space<vmem>>) attributes {dimension_semantics = [#tpu.dimension_semantics<arbitrary>], iteration_bounds = array<i64: 16>, scalar_prefetch = 0 : i64, scratch_operands = 0 : i64, tpu.core_type = #tpu.core_type<tc>, window_params = [{transform_indices = @transform_0, window_bounds = array<i64: 1, 2048, 256>}, {transform_indices = @transform_1, window_bounds = array<i64: 1, 2, 2048>}, {pipeline_mode = #tpu.pipeline_mode<synchronous>, transform_indices = @transform_2, window_bounds = array<i64: 256, 256>}, {pipeline_mode = #tpu.pipeline_mode<synchronous>, transform_indices = @transform_3, window_bounds = array<i64: 1, 256>}, {transform_indices = @transform_4, window_bounds = array<i64: 1, 2048, 256>}, {pipeline_mode = #tpu.pipeline_mode<synchronous>, transform_indices = @transform_5, window_bounds = array<i64: 2, 256>}]} {
    %get3A = arith.constant 0 : index
    %get3A_0 = arith.constant 0 : index
    %get3A_1 = arith.constant 0 : index
    %get3A_2 = vector.load %arg1[%get3A, %get3A_0, %get3A_1] : memref<1x2048x256xf32, #tpu.memory_space<vmem>>, vector<1x2048x256xf32>
    %get3A_3 = vector.shape_cast %get3A_2 : vector<1x2048x256xf32> to vector<2048x256xf32>
    %get3A_4 = arith.constant 0 : index
    %get3A_5 = arith.constant 0 : index
    %get3A_6 = vector.load %arg3[%get3A_4, %get3A_5] : memref<256x256xf32, #tpu.memory_space<vmem>>, vector<256x256xf32>
    %dot_general3A = arith.constant dense<0.000000e+00> : vector<2048x256xf32>
    %dot_general3A_7 = tpu.matmul %get3A_3, %get3A_6, %dot_general3A {dimension_numbers = #tpu.dot_dimension_numbers<[1], [0], [0], [1], [0, 0, 1, 1], [], []>, transpose_lhs_hint = false} : vector<2048x256xf32>, vector<256x256xf32>, vector<2048x256xf32> -> vector<2048x256xf32>
    %get3A_8 = arith.constant 0 : index
    %get3A_9 = arith.constant 0 : index
    %get3A_10 = vector.load %arg4[%get3A_8, %get3A_9] : memref<1x256xf32, #tpu.memory_space<vmem>>, vector<1x256xf32>
    %add3A = vector.broadcast %get3A_10 : vector<1x256xf32> to vector<2048x256xf32>
    %add3A_11 = arith.addf %dot_general3A_7, %add3A : vector<2048x256xf32>
    %swap3A = arith.constant 0 : index
    %swap3A_12 = arith.constant 0 : index
    %swap3A_13 = arith.constant 0 : index
    %swap3A_14 = vector.load %arg5[%swap3A, %swap3A_12, %swap3A_13] : memref<1x2048x256xf32, #tpu.memory_space<vmem>>, vector<1x2048x256xf32>
    %swap3A_15 = vector.shape_cast %swap3A_14 : vector<1x2048x256xf32> to vector<2048x256xf32>
    %swap3A_16 = vector.shape_cast %add3A_11 : vector<2048x256xf32> to vector<1x2048x256xf32>
    tpu.vector_store %arg5[%swap3A, %swap3A_12, %swap3A_13], %swap3A_16 {strides = array<i32>} : memref<1x2048x256xf32, #tpu.memory_space<vmem>>, vector<1x2048x256xf32>,
    %get3A_17 = arith.constant 0 : index
    %get3A_18 = arith.constant 0 : index
    %get3A_19 = arith.constant 0 : index
    %get3A_20 = vector.load %arg2[%get3A_17, %get3A_18, %get3A_19] : memref<1x2x2048xf32, #tpu.memory_space<vmem>>, vector<1x2x2048xf32>
    %get3A_21 = vector.shape_cast %get3A_20 : vector<1x2x2048xf32> to vector<2x2048xf32>
    %slice3A = vector.extract_strided_slice %get3A_21 {offsets = [0, 0], sizes = [1, 2048], strides = [1, 1]} : vector<2x2048xf32> to vector<1x2048xf32>
    %slice3A_22 = vector.extract_strided_slice %get3A_21 {offsets = [1, 0], sizes = [1, 2048], strides = [1, 1]} : vector<2x2048xf32> to vector<1x2048xf32>
    %add3A_23 = arith.addf %slice3A, %slice3A_22 : vector<1x2048xf32>
    %dot_general3A_24 = arith.constant dense<0.000000e+00> : vector<1x256xf32>
    %dot_general3A_25 = tpu.matmul %add3A_23, %add3A_11, %dot_general3A_24 {dimension_numbers = #tpu.dot_dimension_numbers<[1], [0], [0], [1], [0, 0, 1, 1], [], []>, transpose_lhs_hint = false} : vector<1x2048xf32>, vector<2048x256xf32>, vector<1x256xf32> -> vector<1x256xf32>
    %mul3A = arith.mulf %add3A_11, %add3A_11 : vector<2048x256xf32>
    %dot_general3A_26 = arith.constant dense<0.000000e+00> : vector<1x256xf32>
    %dot_general3A_27 = tpu.matmul %add3A_23, %mul3A, %dot_general3A_26 {dimension_numbers = #tpu.dot_dimension_numbers<[1], [0], [0], [1], [0, 0, 1, 1], [], []>, transpose_lhs_hint = false} : vector<1x2048xf32>, vector<2048x256xf32>, vector<1x256xf32> -> vector<1x256xf32>
    %eq3A = arith.constant 0 : i32
    %eq3A_28 = arith.cmpi eq, %arg0, %eq3A : i32
    %convert_element_type3A = arith.extui %eq3A_28 : i1 to i32
    %cond3A = arith.constant 0 : i32
    %cond3A_29 = arith.cmpi ne, %convert_element_type3A, %cond3A : i32
    scf.if %cond3A_29 {
      %broadcast_in_dim3A = arith.constant 0.000000e+00 : f32
      %broadcast_in_dim3A_37 = vector.broadcast %broadcast_in_dim3A : f32 to vector<2x256xf32>
      %swap3A_38 = arith.constant 0 : index
      %swap3A_39 = arith.constant 0 : index
      %swap3A_40 = vector.load %arg6[%swap3A_38, %swap3A_39] : memref<2x256xf32, #tpu.memory_space<vmem>>, vector<2x256xf32>
      tpu.vector_store %arg6[%swap3A_38, %swap3A_39], %broadcast_in_dim3A_37 {strides = array<i32>} : memref<2x256xf32, #tpu.memory_space<vmem>>, vector<2x256xf32>,
    } else {
    }
    %get3A_30 = arith.constant 0 : index
    %get3A_31 = arith.constant 0 : index
    %get3A_32 = vector.load %arg6[%get3A_30, %get3A_31] : memref<2x256xf32, #tpu.memory_space<vmem>>, vector<2x256xf32>
    %concatenate3A = tpu.concatenate %dot_general3A_25, %dot_general3A_27 in 0 : vector<1x256xf32>, vector<1x256xf32> -> vector<2x256xf32>
    %add3A_33 = arith.addf %get3A_32, %concatenate3A : vector<2x256xf32>
    %swap3A_34 = arith.constant 0 : index
    %swap3A_35 = arith.constant 0 : index
    %swap3A_36 = vector.load %arg6[%swap3A_34, %swap3A_35] : memref<2x256xf32, #tpu.memory_space<vmem>>, vector<2x256xf32>
    tpu.vector_store %arg6[%swap3A_34, %swap3A_35], %add3A_33 {strides = array<i32>} : memref<2x256xf32, #tpu.memory_space<vmem>>, vector<2x256xf32>,
    return
  }
  func.func @transform_0(%arg0: i32) -> (i32, i32, i32) {
    %c0_i32 = arith.constant 0 : i32
    %c0_i32_0 = arith.constant 0 : i32
    %c0_i32_1 = arith.constant 0 : i32
    return %arg0, %c0_i32, %c0_i32_0 : i32, i32, i32
  }
  func.func @transform_1(%arg0: i32) -> (i32, i32, i32) {
    %c0_i32 = arith.constant 0 : i32
    %c0_i32_0 = arith.constant 0 : i32
    %c0_i32_1 = arith.constant 0 : i32
    return %arg0, %c0_i32, %c0_i32_0 : i32, i32, i32
  }
  func.func @transform_2(%arg0: i32) -> (i32, i32) {
    %c0_i32 = arith.constant 0 : i32
    %c0_i32_0 = arith.constant 0 : i32
    %c0_i32_1 = arith.constant 0 : i32
    return %c0_i32, %c0_i32_0 : i32, i32
  }
  func.func @transform_3(%arg0: i32) -> (i32, i32) {
    %c0_i32 = arith.constant 0 : i32
    %c0_i32_0 = arith.constant 0 : i32
    %c0_i32_1 = arith.constant 0 : i32
    return %c0_i32, %c0_i32_0 : i32, i32
  }
  func.func @transform_4(%arg0: i32) -> (i32, i32, i32) {
    %c0_i32 = arith.constant 0 : i32
    %c0_i32_0 = arith.constant 0 : i32
    %c0_i32_1 = arith.constant 0 : i32
    return %arg0, %c0_i32, %c0_i32_0 : i32, i32, i32
  }
  func.func @transform_5(%arg0: i32) -> (i32, i32) {
    %c0_i32 = arith.constant 0 : i32
    %c0_i32_0 = arith.constant 0 : i32
    %c0_i32_1 = arith.constant 0 : i32
    return %c0_i32, %c0_i32_0 : i32, i32
  }
}

module attributes {stable_mosaic.version = 14 : i64} {
  func.func @_s4_body(%arg0: i32, %arg1: memref<1x2048x256xf32, #tpu.memory_space<vmem>>, %arg2: memref<1x2048x256xf32, #tpu.memory_space<vmem>>, %arg3: memref<1x2x2048xf32, #tpu.memory_space<vmem>>, %arg4: memref<2x256xf32, #tpu.memory_space<vmem>>, %arg5: memref<2x256xf32, #tpu.memory_space<vmem>>, %arg6: memref<1x256xf32, #tpu.memory_space<vmem>>, %arg7: memref<1x256xf32, #tpu.memory_space<vmem>>, %arg8: memref<1x256xf32, #tpu.memory_space<vmem>>, %arg9: memref<1x256xf32, #tpu.memory_space<vmem>>, %arg10: memref<256x256xf32, #tpu.memory_space<vmem>>, %arg11: memref<1x256xf32, #tpu.memory_space<vmem>>, %arg12: memref<1x2048x256xf32, #tpu.memory_space<vmem>>, %arg13: memref<1x2048x256xf32, #tpu.memory_space<vmem>>, %arg14: memref<2x256xf32, #tpu.memory_space<vmem>>) attributes {dimension_semantics = [#tpu.dimension_semantics<arbitrary>], iteration_bounds = array<i64: 16>, scalar_prefetch = 0 : i64, scratch_operands = 0 : i64, tpu.core_type = #tpu.core_type<tc>, window_params = [{transform_indices = @transform_0, window_bounds = array<i64: 1, 2048, 256>}, {transform_indices = @transform_1, window_bounds = array<i64: 1, 2048, 256>}, {transform_indices = @transform_2, window_bounds = array<i64: 1, 2, 2048>}, {pipeline_mode = #tpu.pipeline_mode<synchronous>, transform_indices = @transform_3, window_bounds = array<i64: 2, 256>}, {pipeline_mode = #tpu.pipeline_mode<synchronous>, transform_indices = @transform_4, window_bounds = array<i64: 2, 256>}, {pipeline_mode = #tpu.pipeline_mode<synchronous>, transform_indices = @transform_5, window_bounds = array<i64: 1, 256>}, {pipeline_mode = #tpu.pipeline_mode<synchronous>, transform_indices = @transform_6, window_bounds = array<i64: 1, 256>}, {pipeline_mode = #tpu.pipeline_mode<synchronous>, transform_indices = @transform_7, window_bounds = array<i64: 1, 256>}, {pipeline_mode = #tpu.pipeline_mode<synchronous>, transform_indices = @transform_8, window_bounds = array<i64: 1, 256>}, {pipeline_mode = #tpu.pipeline_mode<synchronous>, transform_indices = @transform_9, window_bounds = array<i64: 256, 256>}, {pipeline_mode = #tpu.pipeline_mode<synchronous>, transform_indices = @transform_10, window_bounds = array<i64: 1, 256>}, {transform_indices = @transform_11, window_bounds = array<i64: 1, 2048, 256>}, {transform_indices = @transform_12, window_bounds = array<i64: 1, 2048, 256>}, {pipeline_mode = #tpu.pipeline_mode<synchronous>, transform_indices = @transform_13, window_bounds = array<i64: 2, 256>}]} {
    %get3A = arith.constant 0 : index
    %get3A_0 = arith.constant 0 : index
    %get3A_1 = vector.load %arg4[%get3A, %get3A_0] : memref<2x256xf32, #tpu.memory_space<vmem>>, vector<2x256xf32>
    %get3A_2 = arith.constant 0 : index
    %get3A_3 = arith.constant 0 : index
    %get3A_4 = vector.load %arg6[%get3A_2, %get3A_3] : memref<1x256xf32, #tpu.memory_space<vmem>>, vector<1x256xf32>
    %get3A_5 = arith.constant 0 : index
    %get3A_6 = arith.constant 0 : index
    %get3A_7 = vector.load %arg7[%get3A_5, %get3A_6] : memref<1x256xf32, #tpu.memory_space<vmem>>, vector<1x256xf32>
    %slice3A = vector.extract_strided_slice %get3A_1 {offsets = [0, 0], sizes = [1, 256], strides = [1, 1]} : vector<2x256xf32> to vector<1x256xf32>
    %div3A = arith.constant 2.621440e+05 : f32
    %div3A_8 = vector.broadcast %div3A : f32 to vector<1x256xf32>
    %div3A_9 = arith.divf %slice3A, %div3A_8 : vector<1x256xf32>
    %slice3A_10 = vector.extract_strided_slice %get3A_1 {offsets = [1, 0], sizes = [1, 256], strides = [1, 1]} : vector<2x256xf32> to vector<1x256xf32>
    %div3A_11 = arith.constant 2.621440e+05 : f32
    %div3A_12 = vector.broadcast %div3A_11 : f32 to vector<1x256xf32>
    %div3A_13 = arith.divf %slice3A_10, %div3A_12 : vector<1x256xf32>
    %mul3A = arith.mulf %div3A_9, %div3A_9 : vector<1x256xf32>
    %sub3A = arith.subf %div3A_13, %mul3A : vector<1x256xf32>
    %add3A = arith.constant 9.99999974E-6 : f32
    %add3A_14 = vector.broadcast %add3A : f32 to vector<1x256xf32>
    %add3A_15 = arith.addf %sub3A, %add3A_14 : vector<1x256xf32>
    %rsqrt3A = math.rsqrt %add3A_15 : vector<1x256xf32>
    %mul3A_16 = arith.mulf %get3A_4, %rsqrt3A : vector<1x256xf32>
    %mul3A_17 = arith.mulf %div3A_9, %mul3A_16 : vector<1x256xf32>
    %sub3A_18 = arith.subf %get3A_7, %mul3A_17 : vector<1x256xf32>
    %get3A_19 = arith.constant 0 : index
    %get3A_20 = arith.constant 0 : index
    %get3A_21 = vector.load %arg5[%get3A_19, %get3A_20] : memref<2x256xf32, #tpu.memory_space<vmem>>, vector<2x256xf32>
    %get3A_22 = arith.constant 0 : index
    %get3A_23 = arith.constant 0 : index
    %get3A_24 = vector.load %arg8[%get3A_22, %get3A_23] : memref<1x256xf32, #tpu.memory_space<vmem>>, vector<1x256xf32>
    %get3A_25 = arith.constant 0 : index
    %get3A_26 = arith.constant 0 : index
    %get3A_27 = vector.load %arg9[%get3A_25, %get3A_26] : memref<1x256xf32, #tpu.memory_space<vmem>>, vector<1x256xf32>
    %slice3A_28 = vector.extract_strided_slice %get3A_21 {offsets = [0, 0], sizes = [1, 256], strides = [1, 1]} : vector<2x256xf32> to vector<1x256xf32>
    %div3A_29 = arith.constant 2.621440e+05 : f32
    %div3A_30 = vector.broadcast %div3A_29 : f32 to vector<1x256xf32>
    %div3A_31 = arith.divf %slice3A_28, %div3A_30 : vector<1x256xf32>
    %slice3A_32 = vector.extract_strided_slice %get3A_21 {offsets = [1, 0], sizes = [1, 256], strides = [1, 1]} : vector<2x256xf32> to vector<1x256xf32>
    %div3A_33 = arith.constant 2.621440e+05 : f32
    %div3A_34 = vector.broadcast %div3A_33 : f32 to vector<1x256xf32>
    %div3A_35 = arith.divf %slice3A_32, %div3A_34 : vector<1x256xf32>
    %mul3A_36 = arith.mulf %div3A_31, %div3A_31 : vector<1x256xf32>
    %sub3A_37 = arith.subf %div3A_35, %mul3A_36 : vector<1x256xf32>
    %add3A_38 = arith.constant 9.99999974E-6 : f32
    %add3A_39 = vector.broadcast %add3A_38 : f32 to vector<1x256xf32>
    %add3A_40 = arith.addf %sub3A_37, %add3A_39 : vector<1x256xf32>
    %rsqrt3A_41 = math.rsqrt %add3A_40 : vector<1x256xf32>
    %mul3A_42 = arith.mulf %get3A_24, %rsqrt3A_41 : vector<1x256xf32>
    %mul3A_43 = arith.mulf %div3A_31, %mul3A_42 : vector<1x256xf32>
    %sub3A_44 = arith.subf %get3A_27, %mul3A_43 : vector<1x256xf32>
    %get3A_45 = arith.constant 0 : index
    %get3A_46 = arith.constant 0 : index
    %get3A_47 = arith.constant 0 : index
    %get3A_48 = vector.load %arg1[%get3A_45, %get3A_46, %get3A_47] : memref<1x2048x256xf32, #tpu.memory_space<vmem>>, vector<1x2048x256xf32>
    %get3A_49 = vector.shape_cast %get3A_48 : vector<1x2048x256xf32> to vector<2048x256xf32>
    %mul3A_50 = vector.broadcast %mul3A_16 : vector<1x256xf32> to vector<2048x256xf32>
    %mul3A_51 = arith.mulf %get3A_49, %mul3A_50 : vector<2048x256xf32>
    %add3A_52 = vector.broadcast %sub3A_18 : vector<1x256xf32> to vector<2048x256xf32>
    %add3A_53 = arith.addf %mul3A_51, %add3A_52 : vector<2048x256xf32>
    %get3A_54 = arith.constant 0 : index
    %get3A_55 = arith.constant 0 : index
    %get3A_56 = arith.constant 0 : index
    %get3A_57 = vector.load %arg2[%get3A_54, %get3A_55, %get3A_56] : memref<1x2048x256xf32, #tpu.memory_space<vmem>>, vector<1x2048x256xf32>
    %get3A_58 = vector.shape_cast %get3A_57 : vector<1x2048x256xf32> to vector<2048x256xf32>
    %mul3A_59 = vector.broadcast %mul3A_42 : vector<1x256xf32> to vector<2048x256xf32>
    %mul3A_60 = arith.mulf %get3A_58, %mul3A_59 : vector<2048x256xf32>
    %add3A_61 = vector.broadcast %sub3A_44 : vector<1x256xf32> to vector<2048x256xf32>
    %add3A_62 = arith.addf %mul3A_60, %add3A_61 : vector<2048x256xf32>
    %ge3A = arith.constant 0.000000e+00 : f32
    %ge3A_63 = vector.broadcast %ge3A : f32 to vector<2048x256xf32>
    %ge3A_64 = arith.cmpf oge, %add3A_62, %ge3A_63 : vector<2048x256xf32>
    %mul3A_65 = arith.constant 1.000000e-01 : f32
    %mul3A_66 = vector.broadcast %mul3A_65 : f32 to vector<2048x256xf32>
    %mul3A_67 = arith.mulf %mul3A_66, %add3A_62 : vector<2048x256xf32>
    %select_n3A = arith.select %ge3A_64, %add3A_62, %mul3A_67 : vector<2048x256xi1>, vector<2048x256xf32>
    %add3A_68 = arith.addf %add3A_53, %select_n3A : vector<2048x256xf32>
    %ge3A_69 = arith.constant 0.000000e+00 : f32
    %ge3A_70 = vector.broadcast %ge3A_69 : f32 to vector<2048x256xf32>
    %ge3A_71 = arith.cmpf oge, %add3A_68, %ge3A_70 : vector<2048x256xf32>
    %mul3A_72 = arith.constant 1.000000e-01 : f32
    %mul3A_73 = vector.broadcast %mul3A_72 : f32 to vector<2048x256xf32>
    %mul3A_74 = arith.mulf %mul3A_73, %add3A_68 : vector<2048x256xf32>
    %select_n3A_75 = arith.select %ge3A_71, %add3A_68, %mul3A_74 : vector<2048x256xi1>, vector<2048x256xf32>
    %swap3A = arith.constant 0 : index
    %swap3A_76 = arith.constant 0 : index
    %swap3A_77 = arith.constant 0 : index
    %swap3A_78 = vector.load %arg12[%swap3A, %swap3A_76, %swap3A_77] : memref<1x2048x256xf32, #tpu.memory_space<vmem>>, vector<1x2048x256xf32>
    %swap3A_79 = vector.shape_cast %swap3A_78 : vector<1x2048x256xf32> to vector<2048x256xf32>
    %swap3A_80 = vector.shape_cast %select_n3A_75 : vector<2048x256xf32> to vector<1x2048x256xf32>
    tpu.vector_store %arg12[%swap3A, %swap3A_76, %swap3A_77], %swap3A_80 {strides = array<i32>} : memref<1x2048x256xf32, #tpu.memory_space<vmem>>, vector<1x2048x256xf32>,
    %get3A_81 = arith.constant 0 : index
    %get3A_82 = arith.constant 0 : index
    %get3A_83 = vector.load %arg10[%get3A_81, %get3A_82] : memref<256x256xf32, #tpu.memory_space<vmem>>, vector<256x256xf32>
    %dot_general3A = arith.constant dense<0.000000e+00> : vector<2048x256xf32>
    %dot_general3A_84 = tpu.matmul %select_n3A_75, %get3A_83, %dot_general3A {dimension_numbers = #tpu.dot_dimension_numbers<[1], [0], [0], [1], [0, 0, 1, 1], [], []>, transpose_lhs_hint = false} : vector<2048x256xf32>, vector<256x256xf32>, vector<2048x256xf32> -> vector<2048x256xf32>
    %get3A_85 = arith.constant 0 : index
    %get3A_86 = arith.constant 0 : index
    %get3A_87 = vector.load %arg11[%get3A_85, %get3A_86] : memref<1x256xf32, #tpu.memory_space<vmem>>, vector<1x256xf32>
    %add3A_88 = vector.broadcast %get3A_87 : vector<1x256xf32> to vector<2048x256xf32>
    %add3A_89 = arith.addf %dot_general3A_84, %add3A_88 : vector<2048x256xf32>
    %swap3A_90 = arith.constant 0 : index
    %swap3A_91 = arith.constant 0 : index
    %swap3A_92 = arith.constant 0 : index
    %swap3A_93 = vector.load %arg13[%swap3A_90, %swap3A_91, %swap3A_92] : memref<1x2048x256xf32, #tpu.memory_space<vmem>>, vector<1x2048x256xf32>
    %swap3A_94 = vector.shape_cast %swap3A_93 : vector<1x2048x256xf32> to vector<2048x256xf32>
    %swap3A_95 = vector.shape_cast %add3A_89 : vector<2048x256xf32> to vector<1x2048x256xf32>
    tpu.vector_store %arg13[%swap3A_90, %swap3A_91, %swap3A_92], %swap3A_95 {strides = array<i32>} : memref<1x2048x256xf32, #tpu.memory_space<vmem>>, vector<1x2048x256xf32>,
    %get3A_96 = arith.constant 0 : index
    %get3A_97 = arith.constant 0 : index
    %get3A_98 = arith.constant 0 : index
    %get3A_99 = vector.load %arg3[%get3A_96, %get3A_97, %get3A_98] : memref<1x2x2048xf32, #tpu.memory_space<vmem>>, vector<1x2x2048xf32>
    %get3A_100 = vector.shape_cast %get3A_99 : vector<1x2x2048xf32> to vector<2x2048xf32>
    %slice3A_101 = vector.extract_strided_slice %get3A_100 {offsets = [0, 0], sizes = [1, 2048], strides = [1, 1]} : vector<2x2048xf32> to vector<1x2048xf32>
    %slice3A_102 = vector.extract_strided_slice %get3A_100 {offsets = [1, 0], sizes = [1, 2048], strides = [1, 1]} : vector<2x2048xf32> to vector<1x2048xf32>
    %add3A_103 = arith.addf %slice3A_101, %slice3A_102 : vector<1x2048xf32>
    %dot_general3A_104 = arith.constant dense<0.000000e+00> : vector<1x256xf32>
    %dot_general3A_105 = tpu.matmul %add3A_103, %add3A_89, %dot_general3A_104 {dimension_numbers = #tpu.dot_dimension_numbers<[1], [0], [0], [1], [0, 0, 1, 1], [], []>, transpose_lhs_hint = false} : vector<1x2048xf32>, vector<2048x256xf32>, vector<1x256xf32> -> vector<1x256xf32>
    %mul3A_106 = arith.mulf %add3A_89, %add3A_89 : vector<2048x256xf32>
    %dot_general3A_107 = arith.constant dense<0.000000e+00> : vector<1x256xf32>
    %dot_general3A_108 = tpu.matmul %add3A_103, %mul3A_106, %dot_general3A_107 {dimension_numbers = #tpu.dot_dimension_numbers<[1], [0], [0], [1], [0, 0, 1, 1], [], []>, transpose_lhs_hint = false} : vector<1x2048xf32>, vector<2048x256xf32>, vector<1x256xf32> -> vector<1x256xf32>
    %eq3A = arith.constant 0 : i32
    %eq3A_109 = arith.cmpi eq, %arg0, %eq3A : i32
    %convert_element_type3A = arith.extui %eq3A_109 : i1 to i32
    %cond3A = arith.constant 0 : i32
    %cond3A_110 = arith.cmpi ne, %convert_element_type3A, %cond3A : i32
    scf.if %cond3A_110 {
      %broadcast_in_dim3A = arith.constant 0.000000e+00 : f32
      %broadcast_in_dim3A_118 = vector.broadcast %broadcast_in_dim3A : f32 to vector<2x256xf32>
      %swap3A_119 = arith.constant 0 : index
      %swap3A_120 = arith.constant 0 : index
      %swap3A_121 = vector.load %arg14[%swap3A_119, %swap3A_120] : memref<2x256xf32, #tpu.memory_space<vmem>>, vector<2x256xf32>
      tpu.vector_store %arg14[%swap3A_119, %swap3A_120], %broadcast_in_dim3A_118 {strides = array<i32>} : memref<2x256xf32, #tpu.memory_space<vmem>>, vector<2x256xf32>,
    } else {
    }
    %get3A_111 = arith.constant 0 : index
    %get3A_112 = arith.constant 0 : index
    %get3A_113 = vector.load %arg14[%get3A_111, %get3A_112] : memref<2x256xf32, #tpu.memory_space<vmem>>, vector<2x256xf32>
    %concatenate3A = tpu.concatenate %dot_general3A_105, %dot_general3A_108 in 0 : vector<1x256xf32>, vector<1x256xf32> -> vector<2x256xf32>
    %add3A_114 = arith.addf %get3A_113, %concatenate3A : vector<2x256xf32>
    %swap3A_115 = arith.constant 0 : index
    %swap3A_116 = arith.constant 0 : index
    %swap3A_117 = vector.load %arg14[%swap3A_115, %swap3A_116] : memref<2x256xf32, #tpu.memory_space<vmem>>, vector<2x256xf32>
    tpu.vector_store %arg14[%swap3A_115, %swap3A_116], %add3A_114 {strides = array<i32>} : memref<2x256xf32, #tpu.memory_space<vmem>>, vector<2x256xf32>,
    return
  }
  func.func @transform_0(%arg0: i32) -> (i32, i32, i32) {
    %c0_i32 = arith.constant 0 : i32
    %c0_i32_0 = arith.constant 0 : i32
    %c0_i32_1 = arith.constant 0 : i32
    return %arg0, %c0_i32, %c0_i32_0 : i32, i32, i32
  }
  func.func @transform_1(%arg0: i32) -> (i32, i32, i32) {
    %c0_i32 = arith.constant 0 : i32
    %c0_i32_0 = arith.constant 0 : i32
    %c0_i32_1 = arith.constant 0 : i32
    return %arg0, %c0_i32, %c0_i32_0 : i32, i32, i32
  }
  func.func @transform_2(%arg0: i32) -> (i32, i32, i32) {
    %c0_i32 = arith.constant 0 : i32
    %c0_i32_0 = arith.constant 0 : i32
    %c0_i32_1 = arith.constant 0 : i32
    return %arg0, %c0_i32, %c0_i32_0 : i32, i32, i32
  }
  func.func @transform_3(%arg0: i32) -> (i32, i32) {
    %c0_i32 = arith.constant 0 : i32
    %c0_i32_0 = arith.constant 0 : i32
    %c0_i32_1 = arith.constant 0 : i32
    return %c0_i32, %c0_i32_0 : i32, i32
  }
  func.func @transform_4(%arg0: i32) -> (i32, i32) {
    %c0_i32 = arith.constant 0 : i32
    %c0_i32_0 = arith.constant 0 : i32
    %c0_i32_1 = arith.constant 0 : i32
    return %c0_i32, %c0_i32_0 : i32, i32
  }
  func.func @transform_5(%arg0: i32) -> (i32, i32) {
    %c0_i32 = arith.constant 0 : i32
    %c0_i32_0 = arith.constant 0 : i32
    %c0_i32_1 = arith.constant 0 : i32
    return %c0_i32, %c0_i32_0 : i32, i32
  }
  func.func @transform_6(%arg0: i32) -> (i32, i32) {
    %c0_i32 = arith.constant 0 : i32
    %c0_i32_0 = arith.constant 0 : i32
    %c0_i32_1 = arith.constant 0 : i32
    return %c0_i32, %c0_i32_0 : i32, i32
  }
  func.func @transform_7(%arg0: i32) -> (i32, i32) {
    %c0_i32 = arith.constant 0 : i32
    %c0_i32_0 = arith.constant 0 : i32
    %c0_i32_1 = arith.constant 0 : i32
    return %c0_i32, %c0_i32_0 : i32, i32
  }
  func.func @transform_8(%arg0: i32) -> (i32, i32) {
    %c0_i32 = arith.constant 0 : i32
    %c0_i32_0 = arith.constant 0 : i32
    %c0_i32_1 = arith.constant 0 : i32
    return %c0_i32, %c0_i32_0 : i32, i32
  }
  func.func @transform_9(%arg0: i32) -> (i32, i32) {
    %c0_i32 = arith.constant 0 : i32
    %c0_i32_0 = arith.constant 0 : i32
    %c0_i32_1 = arith.constant 0 : i32
    return %c0_i32, %c0_i32_0 : i32, i32
  }
  func.func @transform_10(%arg0: i32) -> (i32, i32) {
    %c0_i32 = arith.constant 0 : i32
    %c0_i32_0 = arith.constant 0 : i32
    %c0_i32_1 = arith.constant 0 : i32
    return %c0_i32, %c0_i32_0 : i32, i32
  }
  func.func @transform_11(%arg0: i32) -> (i32, i32, i32) {
    %c0_i32 = arith.constant 0 : i32
    %c0_i32_0 = arith.constant 0 : i32
    %c0_i32_1 = arith.constant 0 : i32
    return %arg0, %c0_i32, %c0_i32_0 : i32, i32, i32
  }
  func.func @transform_12(%arg0: i32) -> (i32, i32, i32) {
    %c0_i32 = arith.constant 0 : i32
    %c0_i32_0 = arith.constant 0 : i32
    %c0_i32_1 = arith.constant 0 : i32
    return %arg0, %c0_i32, %c0_i32_0 : i32, i32, i32
  }
  func.func @transform_13(%arg0: i32) -> (i32, i32) {
    %c0_i32 = arith.constant 0 : i32
    %c0_i32_0 = arith.constant 0 : i32
    %c0_i32_1 = arith.constant 0 : i32
    return %c0_i32, %c0_i32_0 : i32, i32
  }
}

module attributes {stable_mosaic.version = 14 : i64} {
  func.func @_s6_body(%arg0: i32, %arg1: memref<1x2048x256xf32, #tpu.memory_space<vmem>>, %arg2: memref<1x2048x256xf32, #tpu.memory_space<vmem>>, %arg3: memref<2x256xf32, #tpu.memory_space<vmem>>, %arg4: memref<1x256xf32, #tpu.memory_space<vmem>>, %arg5: memref<1x256xf32, #tpu.memory_space<vmem>>, %arg6: memref<1x2048x256xf32, #tpu.memory_space<vmem>>) attributes {dimension_semantics = [#tpu.dimension_semantics<arbitrary>], iteration_bounds = array<i64: 16>, scalar_prefetch = 0 : i64, scratch_operands = 0 : i64, tpu.core_type = #tpu.core_type<tc>, window_params = [{transform_indices = @transform_0, window_bounds = array<i64: 1, 2048, 256>}, {transform_indices = @transform_1, window_bounds = array<i64: 1, 2048, 256>}, {pipeline_mode = #tpu.pipeline_mode<synchronous>, transform_indices = @transform_2, window_bounds = array<i64: 2, 256>}, {pipeline_mode = #tpu.pipeline_mode<synchronous>, transform_indices = @transform_3, window_bounds = array<i64: 1, 256>}, {pipeline_mode = #tpu.pipeline_mode<synchronous>, transform_indices = @transform_4, window_bounds = array<i64: 1, 256>}, {transform_indices = @transform_5, window_bounds = array<i64: 1, 2048, 256>}]} {
    %get3A = arith.constant 0 : index
    %get3A_0 = arith.constant 0 : index
    %get3A_1 = vector.load %arg3[%get3A, %get3A_0] : memref<2x256xf32, #tpu.memory_space<vmem>>, vector<2x256xf32>
    %get3A_2 = arith.constant 0 : index
    %get3A_3 = arith.constant 0 : index
    %get3A_4 = vector.load %arg4[%get3A_2, %get3A_3] : memref<1x256xf32, #tpu.memory_space<vmem>>, vector<1x256xf32>
    %get3A_5 = arith.constant 0 : index
    %get3A_6 = arith.constant 0 : index
    %get3A_7 = vector.load %arg5[%get3A_5, %get3A_6] : memref<1x256xf32, #tpu.memory_space<vmem>>, vector<1x256xf32>
    %slice3A = vector.extract_strided_slice %get3A_1 {offsets = [0, 0], sizes = [1, 256], strides = [1, 1]} : vector<2x256xf32> to vector<1x256xf32>
    %div3A = arith.constant 2.621440e+05 : f32
    %div3A_8 = vector.broadcast %div3A : f32 to vector<1x256xf32>
    %div3A_9 = arith.divf %slice3A, %div3A_8 : vector<1x256xf32>
    %slice3A_10 = vector.extract_strided_slice %get3A_1 {offsets = [1, 0], sizes = [1, 256], strides = [1, 1]} : vector<2x256xf32> to vector<1x256xf32>
    %div3A_11 = arith.constant 2.621440e+05 : f32
    %div3A_12 = vector.broadcast %div3A_11 : f32 to vector<1x256xf32>
    %div3A_13 = arith.divf %slice3A_10, %div3A_12 : vector<1x256xf32>
    %mul3A = arith.mulf %div3A_9, %div3A_9 : vector<1x256xf32>
    %sub3A = arith.subf %div3A_13, %mul3A : vector<1x256xf32>
    %add3A = arith.constant 9.99999974E-6 : f32
    %add3A_14 = vector.broadcast %add3A : f32 to vector<1x256xf32>
    %add3A_15 = arith.addf %sub3A, %add3A_14 : vector<1x256xf32>
    %rsqrt3A = math.rsqrt %add3A_15 : vector<1x256xf32>
    %mul3A_16 = arith.mulf %get3A_4, %rsqrt3A : vector<1x256xf32>
    %mul3A_17 = arith.mulf %div3A_9, %mul3A_16 : vector<1x256xf32>
    %sub3A_18 = arith.subf %get3A_7, %mul3A_17 : vector<1x256xf32>
    %get3A_19 = arith.constant 0 : index
    %get3A_20 = arith.constant 0 : index
    %get3A_21 = arith.constant 0 : index
    %get3A_22 = vector.load %arg1[%get3A_19, %get3A_20, %get3A_21] : memref<1x2048x256xf32, #tpu.memory_space<vmem>>, vector<1x2048x256xf32>
    %get3A_23 = vector.shape_cast %get3A_22 : vector<1x2048x256xf32> to vector<2048x256xf32>
    %mul3A_24 = vector.broadcast %mul3A_16 : vector<1x256xf32> to vector<2048x256xf32>
    %mul3A_25 = arith.mulf %get3A_23, %mul3A_24 : vector<2048x256xf32>
    %add3A_26 = vector.broadcast %sub3A_18 : vector<1x256xf32> to vector<2048x256xf32>
    %add3A_27 = arith.addf %mul3A_25, %add3A_26 : vector<2048x256xf32>
    %get3A_28 = arith.constant 0 : index
    %get3A_29 = arith.constant 0 : index
    %get3A_30 = arith.constant 0 : index
    %get3A_31 = vector.load %arg2[%get3A_28, %get3A_29, %get3A_30] : memref<1x2048x256xf32, #tpu.memory_space<vmem>>, vector<1x2048x256xf32>
    %get3A_32 = vector.shape_cast %get3A_31 : vector<1x2048x256xf32> to vector<2048x256xf32>
    %add3A_33 = arith.addf %add3A_27, %get3A_32 : vector<2048x256xf32>
    %ge3A = arith.constant 0.000000e+00 : f32
    %ge3A_34 = vector.broadcast %ge3A : f32 to vector<2048x256xf32>
    %ge3A_35 = arith.cmpf oge, %add3A_33, %ge3A_34 : vector<2048x256xf32>
    %mul3A_36 = arith.constant 1.000000e-01 : f32
    %mul3A_37 = vector.broadcast %mul3A_36 : f32 to vector<2048x256xf32>
    %mul3A_38 = arith.mulf %mul3A_37, %add3A_33 : vector<2048x256xf32>
    %select_n3A = arith.select %ge3A_35, %add3A_33, %mul3A_38 : vector<2048x256xi1>, vector<2048x256xf32>
    %swap3A = arith.constant 0 : index
    %swap3A_39 = arith.constant 0 : index
    %swap3A_40 = arith.constant 0 : index
    %swap3A_41 = vector.load %arg6[%swap3A, %swap3A_39, %swap3A_40] : memref<1x2048x256xf32, #tpu.memory_space<vmem>>, vector<1x2048x256xf32>
    %swap3A_42 = vector.shape_cast %swap3A_41 : vector<1x2048x256xf32> to vector<2048x256xf32>
    %swap3A_43 = vector.shape_cast %select_n3A : vector<2048x256xf32> to vector<1x2048x256xf32>
    tpu.vector_store %arg6[%swap3A, %swap3A_39, %swap3A_40], %swap3A_43 {strides = array<i32>} : memref<1x2048x256xf32, #tpu.memory_space<vmem>>, vector<1x2048x256xf32>,
    return
  }
  func.func @transform_0(%arg0: i32) -> (i32, i32, i32) {
    %c0_i32 = arith.constant 0 : i32
    %c0_i32_0 = arith.constant 0 : i32
    %c0_i32_1 = arith.constant 0 : i32
    return %arg0, %c0_i32, %c0_i32_0 : i32, i32, i32
  }
  func.func @transform_1(%arg0: i32) -> (i32, i32, i32) {
    %c0_i32 = arith.constant 0 : i32
    %c0_i32_0 = arith.constant 0 : i32
    %c0_i32_1 = arith.constant 0 : i32
    return %arg0, %c0_i32, %c0_i32_0 : i32, i32, i32
  }
  func.func @transform_2(%arg0: i32) -> (i32, i32) {
    %c0_i32 = arith.constant 0 : i32
    %c0_i32_0 = arith.constant 0 : i32
    %c0_i32_1 = arith.constant 0 : i32
    return %c0_i32, %c0_i32_0 : i32, i32
  }
  func.func @transform_3(%arg0: i32) -> (i32, i32) {
    %c0_i32 = arith.constant 0 : i32
    %c0_i32_0 = arith.constant 0 : i32
    %c0_i32_1 = arith.constant 0 : i32
    return %c0_i32, %c0_i32_0 : i32, i32
  }
  func.func @transform_4(%arg0: i32) -> (i32, i32) {
    %c0_i32 = arith.constant 0 : i32
    %c0_i32_0 = arith.constant 0 : i32
    %c0_i32_1 = arith.constant 0 : i32
    return %c0_i32, %c0_i32_0 : i32, i32
  }
  func.func @transform_5(%arg0: i32) -> (i32, i32, i32) {
    %c0_i32 = arith.constant 0 : i32
    %c0_i32_0 = arith.constant 0 : i32
    %c0_i32_1 = arith.constant 0 : i32
    return %arg0, %c0_i32, %c0_i32_0 : i32, i32, i32
  }
}

</mosaic_0001>

<sc_bundles>
// kernel: kernel.12.cloned.1.call-start
scs
__scs_entry_jumppad:
0x0: {  	(pc) =	sbr.rel $0x88, $3  }
0x1: {  	(tag) =	ssettag $0x0;
	lr =	simm.s32 $0x1  }
0x2: {  	[smem:$0x3F8B] =	sst lr;
	_ =	strace $0xD0000000  }
0x3: {  	_ = 	snop  }
0x4: {  	_ = 	snop  }
0x5: {  	_ = 	snop  }
0x6: {  	_ = 	snop  }
0x7: {  	_ = 	snop  }
__scs_overlays_trampoline_lowered:
0x8: {  	[smem:$0x3F9A] =	sst s0  }
0x9: {  	[smem:$0x3F9B] =	sst s1  }
0xa: {  	[smem:$0x3F9C] =	sst s2  }
0xb: {  	[smem:$0x3F9D] =	sst s3  }
0xc: {  	[smem:$0x3F9E] =	sst s4  }
0xd: {  	[smem:$0x3F9F] =	sst s5  }
0xe: {  	[smem:$0x3FA0] =	sst s6  }
0xf: {  	[smem:$0x3FA1] =	sst s7  }
0x10: {  	[smem:$0x3FA2] =	sst s8  }
0x11: {  	[smem:$0x3FA3] =	sst s9;
	s0 =	simm.s32 @!p0 $0x0  }
0x12: {  	s1 =	sld [smem:$0x3F89];
	s0 =	simm.s32 @p0 $0x1  }
0x13: {  	[smem:$0x3FA4] =	sst s0;
	s0 =	simm.s32 @!p1 $0x0  }
0x14: {  	s2 =	sld [smem:$0x3F88];
	s0 =	simm.s32 @p1 $0x1  }
0x15: {  	[smem:$0x3FA5] =	sst s0;
	s0 =	simm.s32 @!p2 $0x0  }
0x16: {  	s3 =	sld [smem:$0x3FDB];
	s0 =	simm.s32 @p2 $0x1  }
0x17: {  	s4 =	simm.s32 $0x1BF5;
	[smem:$0x3FA7] =	sst s0  }
0x18: {  	s0 =	sld [smem:$0x3F8A];
	_ =	swait.ge [sflag:s4], $0x0  }
0x19: {  	s7 =	sld [smem:$0x3F8B]  }
0x1a: {  	s8 =	sadd.s32 $0xFFFFE003, lr  }
0x1b: {  	s9 =	sadd.s32 $0xFFFFFEF7, lr;
	s5 =	simm.s32 $0xFFFFFFFF;
	p2 =	slt.u32 s8, $0xFFFFF086  }
0x1c: {  	p1 =	slt.u32 s9, $0xF7A;
	s5 =	simm.s32 @!p2 $0x0  }
0x1d: {  	s5 =	simm.s32 @p1 $0x1;
	p0 =	seq.s32 s7, s2  }
0x1e: {  	s7 =	smul.u32 @!p0 $0xF7A, s2;
	p2 =	seq.s32 @!p0 s5, $0x0  }
0x1f: {  	s9 =	smul.u32 $0xF7A, s1;
	s8 =	simm.s32 @!p0 $0x1BF5;
	p2 =	por !p2, p0  }
0x20: {  	[sflag:s8] =	ssyncset.s32 @!p0 $0xFFFFF086;
	s6 =	sadd.s32 @!p0 s3, s7;
	s7 =	simm.s32 @!p0 $0x108  }
0x21: {  	s3 =	sadd.s32 s3, s9;
	s6 =	sadd.s32 @!p0 $0x88, s6;
	s7 =	simm.s32 @p2 $0x1082  }
0x22: {  	[simem:s7], [sflag:s8] =	dma.local @!p0 [hbm:s6], $0xF7A  }
0x23: {  	s9 =	sor.u32 $0xD0000000, s2;
	s6 =	simm.s32 $0x108;
	_ =	swait.ge @!p0 [sflag:s8], $0x0  }
0x24: {  	s3 =	sadd.s32 $0x88, s3;
	s6 =	simm.s32 @!p1 $0x1082;
	[sflag:s4] =	ssyncset.s32 $0xFFFFF086  }
0x25: {  	[simem:s6], [sflag:s4] =	dma.local [hbm:s3], $0xF7A  }
0x26: {  	[smem:$0x3F8B] =	sst s1;
	(tag) =	ssettag s2;
	_ =	strace s9  }
0x27: {  	s1 =	sld [smem:$0x3F9B]  }
0x28: {  	s2 =	sld [smem:$0x3F9C]  }
0x29: {  	s4 =	sld [smem:$0x3F9E]  }
0x2a: {  	p0 =	seq.s32 s5, $0x0;
	s5 =	sld [smem:$0x3F9F]  }
0x2b: {  	s6 =	sld [smem:$0x3FA0]  }
0x2c: {  	s7 =	sld [smem:$0x3FA1]  }
0x2d: {  	s3 =	simm.s32 $0x108;
	s8 =	sld [smem:$0x3FA2]  }
0x2e: {  	s3 =	simm.s32 @!p0 $0x1082;
	s9 =	sld [smem:$0x3FA3]  }
0x2f: {  	lr =	sadd.s32 s0, s3;
	s0 =	sld [smem:$0x3F9A]  }
0x30: {  	s3 =	sld [smem:$0x3F9D]  }
0x31: {  	[smem:$0x3FA6] =	sst s10  }
0x32: {  	s10 =	sld [smem:$0x3FA4];
	_ =	sdelay $0x3  }
0x33: {  	p0 =	seq.s32 s10, $0x1;
	s10 =	sld [smem:$0x3FA6];
	_ =	sdelay $0x3  }
0x34: {  	[smem:$0x3FA6] =	sst s10  }
0x35: {  	s10 =	sld [smem:$0x3FA5];
	_ =	sdelay $0x3  }
0x36: {  	p1 =	seq.s32 s10, $0x1;
	s10 =	sld [smem:$0x3FA6];
	_ =	sdelay $0x3  }
0x37: {  	[smem:$0x3FA6] =	sst s10  }
0x38: {  	s10 =	sld [smem:$0x3FA7]  }
0x39: {  	_ = 	snop;
	(pc) =	sbr.ind lr, $3  }
0x3a: {  	_ = 	snop  }
0x3b: {  	_ = 	snop  }
0x3c: {  	p2 =	seq.s32 s10, $0x1;
	s10 =	sld [smem:$0x3FA6]  }
0x3d: {  	_ =	shalt  }
0x3e: {  	_ =	shalt  }
0x3f: {  	_ =	shalt  }
0x40: {  	_ =	shalt  }
0x41: {  	_ =	shalt  }
0x42: {  	_ =	shalt  }
0x43: {  	_ =	shalt  }
0x44: {  	_ =	shalt  }
0x45: {  	_ =	shalt  }
0x46: {  	_ =	shalt  }
0x47: {  	_ =	shalt  }
0x48: {  	_ =	shalt  }
0x49: {  	_ =	shalt  }
0x4a: {  	_ =	shalt  }
0x4b: {  	_ =	shalt  }
0x4c: {  	_ =	shalt  }
0x4d: {  	_ =	shalt  }
0x4e: {  	_ =	shalt  }
0x4f: {  	_ =	shalt  }
0x50: {  	_ =	shalt  }
0x51: {  	_ =	shalt  }
0x52: {  	_ =	shalt  }
0x53: {  	_ =	shalt  }
0x54: {  	_ =	shalt  }
0x55: {  	_ =	shalt  }
0x56: {  	_ =	shalt  }
0x57: {  	_ =	shalt  }
0x58: {  	_ =	shalt  }
0x59: {  	_ =	shalt  }
0x5a: {  	_ =	shalt  }
0x5b: {  	_ =	shalt  }
0x5c: {  	_ =	shalt  }
0x5d: {  	_ =	shalt  }
0x5e: {  	_ =	shalt  }
0x5f: {  	_ =	shalt  }
0x60: {  	_ =	shalt  }
0x61: {  	_ =	shalt  }
0x62: {  	_ =	shalt  }
0x63: {  	_ =	shalt  }
0x64: {  	_ =	shalt  }
0x65: {  	_ =	shalt  }
0x66: {  	_ =	shalt  }
0x67: {  	_ =	shalt  }
0x68: {  	_ =	shalt  }
0x69: {  	_ =	shalt  }
0x6a: {  	_ =	shalt  }
0x6b: {  	_ =	shalt  }
0x6c: {  	_ =	shalt  }
0x6d: {  	_ =	shalt  }
0x6e: {  	_ =	shalt  }
0x6f: {  	_ =	shalt  }
0x70: {  	_ =	shalt  }
0x71: {  	_ =	shalt  }
0x72: {  	_ =	shalt  }
0x73: {  	_ =	shalt  }
0x74: {  	_ =	shalt  }
0x75: {  	_ =	shalt  }
0x76: {  	_ =	shalt  }
0x77: {  	_ =	shalt  }
0x78: {  	_ =	shalt  }
0x79: {  	_ =	shalt  }
0x7a: {  	_ =	shalt  }
0x7b: {  	_ =	shalt  }
0x7c: {  	_ =	shalt  }
0x7d: {  	_ =	shalt  }
0x7e: {  	_ =	shalt  }
0x7f: {  	_ =	shalt  }
0x80: {  	_ =	shalt  }
0x81: {  	_ =	shalt  }
0x82: {  	_ =	shalt  }
0x83: {  	_ =	shalt  }
0x84: {  	_ =	shalt  }
0x85: {  	_ =	shalt  }
0x86: {  	_ =	shalt  }
0x87: {  	_ =	shalt  }
.Lfunc_end0:
.L_simem_size_0:
called_computation_lowered:
.L_overlay_start_0:
0x88: {  	s2 =	sld [smem:$0x3FD9]  }
0x89: {  	s3 =	sld [smem:$0x3FFE];
	_ =	sdelay $0x1  }
0x8a: {  	s1 =	srdreg.scid  }
0x8b: {  	s0 =	sand.u32 $0x1, s1  }
0x8c: {  	s14 =	sshll.u32 s0, $0xA;
	s2 =	sadd.s32 s3, s2  }
0x8d: {  	s2 =	sadd.s32 s2, s14  }
0x8e: {  	[smem:$0x3FB2] =	sst s2  }
0x8f: {  	_ = 	snop  }
0x90: {  	s2 =	sld [smem:$0x3FD0];
	_ =	sdelay $0x2  }
0x91: {  	s15 =	simm.s32 $0xA;
	s4 =	simm.s32 $0x10  }
0x92: {  	[smem:s4], [sflag:s15] =	dma.local [hbm:s2], $0x1  }
0x93: {  	_ =	swait.eq [sflag:s15], $0x1  }
0x94: {  	[sflag:s15] =	ssyncset.done $0x0  }
0x95: {  	[sflag:s15] =	ssyncadd.s32 $0xFFFFFFFF  }
0x96: {  	s16 =	sld [smem:$0x11];
	(tm) =	ssettm $0x1  }
0x97: {  	s17 =	sld [smem:$0x3FFB];
	_ =	sdelay $0x3  }
0x98: {  	_ =	strace s17  }
0x99: {  	s3 =	sld [smem:$0x3FFC];
	_ =	sdelay $0x3  }
0x9a: {  	_ =	strace s3  }
0x9b: {  	s3 =	sld [smem:$0x3FFD];
	_ =	sdelay $0x3  }
0x9c: {  	_ =	strace s3  }
0x9d: {  	_ =	strace $0x8FFFFFFF  }
0x9e: {  	s18 =	sld [smem:$0x3FDB];
	_ =	sdelay $0x1  }
0x9f: {  	s19 =	simm.s32 $_scs_section_size  }
0xa0: {  	s5 =	simm.s32 $_size__tile_overlayer_lowered;
	s6 =	simm.s32 $_tile_overlayer_lowered  }
0xa1: {  	s22 =	simm.s32 $0x1BFF;
	s21 =	sshll.u32 s6, $0x1;
	s3 =	sadd.s32 s19, s18  }
0xa2: {  	s7 =	simm.s32 $0x0;
	s20 =	sshll.u32 s5, $0x1;
	s5 =	sadd.s32 s21, s3  }
0xa3: {  	[timem:s7], [sflag:s22] =	dma.local [hbm:s5], s20  }
0xa4: {  	_ =	swait.ge [sflag:s22], s20  }
0xa5: {  	s4 =	ssub.s32 $0x0, s20;
	[sflag:s22] =	ssyncset.done $0x0  }
0xa6: {  	[sflag:s22] =	ssyncadd.s32 s4;
	_ =	sdelay $0x1  }
0xa7: {  	s23 =	simm.s32 $0x1B8B  }
0xa8: {  	_ =	swait.ge [sflag:s23], $0x1  }
0xa9: {  	[sflag:s23] =	ssyncset.done $0x0  }
0xaa: {  	s25 =	simm.s32 $0x1B8E;
	s24 =	sld [smem:$0x3FFE];
	[sflag:s23] =	ssyncadd.s32 $0xFFFFFFFF  }
0xab: {  	s26 =	simm.s32 $execute0_lowered;
	[smem:$0x3FD2] =	sst s25  }
0xac: {  	s5 =	sshll.u32 s26, $0x1;
	_ =	strace $0x80000046;
	[dreg:$0x1] =	wrdreg $0xFFFFFFFF  }
0xad: {  	s28 =	simm.s32 $_size_execute0_lowered;
	s3 =	sadd.s32 s3, s5;
	[dreg:$0x0] =	wrdreg $0x0  }
0xae: {  	s5 =	sshll.u32 s28, $0x1;
	[dreg:$0x2] =	wrdreg s3  }
0xaf: {  	[dreg:$0x3] =	wrdreg s5  }
0xb0: {  	[dreg:$0x4] =	wrdreg $0xC0  }
0xb1: {  	_ =	task [dreg:s7], $0x5FFFF  }
0xb2: {  	[dreg:$0x1] =	wrdreg $0xFFFFFFFF  }
0xb3: {  	[dreg:$0x0] =	wrdreg $0x60  }
0xb4: {  	[dreg:$0x2] =	wrdreg s16  }
0xb5: {  	[dreg:$0x3] =	wrdreg s24  }
0xb6: {  	[dreg:$0x4] =	wrdreg $0x9  }
0xb7: {  	_ =	task.clear_ibuf [dreg:s7], $0x5FFFF;
	_ =	strace $0x90000046  }
0xb8: {  	s29 =	simm.s32 $0x9;
	_ =	strace $0x80000048  }
0xb9: {  	_ =	swait.ge [sflag:s29], $0x1  }
0xba: {  	[sflag:s29] =	ssyncadd.s32 $0xFFFFFFFF  }
0xbb: {  	_ =	strace $0x90000048  }
0xbc: {  	_ =	sfence  }
0xbd: {  	s30 =	sld [smem:$0x0];
	_ =	sdelay $0x2  }
0xbe: {  	s31 =	sshll.u32 s1, $0xD;
	s1 =	sshrl.u32 s1, $0x2  }
0xbf: {  	s3 =	sand.u32 $0x4000, s31;
	s1 =	sadd.s32 s1, s30  }
0xc0: {  	s0 =	sor.u32 s3, s0;
	s1 =	sshll.u32 s1, $0x11  }
0xc1: {  	s0 =	sor.u32 s1, s0  }
0xc2: {  	s0 =	sadd.s32 $0x8F2B, s0  }
0xc3: {  	[sflag:s0] =	ssyncadd.remote.s32 $0x1  }
0xc4: {  	_ =	sfence.sel $0xFFFF  }
0xc5: {  	[dreg:$0x0] =	wrdreg $0xFFFFFFFF;
	(pc) =	sbr.abs _section_cstart, $3  }
0xc6: {  	[dreg:$0x1] =	wrdreg $0xFFFFFFFF  }
0xc7: {  	_ =	task.clear_ibuf [dreg:s7], $0x2FFFF;
	_ =	strace $0x9FFFFFFF  }
0xc8: {  	(tm) =	ssettm $0x7FFFFFFF  }
0xc9: {  	_ =	shalt  }
tec
execute0_lowered:
.L_overlay_start_1:
0x0: {  	(tag) =	ssettag $0x1  }
0x1: {  	s3 =	rddreg [dreg:$0x0]  }
0x2: {  	s4 =	rddreg [dreg:$0x1]  }
0x3: {  	s0 =	rddreg [dreg:$0x2]  }
0x4: {  	s1 =	stileid.u32;
	s5 =	srdreg.scid  }
0x5: {  	s2 =	simm.s32 $0x0;
	s9 =	simm.s32 $0x400;
	s10 =	simm.s32 $0x0  }
0x6: {  	s5 =	sand.u32 $0x1, s5;
	s6 =	sshll.u32 s1, $0x1;
	[smem:$0x7FF] =	sst s2  }
0x7: {  	s7 =	sshll.u32 s1, $0x9;
	s6 =	sor.u32 s5, s6;
	_ =	strace $0x80000047  }
0x8: {  	s7 =	sand.u32 $0x1800, s7;
	s5 =	ssub.s32 $0x2, s5;
	s8 =	sshll.u32 s6, $0x4  }
0x9: {  	s4 =	sadd.s32 s7, s4;
	s31 =	sshrl.u32 s5, $0x1;
	s6 =	sshll.u32 s6, $0xA  }
0xa: {  	s7 =	simm.s32 $0x2000;
	s30 =	sand.u32 $0x70, s8;
	s5 =	ssub.s32 s5, s31  }
0xb: {  	s3 =	sadd.s32 s3, s6;
	s6 =	simm.s32 $0x1;
	s4 =	sadd.s32 s30, s4  }
0xc: {  	v0 =	vimm.f32 $0.0e+00;
	v1 =	vimm.f32 $1.000000000e+00;
	s8 =	simm.s32 $0x80;
	s5 =	smax.u32 s5, $0x1;
	s4 =	sadd.s32 $0x3800, s4  }
.LBB2_1:
0xd: {  	[tilespmem:s2], [sflag:$0x1] =	stream.linear.gather [hbm4b:s3+s2], $0x2000, $0x38;
	[tilespmem:$0x2800] =	vst v63  }
0xe: {  	_ =	swait.ge [sflag:s6], $0x2000  }
0xf: {  	[sflag:s6] =	ssyncset.done $0x0  }
0x10: {  	s11 =	simm.s32 $0x0;
	[sflag:s6] =	ssyncadd.s32 $0xFFFFE000  }
.LBB2_2:
0x11: {  	p0 =	sne.s32 s11, $0x1FC0  }
.Ltmp0:
0x12: {  	_ = 	snop;
	(pc) =	sbr.rel @p0 .LBB2_2-.Ltmp0, $3  }
0x13: {  	_ =	sdelay $0x1  }
0x14: {  	s12 =	sshra.s32 s11, $0x2  }
0x15: {  	s11 =	sadd.s32 $0x40, s11;
	[tilespmem:s12+$0x2000] =	vst v0  }
0x16: {  	s12 =	simm.s32 $0x0;
	s11 =	simm.s32 $0x40  }
.LBB2_4:
0x17: {  	p0 =	sne.s32 s11, $0x7FC0;
	v2 =	vld [tilespmem:s12+$0x0];
	_ =	sdelay $0x3  }
.Ltmp1:
0x18: {  	(pc) =	sbr.rel @p0 .LBB2_4-.Ltmp1, $2  }
0x19: {  	_ =	sdelay $0x2  }
0x1a: {  	s12 =	sshra.s32 s11, $0x2;
	s11 =	sadd.s32 $0x40, s11;
	[tilespmem:v2+s7+$0x0] =	vst.idx.add.f32.msk $0xffff, v1  }
0x1b: {  	v2 =	vld [tilespmem:s12+$0x0];
	_ =	sdelay $0x5  }
0x1c: {  	s10 =	sadd.s32 $0x1, s10  }
0x1d: {  	p0 =	sne.s32 s10, s5  }
.Ltmp2:
0x1e: {  	[tilespmem:v2+s7+$0x0] =	vst.idx.add.f32.msk $0xffff, v1;
	(pc) =	sbr.rel @p0 .LBB2_1-.Ltmp2, $4  }
0x1f: {  	[hbm4b:s4+s8] =	stream.strided.scatter [tilespmem:s7], [sflag:$0x1], $0x800, s9, s8, $0x38;
	[tilespmem:$0x2800] =	vst v63  }
0x20: {  	_ =	swait.ge [sflag:s6], $0x800  }
0x21: {  	[sflag:s6] =	ssyncset.done $0x0  }
0x22: {  	[sflag:s6] =	ssyncadd.s32 $0xFFFFF800  }
0x23: {  	_ =	sfence.sel $0x180000  }
0x24: {  	[bflag:$0x0] =	sbarrier.arrive $0xFFFF  }
0x25: {  	p0 =	sne.s32 s1, $0x0;
	_ =	strace $0x90000047  }
0x26: {  	s0 =	sadd.s32 @!p0 $0x100000, s0;
	[bflag:$0x2] =	sbarrier.arrive $0xFFFF  }
0x27: {  	[sflag:s0] =	ssyncadd.tile.s32 @!p0 $0x1;
	_ =	shalt  }
.Lfunc_end2:
_tile_overlayer_lowered:
.L_overlay_start_2:
0x28: {  	(tag) =	ssettag $0x2  }
0x29: {  	s0 =	rddreg [dreg:$0x0];
	s2 =	stileid.u32  }
0x2a: {  	s1 =	rddreg [dreg:$0x1];
	p0 =	sne.s32 s2, $0x0  }
0x2b: {  	s3 =	rddreg [dreg:$0x2];
	[bflag:$0x3] =	sbarrier.arrive $0xFFFF;
	s2 =	simm.s32 @!p0 $0x1C01  }
0x2c: {  	[timem:s3], [sflag:s2] =	dma.local @!p0 [hbm:s0], s1  }
0x2d: {  	s0 =	simm.s32 @!p0 $0x1  }
0x2e: {  	_ =	swait.ge @!p0 [sflag:s0], s1  }
0x2f: {  	s1 =	ssub.s32 @!p0 $0x0, s1;
	[sflag:s0] =	ssyncset.done @!p0 $0x0  }
0x30: {  	[sflag:s0] =	ssyncadd.s32 @!p0 s1  }
0x31: {  	[bflag:$0x3] =	sbarrier.arrive $0xFFFF  }
0x32: {  	_ =	shalt  }

// kernel: kernel.15.cloned.1.call-start
scs
__scs_entry_jumppad:
0x0: {  	(pc) =	sbr.rel $0x88, $3  }
0x1: {  	(tag) =	ssettag $0x0;
	lr =	simm.s32 $0x1  }
0x2: {  	[smem:$0x3F8B] =	sst lr;
	_ =	strace $0xD0000000  }
0x3: {  	_ = 	snop  }
0x4: {  	_ = 	snop  }
0x5: {  	_ = 	snop  }
0x6: {  	_ = 	snop  }
0x7: {  	_ = 	snop  }
__scs_overlays_trampoline_lowered:
0x8: {  	[smem:$0x3F9A] =	sst s0  }
0x9: {  	[smem:$0x3F9B] =	sst s1  }
0xa: {  	[smem:$0x3F9C] =	sst s2  }
0xb: {  	[smem:$0x3F9D] =	sst s3  }
0xc: {  	[smem:$0x3F9E] =	sst s4  }
0xd: {  	[smem:$0x3F9F] =	sst s5  }
0xe: {  	[smem:$0x3FA0] =	sst s6  }
0xf: {  	[smem:$0x3FA1] =	sst s7  }
0x10: {  	[smem:$0x3FA2] =	sst s8  }
0x11: {  	[smem:$0x3FA3] =	sst s9;
	s0 =	simm.s32 @!p0 $0x0  }
0x12: {  	s1 =	sld [smem:$0x3F89];
	s0 =	simm.s32 @p0 $0x1  }
0x13: {  	[smem:$0x3FA4] =	sst s0;
	s0 =	simm.s32 @!p1 $0x0  }
0x14: {  	s2 =	sld [smem:$0x3F88];
	s0 =	simm.s32 @p1 $0x1  }
0x15: {  	[smem:$0x3FA5] =	sst s0;
	s0 =	simm.s32 @!p2 $0x0  }
0x16: {  	s3 =	sld [smem:$0x3FDB];
	s0 =	simm.s32 @p2 $0x1  }
0x17: {  	s4 =	simm.s32 $0x1BF5;
	[smem:$0x3FA7] =	sst s0  }
0x18: {  	s0 =	sld [smem:$0x3F8A];
	_ =	swait.ge [sflag:s4], $0x0  }
0x19: {  	s7 =	sld [smem:$0x3F8B]  }
0x1a: {  	s8 =	sadd.s32 $0xFFFFE003, lr  }
0x1b: {  	s9 =	sadd.s32 $0xFFFFFEF7, lr;
	s5 =	simm.s32 $0xFFFFFFFF;
	p2 =	slt.u32 s8, $0xFFFFF086  }
0x1c: {  	p1 =	slt.u32 s9, $0xF7A;
	s5 =	simm.s32 @!p2 $0x0  }
0x1d: {  	s5 =	simm.s32 @p1 $0x1;
	p0 =	seq.s32 s7, s2  }
0x1e: {  	s7 =	smul.u32 @!p0 $0xF7A, s2;
	p2 =	seq.s32 @!p0 s5, $0x0  }
0x1f: {  	s9 =	smul.u32 $0xF7A, s1;
	s8 =	simm.s32 @!p0 $0x1BF5;
	p2 =	por !p2, p0  }
0x20: {  	[sflag:s8] =	ssyncset.s32 @!p0 $0xFFFFF086;
	s6 =	sadd.s32 @!p0 s3, s7;
	s7 =	simm.s32 @!p0 $0x108  }
0x21: {  	s3 =	sadd.s32 s3, s9;
	s6 =	sadd.s32 @!p0 $0x88, s6;
	s7 =	simm.s32 @p2 $0x1082  }
0x22: {  	[simem:s7], [sflag:s8] =	dma.local @!p0 [hbm:s6], $0xF7A  }
0x23: {  	s9 =	sor.u32 $0xD0000000, s2;
	s6 =	simm.s32 $0x108;
	_ =	swait.ge @!p0 [sflag:s8], $0x0  }
0x24: {  	s3 =	sadd.s32 $0x88, s3;
	s6 =	simm.s32 @!p1 $0x1082;
	[sflag:s4] =	ssyncset.s32 $0xFFFFF086  }
0x25: {  	[simem:s6], [sflag:s4] =	dma.local [hbm:s3], $0xF7A  }
0x26: {  	[smem:$0x3F8B] =	sst s1;
	(tag) =	ssettag s2;
	_ =	strace s9  }
0x27: {  	s1 =	sld [smem:$0x3F9B]  }
0x28: {  	s2 =	sld [smem:$0x3F9C]  }
0x29: {  	s4 =	sld [smem:$0x3F9E]  }
0x2a: {  	p0 =	seq.s32 s5, $0x0;
	s5 =	sld [smem:$0x3F9F]  }
0x2b: {  	s6 =	sld [smem:$0x3FA0]  }
0x2c: {  	s7 =	sld [smem:$0x3FA1]  }
0x2d: {  	s3 =	simm.s32 $0x108;
	s8 =	sld [smem:$0x3FA2]  }
0x2e: {  	s3 =	simm.s32 @!p0 $0x1082;
	s9 =	sld [smem:$0x3FA3]  }
0x2f: {  	lr =	sadd.s32 s0, s3;
	s0 =	sld [smem:$0x3F9A]  }
0x30: {  	s3 =	sld [smem:$0x3F9D]  }
0x31: {  	[smem:$0x3FA6] =	sst s10  }
0x32: {  	s10 =	sld [smem:$0x3FA4];
	_ =	sdelay $0x3  }
0x33: {  	p0 =	seq.s32 s10, $0x1;
	s10 =	sld [smem:$0x3FA6];
	_ =	sdelay $0x3  }
0x34: {  	[smem:$0x3FA6] =	sst s10  }
0x35: {  	s10 =	sld [smem:$0x3FA5];
	_ =	sdelay $0x3  }
0x36: {  	p1 =	seq.s32 s10, $0x1;
	s10 =	sld [smem:$0x3FA6];
	_ =	sdelay $0x3  }
0x37: {  	[smem:$0x3FA6] =	sst s10  }
0x38: {  	s10 =	sld [smem:$0x3FA7]  }
0x39: {  	_ = 	snop;
	(pc) =	sbr.ind lr, $3  }
0x3a: {  	_ = 	snop  }
0x3b: {  	_ = 	snop  }
0x3c: {  	p2 =	seq.s32 s10, $0x1;
	s10 =	sld [smem:$0x3FA6]  }
0x3d: {  	_ =	shalt  }
0x3e: {  	_ =	shalt  }
0x3f: {  	_ =	shalt  }
0x40: {  	_ =	shalt  }
0x41: {  	_ =	shalt  }
0x42: {  	_ =	shalt  }
0x43: {  	_ =	shalt  }
0x44: {  	_ =	shalt  }
0x45: {  	_ =	shalt  }
0x46: {  	_ =	shalt  }
0x47: {  	_ =	shalt  }
0x48: {  	_ =	shalt  }
0x49: {  	_ =	shalt  }
0x4a: {  	_ =	shalt  }
0x4b: {  	_ =	shalt  }
0x4c: {  	_ =	shalt  }
0x4d: {  	_ =	shalt  }
0x4e: {  	_ =	shalt  }
0x4f: {  	_ =	shalt  }
0x50: {  	_ =	shalt  }
0x51: {  	_ =	shalt  }
0x52: {  	_ =	shalt  }
0x53: {  	_ =	shalt  }
0x54: {  	_ =	shalt  }
0x55: {  	_ =	shalt  }
0x56: {  	_ =	shalt  }
0x57: {  	_ =	shalt  }
0x58: {  	_ =	shalt  }
0x59: {  	_ =	shalt  }
0x5a: {  	_ =	shalt  }
0x5b: {  	_ =	shalt  }
0x5c: {  	_ =	shalt  }
0x5d: {  	_ =	shalt  }
0x5e: {  	_ =	shalt  }
0x5f: {  	_ =	shalt  }
0x60: {  	_ =	shalt  }
0x61: {  	_ =	shalt  }
0x62: {  	_ =	shalt  }
0x63: {  	_ =	shalt  }
0x64: {  	_ =	shalt  }
0x65: {  	_ =	shalt  }
0x66: {  	_ =	shalt  }
0x67: {  	_ =	shalt  }
0x68: {  	_ =	shalt  }
0x69: {  	_ =	shalt  }
0x6a: {  	_ =	shalt  }
0x6b: {  	_ =	shalt  }
0x6c: {  	_ =	shalt  }
0x6d: {  	_ =	shalt  }
0x6e: {  	_ =	shalt  }
0x6f: {  	_ =	shalt  }
0x70: {  	_ =	shalt  }
0x71: {  	_ =	shalt  }
0x72: {  	_ =	shalt  }
0x73: {  	_ =	shalt  }
0x74: {  	_ =	shalt  }
0x75: {  	_ =	shalt  }
0x76: {  	_ =	shalt  }
0x77: {  	_ =	shalt  }
0x78: {  	_ =	shalt  }
0x79: {  	_ =	shalt  }
0x7a: {  	_ =	shalt  }
0x7b: {  	_ =	shalt  }
0x7c: {  	_ =	shalt  }
0x7d: {  	_ =	shalt  }
0x7e: {  	_ =	shalt  }
0x7f: {  	_ =	shalt  }
0x80: {  	_ =	shalt  }
0x81: {  	_ =	shalt  }
0x82: {  	_ =	shalt  }
0x83: {  	_ =	shalt  }
0x84: {  	_ =	shalt  }
0x85: {  	_ =	shalt  }
0x86: {  	_ =	shalt  }
0x87: {  	_ =	shalt  }
.Lfunc_end0:
.L_simem_size_0:
called_computation.1_lowered:
.L_overlay_start_0:
0x88: {  	s2 =	sld [smem:$0x3FD9]  }
0x89: {  	s3 =	sld [smem:$0x3FFE];
	_ =	sdelay $0x1  }
0x8a: {  	s1 =	srdreg.scid  }
0x8b: {  	s0 =	sand.u32 $0x1, s1  }
0x8c: {  	s14 =	sshll.u32 s0, $0xA;
	s2 =	sadd.s32 s3, s2  }
0x8d: {  	s2 =	sadd.s32 s2, s14  }
0x8e: {  	[smem:$0x3FB2] =	sst s2  }
0x8f: {  	_ = 	snop  }
0x90: {  	s2 =	sld [smem:$0x3FD0];
	_ =	sdelay $0x2  }
0x91: {  	s15 =	simm.s32 $0xA;
	s4 =	simm.s32 $0x10  }
0x92: {  	[smem:s4], [sflag:s15] =	dma.local [hbm:s2], $0x1  }
0x93: {  	_ =	swait.eq [sflag:s15], $0x1  }
0x94: {  	[sflag:s15] =	ssyncset.done $0x0  }
0x95: {  	[sflag:s15] =	ssyncadd.s32 $0xFFFFFFFF  }
0x96: {  	s16 =	sld [smem:$0x11];
	(tm) =	ssettm $0x1  }
0x97: {  	s17 =	sld [smem:$0x3FFB];
	_ =	sdelay $0x3  }
0x98: {  	_ =	strace s17  }
0x99: {  	s3 =	sld [smem:$0x3FFC];
	_ =	sdelay $0x3  }
0x9a: {  	_ =	strace s3  }
0x9b: {  	s3 =	sld [smem:$0x3FFD];
	_ =	sdelay $0x3  }
0x9c: {  	_ =	strace s3  }
0x9d: {  	_ =	strace $0x8FFFFFFF  }
0x9e: {  	s18 =	sld [smem:$0x3FDB];
	_ =	sdelay $0x1  }
0x9f: {  	s19 =	simm.s32 $_scs_section_size  }
0xa0: {  	s5 =	simm.s32 $_size__tile_overlayer_lowered;
	s6 =	simm.s32 $_tile_overlayer_lowered  }
0xa1: {  	s22 =	simm.s32 $0x1BFF;
	s21 =	sshll.u32 s6, $0x1;
	s3 =	sadd.s32 s19, s18  }
0xa2: {  	s7 =	simm.s32 $0x0;
	s20 =	sshll.u32 s5, $0x1;
	s5 =	sadd.s32 s21, s3  }
0xa3: {  	[timem:s7], [sflag:s22] =	dma.local [hbm:s5], s20  }
0xa4: {  	_ =	swait.ge [sflag:s22], s20  }
0xa5: {  	s4 =	ssub.s32 $0x0, s20;
	[sflag:s22] =	ssyncset.done $0x0  }
0xa6: {  	[sflag:s22] =	ssyncadd.s32 s4;
	_ =	sdelay $0x1  }
0xa7: {  	s23 =	simm.s32 $0x1B8B  }
0xa8: {  	_ =	swait.ge [sflag:s23], $0x1  }
0xa9: {  	[sflag:s23] =	ssyncset.done $0x0  }
0xaa: {  	s25 =	simm.s32 $0x1B8E;
	s24 =	sld [smem:$0x3FFE];
	[sflag:s23] =	ssyncadd.s32 $0xFFFFFFFF  }
0xab: {  	s26 =	simm.s32 $execute0_lowered;
	[smem:$0x3FD2] =	sst s25  }
0xac: {  	s5 =	sshll.u32 s26, $0x1;
	_ =	strace $0x80000049;
	[dreg:$0x1] =	wrdreg $0xFFFFFFFF  }
0xad: {  	s28 =	simm.s32 $_size_execute0_lowered;
	s3 =	sadd.s32 s3, s5;
	[dreg:$0x0] =	wrdreg $0x0  }
0xae: {  	s5 =	sshll.u32 s28, $0x1;
	[dreg:$0x2] =	wrdreg s3  }
0xaf: {  	[dreg:$0x3] =	wrdreg s5  }
0xb0: {  	[dreg:$0x4] =	wrdreg $0xC0  }
0xb1: {  	_ =	task [dreg:s7], $0x5FFFF  }
0xb2: {  	[dreg:$0x1] =	wrdreg $0xFFFFFFFF  }
0xb3: {  	[dreg:$0x0] =	wrdreg $0x60  }
0xb4: {  	[dreg:$0x2] =	wrdreg s24  }
0xb5: {  	[dreg:$0x3] =	wrdreg s16  }
0xb6: {  	[dreg:$0x4] =	wrdreg $0x9  }
0xb7: {  	_ =	task.clear_ibuf [dreg:s7], $0x5FFFF;
	_ =	strace $0x90000049  }
0xb8: {  	s29 =	simm.s32 $0x9;
	_ =	strace $0x8000004B  }
0xb9: {  	_ =	swait.ge [sflag:s29], $0x1  }
0xba: {  	[sflag:s29] =	ssyncadd.s32 $0xFFFFFFFF  }
0xbb: {  	_ =	strace $0x9000004B  }
0xbc: {  	_ =	sfence  }
0xbd: {  	s30 =	sld [smem:$0x0];
	_ =	sdelay $0x2  }
0xbe: {  	s31 =	sshll.u32 s1, $0xD;
	s1 =	sshrl.u32 s1, $0x2  }
0xbf: {  	s3 =	sand.u32 $0x4000, s31;
	s1 =	sadd.s32 s1, s30  }
0xc0: {  	s0 =	sor.u32 s3, s0;
	s1 =	sshll.u32 s1, $0x11  }
0xc1: {  	s0 =	sor.u32 s1, s0  }
0xc2: {  	s0 =	sadd.s32 $0x8F2B, s0  }
0xc3: {  	[sflag:s0] =	ssyncadd.remote.s32 $0x1  }
0xc4: {  	_ =	sfence.sel $0xFFFF  }
0xc5: {  	[dreg:$0x0] =	wrdreg $0xFFFFFFFF;
	(pc) =	sbr.abs _section_cstart, $3  }
0xc6: {  	[dreg:$0x1] =	wrdreg $0xFFFFFFFF  }
0xc7: {  	_ =	task.clear_ibuf [dreg:s7], $0x2FFFF;
	_ =	strace $0x9FFFFFFF  }
0xc8: {  	(tm) =	ssettm $0x7FFFFFFF  }
0xc9: {  	_ =	shalt  }
tec
execute0_lowered:
.L_overlay_start_1:
0x0: {  	(tag) =	ssettag $0x1  }
0x1: {  	s0 =	rddreg [dreg:$0x0]  }
0x2: {  	s1 =	rddreg [dreg:$0x1]  }
0x3: {  	s2 =	simm.s32 $0x0;
	s3 =	srdreg.scid;
	s9 =	stileid.u32  }
0x4: {  	s8 =	simm.s32 $0x1;
	s10 =	simm.s32 $0x3;
	s11 =	simm.s32 $0xE000  }
0x5: {  	s12 =	simm.s32 $0xE800;
	s13 =	simm.s32 $0xF000;
	s14 =	simm.s32 $0xF800  }
0x6: {  	s15 =	simm.s32 $0x10000;
	s16 =	simm.s32 $0x10800;
	s17 =	simm.s32 $0x11000  }
0x7: {  	s19 =	simm.s32 $0x200;
	s20 =	simm.s32 $0x400;
	s21 =	simm.s32 $0x12000  }
0x8: {  	s22 =	simm.s32 $0x2;
	s24 =	simm.s32 $0x0;
	[smem:$0x7FF] =	sst s2  }
0x9: {  	s5 =	sand.u32 $0x1, s3;
	s28 =	sshll.u32 s9, $0x1;
	s3 =	sadd.s32 $0x103800, s0  }
0xa: {  	s4 =	sadd.s32 $0x3800, s0;
	_ =	strace $0x8000004A;
	s7 =	sor.u32 s5, s28  }
0xb: {  	p1 =	seq.s32 s5, $0x1;
	s5 =	ssub.s32 $0x2, s5;
	p0 =	seq.s32 s7, $0x0  }
0xc: {  	s6 =	sshrl.u32 s5, $0x1;
	s29 =	sshll.u32 s7, $0xA;
	s7 =	sshll.u32 s7, $0xD  }
0xd: {  	p0 =	por !p0, !p1;
	s5 =	ssub.s32 s5, s6;
	s1 =	sadd.s32 s1, s29  }
.Ltmp0:
0xe: {  	s6 =	simm.s32 $0x1;
	p0 =	por !p0, !p0;
	(pc) =	sbr.rel .LBB2_1-.Ltmp0, $4  }
0xf: {  	[dreg:$0x3] =	wrdreg s1;
	s31 =	smax.u32 s5, $0x1;
	s8 =	simm.s32 @!p0 $0x0  }
0x10: {  	v3 =	vlaneseq.u32;
	s1 =	simm.s32 $0xC800;
	s5 =	simm.s32 $0xD000;
	s30 =	ssub.s32 s9, s8  }
0x11: {  	vm0 =	vmmov $0xffff;
	v1 =	vand.u32 $0x7, v3;
	v2 =	vshrl.u32 v3, $0x3;
	[dreg:$0x4] =	wrdreg s31;
	s8 =	sadd.s32 $0x3840, s0;
	s18 =	sshll.u32 s30, $0xB  }
0x12: {  	v3 =	vor.u32 $0x8, v3;
	v2 =	vmul.u32 $0x8, v2;
	s0 =	simm.s32 $0xC000;
	s9 =	simm.s32 $0xD800;
	v0 =	vmov s18;
	s18 =	simm.s32 $0x11800  }
.LBB2_24:
0x13: {  	s24 =	rddreg [dreg:$0x5]  }
0x14: {  	s23 =	rddreg [dreg:$0x4];
	s24 =	sadd.s32 $0x1, s24  }
0x15: {  	p0 =	sne.s32 s24, s23  }
.Ltmp1:
0x16: {  	_ = 	snop;
	(pc) =	sbr.rel @!p0 .LBB2_25-.Ltmp1, $1  }
0x17: {  	_ =	sdelay $0x3  }
.LBB2_1:
0x18: {  	[dreg:$0x5] =	wrdreg s24  }
0x19: {  	s23 =	rddreg [dreg:$0x3]  }
0x1a: {  	[tilespmem:s2], [sflag:$0x3] =	stream.linear.gather [hbm4b:s23+s2], $0x2000, $0x38;
	[tilespmem:$0x12400] =	vst v63  }
0x1b: {  	_ =	swait.ge [sflag:s10], $0x2000  }
0x1c: {  	[sflag:s10] =	ssyncset.done $0x0  }
0x1d: {  	s24 =	simm.s32 $0x40;
	s23 =	simm.s32 $0x0;
	[sflag:s10] =	ssyncadd.s32 $0xFFFFE000  }
.LBB2_2:
0x1e: {  	p0 =	sne.s32 s24, $0x7FC0;
	v4 =	vld [tilespmem:s23+$0x0];
	_ =	sdelay $0x1  }
.Ltmp2:
0x1f: {  	(pc) =	sbr.rel @p0 .LBB2_2-.Ltmp2, $3  }
0x20: {  	_ =	sdelay $0x1  }
0x21: {  	v4 =	vadd.s32 v0, v4  }
0x22: {  	[tilespmem:s23+$0x0] =	vst v4;
	s23 =	sshra.s32 s24, $0x2;
	s24 =	sadd.s32 $0x40, s24  }
0x23: {  	v4 =	vld [tilespmem:s23+$0x0];
	_ =	sdelay $0x4  }
0x24: {  	v4 =	vadd.s32 v0, v4  }
0x25: {  	[tilespmem:s23+$0x0] =	vst v4  }
0x26: {  	v4 =	vld [tilespmem:$0x0];
	_ =	sdelay $0x4  }
0x27: {  	v5 =	vshll.u32 v4, $0x1  }
0x28: {  	v4 =	vand.u32 $0x7, v4;
	v5 =	vand.u32 $0xFFFFFFF0, v5  }
0x29: {  	v4 =	vor.u32 v4, v5  }
0x2a: {  	v5 =	vperm.xlane v4, v1;
	_ =	sdelay $0x1  }
0x2b: {  	v4 =	vperm.xlane v4, v3;
	v5 =	vadd.s32 v2, v5;
	_ =	sdelay $0x1  }
0x2c: {  	v4 =	vadd.s32 v2, v4;
	_ =	sdelay $0x1  }
0x2d: {  	s24 =	simm.s32 $0x2000;
	s23 =	simm.s32 $0x0  }
0x2e: {  	[tilespmem:s24], [sflag:$0x1] =	stream.indirect_vreg.gather [hbm4b:s3+s23], $0x80, v5, vm0, $0xb8;
	[tilespmem:$0x12400] =	vst v63  }
0x2f: {  	s31 =	simm.s32 $0x2800  }
0x30: {  	[tilespmem:s31], [sflag:$0x1] =	stream.indirect_vreg.gather [hbm4b:s3+s23], $0x80, v4, vm0, $0xb8;
	[tilespmem:$0x12400] =	vst v63  }
0x31: {  	v4 =	vld [tilespmem:$0x10];
	_ =	sdelay $0x4  }
0x32: {  	v5 =	vshll.u32 v4, $0x1  }
0x33: {  	v4 =	vand.u32 $0x7, v4;
	v5 =	vand.u32 $0xFFFFFFF0, v5  }
0x34: {  	v4 =	vor.u32 v4, v5  }
0x35: {  	v5 =	vperm.xlane v4, v1;
	_ =	sdelay $0x1  }
0x36: {  	v4 =	vperm.xlane v4, v3;
	v5 =	vadd.s32 v2, v5;
	_ =	sdelay $0x1  }
0x37: {  	v4 =	vadd.s32 v2, v4;
	_ =	sdelay $0x1  }
0x38: {  	s25 =	simm.s32 $0x3000  }
0x39: {  	[tilespmem:s25], [sflag:$0x1] =	stream.indirect_vreg.gather [hbm4b:s3+s23], $0x80, v5, vm0, $0xb8;
	[tilespmem:$0x12400] =	vst v63  }
0x3a: {  	s26 =	simm.s32 $0x3800  }
0x3b: {  	[tilespmem:s26], [sflag:$0x1] =	stream.indirect_vreg.gather [hbm4b:s3+s23], $0x80, v4, vm0, $0xb8;
	[tilespmem:$0x12400] =	vst v63  }
0x3c: {  	v4 =	vld [tilespmem:$0x20];
	_ =	sdelay $0x4  }
0x3d: {  	v5 =	vshll.u32 v4, $0x1  }
0x3e: {  	v4 =	vand.u32 $0x7, v4;
	v5 =	vand.u32 $0xFFFFFFF0, v5  }
0x3f: {  	v4 =	vor.u32 v4, v5  }
0x40: {  	v5 =	vperm.xlane v4, v1;
	_ =	sdelay $0x1  }
0x41: {  	v4 =	vperm.xlane v4, v3;
	v5 =	vadd.s32 v2, v5;
	_ =	sdelay $0x1  }
0x42: {  	v4 =	vadd.s32 v2, v4;
	_ =	sdelay $0x1  }
0x43: {  	s28 =	simm.s32 $0x4000  }
0x44: {  	[tilespmem:s28], [sflag:$0x1] =	stream.indirect_vreg.gather [hbm4b:s3+s23], $0x80, v5, vm0, $0xb8;
	[tilespmem:$0x12400] =	vst v63  }
0x45: {  	s29 =	simm.s32 $0x4800  }
0x46: {  	[tilespmem:s29], [sflag:$0x1] =	stream.indirect_vreg.gather [hbm4b:s3+s23], $0x80, v4, vm0, $0xb8;
	[tilespmem:$0x12400] =	vst v63  }
0x47: {  	v4 =	vld [tilespmem:$0x30];
	_ =	sdelay $0x4  }
0x48: {  	v5 =	vshll.u32 v4, $0x1  }
0x49: {  	v4 =	vand.u32 $0x7, v4;
	v5 =	vand.u32 $0xFFFFFFF0, v5  }
0x4a: {  	v4 =	vor.u32 v4, v5  }
0x4b: {  	v5 =	vperm.xlane v4, v1;
	_ =	sdelay $0x1  }
0x4c: {  	v4 =	vperm.xlane v4, v3;
	v5 =	vadd.s32 v2, v5;
	_ =	sdelay $0x1  }
0x4d: {  	v4 =	vadd.s32 v2, v4;
	_ =	sdelay $0x1  }
0x4e: {  	s30 =	simm.s32 $0x5000  }
0x4f: {  	[tilespmem:s30], [sflag:$0x1] =	stream.indirect_vreg.gather [hbm4b:s3+s23], $0x80, v5, vm0, $0xb8;
	[tilespmem:$0x12400] =	vst v63  }
0x50: {  	s31 =	simm.s32 $0x5800  }
0x51: {  	[tilespmem:s31], [sflag:$0x1] =	stream.indirect_vreg.gather [hbm4b:s3+s23], $0x80, v4, vm0, $0xb8;
	[tilespmem:$0x12400] =	vst v63  }
0x52: {  	v4 =	vld [tilespmem:$0x40];
	_ =	sdelay $0x4  }
0x53: {  	v5 =	vshll.u32 v4, $0x1  }
0x54: {  	v4 =	vand.u32 $0x7, v4;
	v5 =	vand.u32 $0xFFFFFFF0, v5  }
0x55: {  	v4 =	vor.u32 v4, v5  }
0x56: {  	v5 =	vperm.xlane v4, v1;
	_ =	sdelay $0x1  }
0x57: {  	v4 =	vperm.xlane v4, v3;
	v5 =	vadd.s32 v2, v5;
	_ =	sdelay $0x1  }
0x58: {  	v4 =	vadd.s32 v2, v4;
	_ =	sdelay $0x1  }
0x59: {  	s25 =	simm.s32 $0x6000  }
0x5a: {  	[tilespmem:s25], [sflag:$0x1] =	stream.indirect_vreg.gather [hbm4b:s3+s23], $0x80, v5, vm0, $0xb8;
	[tilespmem:$0x12400] =	vst v63  }
0x5b: {  	s26 =	simm.s32 $0x6800  }
0x5c: {  	[tilespmem:s26], [sflag:$0x1] =	stream.indirect_vreg.gather [hbm4b:s3+s23], $0x80, v4, vm0, $0xb8;
	[tilespmem:$0x12400] =	vst v63  }
0x5d: {  	v4 =	vld [tilespmem:$0x50];
	_ =	sdelay $0x4  }
0x5e: {  	v5 =	vshll.u32 v4, $0x1  }
0x5f: {  	v4 =	vand.u32 $0x7, v4;
	v5 =	vand.u32 $0xFFFFFFF0, v5  }
0x60: {  	v4 =	vor.u32 v4, v5  }
0x61: {  	v5 =	vperm.xlane v4, v1;
	_ =	sdelay $0x1  }
0x62: {  	v4 =	vperm.xlane v4, v3;
	v5 =	vadd.s32 v2, v5;
	_ =	sdelay $0x1  }
0x63: {  	v4 =	vadd.s32 v2, v4;
	_ =	sdelay $0x1  }
0x64: {  	s28 =	simm.s32 $0x7000  }
0x65: {  	[tilespmem:s28], [sflag:$0x1] =	stream.indirect_vreg.gather [hbm4b:s3+s23], $0x80, v5, vm0, $0xb8;
	[tilespmem:$0x12400] =	vst v63  }
0x66: {  	s29 =	simm.s32 $0x7800  }
0x67: {  	[tilespmem:s29], [sflag:$0x1] =	stream.indirect_vreg.gather [hbm4b:s3+s23], $0x80, v4, vm0, $0xb8;
	[tilespmem:$0x12400] =	vst v63  }
0x68: {  	v4 =	vld [tilespmem:$0x60];
	_ =	sdelay $0x4  }
0x69: {  	v5 =	vshll.u32 v4, $0x1  }
0x6a: {  	v4 =	vand.u32 $0x7, v4;
	v5 =	vand.u32 $0xFFFFFFF0, v5  }
0x6b: {  	v4 =	vor.u32 v4, v5  }
0x6c: {  	v5 =	vperm.xlane v4, v1;
	_ =	sdelay $0x1  }
0x6d: {  	v4 =	vperm.xlane v4, v3;
	v5 =	vadd.s32 v2, v5;
	_ =	sdelay $0x1  }
0x6e: {  	v4 =	vadd.s32 v2, v4;
	_ =	sdelay $0x1  }
0x6f: {  	s30 =	simm.s32 $0x8000  }
0x70: {  	[tilespmem:s30], [sflag:$0x1] =	stream.indirect_vreg.gather [hbm4b:s3+s23], $0x80, v5, vm0, $0xb8;
	[tilespmem:$0x12400] =	vst v63  }
0x71: {  	s31 =	simm.s32 $0x8800  }
0x72: {  	[tilespmem:s31], [sflag:$0x1] =	stream.indirect_vreg.gather [hbm4b:s3+s23], $0x80, v4, vm0, $0xb8;
	[tilespmem:$0x12400] =	vst v63  }
0x73: {  	v4 =	vld [tilespmem:$0x70];
	_ =	sdelay $0x4  }
0x74: {  	v5 =	vshll.u32 v4, $0x1  }
0x75: {  	v4 =	vand.u32 $0x7, v4;
	v5 =	vand.u32 $0xFFFFFFF0, v5  }
0x76: {  	v4 =	vor.u32 v4, v5  }
0x77: {  	v5 =	vperm.xlane v4, v1;
	_ =	sdelay $0x1  }
0x78: {  	v4 =	vperm.xlane v4, v3;
	v5 =	vadd.s32 v2, v5;
	_ =	sdelay $0x1  }
0x79: {  	v4 =	vadd.s32 v2, v4;
	_ =	sdelay $0x1  }
0x7a: {  	s25 =	simm.s32 $0x9000  }
0x7b: {  	[tilespmem:s25], [sflag:$0x1] =	stream.indirect_vreg.gather [hbm4b:s3+s23], $0x80, v5, vm0, $0xb8;
	[tilespmem:$0x12400] =	vst v63  }
0x7c: {  	s26 =	simm.s32 $0x9800  }
0x7d: {  	[tilespmem:s26], [sflag:$0x1] =	stream.indirect_vreg.gather [hbm4b:s3+s23], $0x80, v4, vm0, $0xb8;
	[tilespmem:$0x12400] =	vst v63  }
0x7e: {  	v4 =	vld [tilespmem:$0x80];
	_ =	sdelay $0x4  }
0x7f: {  	v5 =	vshll.u32 v4, $0x1  }
0x80: {  	v4 =	vand.u32 $0x7, v4;
	v5 =	vand.u32 $0xFFFFFFF0, v5  }
0x81: {  	v4 =	vor.u32 v4, v5  }
0x82: {  	v5 =	vperm.xlane v4, v1;
	_ =	sdelay $0x1  }
0x83: {  	v4 =	vperm.xlane v4, v3;
	v5 =	vadd.s32 v2, v5;
	_ =	sdelay $0x1  }
0x84: {  	v4 =	vadd.s32 v2, v4;
	_ =	sdelay $0x1  }
0x85: {  	s28 =	simm.s32 $0xA000  }
0x86: {  	[tilespmem:s28], [sflag:$0x2] =	stream.indirect_vreg.gather [hbm4b:s3+s23], $0x80, v5, vm0, $0xb8;
	[tilespmem:$0x12400] =	vst v63  }
0x87: {  	s29 =	simm.s32 $0xA800  }
0x88: {  	[tilespmem:s29], [sflag:$0x2] =	stream.indirect_vreg.gather [hbm4b:s3+s23], $0x80, v4, vm0, $0xb8;
	[tilespmem:$0x12400] =	vst v63  }
0x89: {  	v4 =	vld [tilespmem:$0x90];
	_ =	sdelay $0x4  }
0x8a: {  	v5 =	vshll.u32 v4, $0x1  }
0x8b: {  	v4 =	vand.u32 $0x7, v4;
	v5 =	vand.u32 $0xFFFFFFF0, v5  }
0x8c: {  	v4 =	vor.u32 v4, v5  }
0x8d: {  	v5 =	vperm.xlane v4, v1;
	_ =	sdelay $0x1  }
0x8e: {  	v4 =	vperm.xlane v4, v3;
	v5 =	vadd.s32 v2, v5;
	_ =	sdelay $0x1  }
0x8f: {  	v4 =	vadd.s32 v2, v4;
	_ =	sdelay $0x1  }
0x90: {  	s30 =	simm.s32 $0xB000  }
0x91: {  	[tilespmem:s30], [sflag:$0x2] =	stream.indirect_vreg.gather [hbm4b:s3+s23], $0x80, v5, vm0, $0xb8;
	[tilespmem:$0x12400] =	vst v63  }
0x92: {  	s31 =	simm.s32 $0xB800  }
0x93: {  	[tilespmem:s31], [sflag:$0x2] =	stream.indirect_vreg.gather [hbm4b:s3+s23], $0x80, v4, vm0, $0xb8;
	[tilespmem:$0x12400] =	vst v63  }
0x94: {  	v4 =	vld [tilespmem:$0xA0];
	_ =	sdelay $0x4  }
0x95: {  	v5 =	vshll.u32 v4, $0x1  }
0x96: {  	v4 =	vand.u32 $0x7, v4;
	v5 =	vand.u32 $0xFFFFFFF0, v5  }
0x97: {  	v4 =	vor.u32 v4, v5  }
0x98: {  	v5 =	vperm.xlane v4, v1;
	_ =	sdelay $0x1  }
0x99: {  	v4 =	vperm.xlane v4, v3;
	v5 =	vadd.s32 v2, v5;
	_ =	sdelay $0x1  }
0x9a: {  	v4 =	vadd.s32 v2, v4;
	_ =	sdelay $0x2  }
0x9b: {  	[tilespmem:s0], [sflag:$0x2] =	stream.indirect_vreg.gather [hbm4b:s3+s23], $0x80, v5, vm0, $0xb8;
	[tilespmem:$0x12400] =	vst v63  }
0x9c: {  	_ = 	snop  }
0x9d: {  	[tilespmem:s1], [sflag:$0x2] =	stream.indirect_vreg.gather [hbm4b:s3+s23], $0x80, v4, vm0, $0xb8;
	[tilespmem:$0x12400] =	vst v63  }
0x9e: {  	v4 =	vld [tilespmem:$0xB0];
	_ =	sdelay $0x4  }
0x9f: {  	v5 =	vshll.u32 v4, $0x1  }
0xa0: {  	v4 =	vand.u32 $0x7, v4;
	v5 =	vand.u32 $0xFFFFFFF0, v5  }
0xa1: {  	v4 =	vor.u32 v4, v5  }
0xa2: {  	v5 =	vperm.xlane v4, v1;
	_ =	sdelay $0x1  }
0xa3: {  	v4 =	vperm.xlane v4, v3;
	v5 =	vadd.s32 v2, v5;
	_ =	sdelay $0x1  }
0xa4: {  	v4 =	vadd.s32 v2, v4;
	_ =	sdelay $0x2  }
0xa5: {  	[tilespmem:s5], [sflag:$0x2] =	stream.indirect_vreg.gather [hbm4b:s3+s23], $0x80, v5, vm0, $0xb8;
	[tilespmem:$0x12400] =	vst v63  }
0xa6: {  	_ = 	snop  }
0xa7: {  	[tilespmem:s9], [sflag:$0x2] =	stream.indirect_vreg.gather [hbm4b:s3+s23], $0x80, v4, vm0, $0xb8;
	[tilespmem:$0x12400] =	vst v63  }
0xa8: {  	v4 =	vld [tilespmem:$0xC0];
	_ =	sdelay $0x4  }
0xa9: {  	v5 =	vshll.u32 v4, $0x1  }
0xaa: {  	v4 =	vand.u32 $0x7, v4;
	v5 =	vand.u32 $0xFFFFFFF0, v5  }
0xab: {  	v4 =	vor.u32 v4, v5  }
0xac: {  	v5 =	vperm.xlane v4, v1;
	_ =	sdelay $0x1  }
0xad: {  	v4 =	vperm.xlane v4, v3;
	v5 =	vadd.s32 v2, v5;
	_ =	sdelay $0x1  }
0xae: {  	v4 =	vadd.s32 v2, v4;
	_ =	sdelay $0x2  }
0xaf: {  	[tilespmem:s11], [sflag:$0x2] =	stream.indirect_vreg.gather [hbm4b:s3+s23], $0x80, v5, vm0, $0xb8;
	[tilespmem:$0x12400] =	vst v63  }
0xb0: {  	_ = 	snop  }
0xb1: {  	[tilespmem:s12], [sflag:$0x2] =	stream.indirect_vreg.gather [hbm4b:s3+s23], $0x80, v4, vm0, $0xb8;
	[tilespmem:$0x12400] =	vst v63  }
0xb2: {  	v4 =	vld [tilespmem:$0xD0];
	_ =	sdelay $0x4  }
0xb3: {  	v5 =	vshll.u32 v4, $0x1  }
0xb4: {  	v4 =	vand.u32 $0x7, v4;
	v5 =	vand.u32 $0xFFFFFFF0, v5  }
0xb5: {  	v4 =	vor.u32 v4, v5  }
0xb6: {  	v5 =	vperm.xlane v4, v1;
	_ =	sdelay $0x1  }
0xb7: {  	v4 =	vperm.xlane v4, v3;
	v5 =	vadd.s32 v2, v5;
	_ =	sdelay $0x1  }
0xb8: {  	v4 =	vadd.s32 v2, v4;
	_ =	sdelay $0x2  }
0xb9: {  	[tilespmem:s13], [sflag:$0x2] =	stream.indirect_vreg.gather [hbm4b:s3+s23], $0x80, v5, vm0, $0xb8;
	[tilespmem:$0x12400] =	vst v63  }
0xba: {  	_ = 	snop  }
0xbb: {  	[tilespmem:s14], [sflag:$0x2] =	stream.indirect_vreg.gather [hbm4b:s3+s23], $0x80, v4, vm0, $0xb8;
	[tilespmem:$0x12400] =	vst v63  }
0xbc: {  	v4 =	vld [tilespmem:$0xE0];
	_ =	sdelay $0x4  }
0xbd: {  	v5 =	vshll.u32 v4, $0x1  }
0xbe: {  	v4 =	vand.u32 $0x7, v4;
	v5 =	vand.u32 $0xFFFFFFF0, v5  }
0xbf: {  	v4 =	vor.u32 v4, v5  }
0xc0: {  	v5 =	vperm.xlane v4, v1;
	_ =	sdelay $0x1  }
0xc1: {  	v4 =	vperm.xlane v4, v3;
	v5 =	vadd.s32 v2, v5;
	_ =	sdelay $0x1  }
0xc2: {  	v4 =	vadd.s32 v2, v4;
	_ =	sdelay $0x2  }
0xc3: {  	[tilespmem:s15], [sflag:$0x2] =	stream.indirect_vreg.gather [hbm4b:s3+s23], $0x80, v5, vm0, $0xb8;
	[tilespmem:$0x12400] =	vst v63  }
0xc4: {  	_ = 	snop  }
0xc5: {  	[tilespmem:s16], [sflag:$0x2] =	stream.indirect_vreg.gather [hbm4b:s3+s23], $0x80, v4, vm0, $0xb8;
	[tilespmem:$0x12400] =	vst v63  }
0xc6: {  	v4 =	vld [tilespmem:$0xF0];
	_ =	sdelay $0x4  }
0xc7: {  	v5 =	vshll.u32 v4, $0x1  }
0xc8: {  	v4 =	vand.u32 $0x7, v4;
	v5 =	vand.u32 $0xFFFFFFF0, v5  }
0xc9: {  	v4 =	vor.u32 v4, v5  }
0xca: {  	v5 =	vperm.xlane v4, v1;
	_ =	sdelay $0x1  }
0xcb: {  	v4 =	vperm.xlane v4, v3;
	v5 =	vadd.s32 v2, v5;
	_ =	sdelay $0x1  }
0xcc: {  	v4 =	vadd.s32 v2, v4;
	_ =	sdelay $0x2  }
0xcd: {  	[tilespmem:s17], [sflag:$0x2] =	stream.indirect_vreg.gather [hbm4b:s3+s23], $0x80, v5, vm0, $0xb8;
	[tilespmem:$0x12400] =	vst v63  }
0xce: {  	_ = 	snop  }
0xcf: {  	[tilespmem:s18], [sflag:$0x2] =	stream.indirect_vreg.gather [hbm4b:s3+s23], $0x80, v4, vm0, $0xb8;
	[tilespmem:$0x12400] =	vst v63  }
.LBB2_4:
0xd0: {  	_ =	swait.ge [sflag:s6], $0x8000  }
0xd1: {  	[sflag:s6] =	ssyncset.done $0x0  }
0xd2: {  	[sflag:s6] =	ssyncadd.s32 $0xFFFF8000  }
0xd3: {  	v11 =	vld [tilespmem:$0x2000]  }
0xd4: {  	v12 =	vld [tilespmem:$0x2010]  }
0xd5: {  	v13 =	vld [tilespmem:$0x2020]  }
0xd6: {  	v14 =	vld [tilespmem:$0x2030]  }
0xd7: {  	v15 =	vld [tilespmem:$0x2040]  }
0xd8: {  	v22 =	vld [tilespmem:$0x2050]  }
0xd9: {  	v24 =	vld [tilespmem:$0x2060]  }
0xda: {  	v25 =	vld [tilespmem:$0x2070]  }
0xdb: {  	v26 =	vld [tilespmem:$0x2400]  }
0xdc: {  	v10 =	vld [tilespmem:$0x2410]  }
0xdd: {  	v8 =	vld [tilespmem:$0x2420]  }
0xde: {  	v5 =	vld [tilespmem:$0x2430]  }
0xdf: {  	v6 =	vld [tilespmem:$0x2440]  }
0xe0: {  	s24 =	simm.s32 $0x100;
	s25 =	simm.s32 $0x80;
	v7 =	vld [tilespmem:$0x2450]  }
0xe1: {  	s24 =	sand.u32 $0x1800, s24;
	s25 =	sand.u32 $0x380, s25;
	v4 =	vld [tilespmem:$0x2460]  }
0xe2: {  	s24 =	sor.u32 s25, s24;
	v9 =	vld [tilespmem:$0x2470]  }
0xe3: {  	v16 =	vld [tilespmem:s24+$0x2470]  }
0xe4: {  	v17 =	vld [tilespmem:s24+$0x2000]  }
0xe5: {  	v18 =	vld [tilespmem:s24+$0x2010]  }
0xe6: {  	v21 =	vld [tilespmem:s24+$0x2020]  }
0xe7: {  	v27 =	vld [tilespmem:s24+$0x2030]  }
0xe8: {  	v28 =	vld [tilespmem:s24+$0x2040]  }
0xe9: {  	v29 =	vld [tilespmem:s24+$0x2050]  }
0xea: {  	v30 =	vld [tilespmem:s24+$0x2060]  }
0xeb: {  	v31 =	vld [tilespmem:s24+$0x2070]  }
0xec: {  	v32 =	vld [tilespmem:s24+$0x2400]  }
0xed: {  	v23 =	vld [tilespmem:s24+$0x2410]  }
0xee: {  	v20 =	vld [tilespmem:s24+$0x2420];
	v9 =	vmax.f32 v9, v16  }
0xef: {  	v19 =	vmax.f32 v11, v17;
	v18 =	vmax.f32 v12, v18;
	v17 =	vmax.f32 v13, v21;
	v21 =	vld [tilespmem:s24+$0x2430]  }
0xf0: {  	s26 =	simm.s32 $0x200;
	s25 =	simm.s32 $0x100;
	v16 =	vmax.f32 v14, v27;
	v15 =	vmax.f32 v15, v28;
	v13 =	vmax.f32 v22, v29;
	v22 =	vld [tilespmem:s24+$0x2440]  }
0xf1: {  	s28 =	sand.u32 $0x1800, s26;
	s26 =	simm.s32 $0x300;
	s29 =	sand.u32 $0x380, s25;
	v14 =	vmax.f32 v24, v30;
	v11 =	vmax.f32 v25, v31;
	v12 =	vmax.f32 v26, v32;
	v24 =	vld [tilespmem:s24+$0x2450]  }
.LBB2_5:
0xf2: {  	p0 =	sne.s32 s26, $0x1F00;
	v10 =	vmax.f32 v10, v23;
	v23 =	vld [tilespmem:s24+$0x2460];
	s24 =	sor.u32 s29, s28  }
0xf3: {  	v25 =	vld [tilespmem:s24+$0x2470];
	v8 =	vmax.f32 v8, v20  }
0xf4: {  	v20 =	vld [tilespmem:s24+$0x2000];
	v5 =	vmax.f32 v5, v21  }
0xf5: {  	v21 =	vld [tilespmem:s24+$0x2010];
	v6 =	vmax.f32 v6, v22  }
0xf6: {  	v22 =	vld [tilespmem:s24+$0x2020];
	v7 =	vmax.f32 v7, v24  }
0xf7: {  	v24 =	vld [tilespmem:s24+$0x2030];
	v4 =	vmax.f32 v4, v23  }
0xf8: {  	v23 =	vld [tilespmem:s24+$0x2040];
	v9 =	vmax.f32 v9, v25  }
0xf9: {  	v19 =	vmax.f32 v19, v20;
	v20 =	vld [tilespmem:s24+$0x2050]  }
0xfa: {  	v18 =	vmax.f32 v18, v21;
	v21 =	vld [tilespmem:s24+$0x2060]  }
0xfb: {  	v17 =	vmax.f32 v17, v22;
	v22 =	vld [tilespmem:s24+$0x2070]  }
0xfc: {  	v16 =	vmax.f32 v16, v24;
	v24 =	vld [tilespmem:s24+$0x2400]  }
.Ltmp3:
0xfd: {  	v15 =	vmax.f32 v15, v23;
	v23 =	vld [tilespmem:s24+$0x2410];
	(pc) =	sbr.rel @p0 .LBB2_5-.Ltmp3, $4  }
0xfe: {  	v13 =	vmax.f32 v13, v20;
	v20 =	vld [tilespmem:s24+$0x2420]  }
0xff: {  	v14 =	vmax.f32 v14, v21;
	v21 =	vld [tilespmem:s24+$0x2430]  }
0x100: {  	s25 =	sadd.s32 $0x80, s25;
	v11 =	vmax.f32 v11, v22;
	v22 =	vld [tilespmem:s24+$0x2440]  }
0x101: {  	s28 =	sand.u32 $0x1800, s26;
	s26 =	sadd.s32 $0x100, s26;
	s29 =	sand.u32 $0x380, s25;
	v12 =	vmax.f32 v12, v24;
	v24 =	vld [tilespmem:s24+$0x2450]  }
0x102: {  	s25 =	sor.u32 s29, s28;
	v25 =	vld [tilespmem:s24+$0x2460]  }
0x103: {  	v26 =	vld [tilespmem:s25+$0x2470]  }
0x104: {  	v27 =	vld [tilespmem:s25+$0x2000]  }
0x105: {  	v28 =	vld [tilespmem:s25+$0x2010]  }
0x106: {  	v29 =	vld [tilespmem:s25+$0x2020]  }
0x107: {  	v30 =	vld [tilespmem:s25+$0x2030]  }
0x108: {  	v31 =	vld [tilespmem:s25+$0x2040]  }
0x109: {  	v32 =	vld [tilespmem:s25+$0x2050]  }
0x10a: {  	v33 =	vld [tilespmem:s25+$0x2060]  }
0x10b: {  	v34 =	vld [tilespmem:s25+$0x2070]  }
0x10c: {  	v35 =	vld [tilespmem:s25+$0x2400]  }
0x10d: {  	v36 =	vld [tilespmem:s25+$0x2410]  }
0x10e: {  	v37 =	vld [tilespmem:s25+$0x2420]  }
0x10f: {  	v38 =	vld [tilespmem:s25+$0x2430]  }
0x110: {  	v39 =	vld [tilespmem:s25+$0x2440]  }
0x111: {  	v40 =	vld [tilespmem:s25+$0x2450]  }
0x112: {  	v8 =	vmax.f32 v8, v20;
	v20 =	vmax.f32 v5, v21;
	v5 =	vld [tilespmem:$0x4410];
	v19 =	vmax.f32 v19, v27  }
0x113: {  	v27 =	vld [tilespmem:s25+$0x2460];
	v18 =	vmax.f32 v18, v28;
	[tilespmem:$0x12000] =	vst v19  }
0x114: {  	v17 =	vmax.f32 v17, v29;
	v19 =	vld [tilespmem:$0x4000];
	[tilespmem:$0x12010] =	vst v18  }
0x115: {  	v16 =	vmax.f32 v16, v30;
	v18 =	vld [tilespmem:$0x4010];
	[tilespmem:$0x12020] =	vst v17  }
0x116: {  	v15 =	vmax.f32 v15, v31;
	v17 =	vld [tilespmem:$0x4020];
	[tilespmem:$0x12030] =	vst v16  }
0x117: {  	v13 =	vmax.f32 v13, v32;
	v16 =	vld [tilespmem:$0x4030];
	[tilespmem:$0x12040] =	vst v15  }
0x118: {  	v14 =	vmax.f32 v14, v33;
	v15 =	vld [tilespmem:$0x4040];
	[tilespmem:$0x12050] =	vst v13  }
0x119: {  	v11 =	vmax.f32 v11, v34;
	v13 =	vld [tilespmem:$0x4050];
	[tilespmem:$0x12060] =	vst v14  }
0x11a: {  	v10 =	vmax.f32 v10, v23;
	v12 =	vmax.f32 v12, v35;
	v14 =	vld [tilespmem:$0x4060];
	[tilespmem:$0x12070] =	vst v11  }
0x11b: {  	v10 =	vmax.f32 v10, v36;
	v11 =	vld [tilespmem:$0x4070];
	[tilespmem:$0x12200] =	vst v12  }
0x11c: {  	v8 =	vmax.f32 v8, v37;
	v12 =	vld [tilespmem:$0x4400];
	[tilespmem:$0x12210] =	vst v10  }
0x11d: {  	v20 =	vmax.f32 v20, v38;
	v10 =	vmax.f32 v6, v22;
	[tilespmem:$0x12220] =	vst v8;
	v6 =	vld [tilespmem:$0x4420]  }
0x11e: {  	v8 =	vmax.f32 v7, v24;
	[tilespmem:$0x12230] =	vst v20;
	v7 =	vld [tilespmem:$0x4430];
	v10 =	vmax.f32 v10, v39  }
0x11f: {  	v20 =	vmax.f32 v8, v40;
	v8 =	vld [tilespmem:$0x4440];
	[tilespmem:$0x12240] =	vst v10  }
0x120: {  	s30 =	simm.s32 $0x100;
	s31 =	simm.s32 $0x80;
	v4 =	vmax.f32 v4, v25;
	[tilespmem:$0x12250] =	vst v20;
	v20 =	vmax.f32 v9, v26;
	v9 =	vld [tilespmem:$0x4460]  }
0x121: {  	s24 =	sand.u32 $0x1800, s30;
	s25 =	sand.u32 $0x380, s31;
	[tilespmem:$0x12270] =	vst v20;
	v10 =	vmax.f32 v4, v27;
	v4 =	vld [tilespmem:$0x4450]  }
0x122: {  	s24 =	sor.u32 s25, s24;
	[tilespmem:$0x12260] =	vst v10;
	v10 =	vld [tilespmem:$0x4470]  }
0x123: {  	v20 =	vld [tilespmem:s24+$0x4470]  }
0x124: {  	v21 =	vld [tilespmem:s24+$0x4000]  }
0x125: {  	v22 =	vld [tilespmem:s24+$0x4010]  }
0x126: {  	v24 =	vld [tilespmem:s24+$0x4020]  }
0x127: {  	v25 =	vld [tilespmem:s24+$0x4030]  }
0x128: {  	v26 =	vld [tilespmem:s24+$0x4040]  }
0x129: {  	v27 =	vld [tilespmem:s24+$0x4050]  }
0x12a: {  	v61 =	vld [tilespmem:s24+$0x4060]  }
0x12b: {  	v62 =	vld [tilespmem:s24+$0x4070]  }
0x12c: {  	v63 =	vld [tilespmem:s24+$0x4400]  }
0x12d: {  	v23 =	vld [tilespmem:s24+$0x4410]  }
0x12e: {  	v10 =	vmax.f32 v10, v20;
	v20 =	vld [tilespmem:s24+$0x4420]  }
0x12f: {  	v19 =	vmax.f32 v19, v21;
	v18 =	vmax.f32 v18, v22;
	v17 =	vmax.f32 v17, v24;
	v21 =	vld [tilespmem:s24+$0x4430]  }
0x130: {  	s26 =	simm.s32 $0x200;
	s25 =	simm.s32 $0x100;
	v16 =	vmax.f32 v16, v25;
	v15 =	vmax.f32 v15, v26;
	v13 =	vmax.f32 v13, v27;
	v22 =	vld [tilespmem:s24+$0x4440]  }
0x131: {  	s28 =	sand.u32 $0x1800, s26;
	s26 =	simm.s32 $0x300;
	s29 =	sand.u32 $0x380, s25;
	v14 =	vmax.f32 v14, v61;
	v11 =	vmax.f32 v11, v62;
	v12 =	vmax.f32 v12, v63;
	v24 =	vld [tilespmem:s24+$0x4450]  }
.LBB2_7:
0x132: {  	p0 =	sne.s32 s26, $0x1F00;
	v5 =	vmax.f32 v5, v23;
	v23 =	vld [tilespmem:s24+$0x4460];
	s24 =	sor.u32 s29, s28  }
0x133: {  	v25 =	vld [tilespmem:s24+$0x4470];
	v6 =	vmax.f32 v6, v20  }
0x134: {  	v20 =	vld [tilespmem:s24+$0x4000];
	v7 =	vmax.f32 v7, v21  }
0x135: {  	v21 =	vld [tilespmem:s24+$0x4010];
	v8 =	vmax.f32 v8, v22  }
0x136: {  	v22 =	vld [tilespmem:s24+$0x4020];
	v4 =	vmax.f32 v4, v24  }
0x137: {  	v24 =	vld [tilespmem:s24+$0x4030];
	v9 =	vmax.f32 v9, v23  }
0x138: {  	v23 =	vld [tilespmem:s24+$0x4040];
	v10 =	vmax.f32 v10, v25  }
0x139: {  	v19 =	vmax.f32 v19, v20;
	v20 =	vld [tilespmem:s24+$0x4050]  }
0x13a: {  	v18 =	vmax.f32 v18, v21;
	v21 =	vld [tilespmem:s24+$0x4060]  }
0x13b: {  	v17 =	vmax.f32 v17, v22;
	v22 =	vld [tilespmem:s24+$0x4070]  }
0x13c: {  	v16 =	vmax.f32 v16, v24;
	v24 =	vld [tilespmem:s24+$0x4400]  }
.Ltmp4:
0x13d: {  	v15 =	vmax.f32 v15, v23;
	v23 =	vld [tilespmem:s24+$0x4410];
	(pc) =	sbr.rel @p0 .LBB2_7-.Ltmp4, $4  }
0x13e: {  	v13 =	vmax.f32 v13, v20;
	v20 =	vld [tilespmem:s24+$0x4420]  }
0x13f: {  	v14 =	vmax.f32 v14, v21;
	v21 =	vld [tilespmem:s24+$0x4430]  }
0x140: {  	s25 =	sadd.s32 $0x80, s25;
	v11 =	vmax.f32 v11, v22;
	v22 =	vld [tilespmem:s24+$0x4440]  }
0x141: {  	s28 =	sand.u32 $0x1800, s26;
	s26 =	sadd.s32 $0x100, s26;
	s29 =	sand.u32 $0x380, s25;
	v12 =	vmax.f32 v12, v24;
	v24 =	vld [tilespmem:s24+$0x4450]  }
0x142: {  	s25 =	sor.u32 s29, s28;
	v25 =	vld [tilespmem:s24+$0x4460]  }
0x143: {  	v26 =	vld [tilespmem:s25+$0x4470]  }
0x144: {  	v27 =	vld [tilespmem:s25+$0x4000]  }
0x145: {  	v28 =	vld [tilespmem:s25+$0x4010]  }
0x146: {  	v29 =	vld [tilespmem:s25+$0x4020]  }
0x147: {  	v30 =	vld [tilespmem:s25+$0x4030]  }
0x148: {  	v31 =	vld [tilespmem:s25+$0x4040]  }
0x149: {  	v32 =	vld [tilespmem:s25+$0x4050]  }
0x14a: {  	v33 =	vld [tilespmem:s25+$0x4060]  }
0x14b: {  	v34 =	vld [tilespmem:s25+$0x4070]  }
0x14c: {  	v35 =	vld [tilespmem:s25+$0x4400]  }
0x14d: {  	v36 =	vld [tilespmem:s25+$0x4410]  }
0x14e: {  	v37 =	vld [tilespmem:s25+$0x4420]  }
0x14f: {  	v38 =	vld [tilespmem:s25+$0x4430]  }
0x150: {  	v39 =	vld [tilespmem:s25+$0x4440]  }
0x151: {  	v40 =	vld [tilespmem:s25+$0x4450]  }
0x152: {  	v19 =	vmax.f32 v19, v27;
	v27 =	vld [tilespmem:s25+$0x4460]  }
0x153: {  	v18 =	vmax.f32 v18, v28;
	[tilespmem:$0x12080] =	vst v19;
	v19 =	vld [tilespmem:$0x6000]  }
0x154: {  	v17 =	vmax.f32 v17, v29;
	[tilespmem:$0x12090] =	vst v18;
	v18 =	vld [tilespmem:$0x6010]  }
0x155: {  	v16 =	vmax.f32 v16, v30;
	[tilespmem:$0x120A0] =	vst v17;
	v17 =	vld [tilespmem:$0x6020]  }
0x156: {  	v15 =	vmax.f32 v15, v31;
	[tilespmem:$0x120B0] =	vst v16;
	v16 =	vld [tilespmem:$0x6030]  }
0x157: {  	v13 =	vmax.f32 v13, v32;
	[tilespmem:$0x120C0] =	vst v15;
	v15 =	vld [tilespmem:$0x6040]  }
0x158: {  	v14 =	vmax.f32 v14, v33;
	[tilespmem:$0x120D0] =	vst v13;
	v13 =	vld [tilespmem:$0x6050]  }
0x159: {  	v11 =	vmax.f32 v11, v34;
	[tilespmem:$0x120E0] =	vst v14;
	v14 =	vld [tilespmem:$0x6060]  }
0x15a: {  	v5 =	vmax.f32 v5, v23;
	v12 =	vmax.f32 v12, v35;
	[tilespmem:$0x120F0] =	vst v11;
	v11 =	vld [tilespmem:$0x6070]  }
0x15b: {  	v6 =	vmax.f32 v6, v20;
	v5 =	vmax.f32 v5, v36;
	[tilespmem:$0x12280] =	vst v12;
	v12 =	vld [tilespmem:$0x6400]  }
0x15c: {  	v7 =	vmax.f32 v7, v21;
	v6 =	vmax.f32 v6, v37;
	[tilespmem:$0x12290] =	vst v5;
	v5 =	vld [tilespmem:$0x6410]  }
0x15d: {  	v8 =	vmax.f32 v8, v22;
	v7 =	vmax.f32 v7, v38;
	[tilespmem:$0x122A0] =	vst v6;
	v6 =	vld [tilespmem:$0x6420]  }
0x15e: {  	v4 =	vmax.f32 v4, v24;
	v8 =	vmax.f32 v8, v39;
	[tilespmem:$0x122B0] =	vst v7;
	v7 =	vld [tilespmem:$0x6430]  }
0x15f: {  	v4 =	vmax.f32 v4, v40;
	[tilespmem:$0x122C0] =	vst v8;
	v8 =	vld [tilespmem:$0x6440]  }
0x160: {  	s30 =	simm.s32 $0x100;
	s31 =	simm.s32 $0x80;
	v9 =	vmax.f32 v9, v25;
	v10 =	vmax.f32 v10, v26;
	[tilespmem:$0x122D0] =	vst v4;
	v4 =	vld [tilespmem:$0x6450]  }
0x161: {  	s24 =	sand.u32 $0x1800, s30;
	s25 =	sand.u32 $0x380, s31;
	[tilespmem:$0x122F0] =	vst v10;
	v10 =	vld [tilespmem:$0x6470];
	v9 =	vmax.f32 v9, v27  }
0x162: {  	s24 =	sor.u32 s25, s24;
	[tilespmem:$0x122E0] =	vst v9;
	v9 =	vld [tilespmem:$0x6460]  }
0x163: {  	v20 =	vld [tilespmem:s24+$0x6470]  }
0x164: {  	v21 =	vld [tilespmem:s24+$0x6000]  }
0x165: {  	v22 =	vld [tilespmem:s24+$0x6010]  }
0x166: {  	v24 =	vld [tilespmem:s24+$0x6020]  }
0x167: {  	v25 =	vld [tilespmem:s24+$0x6030]  }
0x168: {  	v26 =	vld [tilespmem:s24+$0x6040]  }
0x169: {  	v27 =	vld [tilespmem:s24+$0x6050]  }
0x16a: {  	v61 =	vld [tilespmem:s24+$0x6060]  }
0x16b: {  	v62 =	vld [tilespmem:s24+$0x6070]  }
0x16c: {  	v63 =	vld [tilespmem:s24+$0x6400]  }
0x16d: {  	v23 =	vld [tilespmem:s24+$0x6410]  }
0x16e: {  	v10 =	vmax.f32 v10, v20;
	v20 =	vld [tilespmem:s24+$0x6420]  }
0x16f: {  	v19 =	vmax.f32 v19, v21;
	v18 =	vmax.f32 v18, v22;
	v17 =	vmax.f32 v17, v24;
	v21 =	vld [tilespmem:s24+$0x6430]  }
0x170: {  	s26 =	simm.s32 $0x200;
	s25 =	simm.s32 $0x100;
	v16 =	vmax.f32 v16, v25;
	v15 =	vmax.f32 v15, v26;
	v13 =	vmax.f32 v13, v27;
	v22 =	vld [tilespmem:s24+$0x6440]  }
0x171: {  	s28 =	sand.u32 $0x1800, s26;
	s26 =	simm.s32 $0x300;
	s29 =	sand.u32 $0x380, s25;
	v14 =	vmax.f32 v14, v61;
	v11 =	vmax.f32 v11, v62;
	v12 =	vmax.f32 v12, v63;
	v24 =	vld [tilespmem:s24+$0x6450]  }
.LBB2_9:
0x172: {  	p0 =	sne.s32 s26, $0x1F00;
	v5 =	vmax.f32 v5, v23;
	v23 =	vld [tilespmem:s24+$0x6460];
	s24 =	sor.u32 s29, s28  }
0x173: {  	v25 =	vld [tilespmem:s24+$0x6470];
	v6 =	vmax.f32 v6, v20  }
0x174: {  	v20 =	vld [tilespmem:s24+$0x6000];
	v7 =	vmax.f32 v7, v21  }
0x175: {  	v21 =	vld [tilespmem:s24+$0x6010];
	v8 =	vmax.f32 v8, v22  }
0x176: {  	v22 =	vld [tilespmem:s24+$0x6020];
	v4 =	vmax.f32 v4, v24  }
0x177: {  	v24 =	vld [tilespmem:s24+$0x6030];
	v9 =	vmax.f32 v9, v23  }
0x178: {  	v23 =	vld [tilespmem:s24+$0x6040];
	v10 =	vmax.f32 v10, v25  }
0x179: {  	v19 =	vmax.f32 v19, v20;
	v20 =	vld [tilespmem:s24+$0x6050]  }
0x17a: {  	v18 =	vmax.f32 v18, v21;
	v21 =	vld [tilespmem:s24+$0x6060]  }
0x17b: {  	v17 =	vmax.f32 v17, v22;
	v22 =	vld [tilespmem:s24+$0x6070]  }
0x17c: {  	v16 =	vmax.f32 v16, v24;
	v24 =	vld [tilespmem:s24+$0x6400]  }
.Ltmp5:
0x17d: {  	v15 =	vmax.f32 v15, v23;
	v23 =	vld [tilespmem:s24+$0x6410];
	(pc) =	sbr.rel @p0 .LBB2_9-.Ltmp5, $4  }
0x17e: {  	v13 =	vmax.f32 v13, v20;
	v20 =	vld [tilespmem:s24+$0x6420]  }
0x17f: {  	v14 =	vmax.f32 v14, v21;
	v21 =	vld [tilespmem:s24+$0x6430]  }
0x180: {  	s25 =	sadd.s32 $0x80, s25;
	v11 =	vmax.f32 v11, v22;
	v22 =	vld [tilespmem:s24+$0x6440]  }
0x181: {  	s28 =	sand.u32 $0x1800, s26;
	s26 =	sadd.s32 $0x100, s26;
	s29 =	sand.u32 $0x380, s25;
	v12 =	vmax.f32 v12, v24;
	v24 =	vld [tilespmem:s24+$0x6450]  }
0x182: {  	v25 =	vld [tilespmem:s24+$0x6460]  }
0x183: {  	s25 =	sor.u32 s29, s28;
	v59 =	vld [tilespmem:$0x8040]  }
0x184: {  	v26 =	vld [tilespmem:s25+$0x6470]  }
0x185: {  	v27 =	vld [tilespmem:s25+$0x6000]  }
0x186: {  	v28 =	vld [tilespmem:s25+$0x6010]  }
0x187: {  	v29 =	vld [tilespmem:s25+$0x6020]  }
0x188: {  	v30 =	vld [tilespmem:s25+$0x6030]  }
0x189: {  	v31 =	vld [tilespmem:s25+$0x6040]  }
0x18a: {  	v32 =	vld [tilespmem:s25+$0x6050]  }
0x18b: {  	v33 =	vld [tilespmem:s25+$0x6060]  }
0x18c: {  	v34 =	vld [tilespmem:s25+$0x6070]  }
0x18d: {  	v35 =	vld [tilespmem:s25+$0x6400]  }
0x18e: {  	v36 =	vld [tilespmem:s25+$0x6410]  }
0x18f: {  	v37 =	vld [tilespmem:s25+$0x6420]  }
0x190: {  	v38 =	vld [tilespmem:s25+$0x6430]  }
0x191: {  	v39 =	vld [tilespmem:s25+$0x6440]  }
0x192: {  	v40 =	vld [tilespmem:s25+$0x6450];
	v19 =	vmax.f32 v19, v27  }
0x193: {  	v27 =	vld [tilespmem:s25+$0x6460];
	v18 =	vmax.f32 v18, v28;
	[tilespmem:$0x12100] =	vst v19  }
0x194: {  	v60 =	vld [tilespmem:$0x8060];
	v17 =	vmax.f32 v17, v29;
	[tilespmem:$0x12110] =	vst v18  }
0x195: {  	v61 =	vld [tilespmem:$0x8070];
	v16 =	vmax.f32 v16, v30;
	[tilespmem:$0x12120] =	vst v17  }
0x196: {  	v62 =	vld [tilespmem:$0x8400];
	v15 =	vmax.f32 v15, v31;
	[tilespmem:$0x12130] =	vst v16  }
0x197: {  	v13 =	vmax.f32 v13, v32;
	v19 =	vld [tilespmem:$0x8000];
	[tilespmem:$0x12140] =	vst v15  }
0x198: {  	v14 =	vmax.f32 v14, v33;
	v18 =	vld [tilespmem:$0x8010];
	[tilespmem:$0x12150] =	vst v13  }
0x199: {  	v11 =	vmax.f32 v11, v34;
	v17 =	vld [tilespmem:$0x8020];
	[tilespmem:$0x12160] =	vst v14  }
0x19a: {  	v5 =	vmax.f32 v5, v23;
	v12 =	vmax.f32 v12, v35;
	v16 =	vld [tilespmem:$0x8030];
	[tilespmem:$0x12170] =	vst v11  }
0x19b: {  	v6 =	vmax.f32 v6, v20;
	v5 =	vmax.f32 v5, v36;
	v13 =	vld [tilespmem:$0x8050];
	[tilespmem:$0x12300] =	vst v12  }
0x19c: {  	v7 =	vmax.f32 v7, v21;
	v6 =	vmax.f32 v6, v37;
	[tilespmem:$0x12310] =	vst v5;
	v5 =	vld [tilespmem:$0x8410]  }
0x19d: {  	v8 =	vmax.f32 v8, v22;
	v7 =	vmax.f32 v7, v38;
	[tilespmem:$0x12320] =	vst v6;
	v6 =	vld [tilespmem:$0x8420]  }
0x19e: {  	v8 =	vmax.f32 v8, v39;
	v11 =	vmax.f32 v4, v24;
	[tilespmem:$0x12330] =	vst v7;
	v4 =	vld [tilespmem:$0x8430]  }
0x19f: {  	v10 =	vmax.f32 v10, v26;
	[tilespmem:$0x12340] =	vst v8;
	v7 =	vld [tilespmem:$0x8440]  }
0x1a0: {  	s30 =	simm.s32 $0x100;
	s31 =	simm.s32 $0x80;
	v9 =	vmax.f32 v9, v25;
	v8 =	vld [tilespmem:$0x8450];
	[tilespmem:$0x12370] =	vst v10;
	v11 =	vmax.f32 v11, v40  }
0x1a1: {  	s24 =	sand.u32 $0x1800, s30;
	s25 =	sand.u32 $0x380, s31;
	v10 =	vld [tilespmem:$0x8470];
	[tilespmem:$0x12350] =	vst v11;
	v9 =	vmax.f32 v9, v27  }
0x1a2: {  	s24 =	sor.u32 s25, s24;
	[tilespmem:$0x12360] =	vst v9;
	v9 =	vld [tilespmem:$0x8460]  }
0x1a3: {  	v11 =	vld [tilespmem:s24+$0x8470]  }
0x1a4: {  	v12 =	vld [tilespmem:s24+$0x8000]  }
0x1a5: {  	v14 =	vld [tilespmem:s24+$0x8010]  }
0x1a6: {  	v15 =	vld [tilespmem:s24+$0x8020]  }
0x1a7: {  	v23 =	vld [tilespmem:s24+$0x8030]  }
0x1a8: {  	v24 =	vld [tilespmem:s24+$0x8040]  }
0x1a9: {  	v25 =	vld [tilespmem:s24+$0x8050]  }
0x1aa: {  	v26 =	vld [tilespmem:s24+$0x8060]  }
0x1ab: {  	v27 =	vld [tilespmem:s24+$0x8070]  }
0x1ac: {  	v63 =	vld [tilespmem:s24+$0x8400]  }
0x1ad: {  	v22 =	vld [tilespmem:s24+$0x8410]  }
0x1ae: {  	v20 =	vld [tilespmem:s24+$0x8420];
	v10 =	vmax.f32 v10, v11  }
0x1af: {  	v21 =	vld [tilespmem:s24+$0x8430];
	v19 =	vmax.f32 v19, v12;
	v18 =	vmax.f32 v18, v14;
	v14 =	vmax.f32 v17, v15  }
0x1b0: {  	s26 =	simm.s32 $0x200;
	s25 =	simm.s32 $0x100;
	v15 =	vmax.f32 v16, v23;
	v11 =	vmax.f32 v59, v24;
	v12 =	vmax.f32 v13, v25;
	v23 =	vld [tilespmem:s24+$0x8440]  }
0x1b1: {  	s28 =	sand.u32 $0x1800, s26;
	s26 =	simm.s32 $0x300;
	s29 =	sand.u32 $0x380, s25;
	v16 =	vmax.f32 v60, v26;
	v13 =	vmax.f32 v61, v27;
	v17 =	vmax.f32 v62, v63;
	v24 =	vld [tilespmem:s24+$0x8450]  }
.LBB2_11:
0x1b2: {  	p0 =	sne.s32 s26, $0x1F00;
	v5 =	vmax.f32 v5, v22;
	v22 =	vld [tilespmem:s24+$0x8460];
	s24 =	sor.u32 s29, s28  }
0x1b3: {  	v25 =	vld [tilespmem:s24+$0x8470];
	v6 =	vmax.f32 v6, v20  }
0x1b4: {  	v20 =	vld [tilespmem:s24+$0x8000];
	v4 =	vmax.f32 v4, v21  }
0x1b5: {  	v21 =	vld [tilespmem:s24+$0x8010];
	v7 =	vmax.f32 v7, v23  }
0x1b6: {  	v23 =	vld [tilespmem:s24+$0x8020];
	v8 =	vmax.f32 v8, v24  }
0x1b7: {  	v24 =	vld [tilespmem:s24+$0x8030];
	v9 =	vmax.f32 v9, v22  }
0x1b8: {  	v22 =	vld [tilespmem:s24+$0x8040];
	v10 =	vmax.f32 v10, v25  }
0x1b9: {  	v19 =	vmax.f32 v19, v20;
	v20 =	vld [tilespmem:s24+$0x8050]  }
0x1ba: {  	v18 =	vmax.f32 v18, v21;
	v21 =	vld [tilespmem:s24+$0x8060]  }
0x1bb: {  	v14 =	vmax.f32 v14, v23;
	v23 =	vld [tilespmem:s24+$0x8070]  }
0x1bc: {  	v15 =	vmax.f32 v15, v24;
	v24 =	vld [tilespmem:s24+$0x8400]  }
.Ltmp6:
0x1bd: {  	v11 =	vmax.f32 v11, v22;
	v22 =	vld [tilespmem:s24+$0x8410];
	(pc) =	sbr.rel @p0 .LBB2_11-.Ltmp6, $4  }
0x1be: {  	v12 =	vmax.f32 v12, v20;
	v20 =	vld [tilespmem:s24+$0x8420]  }
0x1bf: {  	v16 =	vmax.f32 v16, v21;
	v21 =	vld [tilespmem:s24+$0x8430]  }
0x1c0: {  	s25 =	sadd.s32 $0x80, s25;
	v13 =	vmax.f32 v13, v23;
	v23 =	vld [tilespmem:s24+$0x8440]  }
0x1c1: {  	s28 =	sand.u32 $0x1800, s26;
	s26 =	sadd.s32 $0x100, s26;
	s29 =	sand.u32 $0x380, s25;
	v17 =	vmax.f32 v17, v24;
	v24 =	vld [tilespmem:s24+$0x8450]  }
0x1c2: {  	s25 =	sor.u32 s29, s28;
	v25 =	vld [tilespmem:s24+$0x8460]  }
0x1c3: {  	v26 =	vld [tilespmem:s25+$0x8470]  }
0x1c4: {  	v27 =	vld [tilespmem:s25+$0x8000]  }
0x1c5: {  	v28 =	vld [tilespmem:s25+$0x8010]  }
0x1c6: {  	v29 =	vld [tilespmem:s25+$0x8020]  }
0x1c7: {  	v30 =	vld [tilespmem:s25+$0x8030]  }
0x1c8: {  	v31 =	vld [tilespmem:s25+$0x8040]  }
0x1c9: {  	v32 =	vld [tilespmem:s25+$0x8050]  }
0x1ca: {  	v33 =	vld [tilespmem:s25+$0x8060]  }
0x1cb: {  	v34 =	vld [tilespmem:s25+$0x8070]  }
0x1cc: {  	v35 =	vld [tilespmem:s25+$0x8400]  }
0x1cd: {  	v36 =	vld [tilespmem:s25+$0x8410]  }
0x1ce: {  	v37 =	vld [tilespmem:s25+$0x8420]  }
0x1cf: {  	v38 =	vld [tilespmem:s25+$0x8430]  }
0x1d0: {  	v39 =	vld [tilespmem:s25+$0x8440]  }
0x1d1: {  	v40 =	vld [tilespmem:s25+$0x8450];
	v19 =	vmax.f32 v19, v27  }
0x1d2: {  	v59 =	vld [tilespmem:s25+$0x8460];
	v18 =	vmax.f32 v18, v28;
	[tilespmem:$0x12180] =	vst v19  }
0x1d3: {  	v14 =	vmax.f32 v14, v29;
	[tilespmem:$0x12190] =	vst v18  }
0x1d4: {  	v15 =	vmax.f32 v15, v30;
	[tilespmem:$0x121A0] =	vst v14  }
0x1d5: {  	v11 =	vmax.f32 v11, v31;
	[tilespmem:$0x121B0] =	vst v15  }
0x1d6: {  	v12 =	vmax.f32 v12, v32;
	[tilespmem:$0x121C0] =	vst v11  }
0x1d7: {  	v60 =	vmax.f32 v16, v33;
	[tilespmem:$0x121D0] =	vst v12  }
0x1d8: {  	v61 =	vmax.f32 v13, v34;
	[tilespmem:$0x121E0] =	vst v60  }
0x1d9: {  	v5 =	vmax.f32 v5, v22;
	v62 =	vmax.f32 v17, v35;
	[tilespmem:$0x121F0] =	vst v61  }
0x1da: {  	v6 =	vmax.f32 v6, v20;
	v5 =	vmax.f32 v5, v36;
	[tilespmem:$0x12380] =	vst v62  }
0x1db: {  	v4 =	vmax.f32 v4, v21;
	v6 =	vmax.f32 v6, v37;
	[tilespmem:$0x12390] =	vst v5  }
0x1dc: {  	v63 =	vmax.f32 v8, v24;
	v4 =	vmax.f32 v4, v38;
	[tilespmem:$0x123A0] =	vst v6  }
0x1dd: {  	v5 =	vmax.f32 v7, v23;
	[tilespmem:$0x123B0] =	vst v4;
	v6 =	vmax.f32 v63, v40  }
0x1de: {  	v4 =	vmax.f32 v9, v25;
	v5 =	vmax.f32 v5, v39;
	[tilespmem:$0x123D0] =	vst v6  }
0x1df: {  	s31 =	sshll.u32 s23, $0x8;
	v4 =	vmax.f32 v4, v59;
	[tilespmem:$0x123C0] =	vst v5  }
0x1e0: {  	p0 =	seq.s32 s23, $0x1F;
	s25 =	sadd.s32 s7, s31;
	v5 =	vmax.f32 v10, v26;
	[tilespmem:$0x123E0] =	vst v4  }
.Ltmp7:
0x1e1: {  	s24 =	sadd.s32 s4, s25;
	[tilespmem:$0x123F0] =	vst v5;
	(pc) =	sbr.rel @p0 .LBB2_14-.Ltmp7, $4  }
0x1e2: {  	[hbm4b:s24+s19] =	stream.strided.scatter [tilespmem:s21], [sflag:$0x3], $0x400, s20, s19, $0x38;
	[tilespmem:$0x12400] =	vst v63  }
0x1e3: {  	_ =	swait.ge [sflag:s10], $0x400  }
0x1e4: {  	[sflag:s10] =	ssyncset.done $0x0  }
0x1e5: {  	s24 =	sshll.u32 s23, $0xA;
	[sflag:s10] =	ssyncadd.s32 $0xFFFFFC00  }
0x1e6: {  	s26 =	sshrl.u32 s24, $0x2  }
0x1e7: {  	v4 =	vld [tilespmem:s26+$0x100];
	_ =	sdelay $0x4  }
0x1e8: {  	v5 =	vshll.u32 v4, $0x1  }
0x1e9: {  	v4 =	vand.u32 $0x7, v4;
	v5 =	vand.u32 $0xFFFFFFF0, v5  }
0x1ea: {  	v4 =	vor.u32 v4, v5  }
0x1eb: {  	v5 =	vperm.xlane v4, v1;
	_ =	sdelay $0x1  }
0x1ec: {  	v4 =	vperm.xlane v4, v3;
	v5 =	vadd.s32 v2, v5;
	_ =	sdelay $0x1  }
0x1ed: {  	v4 =	vadd.s32 v2, v4;
	_ =	sdelay $0x1  }
0x1ee: {  	s28 =	simm.s32 $0x2000  }
0x1ef: {  	[tilespmem:s28], [sflag:$0x1] =	stream.indirect_vreg.gather [hbm4b:s3+s2], $0x80, v5, vm0, $0xb8;
	[tilespmem:$0x12400] =	vst v63  }
0x1f0: {  	s29 =	simm.s32 $0x2800  }
0x1f1: {  	[tilespmem:s29], [sflag:$0x1] =	stream.indirect_vreg.gather [hbm4b:s3+s2], $0x80, v4, vm0, $0xb8;
	[tilespmem:$0x12400] =	vst v63  }
0x1f2: {  	v4 =	vld [tilespmem:s26+$0x110];
	_ =	sdelay $0x4  }
0x1f3: {  	v5 =	vshll.u32 v4, $0x1  }
0x1f4: {  	v4 =	vand.u32 $0x7, v4;
	v5 =	vand.u32 $0xFFFFFFF0, v5  }
0x1f5: {  	v4 =	vor.u32 v4, v5  }
0x1f6: {  	v5 =	vperm.xlane v4, v1;
	_ =	sdelay $0x1  }
0x1f7: {  	v4 =	vperm.xlane v4, v3;
	v5 =	vadd.s32 v2, v5;
	_ =	sdelay $0x1  }
0x1f8: {  	v4 =	vadd.s32 v2, v4;
	_ =	sdelay $0x1  }
0x1f9: {  	s30 =	simm.s32 $0x3000  }
0x1fa: {  	[tilespmem:s30], [sflag:$0x1] =	stream.indirect_vreg.gather [hbm4b:s3+s2], $0x80, v5, vm0, $0xb8;
	[tilespmem:$0x12400] =	vst v63  }
0x1fb: {  	s31 =	simm.s32 $0x3800  }
0x1fc: {  	[tilespmem:s31], [sflag:$0x1] =	stream.indirect_vreg.gather [hbm4b:s3+s2], $0x80, v4, vm0, $0xb8;
	[tilespmem:$0x12400] =	vst v63  }
0x1fd: {  	v4 =	vld [tilespmem:s26+$0x120];
	_ =	sdelay $0x4  }
0x1fe: {  	v5 =	vshll.u32 v4, $0x1  }
0x1ff: {  	v4 =	vand.u32 $0x7, v4;
	v5 =	vand.u32 $0xFFFFFFF0, v5  }
0x200: {  	v4 =	vor.u32 v4, v5  }
0x201: {  	v5 =	vperm.xlane v4, v1;
	_ =	sdelay $0x1  }
0x202: {  	v4 =	vperm.xlane v4, v3;
	v5 =	vadd.s32 v2, v5;
	_ =	sdelay $0x1  }
0x203: {  	v4 =	vadd.s32 v2, v4;
	_ =	sdelay $0x1  }
0x204: {  	s29 =	simm.s32 $0x4000  }
0x205: {  	[tilespmem:s29], [sflag:$0x1] =	stream.indirect_vreg.gather [hbm4b:s3+s2], $0x80, v5, vm0, $0xb8;
	[tilespmem:$0x12400] =	vst v63  }
0x206: {  	s30 =	simm.s32 $0x4800  }
0x207: {  	[tilespmem:s30], [sflag:$0x1] =	stream.indirect_vreg.gather [hbm4b:s3+s2], $0x80, v4, vm0, $0xb8;
	[tilespmem:$0x12400] =	vst v63  }
0x208: {  	v4 =	vld [tilespmem:s26+$0x130];
	_ =	sdelay $0x4  }
0x209: {  	v5 =	vshll.u32 v4, $0x1  }
0x20a: {  	v4 =	vand.u32 $0x7, v4;
	v5 =	vand.u32 $0xFFFFFFF0, v5  }
0x20b: {  	v4 =	vor.u32 v4, v5  }
0x20c: {  	v5 =	vperm.xlane v4, v1;
	_ =	sdelay $0x1  }
0x20d: {  	v4 =	vperm.xlane v4, v3;
	v5 =	vadd.s32 v2, v5;
	_ =	sdelay $0x1  }
0x20e: {  	v4 =	vadd.s32 v2, v4;
	_ =	sdelay $0x1  }
0x20f: {  	s31 =	simm.s32 $0x5000  }
0x210: {  	[tilespmem:s31], [sflag:$0x1] =	stream.indirect_vreg.gather [hbm4b:s3+s2], $0x80, v5, vm0, $0xb8;
	[tilespmem:$0x12400] =	vst v63  }
0x211: {  	s29 =	simm.s32 $0x5800  }
0x212: {  	[tilespmem:s29], [sflag:$0x1] =	stream.indirect_vreg.gather [hbm4b:s3+s2], $0x80, v4, vm0, $0xb8;
	[tilespmem:$0x12400] =	vst v63  }
0x213: {  	v4 =	vld [tilespmem:s26+$0x140];
	_ =	sdelay $0x4  }
0x214: {  	v5 =	vshll.u32 v4, $0x1  }
0x215: {  	v4 =	vand.u32 $0x7, v4;
	v5 =	vand.u32 $0xFFFFFFF0, v5  }
0x216: {  	v4 =	vor.u32 v4, v5  }
0x217: {  	v5 =	vperm.xlane v4, v1;
	_ =	sdelay $0x1  }
0x218: {  	v4 =	vperm.xlane v4, v3;
	v5 =	vadd.s32 v2, v5;
	_ =	sdelay $0x1  }
0x219: {  	v4 =	vadd.s32 v2, v4;
	_ =	sdelay $0x1  }
0x21a: {  	s30 =	simm.s32 $0x6000  }
0x21b: {  	[tilespmem:s30], [sflag:$0x1] =	stream.indirect_vreg.gather [hbm4b:s3+s2], $0x80, v5, vm0, $0xb8;
	[tilespmem:$0x12400] =	vst v63  }
0x21c: {  	s31 =	simm.s32 $0x6800  }
0x21d: {  	[tilespmem:s31], [sflag:$0x1] =	stream.indirect_vreg.gather [hbm4b:s3+s2], $0x80, v4, vm0, $0xb8;
	[tilespmem:$0x12400] =	vst v63  }
0x21e: {  	v4 =	vld [tilespmem:s26+$0x150];
	_ =	sdelay $0x4  }
0x21f: {  	v5 =	vshll.u32 v4, $0x1  }
0x220: {  	v4 =	vand.u32 $0x7, v4;
	v5 =	vand.u32 $0xFFFFFFF0, v5  }
0x221: {  	v4 =	vor.u32 v4, v5  }
0x222: {  	v5 =	vperm.xlane v4, v1;
	_ =	sdelay $0x1  }
0x223: {  	v4 =	vperm.xlane v4, v3;
	v5 =	vadd.s32 v2, v5;
	_ =	sdelay $0x1  }
0x224: {  	v4 =	vadd.s32 v2, v4;
	_ =	sdelay $0x1  }
0x225: {  	s29 =	simm.s32 $0x7000  }
0x226: {  	[tilespmem:s29], [sflag:$0x1] =	stream.indirect_vreg.gather [hbm4b:s3+s2], $0x80, v5, vm0, $0xb8;
	[tilespmem:$0x12400] =	vst v63  }
0x227: {  	s30 =	simm.s32 $0x7800  }
0x228: {  	[tilespmem:s30], [sflag:$0x1] =	stream.indirect_vreg.gather [hbm4b:s3+s2], $0x80, v4, vm0, $0xb8;
	[tilespmem:$0x12400] =	vst v63  }
0x229: {  	v4 =	vld [tilespmem:s26+$0x160];
	_ =	sdelay $0x4  }
0x22a: {  	v5 =	vshll.u32 v4, $0x1  }
0x22b: {  	v4 =	vand.u32 $0x7, v4;
	v5 =	vand.u32 $0xFFFFFFF0, v5  }
0x22c: {  	v4 =	vor.u32 v4, v5  }
0x22d: {  	v5 =	vperm.xlane v4, v1;
	_ =	sdelay $0x1  }
0x22e: {  	v4 =	vperm.xlane v4, v3;
	v5 =	vadd.s32 v2, v5;
	_ =	sdelay $0x1  }
0x22f: {  	v4 =	vadd.s32 v2, v4;
	_ =	sdelay $0x1  }
0x230: {  	s31 =	simm.s32 $0x8000  }
0x231: {  	[tilespmem:s31], [sflag:$0x1] =	stream.indirect_vreg.gather [hbm4b:s3+s2], $0x80, v5, vm0, $0xb8;
	[tilespmem:$0x12400] =	vst v63  }
0x232: {  	s29 =	simm.s32 $0x8800  }
0x233: {  	[tilespmem:s29], [sflag:$0x1] =	stream.indirect_vreg.gather [hbm4b:s3+s2], $0x80, v4, vm0, $0xb8;
	[tilespmem:$0x12400] =	vst v63  }
0x234: {  	v4 =	vld [tilespmem:s26+$0x170];
	_ =	sdelay $0x4  }
0x235: {  	v5 =	vshll.u32 v4, $0x1  }
0x236: {  	v4 =	vand.u32 $0x7, v4;
	v5 =	vand.u32 $0xFFFFFFF0, v5  }
0x237: {  	v4 =	vor.u32 v4, v5  }
0x238: {  	v5 =	vperm.xlane v4, v1;
	_ =	sdelay $0x1  }
0x239: {  	v4 =	vperm.xlane v4, v3;
	v5 =	vadd.s32 v2, v5;
	_ =	sdelay $0x1  }
0x23a: {  	v4 =	vadd.s32 v2, v4;
	_ =	sdelay $0x1  }
0x23b: {  	s30 =	simm.s32 $0x9000  }
0x23c: {  	[tilespmem:s30], [sflag:$0x1] =	stream.indirect_vreg.gather [hbm4b:s3+s2], $0x80, v5, vm0, $0xb8;
	[tilespmem:$0x12400] =	vst v63  }
0x23d: {  	s31 =	simm.s32 $0x9800  }
0x23e: {  	[tilespmem:s31], [sflag:$0x1] =	stream.indirect_vreg.gather [hbm4b:s3+s2], $0x80, v4, vm0, $0xb8;
	[tilespmem:$0x12400] =	vst v63  }
.LBB2_14:
0x23f: {  	_ =	swait.ge [sflag:s22], $0x8000  }
0x240: {  	[sflag:s22] =	ssyncset.done $0x0  }
0x241: {  	[sflag:s22] =	ssyncadd.s32 $0xFFFF8000  }
0x242: {  	v11 =	vld [tilespmem:$0xA000]  }
0x243: {  	v12 =	vld [tilespmem:$0xA010]  }
0x244: {  	v13 =	vld [tilespmem:$0xA020]  }
0x245: {  	v14 =	vld [tilespmem:$0xA030]  }
0x246: {  	v15 =	vld [tilespmem:$0xA040]  }
0x247: {  	v22 =	vld [tilespmem:$0xA050]  }
0x248: {  	v24 =	vld [tilespmem:$0xA060]  }
0x249: {  	v25 =	vld [tilespmem:$0xA070]  }
0x24a: {  	v26 =	vld [tilespmem:$0xA400]  }
0x24b: {  	v10 =	vld [tilespmem:$0xA410]  }
0x24c: {  	v8 =	vld [tilespmem:$0xA420]  }
0x24d: {  	v5 =	vld [tilespmem:$0xA430]  }
0x24e: {  	v6 =	vld [tilespmem:$0xA440]  }
0x24f: {  	s26 =	simm.s32 $0x100;
	s28 =	simm.s32 $0x80;
	v7 =	vld [tilespmem:$0xA450]  }
0x250: {  	s26 =	sand.u32 $0x1800, s26;
	s28 =	sand.u32 $0x380, s28;
	v4 =	vld [tilespmem:$0xA460]  }
0x251: {  	s26 =	sor.u32 s28, s26;
	v9 =	vld [tilespmem:$0xA470]  }
0x252: {  	v16 =	vld [tilespmem:s26+$0xA470]  }
0x253: {  	v17 =	vld [tilespmem:s26+$0xA000]  }
0x254: {  	v18 =	vld [tilespmem:s26+$0xA010]  }
0x255: {  	v21 =	vld [tilespmem:s26+$0xA020]  }
0x256: {  	v27 =	vld [tilespmem:s26+$0xA030]  }
0x257: {  	v28 =	vld [tilespmem:s26+$0xA040]  }
0x258: {  	v29 =	vld [tilespmem:s26+$0xA050]  }
0x259: {  	v30 =	vld [tilespmem:s26+$0xA060]  }
0x25a: {  	v31 =	vld [tilespmem:s26+$0xA070]  }
0x25b: {  	v32 =	vld [tilespmem:s26+$0xA400]  }
0x25c: {  	v23 =	vld [tilespmem:s26+$0xA410]  }
0x25d: {  	v20 =	vld [tilespmem:s26+$0xA420];
	v9 =	vmax.f32 v9, v16  }
0x25e: {  	v19 =	vmax.f32 v11, v17;
	v18 =	vmax.f32 v12, v18;
	v17 =	vmax.f32 v13, v21;
	v21 =	vld [tilespmem:s26+$0xA430]  }
0x25f: {  	s29 =	simm.s32 $0x200;
	s28 =	simm.s32 $0x100;
	v16 =	vmax.f32 v14, v27;
	v15 =	vmax.f32 v15, v28;
	v13 =	vmax.f32 v22, v29;
	v22 =	vld [tilespmem:s26+$0xA440]  }
0x260: {  	s30 =	sand.u32 $0x1800, s29;
	s29 =	simm.s32 $0x300;
	s31 =	sand.u32 $0x380, s28;
	v14 =	vmax.f32 v24, v30;
	v11 =	vmax.f32 v25, v31;
	v12 =	vmax.f32 v26, v32;
	v24 =	vld [tilespmem:s26+$0xA450]  }
.LBB2_15:
0x261: {  	p1 =	sne.s32 s29, $0x1F00;
	v10 =	vmax.f32 v10, v23;
	v23 =	vld [tilespmem:s26+$0xA460];
	s26 =	sor.u32 s31, s30  }
0x262: {  	v25 =	vld [tilespmem:s26+$0xA470];
	v8 =	vmax.f32 v8, v20  }
0x263: {  	v20 =	vld [tilespmem:s26+$0xA000];
	v5 =	vmax.f32 v5, v21  }
0x264: {  	v21 =	vld [tilespmem:s26+$0xA010];
	v6 =	vmax.f32 v6, v22  }
0x265: {  	v22 =	vld [tilespmem:s26+$0xA020];
	v7 =	vmax.f32 v7, v24  }
0x266: {  	v24 =	vld [tilespmem:s26+$0xA030];
	v4 =	vmax.f32 v4, v23  }
0x267: {  	v23 =	vld [tilespmem:s26+$0xA040];
	v9 =	vmax.f32 v9, v25  }
0x268: {  	v19 =	vmax.f32 v19, v20;
	v20 =	vld [tilespmem:s26+$0xA050]  }
0x269: {  	v18 =	vmax.f32 v18, v21;
	v21 =	vld [tilespmem:s26+$0xA060]  }
0x26a: {  	v17 =	vmax.f32 v17, v22;
	v22 =	vld [tilespmem:s26+$0xA070]  }
0x26b: {  	v16 =	vmax.f32 v16, v24;
	v24 =	vld [tilespmem:s26+$0xA400]  }
.Ltmp8:
0x26c: {  	v15 =	vmax.f32 v15, v23;
	v23 =	vld [tilespmem:s26+$0xA410];
	(pc) =	sbr.rel @p1 .LBB2_15-.Ltmp8, $4  }
0x26d: {  	v13 =	vmax.f32 v13, v20;
	v20 =	vld [tilespmem:s26+$0xA420]  }
0x26e: {  	v14 =	vmax.f32 v14, v21;
	v21 =	vld [tilespmem:s26+$0xA430]  }
0x26f: {  	s28 =	sadd.s32 $0x80, s28;
	v11 =	vmax.f32 v11, v22;
	v22 =	vld [tilespmem:s26+$0xA440]  }
0x270: {  	s30 =	sand.u32 $0x1800, s29;
	s29 =	sadd.s32 $0x100, s29;
	s31 =	sand.u32 $0x380, s28;
	v12 =	vmax.f32 v12, v24;
	v24 =	vld [tilespmem:s26+$0xA450]  }
0x271: {  	s28 =	sor.u32 s31, s30;
	v25 =	vld [tilespmem:s26+$0xA460]  }
0x272: {  	v26 =	vld [tilespmem:s28+$0xA470]  }
0x273: {  	v27 =	vld [tilespmem:s28+$0xA000]  }
0x274: {  	v28 =	vld [tilespmem:s28+$0xA010]  }
0x275: {  	v29 =	vld [tilespmem:s28+$0xA020]  }
0x276: {  	v30 =	vld [tilespmem:s28+$0xA030]  }
0x277: {  	v31 =	vld [tilespmem:s28+$0xA040]  }
0x278: {  	v32 =	vld [tilespmem:s28+$0xA050]  }
0x279: {  	v33 =	vld [tilespmem:s28+$0xA060]  }
0x27a: {  	v34 =	vld [tilespmem:s28+$0xA070]  }
0x27b: {  	v35 =	vld [tilespmem:s28+$0xA400]  }
0x27c: {  	v36 =	vld [tilespmem:s28+$0xA410]  }
0x27d: {  	v37 =	vld [tilespmem:s28+$0xA420]  }
0x27e: {  	v38 =	vld [tilespmem:s28+$0xA430]  }
0x27f: {  	v39 =	vld [tilespmem:s28+$0xA440]  }
0x280: {  	v40 =	vld [tilespmem:s28+$0xA450]  }
0x281: {  	v8 =	vmax.f32 v8, v20;
	v20 =	vmax.f32 v5, v21;
	v5 =	vld [tilespmem:$0xC410];
	v19 =	vmax.f32 v19, v27  }
0x282: {  	v27 =	vld [tilespmem:s28+$0xA460];
	v18 =	vmax.f32 v18, v28;
	[tilespmem:$0x12000] =	vst v19  }
0x283: {  	v17 =	vmax.f32 v17, v29;
	v19 =	vld [tilespmem:$0xC000];
	[tilespmem:$0x12010] =	vst v18  }
0x284: {  	v16 =	vmax.f32 v16, v30;
	v18 =	vld [tilespmem:$0xC010];
	[tilespmem:$0x12020] =	vst v17  }
0x285: {  	v15 =	vmax.f32 v15, v31;
	v17 =	vld [tilespmem:$0xC020];
	[tilespmem:$0x12030] =	vst v16  }
0x286: {  	v13 =	vmax.f32 v13, v32;
	v16 =	vld [tilespmem:$0xC030];
	[tilespmem:$0x12040] =	vst v15  }
0x287: {  	v14 =	vmax.f32 v14, v33;
	v15 =	vld [tilespmem:$0xC040];
	[tilespmem:$0x12050] =	vst v13  }
0x288: {  	v11 =	vmax.f32 v11, v34;
	v13 =	vld [tilespmem:$0xC050];
	[tilespmem:$0x12060] =	vst v14  }
0x289: {  	v10 =	vmax.f32 v10, v23;
	v12 =	vmax.f32 v12, v35;
	v14 =	vld [tilespmem:$0xC060];
	[tilespmem:$0x12070] =	vst v11  }
0x28a: {  	v10 =	vmax.f32 v10, v36;
	v11 =	vld [tilespmem:$0xC070];
	[tilespmem:$0x12200] =	vst v12  }
0x28b: {  	v8 =	vmax.f32 v8, v37;
	v12 =	vld [tilespmem:$0xC400];
	[tilespmem:$0x12210] =	vst v10  }
0x28c: {  	v20 =	vmax.f32 v20, v38;
	v10 =	vmax.f32 v6, v22;
	[tilespmem:$0x12220] =	vst v8;
	v6 =	vld [tilespmem:$0xC420]  }
0x28d: {  	v8 =	vmax.f32 v7, v24;
	[tilespmem:$0x12230] =	vst v20;
	v7 =	vld [tilespmem:$0xC430];
	v10 =	vmax.f32 v10, v39  }
0x28e: {  	v20 =	vmax.f32 v8, v40;
	v8 =	vld [tilespmem:$0xC440];
	[tilespmem:$0x12240] =	vst v10  }
0x28f: {  	s26 =	simm.s32 $0x100;
	v4 =	vmax.f32 v4, v25;
	s28 =	simm.s32 $0x80;
	[tilespmem:$0x12250] =	vst v20;
	v20 =	vmax.f32 v9, v26;
	v9 =	vld [tilespmem:$0xC460]  }
0x290: {  	s26 =	sand.u32 $0x1800, s26;
	s28 =	sand.u32 $0x380, s28;
	[tilespmem:$0x12270] =	vst v20;
	v10 =	vmax.f32 v4, v27;
	v4 =	vld [tilespmem:$0xC450]  }
0x291: {  	s26 =	sor.u32 s28, s26;
	[tilespmem:$0x12260] =	vst v10;
	v10 =	vld [tilespmem:$0xC470]  }
0x292: {  	v20 =	vld [tilespmem:s26+$0xC470]  }
0x293: {  	v21 =	vld [tilespmem:s26+$0xC000]  }
0x294: {  	v22 =	vld [tilespmem:s26+$0xC010]  }
0x295: {  	v24 =	vld [tilespmem:s26+$0xC020]  }
0x296: {  	v25 =	vld [tilespmem:s26+$0xC030]  }
0x297: {  	v26 =	vld [tilespmem:s26+$0xC040]  }
0x298: {  	v27 =	vld [tilespmem:s26+$0xC050]  }
0x299: {  	v61 =	vld [tilespmem:s26+$0xC060]  }
0x29a: {  	v62 =	vld [tilespmem:s26+$0xC070]  }
0x29b: {  	v63 =	vld [tilespmem:s26+$0xC400]  }
0x29c: {  	v23 =	vld [tilespmem:s26+$0xC410]  }
0x29d: {  	v10 =	vmax.f32 v10, v20;
	v20 =	vld [tilespmem:s26+$0xC420]  }
0x29e: {  	v19 =	vmax.f32 v19, v21;
	v18 =	vmax.f32 v18, v22;
	v17 =	vmax.f32 v17, v24;
	v21 =	vld [tilespmem:s26+$0xC430]  }
0x29f: {  	s29 =	simm.s32 $0x200;
	s28 =	simm.s32 $0x100;
	v16 =	vmax.f32 v16, v25;
	v15 =	vmax.f32 v15, v26;
	v13 =	vmax.f32 v13, v27;
	v22 =	vld [tilespmem:s26+$0xC440]  }
0x2a0: {  	s30 =	sand.u32 $0x1800, s29;
	s29 =	simm.s32 $0x300;
	s31 =	sand.u32 $0x380, s28;
	v14 =	vmax.f32 v14, v61;
	v11 =	vmax.f32 v11, v62;
	v12 =	vmax.f32 v12, v63;
	v24 =	vld [tilespmem:s26+$0xC450]  }
.LBB2_17:
0x2a1: {  	p1 =	sne.s32 s29, $0x1F00;
	v5 =	vmax.f32 v5, v23;
	v23 =	vld [tilespmem:s26+$0xC460];
	s26 =	sor.u32 s31, s30  }
0x2a2: {  	v25 =	vld [tilespmem:s26+$0xC470];
	v6 =	vmax.f32 v6, v20  }
0x2a3: {  	v20 =	vld [tilespmem:s26+$0xC000];
	v7 =	vmax.f32 v7, v21  }
0x2a4: {  	v21 =	vld [tilespmem:s26+$0xC010];
	v8 =	vmax.f32 v8, v22  }
0x2a5: {  	v22 =	vld [tilespmem:s26+$0xC020];
	v4 =	vmax.f32 v4, v24  }
0x2a6: {  	v24 =	vld [tilespmem:s26+$0xC030];
	v9 =	vmax.f32 v9, v23  }
0x2a7: {  	v23 =	vld [tilespmem:s26+$0xC040];
	v10 =	vmax.f32 v10, v25  }
0x2a8: {  	v19 =	vmax.f32 v19, v20;
	v20 =	vld [tilespmem:s26+$0xC050]  }
0x2a9: {  	v18 =	vmax.f32 v18, v21;
	v21 =	vld [tilespmem:s26+$0xC060]  }
0x2aa: {  	v17 =	vmax.f32 v17, v22;
	v22 =	vld [tilespmem:s26+$0xC070]  }
0x2ab: {  	v16 =	vmax.f32 v16, v24;
	v24 =	vld [tilespmem:s26+$0xC400]  }
.Ltmp9:
0x2ac: {  	v15 =	vmax.f32 v15, v23;
	v23 =	vld [tilespmem:s26+$0xC410];
	(pc) =	sbr.rel @p1 .LBB2_17-.Ltmp9, $4  }
0x2ad: {  	v13 =	vmax.f32 v13, v20;
	v20 =	vld [tilespmem:s26+$0xC420]  }
0x2ae: {  	v14 =	vmax.f32 v14, v21;
	v21 =	vld [tilespmem:s26+$0xC430]  }
0x2af: {  	s28 =	sadd.s32 $0x80, s28;
	v11 =	vmax.f32 v11, v22;
	v22 =	vld [tilespmem:s26+$0xC440]  }
0x2b0: {  	s30 =	sand.u32 $0x1800, s29;
	s29 =	sadd.s32 $0x100, s29;
	s31 =	sand.u32 $0x380, s28;
	v12 =	vmax.f32 v12, v24;
	v24 =	vld [tilespmem:s26+$0xC450]  }
0x2b1: {  	s28 =	sor.u32 s31, s30;
	v25 =	vld [tilespmem:s26+$0xC460]  }
0x2b2: {  	v26 =	vld [tilespmem:s28+$0xC470]  }
0x2b3: {  	v27 =	vld [tilespmem:s28+$0xC000]  }
0x2b4: {  	v28 =	vld [tilespmem:s28+$0xC010]  }
0x2b5: {  	v29 =	vld [tilespmem:s28+$0xC020]  }
0x2b6: {  	v30 =	vld [tilespmem:s28+$0xC030]  }
0x2b7: {  	v31 =	vld [tilespmem:s28+$0xC040]  }
0x2b8: {  	v32 =	vld [tilespmem:s28+$0xC050]  }
0x2b9: {  	v33 =	vld [tilespmem:s28+$0xC060]  }
0x2ba: {  	v34 =	vld [tilespmem:s28+$0xC070]  }
0x2bb: {  	v35 =	vld [tilespmem:s28+$0xC400]  }
0x2bc: {  	v36 =	vld [tilespmem:s28+$0xC410]  }
0x2bd: {  	v37 =	vld [tilespmem:s28+$0xC420]  }
0x2be: {  	v38 =	vld [tilespmem:s28+$0xC430]  }
0x2bf: {  	v39 =	vld [tilespmem:s28+$0xC440]  }
0x2c0: {  	v40 =	vld [tilespmem:s28+$0xC450]  }
0x2c1: {  	v19 =	vmax.f32 v19, v27;
	v27 =	vld [tilespmem:s28+$0xC460]  }
0x2c2: {  	v18 =	vmax.f32 v18, v28;
	[tilespmem:$0x12080] =	vst v19;
	v19 =	vld [tilespmem:$0xE000]  }
0x2c3: {  	v17 =	vmax.f32 v17, v29;
	[tilespmem:$0x12090] =	vst v18;
	v18 =	vld [tilespmem:$0xE010]  }
0x2c4: {  	v16 =	vmax.f32 v16, v30;
	[tilespmem:$0x120A0] =	vst v17;
	v17 =	vld [tilespmem:$0xE020]  }
0x2c5: {  	v15 =	vmax.f32 v15, v31;
	[tilespmem:$0x120B0] =	vst v16;
	v16 =	vld [tilespmem:$0xE030]  }
0x2c6: {  	v13 =	vmax.f32 v13, v32;
	[tilespmem:$0x120C0] =	vst v15;
	v15 =	vld [tilespmem:$0xE040]  }
0x2c7: {  	v14 =	vmax.f32 v14, v33;
	[tilespmem:$0x120D0] =	vst v13;
	v13 =	vld [tilespmem:$0xE050]  }
0x2c8: {  	v11 =	vmax.f32 v11, v34;
	[tilespmem:$0x120E0] =	vst v14;
	v14 =	vld [tilespmem:$0xE060]  }
0x2c9: {  	v5 =	vmax.f32 v5, v23;
	v12 =	vmax.f32 v12, v35;
	[tilespmem:$0x120F0] =	vst v11;
	v11 =	vld [tilespmem:$0xE070]  }
0x2ca: {  	v6 =	vmax.f32 v6, v20;
	v5 =	vmax.f32 v5, v36;
	[tilespmem:$0x12280] =	vst v12;
	v12 =	vld [tilespmem:$0xE400]  }
0x2cb: {  	v7 =	vmax.f32 v7, v21;
	v6 =	vmax.f32 v6, v37;
	[tilespmem:$0x12290] =	vst v5;
	v5 =	vld [tilespmem:$0xE410]  }
0x2cc: {  	v8 =	vmax.f32 v8, v22;
	v7 =	vmax.f32 v7, v38;
	[tilespmem:$0x122A0] =	vst v6;
	v6 =	vld [tilespmem:$0xE420]  }
0x2cd: {  	v4 =	vmax.f32 v4, v24;
	v8 =	vmax.f32 v8, v39;
	[tilespmem:$0x122B0] =	vst v7;
	v7 =	vld [tilespmem:$0xE430]  }
0x2ce: {  	v4 =	vmax.f32 v4, v40;
	[tilespmem:$0x122C0] =	vst v8;
	v8 =	vld [tilespmem:$0xE440]  }
0x2cf: {  	s26 =	simm.s32 $0x100;
	v9 =	vmax.f32 v9, v25;
	s28 =	simm.s32 $0x80;
	v10 =	vmax.f32 v10, v26;
	[tilespmem:$0x122D0] =	vst v4;
	v4 =	vld [tilespmem:$0xE450]  }
0x2d0: {  	s26 =	sand.u32 $0x1800, s26;
	s28 =	sand.u32 $0x380, s28;
	[tilespmem:$0x122F0] =	vst v10;
	v10 =	vld [tilespmem:$0xE470];
	v9 =	vmax.f32 v9, v27  }
0x2d1: {  	s26 =	sor.u32 s28, s26;
	[tilespmem:$0x122E0] =	vst v9;
	v9 =	vld [tilespmem:$0xE460]  }
0x2d2: {  	v20 =	vld [tilespmem:s26+$0xE470]  }
0x2d3: {  	v21 =	vld [tilespmem:s26+$0xE000]  }
0x2d4: {  	v22 =	vld [tilespmem:s26+$0xE010]  }
0x2d5: {  	v24 =	vld [tilespmem:s26+$0xE020]  }
0x2d6: {  	v25 =	vld [tilespmem:s26+$0xE030]  }
0x2d7: {  	v26 =	vld [tilespmem:s26+$0xE040]  }
0x2d8: {  	v27 =	vld [tilespmem:s26+$0xE050]  }
0x2d9: {  	v61 =	vld [tilespmem:s26+$0xE060]  }
0x2da: {  	v62 =	vld [tilespmem:s26+$0xE070]  }
0x2db: {  	v63 =	vld [tilespmem:s26+$0xE400]  }
0x2dc: {  	v23 =	vld [tilespmem:s26+$0xE410]  }
0x2dd: {  	v10 =	vmax.f32 v10, v20;
	v20 =	vld [tilespmem:s26+$0xE420]  }
0x2de: {  	v19 =	vmax.f32 v19, v21;
	v18 =	vmax.f32 v18, v22;
	v17 =	vmax.f32 v17, v24;
	v21 =	vld [tilespmem:s26+$0xE430]  }
0x2df: {  	s29 =	simm.s32 $0x200;
	s28 =	simm.s32 $0x100;
	v16 =	vmax.f32 v16, v25;
	v15 =	vmax.f32 v15, v26;
	v13 =	vmax.f32 v13, v27;
	v22 =	vld [tilespmem:s26+$0xE440]  }
0x2e0: {  	s30 =	sand.u32 $0x1800, s29;
	s29 =	simm.s32 $0x300;
	s31 =	sand.u32 $0x380, s28;
	v14 =	vmax.f32 v14, v61;
	v11 =	vmax.f32 v11, v62;
	v12 =	vmax.f32 v12, v63;
	v24 =	vld [tilespmem:s26+$0xE450]  }
.LBB2_19:
0x2e1: {  	p1 =	sne.s32 s29, $0x1F00;
	v5 =	vmax.f32 v5, v23;
	v23 =	vld [tilespmem:s26+$0xE460];
	s26 =	sor.u32 s31, s30  }
0x2e2: {  	v25 =	vld [tilespmem:s26+$0xE470];
	v6 =	vmax.f32 v6, v20  }
0x2e3: {  	v20 =	vld [tilespmem:s26+$0xE000];
	v7 =	vmax.f32 v7, v21  }
0x2e4: {  	v21 =	vld [tilespmem:s26+$0xE010];
	v8 =	vmax.f32 v8, v22  }
0x2e5: {  	v22 =	vld [tilespmem:s26+$0xE020];
	v4 =	vmax.f32 v4, v24  }
0x2e6: {  	v24 =	vld [tilespmem:s26+$0xE030];
	v9 =	vmax.f32 v9, v23  }
0x2e7: {  	v23 =	vld [tilespmem:s26+$0xE040];
	v10 =	vmax.f32 v10, v25  }
0x2e8: {  	v19 =	vmax.f32 v19, v20;
	v20 =	vld [tilespmem:s26+$0xE050]  }
0x2e9: {  	v18 =	vmax.f32 v18, v21;
	v21 =	vld [tilespmem:s26+$0xE060]  }
0x2ea: {  	v17 =	vmax.f32 v17, v22;
	v22 =	vld [tilespmem:s26+$0xE070]  }
0x2eb: {  	v16 =	vmax.f32 v16, v24;
	v24 =	vld [tilespmem:s26+$0xE400]  }
.Ltmp10:
0x2ec: {  	v15 =	vmax.f32 v15, v23;
	v23 =	vld [tilespmem:s26+$0xE410];
	(pc) =	sbr.rel @p1 .LBB2_19-.Ltmp10, $4  }
0x2ed: {  	v13 =	vmax.f32 v13, v20;
	v20 =	vld [tilespmem:s26+$0xE420]  }
0x2ee: {  	v14 =	vmax.f32 v14, v21;
	v21 =	vld [tilespmem:s26+$0xE430]  }
0x2ef: {  	s28 =	sadd.s32 $0x80, s28;
	v11 =	vmax.f32 v11, v22;
	v22 =	vld [tilespmem:s26+$0xE440]  }
0x2f0: {  	s30 =	sand.u32 $0x1800, s29;
	s29 =	sadd.s32 $0x100, s29;
	s31 =	sand.u32 $0x380, s28;
	v12 =	vmax.f32 v12, v24;
	v24 =	vld [tilespmem:s26+$0xE450]  }
0x2f1: {  	v25 =	vld [tilespmem:s26+$0xE460]  }
0x2f2: {  	s28 =	sor.u32 s31, s30;
	v59 =	vld [tilespmem:$0x10040]  }
0x2f3: {  	v26 =	vld [tilespmem:s28+$0xE470]  }
0x2f4: {  	v27 =	vld [tilespmem:s28+$0xE000]  }
0x2f5: {  	v28 =	vld [tilespmem:s28+$0xE010]  }
0x2f6: {  	v29 =	vld [tilespmem:s28+$0xE020]  }
0x2f7: {  	v30 =	vld [tilespmem:s28+$0xE030]  }
0x2f8: {  	v31 =	vld [tilespmem:s28+$0xE040]  }
0x2f9: {  	v32 =	vld [tilespmem:s28+$0xE050]  }
0x2fa: {  	v33 =	vld [tilespmem:s28+$0xE060]  }
0x2fb: {  	v34 =	vld [tilespmem:s28+$0xE070]  }
0x2fc: {  	v35 =	vld [tilespmem:s28+$0xE400]  }
0x2fd: {  	v36 =	vld [tilespmem:s28+$0xE410]  }
0x2fe: {  	v37 =	vld [tilespmem:s28+$0xE420]  }
0x2ff: {  	v38 =	vld [tilespmem:s28+$0xE430]  }
0x300: {  	v39 =	vld [tilespmem:s28+$0xE440]  }
0x301: {  	v40 =	vld [tilespmem:s28+$0xE450];
	v19 =	vmax.f32 v19, v27  }
0x302: {  	v27 =	vld [tilespmem:s28+$0xE460];
	v18 =	vmax.f32 v18, v28;
	[tilespmem:$0x12100] =	vst v19  }
0x303: {  	v60 =	vld [tilespmem:$0x10060];
	v17 =	vmax.f32 v17, v29;
	[tilespmem:$0x12110] =	vst v18  }
0x304: {  	v61 =	vld [tilespmem:$0x10070];
	v16 =	vmax.f32 v16, v30;
	[tilespmem:$0x12120] =	vst v17  }
0x305: {  	v62 =	vld [tilespmem:$0x10400];
	v15 =	vmax.f32 v15, v31;
	[tilespmem:$0x12130] =	vst v16  }
0x306: {  	v13 =	vmax.f32 v13, v32;
	v19 =	vld [tilespmem:$0x10000];
	[tilespmem:$0x12140] =	vst v15  }
0x307: {  	v14 =	vmax.f32 v14, v33;
	v18 =	vld [tilespmem:$0x10010];
	[tilespmem:$0x12150] =	vst v13  }
0x308: {  	v11 =	vmax.f32 v11, v34;
	v17 =	vld [tilespmem:$0x10020];
	[tilespmem:$0x12160] =	vst v14  }
0x309: {  	v5 =	vmax.f32 v5, v23;
	v12 =	vmax.f32 v12, v35;
	v16 =	vld [tilespmem:$0x10030];
	[tilespmem:$0x12170] =	vst v11  }
0x30a: {  	v6 =	vmax.f32 v6, v20;
	v5 =	vmax.f32 v5, v36;
	v13 =	vld [tilespmem:$0x10050];
	[tilespmem:$0x12300] =	vst v12  }
0x30b: {  	v7 =	vmax.f32 v7, v21;
	v6 =	vmax.f32 v6, v37;
	[tilespmem:$0x12310] =	vst v5;
	v5 =	vld [tilespmem:$0x10410]  }
0x30c: {  	v8 =	vmax.f32 v8, v22;
	v7 =	vmax.f32 v7, v38;
	[tilespmem:$0x12320] =	vst v6;
	v6 =	vld [tilespmem:$0x10420]  }
0x30d: {  	v8 =	vmax.f32 v8, v39;
	v11 =	vmax.f32 v4, v24;
	[tilespmem:$0x12330] =	vst v7;
	v4 =	vld [tilespmem:$0x10430]  }
0x30e: {  	v10 =	vmax.f32 v10, v26;
	[tilespmem:$0x12340] =	vst v8;
	v7 =	vld [tilespmem:$0x10440]  }
0x30f: {  	s26 =	simm.s32 $0x100;
	v9 =	vmax.f32 v9, v25;
	s28 =	simm.s32 $0x80;
	v8 =	vld [tilespmem:$0x10450];
	[tilespmem:$0x12370] =	vst v10;
	v11 =	vmax.f32 v11, v40  }
0x310: {  	s26 =	sand.u32 $0x1800, s26;
	s28 =	sand.u32 $0x380, s28;
	v10 =	vld [tilespmem:$0x10470];
	[tilespmem:$0x12350] =	vst v11;
	v9 =	vmax.f32 v9, v27  }
0x311: {  	s26 =	sor.u32 s28, s26;
	[tilespmem:$0x12360] =	vst v9;
	v9 =	vld [tilespmem:$0x10460]  }
0x312: {  	v11 =	vld [tilespmem:s26+$0x10470]  }
0x313: {  	v12 =	vld [tilespmem:s26+$0x10000]  }
0x314: {  	v14 =	vld [tilespmem:s26+$0x10010]  }
0x315: {  	v15 =	vld [tilespmem:s26+$0x10020]  }
0x316: {  	v23 =	vld [tilespmem:s26+$0x10030]  }
0x317: {  	v24 =	vld [tilespmem:s26+$0x10040]  }
0x318: {  	v25 =	vld [tilespmem:s26+$0x10050]  }
0x319: {  	v26 =	vld [tilespmem:s26+$0x10060]  }
0x31a: {  	v27 =	vld [tilespmem:s26+$0x10070]  }
0x31b: {  	v63 =	vld [tilespmem:s26+$0x10400]  }
0x31c: {  	v22 =	vld [tilespmem:s26+$0x10410]  }
0x31d: {  	v20 =	vld [tilespmem:s26+$0x10420];
	v10 =	vmax.f32 v10, v11  }
0x31e: {  	v21 =	vld [tilespmem:s26+$0x10430];
	v19 =	vmax.f32 v19, v12;
	v18 =	vmax.f32 v18, v14;
	v14 =	vmax.f32 v17, v15  }
0x31f: {  	s29 =	simm.s32 $0x200;
	s28 =	simm.s32 $0x100;
	v15 =	vmax.f32 v16, v23;
	v11 =	vmax.f32 v59, v24;
	v12 =	vmax.f32 v13, v25;
	v23 =	vld [tilespmem:s26+$0x10440]  }
0x320: {  	s30 =	sand.u32 $0x1800, s29;
	s29 =	simm.s32 $0x300;
	s31 =	sand.u32 $0x380, s28;
	v16 =	vmax.f32 v60, v26;
	v13 =	vmax.f32 v61, v27;
	v17 =	vmax.f32 v62, v63;
	v24 =	vld [tilespmem:s26+$0x10450]  }
.LBB2_21:
0x321: {  	p1 =	sne.s32 s29, $0x1F00;
	v5 =	vmax.f32 v5, v22;
	v22 =	vld [tilespmem:s26+$0x10460];
	s26 =	sor.u32 s31, s30  }
0x322: {  	v25 =	vld [tilespmem:s26+$0x10470];
	v6 =	vmax.f32 v6, v20  }
0x323: {  	v20 =	vld [tilespmem:s26+$0x10000];
	v4 =	vmax.f32 v4, v21  }
0x324: {  	v21 =	vld [tilespmem:s26+$0x10010];
	v7 =	vmax.f32 v7, v23  }
0x325: {  	v23 =	vld [tilespmem:s26+$0x10020];
	v8 =	vmax.f32 v8, v24  }
0x326: {  	v24 =	vld [tilespmem:s26+$0x10030];
	v9 =	vmax.f32 v9, v22  }
0x327: {  	v22 =	vld [tilespmem:s26+$0x10040];
	v10 =	vmax.f32 v10, v25  }
0x328: {  	v19 =	vmax.f32 v19, v20;
	v20 =	vld [tilespmem:s26+$0x10050]  }
0x329: {  	v18 =	vmax.f32 v18, v21;
	v21 =	vld [tilespmem:s26+$0x10060]  }
0x32a: {  	v14 =	vmax.f32 v14, v23;
	v23 =	vld [tilespmem:s26+$0x10070]  }
0x32b: {  	v15 =	vmax.f32 v15, v24;
	v24 =	vld [tilespmem:s26+$0x10400]  }
.Ltmp11:
0x32c: {  	v11 =	vmax.f32 v11, v22;
	v22 =	vld [tilespmem:s26+$0x10410];
	(pc) =	sbr.rel @p1 .LBB2_21-.Ltmp11, $4  }
0x32d: {  	v12 =	vmax.f32 v12, v20;
	v20 =	vld [tilespmem:s26+$0x10420]  }
0x32e: {  	v16 =	vmax.f32 v16, v21;
	v21 =	vld [tilespmem:s26+$0x10430]  }
0x32f: {  	s28 =	sadd.s32 $0x80, s28;
	v13 =	vmax.f32 v13, v23;
	v23 =	vld [tilespmem:s26+$0x10440]  }
0x330: {  	s30 =	sand.u32 $0x1800, s29;
	s29 =	sadd.s32 $0x100, s29;
	s31 =	sand.u32 $0x380, s28;
	v17 =	vmax.f32 v17, v24;
	v24 =	vld [tilespmem:s26+$0x10450]  }
0x331: {  	s28 =	sor.u32 s31, s30;
	v25 =	vld [tilespmem:s26+$0x10460]  }
0x332: {  	v26 =	vld [tilespmem:s28+$0x10470]  }
0x333: {  	v27 =	vld [tilespmem:s28+$0x10000]  }
0x334: {  	v28 =	vld [tilespmem:s28+$0x10010]  }
0x335: {  	v29 =	vld [tilespmem:s28+$0x10020]  }
0x336: {  	v30 =	vld [tilespmem:s28+$0x10030]  }
0x337: {  	v31 =	vld [tilespmem:s28+$0x10040]  }
0x338: {  	v32 =	vld [tilespmem:s28+$0x10050]  }
0x339: {  	v33 =	vld [tilespmem:s28+$0x10060]  }
0x33a: {  	v34 =	vld [tilespmem:s28+$0x10070]  }
0x33b: {  	v35 =	vld [tilespmem:s28+$0x10400]  }
0x33c: {  	v36 =	vld [tilespmem:s28+$0x10410]  }
0x33d: {  	v37 =	vld [tilespmem:s28+$0x10420]  }
0x33e: {  	v38 =	vld [tilespmem:s28+$0x10430]  }
0x33f: {  	v39 =	vld [tilespmem:s28+$0x10440]  }
0x340: {  	v40 =	vld [tilespmem:s28+$0x10450];
	v19 =	vmax.f32 v19, v27  }
0x341: {  	v59 =	vld [tilespmem:s28+$0x10460];
	v18 =	vmax.f32 v18, v28;
	[tilespmem:$0x12180] =	vst v19  }
0x342: {  	v14 =	vmax.f32 v14, v29;
	[tilespmem:$0x12190] =	vst v18  }
0x343: {  	v15 =	vmax.f32 v15, v30;
	[tilespmem:$0x121A0] =	vst v14  }
0x344: {  	v11 =	vmax.f32 v11, v31;
	[tilespmem:$0x121B0] =	vst v15  }
0x345: {  	v12 =	vmax.f32 v12, v32;
	[tilespmem:$0x121C0] =	vst v11  }
0x346: {  	v60 =	vmax.f32 v16, v33;
	[tilespmem:$0x121D0] =	vst v12  }
0x347: {  	v61 =	vmax.f32 v13, v34;
	[tilespmem:$0x121E0] =	vst v60  }
0x348: {  	v5 =	vmax.f32 v5, v22;
	v62 =	vmax.f32 v17, v35;
	[tilespmem:$0x121F0] =	vst v61  }
0x349: {  	v6 =	vmax.f32 v6, v20;
	v5 =	vmax.f32 v5, v36;
	[tilespmem:$0x12380] =	vst v62  }
0x34a: {  	v4 =	vmax.f32 v4, v21;
	v6 =	vmax.f32 v6, v37;
	[tilespmem:$0x12390] =	vst v5  }
0x34b: {  	v63 =	vmax.f32 v8, v24;
	v4 =	vmax.f32 v4, v38;
	[tilespmem:$0x123A0] =	vst v6  }
0x34c: {  	v5 =	vmax.f32 v7, v23;
	[tilespmem:$0x123B0] =	vst v4;
	v6 =	vmax.f32 v63, v40  }
0x34d: {  	v4 =	vmax.f32 v9, v25;
	v5 =	vmax.f32 v5, v39;
	[tilespmem:$0x123D0] =	vst v6  }
0x34e: {  	v4 =	vmax.f32 v4, v59;
	[tilespmem:$0x123C0] =	vst v5  }
0x34f: {  	v5 =	vmax.f32 v10, v26;
	[tilespmem:$0x123E0] =	vst v4  }
.Ltmp12:
0x350: {  	s25 =	sadd.s32 s25, s8;
	[tilespmem:$0x123F0] =	vst v5;
	(pc) =	sbr.rel @p0 .LBB2_24-.Ltmp12, $4  }
0x351: {  	[hbm4b:s25+s19] =	stream.strided.scatter [tilespmem:s21], [sflag:$0x3], $0x400, s20, s19, $0x38;
	[tilespmem:$0x12400] =	vst v63  }
0x352: {  	_ =	swait.ge [sflag:s10], $0x400  }
0x353: {  	[sflag:s10] =	ssyncset.done $0x0  }
0x354: {  	[sflag:s10] =	ssyncadd.s32 $0xFFFFFC00  }
0x355: {  	s24 =	sshrl.u32 s24, $0x2  }
0x356: {  	v4 =	vld [tilespmem:s24+$0x180];
	_ =	sdelay $0x4  }
0x357: {  	v5 =	vshll.u32 v4, $0x1  }
0x358: {  	v4 =	vand.u32 $0x7, v4;
	v5 =	vand.u32 $0xFFFFFFF0, v5  }
0x359: {  	v4 =	vor.u32 v4, v5  }
0x35a: {  	v5 =	vperm.xlane v4, v1;
	_ =	sdelay $0x1  }
0x35b: {  	v4 =	vperm.xlane v4, v3;
	v5 =	vadd.s32 v2, v5;
	_ =	sdelay $0x1  }
0x35c: {  	v4 =	vadd.s32 v2, v4;
	_ =	sdelay $0x1  }
0x35d: {  	s25 =	simm.s32 $0xA000  }
0x35e: {  	[tilespmem:s25], [sflag:$0x2] =	stream.indirect_vreg.gather [hbm4b:s3+s2], $0x80, v5, vm0, $0xb8;
	[tilespmem:$0x12400] =	vst v63  }
0x35f: {  	s29 =	simm.s32 $0xA800  }
0x360: {  	[tilespmem:s29], [sflag:$0x2] =	stream.indirect_vreg.gather [hbm4b:s3+s2], $0x80, v4, vm0, $0xb8;
	[tilespmem:$0x12400] =	vst v63  }
0x361: {  	v4 =	vld [tilespmem:s24+$0x190];
	_ =	sdelay $0x4  }
0x362: {  	v5 =	vshll.u32 v4, $0x1  }
0x363: {  	v4 =	vand.u32 $0x7, v4;
	v5 =	vand.u32 $0xFFFFFFF0, v5  }
0x364: {  	v4 =	vor.u32 v4, v5  }
0x365: {  	v5 =	vperm.xlane v4, v1;
	_ =	sdelay $0x1  }
0x366: {  	v4 =	vperm.xlane v4, v3;
	v5 =	vadd.s32 v2, v5;
	_ =	sdelay $0x1  }
0x367: {  	v4 =	vadd.s32 v2, v4;
	_ =	sdelay $0x1  }
0x368: {  	s30 =	simm.s32 $0xB000  }
0x369: {  	[tilespmem:s30], [sflag:$0x2] =	stream.indirect_vreg.gather [hbm4b:s3+s2], $0x80, v5, vm0, $0xb8;
	[tilespmem:$0x12400] =	vst v63  }
0x36a: {  	s31 =	simm.s32 $0xB800  }
0x36b: {  	[tilespmem:s31], [sflag:$0x2] =	stream.indirect_vreg.gather [hbm4b:s3+s2], $0x80, v4, vm0, $0xb8;
	[tilespmem:$0x12400] =	vst v63  }
0x36c: {  	v4 =	vld [tilespmem:s24+$0x1A0];
	_ =	sdelay $0x4  }
0x36d: {  	v5 =	vshll.u32 v4, $0x1  }
0x36e: {  	v4 =	vand.u32 $0x7, v4;
	v5 =	vand.u32 $0xFFFFFFF0, v5  }
0x36f: {  	v4 =	vor.u32 v4, v5  }
0x370: {  	v5 =	vperm.xlane v4, v1;
	_ =	sdelay $0x1  }
0x371: {  	v4 =	vperm.xlane v4, v3;
	v5 =	vadd.s32 v2, v5;
	_ =	sdelay $0x1  }
0x372: {  	v4 =	vadd.s32 v2, v4;
	_ =	sdelay $0x2  }
0x373: {  	[tilespmem:s0], [sflag:$0x2] =	stream.indirect_vreg.gather [hbm4b:s3+s2], $0x80, v5, vm0, $0xb8;
	[tilespmem:$0x12400] =	vst v63  }
0x374: {  	_ = 	snop  }
0x375: {  	[tilespmem:s1], [sflag:$0x2] =	stream.indirect_vreg.gather [hbm4b:s3+s2], $0x80, v4, vm0, $0xb8;
	[tilespmem:$0x12400] =	vst v63  }
0x376: {  	v4 =	vld [tilespmem:s24+$0x1B0];
	_ =	sdelay $0x4  }
0x377: {  	v5 =	vshll.u32 v4, $0x1  }
0x378: {  	v4 =	vand.u32 $0x7, v4;
	v5 =	vand.u32 $0xFFFFFFF0, v5  }
0x379: {  	v4 =	vor.u32 v4, v5  }
0x37a: {  	v5 =	vperm.xlane v4, v1;
	_ =	sdelay $0x1  }
0x37b: {  	v4 =	vperm.xlane v4, v3;
	v5 =	vadd.s32 v2, v5;
	_ =	sdelay $0x1  }
0x37c: {  	v4 =	vadd.s32 v2, v4;
	_ =	sdelay $0x2  }
0x37d: {  	[tilespmem:s5], [sflag:$0x2] =	stream.indirect_vreg.gather [hbm4b:s3+s2], $0x80, v5, vm0, $0xb8;
	[tilespmem:$0x12400] =	vst v63  }
0x37e: {  	_ = 	snop  }
0x37f: {  	[tilespmem:s9], [sflag:$0x2] =	stream.indirect_vreg.gather [hbm4b:s3+s2], $0x80, v4, vm0, $0xb8;
	[tilespmem:$0x12400] =	vst v63  }
0x380: {  	v4 =	vld [tilespmem:s24+$0x1C0];
	_ =	sdelay $0x4  }
0x381: {  	v5 =	vshll.u32 v4, $0x1  }
0x382: {  	v4 =	vand.u32 $0x7, v4;
	v5 =	vand.u32 $0xFFFFFFF0, v5  }
0x383: {  	v4 =	vor.u32 v4, v5  }
0x384: {  	v5 =	vperm.xlane v4, v1;
	_ =	sdelay $0x1  }
0x385: {  	v4 =	vperm.xlane v4, v3;
	v5 =	vadd.s32 v2, v5;
	_ =	sdelay $0x1  }
0x386: {  	v4 =	vadd.s32 v2, v4;
	_ =	sdelay $0x2  }
0x387: {  	[tilespmem:s11], [sflag:$0x2] =	stream.indirect_vreg.gather [hbm4b:s3+s2], $0x80, v5, vm0, $0xb8;
	[tilespmem:$0x12400] =	vst v63  }
0x388: {  	_ = 	snop  }
0x389: {  	[tilespmem:s12], [sflag:$0x2] =	stream.indirect_vreg.gather [hbm4b:s3+s2], $0x80, v4, vm0, $0xb8;
	[tilespmem:$0x12400] =	vst v63  }
0x38a: {  	v4 =	vld [tilespmem:s24+$0x1D0];
	_ =	sdelay $0x4  }
0x38b: {  	v5 =	vshll.u32 v4, $0x1  }
0x38c: {  	v4 =	vand.u32 $0x7, v4;
	v5 =	vand.u32 $0xFFFFFFF0, v5  }
0x38d: {  	v4 =	vor.u32 v4, v5  }
0x38e: {  	v5 =	vperm.xlane v4, v1;
	_ =	sdelay $0x1  }
0x38f: {  	v4 =	vperm.xlane v4, v3;
	v5 =	vadd.s32 v2, v5;
	_ =	sdelay $0x1  }
0x390: {  	v4 =	vadd.s32 v2, v4;
	_ =	sdelay $0x2  }
0x391: {  	[tilespmem:s13], [sflag:$0x2] =	stream.indirect_vreg.gather [hbm4b:s3+s2], $0x80, v5, vm0, $0xb8;
	[tilespmem:$0x12400] =	vst v63  }
0x392: {  	_ = 	snop  }
0x393: {  	[tilespmem:s14], [sflag:$0x2] =	stream.indirect_vreg.gather [hbm4b:s3+s2], $0x80, v4, vm0, $0xb8;
	[tilespmem:$0x12400] =	vst v63  }
0x394: {  	v4 =	vld [tilespmem:s24+$0x1E0];
	_ =	sdelay $0x4  }
0x395: {  	v5 =	vshll.u32 v4, $0x1  }
0x396: {  	v4 =	vand.u32 $0x7, v4;
	v5 =	vand.u32 $0xFFFFFFF0, v5  }
0x397: {  	v4 =	vor.u32 v4, v5  }
0x398: {  	v5 =	vperm.xlane v4, v1;
	_ =	sdelay $0x1  }
0x399: {  	v4 =	vperm.xlane v4, v3;
	v5 =	vadd.s32 v2, v5;
	_ =	sdelay $0x1  }
0x39a: {  	v4 =	vadd.s32 v2, v4;
	_ =	sdelay $0x2  }
0x39b: {  	[tilespmem:s15], [sflag:$0x2] =	stream.indirect_vreg.gather [hbm4b:s3+s2], $0x80, v5, vm0, $0xb8;
	[tilespmem:$0x12400] =	vst v63  }
0x39c: {  	_ = 	snop  }
0x39d: {  	[tilespmem:s16], [sflag:$0x2] =	stream.indirect_vreg.gather [hbm4b:s3+s2], $0x80, v4, vm0, $0xb8;
	[tilespmem:$0x12400] =	vst v63  }
0x39e: {  	v4 =	vld [tilespmem:s24+$0x1F0];
	_ =	sdelay $0x4  }
0x39f: {  	v5 =	vshll.u32 v4, $0x1  }
0x3a0: {  	v4 =	vand.u32 $0x7, v4;
	v5 =	vand.u32 $0xFFFFFFF0, v5  }
0x3a1: {  	v4 =	vor.u32 v4, v5  }
0x3a2: {  	v5 =	vperm.xlane v4, v1;
	_ =	sdelay $0x1  }
0x3a3: {  	v4 =	vperm.xlane v4, v3;
	v5 =	vadd.s32 v2, v5;
	_ =	sdelay $0x1  }
0x3a4: {  	v4 =	vadd.s32 v2, v4  }
.Ltmp13:
0x3a5: {  	_ = 	snop;
	(pc) =	sbr.rel .LBB2_4-.Ltmp13, $4  }
0x3a6: {  	_ = 	snop  }
0x3a7: {  	[tilespmem:s17], [sflag:$0x2] =	stream.indirect_vreg.gather [hbm4b:s3+s2], $0x80, v5, vm0, $0xb8;
	[tilespmem:$0x12400] =	vst v63  }
0x3a8: {  	s23 =	sadd.s32 $0x1, s23  }
0x3a9: {  	[tilespmem:s18], [sflag:$0x2] =	stream.indirect_vreg.gather [hbm4b:s3+s2], $0x80, v4, vm0, $0xb8;
	[tilespmem:$0x12400] =	vst v63  }
.LBB2_25:
0x3aa: {  	_ =	sfence.sel $0x180000  }
0x3ab: {  	[bflag:$0x0] =	sbarrier.arrive $0xFFFF  }
0x3ac: {  	_ =	strace $0x9000004A  }
0x3ad: {  	s0 =	stileid.u32;
	[bflag:$0x2] =	sbarrier.arrive $0xFFFF  }
0x3ae: {  	p0 =	sne.s32 s0, $0x0;
	s0 =	rddreg [dreg:$0x2]  }
0x3af: {  	s0 =	sadd.s32 @!p0 $0x100000, s0  }
0x3b0: {  	[sflag:s0] =	ssyncadd.tile.s32 @!p0 $0x1;
	_ =	shalt  }
.Lfunc_end2:
_tile_overlayer_lowered:
.L_overlay_start_2:
0x3b1: {  	(tag) =	ssettag $0x2  }
0x3b2: {  	s0 =	rddreg [dreg:$0x0];
	s2 =	stileid.u32  }
0x3b3: {  	s1 =	rddreg [dreg:$0x1];
	p0 =	sne.s32 s2, $0x0  }
0x3b4: {  	s3 =	rddreg [dreg:$0x2];
	[bflag:$0x3] =	sbarrier.arrive $0xFFFF;
	s2 =	simm.s32 @!p0 $0x1C03  }
0x3b5: {  	[timem:s3], [sflag:s2] =	dma.local @!p0 [hbm:s0], s1  }
0x3b6: {  	s0 =	simm.s32 @!p0 $0x3  }
0x3b7: {  	_ =	swait.ge @!p0 [sflag:s0], s1  }
0x3b8: {  	s1 =	ssub.s32 @!p0 $0x0, s1;
	[sflag:s0] =	ssyncset.done @!p0 $0x0  }
0x3b9: {  	[sflag:s0] =	ssyncadd.s32 @!p0 s1  }
0x3ba: {  	[bflag:$0x3] =	sbarrier.arrive $0xFFFF  }
0x3bb: {  	_ =	shalt  }

</sc_bundles>
